<compile_context>
chip_gen: v7x
topology: tpu7x:2x2x1
jax: 0.10.2.dev20260603
libtpu: 0.0.44.dev20260713+nightly
codegen_flags: <defaults>
</compile_context>

<pallas_src>
import functools

import jax
import jax.numpy as jnp
from jax import lax
from jax.experimental import pallas as pl
from jax.experimental.pallas import tpu as pltpu
from jax.experimental.pallas import tpu_sc as plsc

N = 4
V = 2500
VP = 2560
E = 80000
D_IN = 16
DM = 128
NW = 32
K = 40
PASSES = VP // (K * NW)
CHUNK = 4000
CH2 = 2 * CHUNK
NCHPG = E // CHUNK
EPS = 1e-5


def _adj_body(comb_hbm, out_hbm, buf, acc, shed, esem, osem):
    cid = lax.axis_index("c")
    sid = lax.axis_index("s")
    wid = sid * 2 + cid

    zero16 = jnp.zeros((16,), jnp.float32)

    def zero_body(i, _):
        acc[pl.ds(i * 16, 16)] = zero16
        return 0

    def edge_dma(ch, off):
        return pltpu.make_async_copy(shed.at[pl.ds(ch * CH2, CH2)],
                                     buf.at[pl.ds(off, CH2)], esem)

    @pl.when(sid == 0)
    def _():
        pltpu.sync_copy(comb_hbm, shed)

    plsc.subcore_barrier()

    wo = None
    for p in range(PASSES):
        c0 = (p * NW + wid) * (K * VP)

        edge_dma(0, 0).start()
        if wo is not None:
            wo.wait()
        lax.fori_loop(0, (K * VP) // 16, zero_body, 0)

        def chunk_body(ch, _, c0=c0):
            off = (ch % 2) * CH2
            edge_dma(ch, off).wait()

            @pl.when(ch < NCHPG - 1)
            def _():
                edge_dma(ch + 1, CH2 - off).start()

            @plsc.parallel_loop(0, CHUNK // 64, unroll=2)
            def edge_body(j):
                base = off + j * 64
                wbase = base + CHUNK
                for t in range(4):
                    i16 = buf[pl.ds(base + t * 16, 16)]
                    w16 = buf[pl.ds(wbase + t * 16, 16)]
                    rel = i16 - c0
                    m = plsc.bitcast(rel, jnp.uint32) < jnp.uint32(K * VP)
                    relc = jnp.where(m, rel, 0)
                    plsc.addupdate_scatter(acc, [relc],
                                           plsc.bitcast(w16, jnp.float32),
                                           mask=m)

            return 0

        lax.fori_loop(0, NCHPG, chunk_body, 0)

        wo = pltpu.make_async_copy(
            acc, out_hbm.at[pl.ds(c0, K * VP)], osem)
        wo.start()
    wo.wait()


def _build_dense_adj(comb_g):
    kern = pl.kernel(
        _adj_body,
        out_type=jax.ShapeDtypeStruct((VP * VP,), jnp.float32),
        mesh=plsc.VectorSubcoreMesh(core_axis_name="c", subcore_axis_name="s",
                                    num_cores=2, num_subcores=16),
        compiler_params=pltpu.CompilerParams(needs_layout_passes=False),
        scratch_types=[
            pltpu.VMEM((2 * CH2,), jnp.int32),
            pltpu.VMEM((K * VP,), jnp.float32),
            pltpu.VMEM_SHARED((NCHPG * CH2,), jnp.int32),
            pltpu.SemaphoreType.DMA,
            pltpu.SemaphoreType.DMA,
        ],
    )
    return kern(comb_g)


def _layer_norm(h, g, b):
    mu = jnp.mean(h, axis=-1, keepdims=True)
    var = jnp.mean((h - mu) ** 2, axis=-1, keepdims=True)
    return (h - mu) * lax.rsqrt(var + EPS) * g + b


RB = 512
NRB = VP // RB
PREC = lax.Precision.HIGHEST


def _fused_body(a_ref, x_ref, w_ref, b_ref, lg_ref, lb_ref,
                o_ref, abf_scr, h_scr, v_scr, dinv_scr):
    l = pl.program_id(0)
    rb = pl.program_id(1)
    srow = rb * RB
    lg = lg_ref[...]
    lb = lb_ref[...]

    @pl.when(l == 0)
    def _():
        a = a_ref[...]
        s = jnp.sum(a, axis=1, keepdims=True)
        dinv_scr[pl.ds(srow, RB), :] = lax.rsqrt(s + 1.0)
        abf_scr[pl.ds(srow, RB), :] = a.astype(jnp.bfloat16)
        h_scr[pl.ds(srow, RB), :] = x_ref[pl.ds(srow, RB), :]

    @pl.when((l > 0) & (rb == 0))
    def _():
        u = jnp.dot(h_scr[...], w_ref[0], preferred_element_type=jnp.float32,
                    precision=PREC)
        v_scr[...] = (dinv_scr[...] * u).astype(jnp.bfloat16)

    @pl.when(l > 0)
    def _():
        y = jnp.dot(abf_scr[pl.ds(srow, RB), :], v_scr[...],
                    preferred_element_type=jnp.float32)
        y = y + v_scr[pl.ds(srow, RB), :].astype(jnp.float32)
        h = dinv_scr[pl.ds(srow, RB), :] * y + b_ref[0, 0]
        h = jnp.maximum(h, 0.0)
        h = _layer_norm(h, lg, lb)
        h_scr[pl.ds(srow, RB), :] = h

        @pl.when(l == 3)
        def _():
            rowid = lax.broadcasted_iota(jnp.int32, (RB, 1), 0) + srow
            hm = jnp.where(rowid < V, h, -1e30)
            m = jnp.max(hm, axis=0, keepdims=True)[None]

            @pl.when(rb == 0)
            def _():
                o_ref[...] = m

            @pl.when(rb > 0)
            def _():
                o_ref[...] = jnp.maximum(o_ref[...], m)


def _head_body(p_ref, lg_ref, lb_ref, hw_ref, hb_ref, o_ref):
    pn = _layer_norm(p_ref[...], lg_ref[...], lb_ref[...])
    o_ref[...] = jnp.dot(pn, hw_ref[...], preferred_element_type=jnp.float32,
                         precision=PREC) + hb_ref[...]


def _run_dense_g(adj_g, xp_g, ws, bs, ln_g, ln_b):
    full = lambda shape: pl.BlockSpec(shape, lambda l, r: (0,) * len(shape))
    return pl.pallas_call(
        _fused_body,
        grid=(4, NRB),
        in_specs=[
            pl.BlockSpec((RB, VP),
                         lambda l, r: (jnp.where(l == 0, r, 0), 0)),
            full((VP, DM)),
            pl.BlockSpec((1, DM, DM),
                         lambda l, r: (jnp.maximum(l, 1) - 1, 0, 0)),
            pl.BlockSpec((1, 1, DM),
                         lambda l, r: (jnp.maximum(l, 1) - 1, 0, 0)),
            full((DM,)), full((DM,)),
        ],
        out_specs=pl.BlockSpec((1, 1, DM), lambda l, r: (0, 0, 0)),
        out_shape=jax.ShapeDtypeStruct((1, 1, DM), jnp.float32),
        scratch_shapes=[
            pltpu.VMEM((VP, VP), jnp.bfloat16),
            pltpu.VMEM((VP, DM), jnp.float32),
            pltpu.VMEM((VP, DM), jnp.bfloat16),
            pltpu.VMEM((VP, 1), jnp.float32),
        ],
    )(adj_g, xp_g, ws, bs, ln_g, ln_b)


def _run_dense(adjs, x, W0, b0, W1, b1, W2, b2, ln_g, ln_b, head_W, head_b):
    xp = jnp.pad(x.reshape(N, V, D_IN),
                 ((0, 0), (0, VP - V), (0, DM - D_IN))).reshape(N * VP, DM)
    ws = jnp.stack([jnp.pad(W0, ((0, DM - D_IN), (0, 0))), W1, W2])
    bs = jnp.stack([b0, b1, b2]).reshape(3, 1, DM)

    pooled = [
        _run_dense_g(adjs[g], lax.slice_in_dim(xp, g * VP, (g + 1) * VP),
                     ws, bs, ln_g, ln_b)
        for g in range(N)
    ]
    pooled = jnp.concatenate(pooled, axis=0).reshape(N, DM)
    return pl.pallas_call(
        _head_body,
        out_shape=jax.ShapeDtypeStruct((N, 3), jnp.float32),
    )(pooled, ln_g, ln_b, head_W, head_b)


def kernel(x, edge_index, edge_weight, W0, b0, W1, b1, W2, b2,
           ln_g, ln_b, head_W, head_b):
    ei = edge_index.reshape(2, -1).astype(jnp.int32)
    flat_idx = ei[1] * VP + ei[0]
    ews = edge_weight.reshape(-1).astype(jnp.float32)
    comb = jnp.concatenate(
        [flat_idx.reshape(N * NCHPG, CHUNK),
         lax.bitcast_convert_type(ews, jnp.int32).reshape(N * NCHPG, CHUNK)],
        axis=1).reshape(-1)

    adjs = [
        _build_dense_adj(
            lax.slice_in_dim(comb, g * NCHPG * CH2, (g + 1) * NCHPG * CH2)
        ).reshape(VP, VP)
        for g in range(N)
    ]

    return _run_dense(adjs, x, W0, b0, W1, b1, W2, b2,
                      ln_g, ln_b, head_W, head_b)

# --- scband reference (transcript-rebuilt; emitter-appended) ---
"""Pipeline reference for scband-gcnmlp-76192719832099 (READ-ONLY COPY).

The authoritative reference and input builder live on the scoring server;
editing this copy changes nothing except your own understanding.
"""

import jax, jax.numpy as jnp
import numpy as np

N, T, V, D = 4, 1, 2500, 16
E_PER = 80000
DM = 128
C = 3


def layer_norm(x, g, b, eps=1e-5):
    m = jnp.mean(x, axis=-1, keepdims=True)
    v = jnp.mean((x - m) ** 2, axis=-1, keepdims=True)
    return (x - m) / jnp.sqrt(v + eps) * g + b


def gcn_conv(x, row, col, ew, W, b):
    # PyG GCNConv: x' = D^{-1/2} (A + I) D^{-1/2} (X W) + b, edge weights in A
    n = x.shape[0]
    h = x @ W
    loop = jnp.arange(n)
    row2 = jnp.concatenate([row, loop])
    col2 = jnp.concatenate([col, loop])
    ew2 = jnp.concatenate([ew, jnp.ones((n,), h.dtype)])
    deg = jnp.zeros((n,), h.dtype).at[col2].add(ew2)
    dinv = jnp.where(deg > 0, deg ** -0.5, 0.0)
    norm = dinv[row2] * ew2 * dinv[col2]
    out = jnp.zeros_like(h).at[col2].add(norm[:, None] * h[row2])
    return out + b


def setup_inputs(seed: int = 0) -> dict:
    key = jax.random.key(seed)
    ks = jax.random.split(key, 12)
    x = jax.random.normal(ks[0], (N, T, V, D), jnp.float32)
    edge_index = jax.random.randint(ks[1], (2, N * E_PER), 0, V)
    edge_weight = jax.random.uniform(ks[2], (N * E_PER,), jnp.float32)
    W0 = jax.random.normal(ks[3], (D, DM), jnp.float32) * 0.02
    b0 = jnp.zeros((DM,), jnp.float32)
    W1 = jax.random.normal(ks[4], (DM, DM), jnp.float32) * 0.02
    b1 = jnp.zeros((DM,), jnp.float32)
    W2 = jax.random.normal(ks[5], (DM, DM), jnp.float32) * 0.02
    b2 = jnp.zeros((DM,), jnp.float32)
    ln_g = jnp.ones((DM,), jnp.float32)
    ln_b = jnp.zeros((DM,), jnp.float32)
    head_W = jax.random.normal(ks[6], (DM, C), jnp.float32) * 2e-05
    head_b = jnp.log(jnp.full((C,), 1.0 / C, jnp.float32))
    return {"x": x, "edge_index": edge_index, "edge_weight": edge_weight,
            "W0": W0, "b0": b0, "W1": W1, "b1": b1, "W2": W2, "b2": b2,
            "ln_g": ln_g, "ln_b": ln_b, "head_W": head_W, "head_b": head_b}


def reference(x, edge_index, edge_weight, W0, b0, W1, b1, W2, b2, ln_g, ln_b, head_W, head_b):
    n, t, v, d = x.shape
    xf = x.reshape(n * v, d)
    ei = edge_index.reshape(2, -1)
    ew = edge_weight.reshape(-1)
    e = ei.shape[1]
    off = jnp.repeat(jnp.arange(n) * v, e // n)
    row = ei[0] + off
    col = ei[1] + off
    batch = jnp.repeat(jnp.arange(n), v)
    h = xf
    for W, b in ((W0, b0), (W1, b1), (W2, b2)):
        h = gcn_conv(h, row, col, ew, W, b)
        h = jax.nn.relu(h)
        h = layer_norm(h, ln_g, ln_b)
        # dropout is identity in eval/reference
    pooled = jax.ops.segment_max(h, batch, num_segments=n)
    pooled = layer_norm(pooled, ln_g, ln_b)
    return pooled @ head_W + head_b

if __name__ == "__main__":
    import jax
    _d = setup_inputs()
    print(jax.jit(kernel)(*tuple(_d.values())))

</pallas_src>

<mosaic_0001>
#map = affine_map<(d0, d1) -> (0)>
module attributes {stable_mosaic.version = 14 : i64} {
  func.func @_adj_body(%arg0: i32, %arg1: i32, %arg2: memref<160000xi32, #tpu.memory_space<hbm>>, %arg3: memref<6553600xf32, #tpu.memory_space<hbm>>, %arg4: memref<16000xi32, #tpu.memory_space<vmem>>, %arg5: memref<102400xf32, #tpu.memory_space<vmem>>, %arg6: memref<160000xi32, #tpu.memory_space<vmem_shared>>, %arg7: memref<!tpu.dma_semaphore, #tpu.memory_space<semaphore_mem>>, %arg8: memref<!tpu.dma_semaphore, #tpu.memory_space<semaphore_mem>>) attributes {dimension_semantics = [#tpu.dimension_semantics<core_parallel>, #tpu.dimension_semantics<subcore_parallel>], iteration_bounds = array<i64: 2, 16>, scalar_prefetch = 0 : i64, scratch_operands = 5 : i64, tpu.core_type = #tpu.core_type<sc_vector_subcore>, window_params = [{transform_indices = #map}, {transform_indices = #map}]} {
    %mul3A = arith.constant 2 : i32
    %mul3A_0 = arith.muli %arg1, %mul3A : i32
    %add3A = arith.addi %mul3A_0, %arg0 : i32
    %broadcast_in_dim3A = arith.constant 0.000000e+00 : f32
    %broadcast_in_dim3A_1 = vector.broadcast %broadcast_in_dim3A : f32 to vector<16xf32>
    %eq3A = arith.constant 0 : i32
    %eq3A_2 = arith.cmpi eq, %arg1, %eq3A : i32
    %convert_element_type3A = arith.extui %eq3A_2 : i1 to i32
    %cond3A = arith.constant 0 : i32
    %cond3A_3 = arith.cmpi ne, %convert_element_type3A, %cond3A : i32
    scf.if %cond3A_3 {
      "tpu.region"() ({
        %run_scoped3A = tpu.sem_alloc : memref<!tpu.dma_semaphore, #tpu.memory_space<semaphore_mem>>
        tpu.enqueue_dma source(%arg2 : memref<160000xi32, #tpu.memory_space<hbm>>) target(%arg6 : memref<160000xi32, #tpu.memory_space<vmem_shared>>) target_semaphore(%run_scoped3A : memref<!tpu.dma_semaphore, #tpu.memory_space<semaphore_mem>>)
        tpu.wait_dma2 semaphore(%run_scoped3A : memref<!tpu.dma_semaphore, #tpu.memory_space<semaphore_mem>>) src(%arg2 : memref<160000xi32, #tpu.memory_space<hbm>>) dst(%arg6 : memref<160000xi32, #tpu.memory_space<vmem_shared>>)
        tpu.yield
      }) : () -> ()
    } else {
    }
    %barrier3A = arith.constant 0 : index
    tpu.barrier barrier_id(%barrier3A)
    %add3A_4 = arith.constant 0 : i32
    %add3A_5 = arith.addi %add3A_4, %add3A : i32
    %mul3A_6 = arith.constant 102400 : i32
    %mul3A_7 = arith.muli %add3A_5, %mul3A_6 : i32
    %dma_start3A = arith.constant 0 : i32
    %dma_start3A_8 = tpu.memref_slice %arg4[%dma_start3A] : memref<16000xi32, #tpu.memory_space<vmem>> -> memref<8000xi32, #tpu.memory_space<vmem>>
    %dma_start3A_9 = arith.constant 0 : i32
    %dma_start3A_10 = tpu.memref_slice %arg6[%dma_start3A_9] : memref<160000xi32, #tpu.memory_space<vmem_shared>> -> memref<8000xi32, #tpu.memory_space<vmem_shared>>
    %dma_start3A_11 = arith.constant 0 : i32
    %dma_start3A_12 = tpu.memref_slice %arg4[%dma_start3A_11] : memref<16000xi32, #tpu.memory_space<vmem>> -> memref<8000xi32, #tpu.memory_space<vmem>>
    %dma_start3A_13 = arith.constant 0 : i32
    %dma_start3A_14 = tpu.memref_slice %arg6[%dma_start3A_13] : memref<160000xi32, #tpu.memory_space<vmem_shared>> -> memref<8000xi32, #tpu.memory_space<vmem_shared>>
    tpu.enqueue_dma source(%dma_start3A_14 : memref<8000xi32, #tpu.memory_space<vmem_shared>>) target(%dma_start3A_12 : memref<8000xi32, #tpu.memory_space<vmem>>) target_semaphore(%arg7 : memref<!tpu.dma_semaphore, #tpu.memory_space<semaphore_mem>>)
    %scan3A = arith.constant 0 : i32
    %scan3A_15 = arith.constant 0 : i32
    %scan3A_16 = arith.constant 6400 : i32
    %scan3A_17 = arith.addi %scan3A_15, %scan3A_16 : i32
    %scan3A_18 = arith.constant 1 : i32
    %scan3A_19 = scf.for %scan3A_61 = %scan3A_15 to %scan3A_17 step %scan3A_18 iter_args(%scan3A_62 = %scan3A) -> (i32)  : i32 {
      %mul3A_63 = arith.constant 16 : i32
      %mul3A_64 = arith.muli %scan3A_61, %mul3A_63 : i32
      %swap3A = arith.index_cast %mul3A_64 : i32 to index
      %swap3A_65 = tpu.vector_load %arg5[%swap3A] {strides = array<i32>} : memref<102400xf32, #tpu.memory_space<vmem>>, vector<16xf32>,
      tpu.vector_store %arg5[%swap3A], %broadcast_in_dim3A_1 {strides = array<i32>} : memref<102400xf32, #tpu.memory_space<vmem>>, vector<16xf32>,
      %scan3A_66 = arith.constant 0 : i32
      scf.yield %scan3A_66 : i32
    }
    %scan3A_20 = arith.constant 6400 : i32
    %scan3A_21 = arith.constant 0 : i32
    %scan3A_22 = arith.constant 0 : i32
    %scan3A_23 = arith.constant 20 : i32
    %scan3A_24 = arith.addi %scan3A_22, %scan3A_23 : i32
    %scan3A_25 = arith.constant 1 : i32
    %scan3A_26 = scf.for %scan3A_61 = %scan3A_22 to %scan3A_24 step %scan3A_25 iter_args(%scan3A_62 = %scan3A_21) -> (i32)  : i32 {
      %jit3A = arith.constant 2 : i32
      %eq3A_63 = arith.constant 0 : i32
      %eq3A_64 = arith.cmpi eq, %jit3A, %eq3A_63 : i32
      %jit3A_65 = arith.constant 1 : i32
      %select_n3A = arith.select %eq3A_64, %jit3A_65, %jit3A : i32
      %rem3A = arith.remsi %scan3A_61, %select_n3A : i32
      %ne3A = arith.constant 0 : i32
      %ne3A_66 = arith.cmpi ne, %rem3A, %ne3A : i32
      %lt3A = arith.constant 0 : i32
      %lt3A_67 = arith.cmpi slt, %rem3A, %lt3A : i32
      %lt3A_68 = arith.constant 0 : i32
      %lt3A_69 = arith.cmpi slt, %select_n3A, %lt3A_68 : i32
      %ne3A_70 = arith.xori %lt3A_67, %lt3A_69 : i1
      %and3A = arith.andi %ne3A_70, %ne3A_66 : i1
      %add3A_71 = arith.addi %rem3A, %select_n3A : i32
      %select_n3A_72 = arith.select %and3A, %add3A_71, %rem3A : i32
      %mul3A_73 = arith.constant 8000 : i32
      %mul3A_74 = arith.muli %select_n3A_72, %mul3A_73 : i32
      %mul3A_75 = arith.constant 8000 : i32
      %mul3A_76 = arith.muli %scan3A_61, %mul3A_75 : i32
      %dma_wait3A_77 = tpu.memref_slice %arg4[%mul3A_74] : memref<16000xi32, #tpu.memory_space<vmem>> -> memref<8000xi32, #tpu.memory_space<vmem>>
      %dma_wait3A_78 = tpu.memref_slice %arg6[%mul3A_76] : memref<160000xi32, #tpu.memory_space<vmem_shared>> -> memref<8000xi32, #tpu.memory_space<vmem_shared>>
      %dma_wait3A_79 = tpu.memref_slice %arg4[%mul3A_74] : memref<16000xi32, #tpu.memory_space<vmem>> -> memref<8000xi32, #tpu.memory_space<vmem>>
      %dma_wait3A_80 = tpu.memref_slice %arg6[%mul3A_76] : memref<160000xi32, #tpu.memory_space<vmem_shared>> -> memref<8000xi32, #tpu.memory_space<vmem_shared>>
      tpu.wait_dma2 semaphore(%arg7 : memref<!tpu.dma_semaphore, #tpu.memory_space<semaphore_mem>>) src(%dma_wait3A_80 : memref<8000xi32, #tpu.memory_space<vmem_shared>>) dst(%dma_wait3A_79 : memref<8000xi32, #tpu.memory_space<vmem>>)
      %lt3A_81 = arith.constant 19 : i32
      %lt3A_82 = arith.cmpi slt, %scan3A_61, %lt3A_81 : i32
      %convert_element_type3A_83 = arith.extui %lt3A_82 : i1 to i32
      %cond3A_84 = arith.constant 0 : i32
      %cond3A_85 = arith.cmpi ne, %convert_element_type3A_83, %cond3A_84 : i32
      scf.if %cond3A_85 {
        %add3A_89 = arith.constant 1 : i32
        %add3A_90 = arith.addi %scan3A_61, %add3A_89 : i32
        %sub3A = arith.constant 8000 : i32
        %sub3A_91 = arith.subi %sub3A, %mul3A_74 : i32
        %mul3A_92 = arith.constant 8000 : i32
        %mul3A_93 = arith.muli %add3A_90, %mul3A_92 : i32
        %dma_start3A_94 = tpu.memref_slice %arg4[%sub3A_91] : memref<16000xi32, #tpu.memory_space<vmem>> -> memref<8000xi32, #tpu.memory_space<vmem>>
        %dma_start3A_95 = tpu.memref_slice %arg6[%mul3A_93] : memref<160000xi32, #tpu.memory_space<vmem_shared>> -> memref<8000xi32, #tpu.memory_space<vmem_shared>>
        %dma_start3A_96 = tpu.memref_slice %arg4[%sub3A_91] : memref<16000xi32, #tpu.memory_space<vmem>> -> memref<8000xi32, #tpu.memory_space<vmem>>
        %dma_start3A_97 = tpu.memref_slice %arg6[%mul3A_93] : memref<160000xi32, #tpu.memory_space<vmem_shared>> -> memref<8000xi32, #tpu.memory_space<vmem_shared>>
        tpu.enqueue_dma source(%dma_start3A_97 : memref<8000xi32, #tpu.memory_space<vmem_shared>>) target(%dma_start3A_96 : memref<8000xi32, #tpu.memory_space<vmem>>) target_semaphore(%arg7 : memref<!tpu.dma_semaphore, #tpu.memory_space<semaphore_mem>>)
      } else {
      }
      %parallel_loop3A = arith.constant 0 : i32
      %parallel_loop3A_86 = arith.constant 62 : i32
      %parallel_loop3A_87 = arith.constant 1 : i32
      scf.for %parallel_loop3A_89 = %parallel_loop3A to %parallel_loop3A_86 step %parallel_loop3A_87  : i32 {
        %parallel_loop3A_90 = arith.constant 64 : i32
        %parallel_loop3A_91 = arith.muli %parallel_loop3A_89, %parallel_loop3A_90 : i32
        %parallel_loop3A_92 = arith.addi %mul3A_74, %parallel_loop3A_91 : i32
        %parallel_loop3A_93 = arith.constant 4000 : i32
        %parallel_loop3A_94 = arith.addi %parallel_loop3A_92, %parallel_loop3A_93 : i32
        %parallel_loop3A_95 = arith.constant 0 : i32
        %parallel_loop3A_96 = arith.addi %parallel_loop3A_92, %parallel_loop3A_95 : i32
        %parallel_loop3A_97 = arith.index_cast %parallel_loop3A_96 : i32 to index
        %parallel_loop3A_98 = tpu.vector_load %arg4[%parallel_loop3A_97] {strides = array<i32>} : memref<16000xi32, #tpu.memory_space<vmem>>, vector<16xi32>,
        %parallel_loop3A_99 = arith.constant 0 : i32
        %parallel_loop3A_100 = arith.addi %parallel_loop3A_94, %parallel_loop3A_99 : i32
        %parallel_loop3A_101 = arith.index_cast %parallel_loop3A_100 : i32 to index
        %parallel_loop3A_102 = tpu.vector_load %arg4[%parallel_loop3A_101] {strides = array<i32>} : memref<16000xi32, #tpu.memory_space<vmem>>, vector<16xi32>,
        %parallel_loop3A_103 = vector.broadcast %mul3A_7 : i32 to vector<16xi32>
        %parallel_loop3A_104 = arith.subi %parallel_loop3A_98, %parallel_loop3A_103 : vector<16xi32>
        %parallel_loop3A_105 = vector.bitcast %parallel_loop3A_104 : vector<16xi32> to vector<16xi32>
        %parallel_loop3A_106 = arith.constant 102400 : i32
        %parallel_loop3A_107 = vector.broadcast %parallel_loop3A_106 : i32 to vector<16xi32>
        %parallel_loop3A_108 = arith.cmpi ult, %parallel_loop3A_105, %parallel_loop3A_107 : vector<16xi32>
        %parallel_loop3A_109 = arith.constant 0 : i32
        %parallel_loop3A_110 = vector.broadcast %parallel_loop3A_109 : i32 to vector<16xi32>
        %parallel_loop3A_111 = arith.select %parallel_loop3A_108, %parallel_loop3A_104, %parallel_loop3A_110 : vector<16xi1>, vector<16xi32>
        %parallel_loop3A_112 = vector.bitcast %parallel_loop3A_102 : vector<16xi32> to vector<16xf32>
        tpu.vector_store_idx %arg5[%parallel_loop3A_111], %parallel_loop3A_112 masked %parallel_loop3A_108 {add = true} : memref<102400xf32, #tpu.memory_space<vmem>>[vector<16xi32>], vector<16xf32>, vector<16xi1>
        %parallel_loop3A_113 = arith.constant 16 : i32
        %parallel_loop3A_114 = arith.addi %parallel_loop3A_92, %parallel_loop3A_113 : i32
        %parallel_loop3A_115 = arith.index_cast %parallel_loop3A_114 : i32 to index
        %parallel_loop3A_116 = tpu.vector_load %arg4[%parallel_loop3A_115] {strides = array<i32>} : memref<16000xi32, #tpu.memory_space<vmem>>, vector<16xi32>,
        %parallel_loop3A_117 = arith.constant 16 : i32
        %parallel_loop3A_118 = arith.addi %parallel_loop3A_94, %parallel_loop3A_117 : i32
        %parallel_loop3A_119 = arith.index_cast %parallel_loop3A_118 : i32 to index
        %parallel_loop3A_120 = tpu.vector_load %arg4[%parallel_loop3A_119] {strides = array<i32>} : memref<16000xi32, #tpu.memory_space<vmem>>, vector<16xi32>,
        %parallel_loop3A_121 = vector.broadcast %mul3A_7 : i32 to vector<16xi32>
        %parallel_loop3A_122 = arith.subi %parallel_loop3A_116, %parallel_loop3A_121 : vector<16xi32>
        %parallel_loop3A_123 = vector.bitcast %parallel_loop3A_122 : vector<16xi32> to vector<16xi32>
        %parallel_loop3A_124 = arith.constant 102400 : i32
        %parallel_loop3A_125 = vector.broadcast %parallel_loop3A_124 : i32 to vector<16xi32>
        %parallel_loop3A_126 = arith.cmpi ult, %parallel_loop3A_123, %parallel_loop3A_125 : vector<16xi32>
        %parallel_loop3A_127 = arith.constant 0 : i32
        %parallel_loop3A_128 = vector.broadcast %parallel_loop3A_127 : i32 to vector<16xi32>
        %parallel_loop3A_129 = arith.select %parallel_loop3A_126, %parallel_loop3A_122, %parallel_loop3A_128 : vector<16xi1>, vector<16xi32>
        %parallel_loop3A_130 = vector.bitcast %parallel_loop3A_120 : vector<16xi32> to vector<16xf32>
        tpu.vector_store_idx %arg5[%parallel_loop3A_129], %parallel_loop3A_130 masked %parallel_loop3A_126 {add = true} : memref<102400xf32, #tpu.memory_space<vmem>>[vector<16xi32>], vector<16xf32>, vector<16xi1>
        %parallel_loop3A_131 = arith.constant 32 : i32
        %parallel_loop3A_132 = arith.addi %parallel_loop3A_92, %parallel_loop3A_131 : i32
        %parallel_loop3A_133 = arith.index_cast %parallel_loop3A_132 : i32 to index
        %parallel_loop3A_134 = tpu.vector_load %arg4[%parallel_loop3A_133] {strides = array<i32>} : memref<16000xi32, #tpu.memory_space<vmem>>, vector<16xi32>,
        %parallel_loop3A_135 = arith.constant 32 : i32
        %parallel_loop3A_136 = arith.addi %parallel_loop3A_94, %parallel_loop3A_135 : i32
        %parallel_loop3A_137 = arith.index_cast %parallel_loop3A_136 : i32 to index
        %parallel_loop3A_138 = tpu.vector_load %arg4[%parallel_loop3A_137] {strides = array<i32>} : memref<16000xi32, #tpu.memory_space<vmem>>, vector<16xi32>,
        %parallel_loop3A_139 = vector.broadcast %mul3A_7 : i32 to vector<16xi32>
        %parallel_loop3A_140 = arith.subi %parallel_loop3A_134, %parallel_loop3A_139 : vector<16xi32>
        %parallel_loop3A_141 = vector.bitcast %parallel_loop3A_140 : vector<16xi32> to vector<16xi32>
        %parallel_loop3A_142 = arith.constant 102400 : i32
        %parallel_loop3A_143 = vector.broadcast %parallel_loop3A_142 : i32 to vector<16xi32>
        %parallel_loop3A_144 = arith.cmpi ult, %parallel_loop3A_141, %parallel_loop3A_143 : vector<16xi32>
        %parallel_loop3A_145 = arith.constant 0 : i32
        %parallel_loop3A_146 = vector.broadcast %parallel_loop3A_145 : i32 to vector<16xi32>
        %parallel_loop3A_147 = arith.select %parallel_loop3A_144, %parallel_loop3A_140, %parallel_loop3A_146 : vector<16xi1>, vector<16xi32>
        %parallel_loop3A_148 = vector.bitcast %parallel_loop3A_138 : vector<16xi32> to vector<16xf32>
        tpu.vector_store_idx %arg5[%parallel_loop3A_147], %parallel_loop3A_148 masked %parallel_loop3A_144 {add = true} : memref<102400xf32, #tpu.memory_space<vmem>>[vector<16xi32>], vector<16xf32>, vector<16xi1>
        %parallel_loop3A_149 = arith.constant 48 : i32
        %parallel_loop3A_150 = arith.addi %parallel_loop3A_92, %parallel_loop3A_149 : i32
        %parallel_loop3A_151 = arith.index_cast %parallel_loop3A_150 : i32 to index
        %parallel_loop3A_152 = tpu.vector_load %arg4[%parallel_loop3A_151] {strides = array<i32>} : memref<16000xi32, #tpu.memory_space<vmem>>, vector<16xi32>,
        %parallel_loop3A_153 = arith.constant 48 : i32
        %parallel_loop3A_154 = arith.addi %parallel_loop3A_94, %parallel_loop3A_153 : i32
        %parallel_loop3A_155 = arith.index_cast %parallel_loop3A_154 : i32 to index
        %parallel_loop3A_156 = tpu.vector_load %arg4[%parallel_loop3A_155] {strides = array<i32>} : memref<16000xi32, #tpu.memory_space<vmem>>, vector<16xi32>,
        %parallel_loop3A_157 = vector.broadcast %mul3A_7 : i32 to vector<16xi32>
        %parallel_loop3A_158 = arith.subi %parallel_loop3A_152, %parallel_loop3A_157 : vector<16xi32>
        %parallel_loop3A_159 = vector.bitcast %parallel_loop3A_158 : vector<16xi32> to vector<16xi32>
        %parallel_loop3A_160 = arith.constant 102400 : i32
        %parallel_loop3A_161 = vector.broadcast %parallel_loop3A_160 : i32 to vector<16xi32>
        %parallel_loop3A_162 = arith.cmpi ult, %parallel_loop3A_159, %parallel_loop3A_161 : vector<16xi32>
        %parallel_loop3A_163 = arith.constant 0 : i32
        %parallel_loop3A_164 = vector.broadcast %parallel_loop3A_163 : i32 to vector<16xi32>
        %parallel_loop3A_165 = arith.select %parallel_loop3A_162, %parallel_loop3A_158, %parallel_loop3A_164 : vector<16xi1>, vector<16xi32>
        %parallel_loop3A_166 = vector.bitcast %parallel_loop3A_156 : vector<16xi32> to vector<16xf32>
        tpu.vector_store_idx %arg5[%parallel_loop3A_165], %parallel_loop3A_166 masked %parallel_loop3A_162 {add = true} : memref<102400xf32, #tpu.memory_space<vmem>>[vector<16xi32>], vector<16xf32>, vector<16xi1>
      } {sc.loop_unroll_factor = 2 : i64, sc.parallel_access}
      %scan3A_88 = arith.constant 0 : i32
      scf.yield %scan3A_88 : i32
    }
    %scan3A_27 = arith.constant 20 : i32
    %dma_start3A_28 = tpu.memref_slice %arg3[%mul3A_7] : memref<6553600xf32, #tpu.memory_space<hbm>> -> memref<102400xf32, #tpu.memory_space<hbm>>
    %dma_start3A_29 = tpu.memref_slice %arg3[%mul3A_7] : memref<6553600xf32, #tpu.memory_space<hbm>> -> memref<102400xf32, #tpu.memory_space<hbm>>
    tpu.enqueue_dma source(%arg5 : memref<102400xf32, #tpu.memory_space<vmem>>) target(%dma_start3A_29 : memref<102400xf32, #tpu.memory_space<hbm>>) target_semaphore(%arg8 : memref<!tpu.dma_semaphore, #tpu.memory_space<semaphore_mem>>)
    %add3A_30 = arith.constant 32 : i32
    %add3A_31 = arith.addi %add3A_30, %add3A : i32
    %mul3A_32 = arith.constant 102400 : i32
    %mul3A_33 = arith.muli %add3A_31, %mul3A_32 : i32
    %dma_start3A_34 = arith.constant 0 : i32
    %dma_start3A_35 = tpu.memref_slice %arg4[%dma_start3A_34] : memref<16000xi32, #tpu.memory_space<vmem>> -> memref<8000xi32, #tpu.memory_space<vmem>>
    %dma_start3A_36 = arith.constant 0 : i32
    %dma_start3A_37 = tpu.memref_slice %arg6[%dma_start3A_36] : memref<160000xi32, #tpu.memory_space<vmem_shared>> -> memref<8000xi32, #tpu.memory_space<vmem_shared>>
    %dma_start3A_38 = arith.constant 0 : i32
    %dma_start3A_39 = tpu.memref_slice %arg4[%dma_start3A_38] : memref<16000xi32, #tpu.memory_space<vmem>> -> memref<8000xi32, #tpu.memory_space<vmem>>
    %dma_start3A_40 = arith.constant 0 : i32
    %dma_start3A_41 = tpu.memref_slice %arg6[%dma_start3A_40] : memref<160000xi32, #tpu.memory_space<vmem_shared>> -> memref<8000xi32, #tpu.memory_space<vmem_shared>>
    tpu.enqueue_dma source(%dma_start3A_41 : memref<8000xi32, #tpu.memory_space<vmem_shared>>) target(%dma_start3A_39 : memref<8000xi32, #tpu.memory_space<vmem>>) target_semaphore(%arg7 : memref<!tpu.dma_semaphore, #tpu.memory_space<semaphore_mem>>)
    %dma_wait3A = tpu.memref_slice %arg3[%mul3A_7] : memref<6553600xf32, #tpu.memory_space<hbm>> -> memref<102400xf32, #tpu.memory_space<hbm>>
    %dma_wait3A_42 = tpu.memref_slice %arg3[%mul3A_7] : memref<6553600xf32, #tpu.memory_space<hbm>> -> memref<102400xf32, #tpu.memory_space<hbm>>
    tpu.wait_dma2 semaphore(%arg8 : memref<!tpu.dma_semaphore, #tpu.memory_space<semaphore_mem>>) src(%arg5 : memref<102400xf32, #tpu.memory_space<vmem>>) dst(%dma_wait3A_42 : memref<102400xf32, #tpu.memory_space<hbm>>)
    %scan3A_43 = arith.constant 0 : i32
    %scan3A_44 = arith.constant 0 : i32
    %scan3A_45 = arith.constant 6400 : i32
    %scan3A_46 = arith.addi %scan3A_44, %scan3A_45 : i32
    %scan3A_47 = arith.constant 1 : i32
    %scan3A_48 = scf.for %scan3A_61 = %scan3A_44 to %scan3A_46 step %scan3A_47 iter_args(%scan3A_62 = %scan3A_43) -> (i32)  : i32 {
      %mul3A_63 = arith.constant 16 : i32
      %mul3A_64 = arith.muli %scan3A_61, %mul3A_63 : i32
      %swap3A = arith.index_cast %mul3A_64 : i32 to index
      %swap3A_65 = tpu.vector_load %arg5[%swap3A] {strides = array<i32>} : memref<102400xf32, #tpu.memory_space<vmem>>, vector<16xf32>,
      tpu.vector_store %arg5[%swap3A], %broadcast_in_dim3A_1 {strides = array<i32>} : memref<102400xf32, #tpu.memory_space<vmem>>, vector<16xf32>,
      %scan3A_66 = arith.constant 0 : i32
      scf.yield %scan3A_66 : i32
    }
    %scan3A_49 = arith.constant 6400 : i32
    %scan3A_50 = arith.constant 0 : i32
    %scan3A_51 = arith.constant 0 : i32
    %scan3A_52 = arith.constant 20 : i32
    %scan3A_53 = arith.addi %scan3A_51, %scan3A_52 : i32
    %scan3A_54 = arith.constant 1 : i32
    %scan3A_55 = scf.for %scan3A_61 = %scan3A_51 to %scan3A_53 step %scan3A_54 iter_args(%scan3A_62 = %scan3A_50) -> (i32)  : i32 {
      %jit3A = arith.constant 2 : i32
      %eq3A_63 = arith.constant 0 : i32
      %eq3A_64 = arith.cmpi eq, %jit3A, %eq3A_63 : i32
      %jit3A_65 = arith.constant 1 : i32
      %select_n3A = arith.select %eq3A_64, %jit3A_65, %jit3A : i32
      %rem3A = arith.remsi %scan3A_61, %select_n3A : i32
      %ne3A = arith.constant 0 : i32
      %ne3A_66 = arith.cmpi ne, %rem3A, %ne3A : i32
      %lt3A = arith.constant 0 : i32
      %lt3A_67 = arith.cmpi slt, %rem3A, %lt3A : i32
      %lt3A_68 = arith.constant 0 : i32
      %lt3A_69 = arith.cmpi slt, %select_n3A, %lt3A_68 : i32
      %ne3A_70 = arith.xori %lt3A_67, %lt3A_69 : i1
      %and3A = arith.andi %ne3A_70, %ne3A_66 : i1
      %add3A_71 = arith.addi %rem3A, %select_n3A : i32
      %select_n3A_72 = arith.select %and3A, %add3A_71, %rem3A : i32
      %mul3A_73 = arith.constant 8000 : i32
      %mul3A_74 = arith.muli %select_n3A_72, %mul3A_73 : i32
      %mul3A_75 = arith.constant 8000 : i32
      %mul3A_76 = arith.muli %scan3A_61, %mul3A_75 : i32
      %dma_wait3A_77 = tpu.memref_slice %arg4[%mul3A_74] : memref<16000xi32, #tpu.memory_space<vmem>> -> memref<8000xi32, #tpu.memory_space<vmem>>
      %dma_wait3A_78 = tpu.memref_slice %arg6[%mul3A_76] : memref<160000xi32, #tpu.memory_space<vmem_shared>> -> memref<8000xi32, #tpu.memory_space<vmem_shared>>
      %dma_wait3A_79 = tpu.memref_slice %arg4[%mul3A_74] : memref<16000xi32, #tpu.memory_space<vmem>> -> memref<8000xi32, #tpu.memory_space<vmem>>
      %dma_wait3A_80 = tpu.memref_slice %arg6[%mul3A_76] : memref<160000xi32, #tpu.memory_space<vmem_shared>> -> memref<8000xi32, #tpu.memory_space<vmem_shared>>
      tpu.wait_dma2 semaphore(%arg7 : memref<!tpu.dma_semaphore, #tpu.memory_space<semaphore_mem>>) src(%dma_wait3A_80 : memref<8000xi32, #tpu.memory_space<vmem_shared>>) dst(%dma_wait3A_79 : memref<8000xi32, #tpu.memory_space<vmem>>)
      %lt3A_81 = arith.constant 19 : i32
      %lt3A_82 = arith.cmpi slt, %scan3A_61, %lt3A_81 : i32
      %convert_element_type3A_83 = arith.extui %lt3A_82 : i1 to i32
      %cond3A_84 = arith.constant 0 : i32
      %cond3A_85 = arith.cmpi ne, %convert_element_type3A_83, %cond3A_84 : i32
      scf.if %cond3A_85 {
        %add3A_89 = arith.constant 1 : i32
        %add3A_90 = arith.addi %scan3A_61, %add3A_89 : i32
        %sub3A = arith.constant 8000 : i32
        %sub3A_91 = arith.subi %sub3A, %mul3A_74 : i32
        %mul3A_92 = arith.constant 8000 : i32
        %mul3A_93 = arith.muli %add3A_90, %mul3A_92 : i32
        %dma_start3A_94 = tpu.memref_slice %arg4[%sub3A_91] : memref<16000xi32, #tpu.memory_space<vmem>> -> memref<8000xi32, #tpu.memory_space<vmem>>
        %dma_start3A_95 = tpu.memref_slice %arg6[%mul3A_93] : memref<160000xi32, #tpu.memory_space<vmem_shared>> -> memref<8000xi32, #tpu.memory_space<vmem_shared>>
        %dma_start3A_96 = tpu.memref_slice %arg4[%sub3A_91] : memref<16000xi32, #tpu.memory_space<vmem>> -> memref<8000xi32, #tpu.memory_space<vmem>>
        %dma_start3A_97 = tpu.memref_slice %arg6[%mul3A_93] : memref<160000xi32, #tpu.memory_space<vmem_shared>> -> memref<8000xi32, #tpu.memory_space<vmem_shared>>
        tpu.enqueue_dma source(%dma_start3A_97 : memref<8000xi32, #tpu.memory_space<vmem_shared>>) target(%dma_start3A_96 : memref<8000xi32, #tpu.memory_space<vmem>>) target_semaphore(%arg7 : memref<!tpu.dma_semaphore, #tpu.memory_space<semaphore_mem>>)
      } else {
      }
      %parallel_loop3A = arith.constant 0 : i32
      %parallel_loop3A_86 = arith.constant 62 : i32
      %parallel_loop3A_87 = arith.constant 1 : i32
      scf.for %parallel_loop3A_89 = %parallel_loop3A to %parallel_loop3A_86 step %parallel_loop3A_87  : i32 {
        %parallel_loop3A_90 = arith.constant 64 : i32
        %parallel_loop3A_91 = arith.muli %parallel_loop3A_89, %parallel_loop3A_90 : i32
        %parallel_loop3A_92 = arith.addi %mul3A_74, %parallel_loop3A_91 : i32
        %parallel_loop3A_93 = arith.constant 4000 : i32
        %parallel_loop3A_94 = arith.addi %parallel_loop3A_92, %parallel_loop3A_93 : i32
        %parallel_loop3A_95 = arith.constant 0 : i32
        %parallel_loop3A_96 = arith.addi %parallel_loop3A_92, %parallel_loop3A_95 : i32
        %parallel_loop3A_97 = arith.index_cast %parallel_loop3A_96 : i32 to index
        %parallel_loop3A_98 = tpu.vector_load %arg4[%parallel_loop3A_97] {strides = array<i32>} : memref<16000xi32, #tpu.memory_space<vmem>>, vector<16xi32>,
        %parallel_loop3A_99 = arith.constant 0 : i32
        %parallel_loop3A_100 = arith.addi %parallel_loop3A_94, %parallel_loop3A_99 : i32
        %parallel_loop3A_101 = arith.index_cast %parallel_loop3A_100 : i32 to index
        %parallel_loop3A_102 = tpu.vector_load %arg4[%parallel_loop3A_101] {strides = array<i32>} : memref<16000xi32, #tpu.memory_space<vmem>>, vector<16xi32>,
        %parallel_loop3A_103 = vector.broadcast %mul3A_33 : i32 to vector<16xi32>
        %parallel_loop3A_104 = arith.subi %parallel_loop3A_98, %parallel_loop3A_103 : vector<16xi32>
        %parallel_loop3A_105 = vector.bitcast %parallel_loop3A_104 : vector<16xi32> to vector<16xi32>
        %parallel_loop3A_106 = arith.constant 102400 : i32
        %parallel_loop3A_107 = vector.broadcast %parallel_loop3A_106 : i32 to vector<16xi32>
        %parallel_loop3A_108 = arith.cmpi ult, %parallel_loop3A_105, %parallel_loop3A_107 : vector<16xi32>
        %parallel_loop3A_109 = arith.constant 0 : i32
        %parallel_loop3A_110 = vector.broadcast %parallel_loop3A_109 : i32 to vector<16xi32>
        %parallel_loop3A_111 = arith.select %parallel_loop3A_108, %parallel_loop3A_104, %parallel_loop3A_110 : vector<16xi1>, vector<16xi32>
        %parallel_loop3A_112 = vector.bitcast %parallel_loop3A_102 : vector<16xi32> to vector<16xf32>
        tpu.vector_store_idx %arg5[%parallel_loop3A_111], %parallel_loop3A_112 masked %parallel_loop3A_108 {add = true} : memref<102400xf32, #tpu.memory_space<vmem>>[vector<16xi32>], vector<16xf32>, vector<16xi1>
        %parallel_loop3A_113 = arith.constant 16 : i32
        %parallel_loop3A_114 = arith.addi %parallel_loop3A_92, %parallel_loop3A_113 : i32
        %parallel_loop3A_115 = arith.index_cast %parallel_loop3A_114 : i32 to index
        %parallel_loop3A_116 = tpu.vector_load %arg4[%parallel_loop3A_115] {strides = array<i32>} : memref<16000xi32, #tpu.memory_space<vmem>>, vector<16xi32>,
        %parallel_loop3A_117 = arith.constant 16 : i32
        %parallel_loop3A_118 = arith.addi %parallel_loop3A_94, %parallel_loop3A_117 : i32
        %parallel_loop3A_119 = arith.index_cast %parallel_loop3A_118 : i32 to index
        %parallel_loop3A_120 = tpu.vector_load %arg4[%parallel_loop3A_119] {strides = array<i32>} : memref<16000xi32, #tpu.memory_space<vmem>>, vector<16xi32>,
        %parallel_loop3A_121 = vector.broadcast %mul3A_33 : i32 to vector<16xi32>
        %parallel_loop3A_122 = arith.subi %parallel_loop3A_116, %parallel_loop3A_121 : vector<16xi32>
        %parallel_loop3A_123 = vector.bitcast %parallel_loop3A_122 : vector<16xi32> to vector<16xi32>
        %parallel_loop3A_124 = arith.constant 102400 : i32
        %parallel_loop3A_125 = vector.broadcast %parallel_loop3A_124 : i32 to vector<16xi32>
        %parallel_loop3A_126 = arith.cmpi ult, %parallel_loop3A_123, %parallel_loop3A_125 : vector<16xi32>
        %parallel_loop3A_127 = arith.constant 0 : i32
        %parallel_loop3A_128 = vector.broadcast %parallel_loop3A_127 : i32 to vector<16xi32>
        %parallel_loop3A_129 = arith.select %parallel_loop3A_126, %parallel_loop3A_122, %parallel_loop3A_128 : vector<16xi1>, vector<16xi32>
        %parallel_loop3A_130 = vector.bitcast %parallel_loop3A_120 : vector<16xi32> to vector<16xf32>
        tpu.vector_store_idx %arg5[%parallel_loop3A_129], %parallel_loop3A_130 masked %parallel_loop3A_126 {add = true} : memref<102400xf32, #tpu.memory_space<vmem>>[vector<16xi32>], vector<16xf32>, vector<16xi1>
        %parallel_loop3A_131 = arith.constant 32 : i32
        %parallel_loop3A_132 = arith.addi %parallel_loop3A_92, %parallel_loop3A_131 : i32
        %parallel_loop3A_133 = arith.index_cast %parallel_loop3A_132 : i32 to index
        %parallel_loop3A_134 = tpu.vector_load %arg4[%parallel_loop3A_133] {strides = array<i32>} : memref<16000xi32, #tpu.memory_space<vmem>>, vector<16xi32>,
        %parallel_loop3A_135 = arith.constant 32 : i32
        %parallel_loop3A_136 = arith.addi %parallel_loop3A_94, %parallel_loop3A_135 : i32
        %parallel_loop3A_137 = arith.index_cast %parallel_loop3A_136 : i32 to index
        %parallel_loop3A_138 = tpu.vector_load %arg4[%parallel_loop3A_137] {strides = array<i32>} : memref<16000xi32, #tpu.memory_space<vmem>>, vector<16xi32>,
        %parallel_loop3A_139 = vector.broadcast %mul3A_33 : i32 to vector<16xi32>
        %parallel_loop3A_140 = arith.subi %parallel_loop3A_134, %parallel_loop3A_139 : vector<16xi32>
        %parallel_loop3A_141 = vector.bitcast %parallel_loop3A_140 : vector<16xi32> to vector<16xi32>
        %parallel_loop3A_142 = arith.constant 102400 : i32
        %parallel_loop3A_143 = vector.broadcast %parallel_loop3A_142 : i32 to vector<16xi32>
        %parallel_loop3A_144 = arith.cmpi ult, %parallel_loop3A_141, %parallel_loop3A_143 : vector<16xi32>
        %parallel_loop3A_145 = arith.constant 0 : i32
        %parallel_loop3A_146 = vector.broadcast %parallel_loop3A_145 : i32 to vector<16xi32>
        %parallel_loop3A_147 = arith.select %parallel_loop3A_144, %parallel_loop3A_140, %parallel_loop3A_146 : vector<16xi1>, vector<16xi32>
        %parallel_loop3A_148 = vector.bitcast %parallel_loop3A_138 : vector<16xi32> to vector<16xf32>
        tpu.vector_store_idx %arg5[%parallel_loop3A_147], %parallel_loop3A_148 masked %parallel_loop3A_144 {add = true} : memref<102400xf32, #tpu.memory_space<vmem>>[vector<16xi32>], vector<16xf32>, vector<16xi1>
        %parallel_loop3A_149 = arith.constant 48 : i32
        %parallel_loop3A_150 = arith.addi %parallel_loop3A_92, %parallel_loop3A_149 : i32
        %parallel_loop3A_151 = arith.index_cast %parallel_loop3A_150 : i32 to index
        %parallel_loop3A_152 = tpu.vector_load %arg4[%parallel_loop3A_151] {strides = array<i32>} : memref<16000xi32, #tpu.memory_space<vmem>>, vector<16xi32>,
        %parallel_loop3A_153 = arith.constant 48 : i32
        %parallel_loop3A_154 = arith.addi %parallel_loop3A_94, %parallel_loop3A_153 : i32
        %parallel_loop3A_155 = arith.index_cast %parallel_loop3A_154 : i32 to index
        %parallel_loop3A_156 = tpu.vector_load %arg4[%parallel_loop3A_155] {strides = array<i32>} : memref<16000xi32, #tpu.memory_space<vmem>>, vector<16xi32>,
        %parallel_loop3A_157 = vector.broadcast %mul3A_33 : i32 to vector<16xi32>
        %parallel_loop3A_158 = arith.subi %parallel_loop3A_152, %parallel_loop3A_157 : vector<16xi32>
        %parallel_loop3A_159 = vector.bitcast %parallel_loop3A_158 : vector<16xi32> to vector<16xi32>
        %parallel_loop3A_160 = arith.constant 102400 : i32
        %parallel_loop3A_161 = vector.broadcast %parallel_loop3A_160 : i32 to vector<16xi32>
        %parallel_loop3A_162 = arith.cmpi ult, %parallel_loop3A_159, %parallel_loop3A_161 : vector<16xi32>
        %parallel_loop3A_163 = arith.constant 0 : i32
        %parallel_loop3A_164 = vector.broadcast %parallel_loop3A_163 : i32 to vector<16xi32>
        %parallel_loop3A_165 = arith.select %parallel_loop3A_162, %parallel_loop3A_158, %parallel_loop3A_164 : vector<16xi1>, vector<16xi32>
        %parallel_loop3A_166 = vector.bitcast %parallel_loop3A_156 : vector<16xi32> to vector<16xf32>
        tpu.vector_store_idx %arg5[%parallel_loop3A_165], %parallel_loop3A_166 masked %parallel_loop3A_162 {add = true} : memref<102400xf32, #tpu.memory_space<vmem>>[vector<16xi32>], vector<16xf32>, vector<16xi1>
      } {sc.loop_unroll_factor = 2 : i64, sc.parallel_access}
      %scan3A_88 = arith.constant 0 : i32
      scf.yield %scan3A_88 : i32
    }
    %scan3A_56 = arith.constant 20 : i32
    %dma_start3A_57 = tpu.memref_slice %arg3[%mul3A_33] : memref<6553600xf32, #tpu.memory_space<hbm>> -> memref<102400xf32, #tpu.memory_space<hbm>>
    %dma_start3A_58 = tpu.memref_slice %arg3[%mul3A_33] : memref<6553600xf32, #tpu.memory_space<hbm>> -> memref<102400xf32, #tpu.memory_space<hbm>>
    tpu.enqueue_dma source(%arg5 : memref<102400xf32, #tpu.memory_space<vmem>>) target(%dma_start3A_58 : memref<102400xf32, #tpu.memory_space<hbm>>) target_semaphore(%arg8 : memref<!tpu.dma_semaphore, #tpu.memory_space<semaphore_mem>>)
    %dma_wait3A_59 = tpu.memref_slice %arg3[%mul3A_33] : memref<6553600xf32, #tpu.memory_space<hbm>> -> memref<102400xf32, #tpu.memory_space<hbm>>
    %dma_wait3A_60 = tpu.memref_slice %arg3[%mul3A_33] : memref<6553600xf32, #tpu.memory_space<hbm>> -> memref<102400xf32, #tpu.memory_space<hbm>>
    tpu.wait_dma2 semaphore(%arg8 : memref<!tpu.dma_semaphore, #tpu.memory_space<semaphore_mem>>) src(%arg5 : memref<102400xf32, #tpu.memory_space<vmem>>) dst(%dma_wait3A_60 : memref<102400xf32, #tpu.memory_space<hbm>>)
    return
  }
}

#map = affine_map<(d0, d1) -> (0)>
module attributes {stable_mosaic.version = 14 : i64} {
  func.func @_adj_body(%arg0: i32, %arg1: i32, %arg2: memref<160000xi32, #tpu.memory_space<hbm>>, %arg3: memref<6553600xf32, #tpu.memory_space<hbm>>, %arg4: memref<16000xi32, #tpu.memory_space<vmem>>, %arg5: memref<102400xf32, #tpu.memory_space<vmem>>, %arg6: memref<160000xi32, #tpu.memory_space<vmem_shared>>, %arg7: memref<!tpu.dma_semaphore, #tpu.memory_space<semaphore_mem>>, %arg8: memref<!tpu.dma_semaphore, #tpu.memory_space<semaphore_mem>>) attributes {dimension_semantics = [#tpu.dimension_semantics<core_parallel>, #tpu.dimension_semantics<subcore_parallel>], iteration_bounds = array<i64: 2, 16>, scalar_prefetch = 0 : i64, scratch_operands = 5 : i64, tpu.core_type = #tpu.core_type<sc_vector_subcore>, window_params = [{transform_indices = #map}, {transform_indices = #map}]} {
    %mul3A = arith.constant 2 : i32
    %mul3A_0 = arith.muli %arg1, %mul3A : i32
    %add3A = arith.addi %mul3A_0, %arg0 : i32
    %broadcast_in_dim3A = arith.constant 0.000000e+00 : f32
    %broadcast_in_dim3A_1 = vector.broadcast %broadcast_in_dim3A : f32 to vector<16xf32>
    %eq3A = arith.constant 0 : i32
    %eq3A_2 = arith.cmpi eq, %arg1, %eq3A : i32
    %convert_element_type3A = arith.extui %eq3A_2 : i1 to i32
    %cond3A = arith.constant 0 : i32
    %cond3A_3 = arith.cmpi ne, %convert_element_type3A, %cond3A : i32
    scf.if %cond3A_3 {
      "tpu.region"() ({
        %run_scoped3A = tpu.sem_alloc : memref<!tpu.dma_semaphore, #tpu.memory_space<semaphore_mem>>
        tpu.enqueue_dma source(%arg2 : memref<160000xi32, #tpu.memory_space<hbm>>) target(%arg6 : memref<160000xi32, #tpu.memory_space<vmem_shared>>) target_semaphore(%run_scoped3A : memref<!tpu.dma_semaphore, #tpu.memory_space<semaphore_mem>>)
        tpu.wait_dma2 semaphore(%run_scoped3A : memref<!tpu.dma_semaphore, #tpu.memory_space<semaphore_mem>>) src(%arg2 : memref<160000xi32, #tpu.memory_space<hbm>>) dst(%arg6 : memref<160000xi32, #tpu.memory_space<vmem_shared>>)
        tpu.yield
      }) : () -> ()
    } else {
    }
    %barrier3A = arith.constant 0 : index
    tpu.barrier barrier_id(%barrier3A)
    %add3A_4 = arith.constant 0 : i32
    %add3A_5 = arith.addi %add3A_4, %add3A : i32
    %mul3A_6 = arith.constant 102400 : i32
    %mul3A_7 = arith.muli %add3A_5, %mul3A_6 : i32
    %dma_start3A = arith.constant 0 : i32
    %dma_start3A_8 = tpu.memref_slice %arg4[%dma_start3A] : memref<16000xi32, #tpu.memory_space<vmem>> -> memref<8000xi32, #tpu.memory_space<vmem>>
    %dma_start3A_9 = arith.constant 0 : i32
    %dma_start3A_10 = tpu.memref_slice %arg6[%dma_start3A_9] : memref<160000xi32, #tpu.memory_space<vmem_shared>> -> memref<8000xi32, #tpu.memory_space<vmem_shared>>
    %dma_start3A_11 = arith.constant 0 : i32
    %dma_start3A_12 = tpu.memref_slice %arg4[%dma_start3A_11] : memref<16000xi32, #tpu.memory_space<vmem>> -> memref<8000xi32, #tpu.memory_space<vmem>>
    %dma_start3A_13 = arith.constant 0 : i32
    %dma_start3A_14 = tpu.memref_slice %arg6[%dma_start3A_13] : memref<160000xi32, #tpu.memory_space<vmem_shared>> -> memref<8000xi32, #tpu.memory_space<vmem_shared>>
    tpu.enqueue_dma source(%dma_start3A_14 : memref<8000xi32, #tpu.memory_space<vmem_shared>>) target(%dma_start3A_12 : memref<8000xi32, #tpu.memory_space<vmem>>) target_semaphore(%arg7 : memref<!tpu.dma_semaphore, #tpu.memory_space<semaphore_mem>>)
    %scan3A = arith.constant 0 : i32
    %scan3A_15 = arith.constant 0 : i32
    %scan3A_16 = arith.constant 6400 : i32
    %scan3A_17 = arith.addi %scan3A_15, %scan3A_16 : i32
    %scan3A_18 = arith.constant 1 : i32
    %scan3A_19 = scf.for %scan3A_61 = %scan3A_15 to %scan3A_17 step %scan3A_18 iter_args(%scan3A_62 = %scan3A) -> (i32)  : i32 {
      %mul3A_63 = arith.constant 16 : i32
      %mul3A_64 = arith.muli %scan3A_61, %mul3A_63 : i32
      %swap3A = arith.index_cast %mul3A_64 : i32 to index
      %swap3A_65 = tpu.vector_load %arg5[%swap3A] {strides = array<i32>} : memref<102400xf32, #tpu.memory_space<vmem>>, vector<16xf32>,
      tpu.vector_store %arg5[%swap3A], %broadcast_in_dim3A_1 {strides = array<i32>} : memref<102400xf32, #tpu.memory_space<vmem>>, vector<16xf32>,
      %scan3A_66 = arith.constant 0 : i32
      scf.yield %scan3A_66 : i32
    }
    %scan3A_20 = arith.constant 6400 : i32
    %scan3A_21 = arith.constant 0 : i32
    %scan3A_22 = arith.constant 0 : i32
    %scan3A_23 = arith.constant 20 : i32
    %scan3A_24 = arith.addi %scan3A_22, %scan3A_23 : i32
    %scan3A_25 = arith.constant 1 : i32
    %scan3A_26 = scf.for %scan3A_61 = %scan3A_22 to %scan3A_24 step %scan3A_25 iter_args(%scan3A_62 = %scan3A_21) -> (i32)  : i32 {
      %jit3A = arith.constant 2 : i32
      %eq3A_63 = arith.constant 0 : i32
      %eq3A_64 = arith.cmpi eq, %jit3A, %eq3A_63 : i32
      %jit3A_65 = arith.constant 1 : i32
      %select_n3A = arith.select %eq3A_64, %jit3A_65, %jit3A : i32
      %rem3A = arith.remsi %scan3A_61, %select_n3A : i32
      %ne3A = arith.constant 0 : i32
      %ne3A_66 = arith.cmpi ne, %rem3A, %ne3A : i32
      %lt3A = arith.constant 0 : i32
      %lt3A_67 = arith.cmpi slt, %rem3A, %lt3A : i32
      %lt3A_68 = arith.constant 0 : i32
      %lt3A_69 = arith.cmpi slt, %select_n3A, %lt3A_68 : i32
      %ne3A_70 = arith.xori %lt3A_67, %lt3A_69 : i1
      %and3A = arith.andi %ne3A_70, %ne3A_66 : i1
      %add3A_71 = arith.addi %rem3A, %select_n3A : i32
      %select_n3A_72 = arith.select %and3A, %add3A_71, %rem3A : i32
      %mul3A_73 = arith.constant 8000 : i32
      %mul3A_74 = arith.muli %select_n3A_72, %mul3A_73 : i32
      %mul3A_75 = arith.constant 8000 : i32
      %mul3A_76 = arith.muli %scan3A_61, %mul3A_75 : i32
      %dma_wait3A_77 = tpu.memref_slice %arg4[%mul3A_74] : memref<16000xi32, #tpu.memory_space<vmem>> -> memref<8000xi32, #tpu.memory_space<vmem>>
      %dma_wait3A_78 = tpu.memref_slice %arg6[%mul3A_76] : memref<160000xi32, #tpu.memory_space<vmem_shared>> -> memref<8000xi32, #tpu.memory_space<vmem_shared>>
      %dma_wait3A_79 = tpu.memref_slice %arg4[%mul3A_74] : memref<16000xi32, #tpu.memory_space<vmem>> -> memref<8000xi32, #tpu.memory_space<vmem>>
      %dma_wait3A_80 = tpu.memref_slice %arg6[%mul3A_76] : memref<160000xi32, #tpu.memory_space<vmem_shared>> -> memref<8000xi32, #tpu.memory_space<vmem_shared>>
      tpu.wait_dma2 semaphore(%arg7 : memref<!tpu.dma_semaphore, #tpu.memory_space<semaphore_mem>>) src(%dma_wait3A_80 : memref<8000xi32, #tpu.memory_space<vmem_shared>>) dst(%dma_wait3A_79 : memref<8000xi32, #tpu.memory_space<vmem>>)
      %lt3A_81 = arith.constant 19 : i32
      %lt3A_82 = arith.cmpi slt, %scan3A_61, %lt3A_81 : i32
      %convert_element_type3A_83 = arith.extui %lt3A_82 : i1 to i32
      %cond3A_84 = arith.constant 0 : i32
      %cond3A_85 = arith.cmpi ne, %convert_element_type3A_83, %cond3A_84 : i32
      scf.if %cond3A_85 {
        %add3A_89 = arith.constant 1 : i32
        %add3A_90 = arith.addi %scan3A_61, %add3A_89 : i32
        %sub3A = arith.constant 8000 : i32
        %sub3A_91 = arith.subi %sub3A, %mul3A_74 : i32
        %mul3A_92 = arith.constant 8000 : i32
        %mul3A_93 = arith.muli %add3A_90, %mul3A_92 : i32
        %dma_start3A_94 = tpu.memref_slice %arg4[%sub3A_91] : memref<16000xi32, #tpu.memory_space<vmem>> -> memref<8000xi32, #tpu.memory_space<vmem>>
        %dma_start3A_95 = tpu.memref_slice %arg6[%mul3A_93] : memref<160000xi32, #tpu.memory_space<vmem_shared>> -> memref<8000xi32, #tpu.memory_space<vmem_shared>>
        %dma_start3A_96 = tpu.memref_slice %arg4[%sub3A_91] : memref<16000xi32, #tpu.memory_space<vmem>> -> memref<8000xi32, #tpu.memory_space<vmem>>
        %dma_start3A_97 = tpu.memref_slice %arg6[%mul3A_93] : memref<160000xi32, #tpu.memory_space<vmem_shared>> -> memref<8000xi32, #tpu.memory_space<vmem_shared>>
        tpu.enqueue_dma source(%dma_start3A_97 : memref<8000xi32, #tpu.memory_space<vmem_shared>>) target(%dma_start3A_96 : memref<8000xi32, #tpu.memory_space<vmem>>) target_semaphore(%arg7 : memref<!tpu.dma_semaphore, #tpu.memory_space<semaphore_mem>>)
      } else {
      }
      %parallel_loop3A = arith.constant 0 : i32
      %parallel_loop3A_86 = arith.constant 62 : i32
      %parallel_loop3A_87 = arith.constant 1 : i32
      scf.for %parallel_loop3A_89 = %parallel_loop3A to %parallel_loop3A_86 step %parallel_loop3A_87  : i32 {
        %parallel_loop3A_90 = arith.constant 64 : i32
        %parallel_loop3A_91 = arith.muli %parallel_loop3A_89, %parallel_loop3A_90 : i32
        %parallel_loop3A_92 = arith.addi %mul3A_74, %parallel_loop3A_91 : i32
        %parallel_loop3A_93 = arith.constant 4000 : i32
        %parallel_loop3A_94 = arith.addi %parallel_loop3A_92, %parallel_loop3A_93 : i32
        %parallel_loop3A_95 = arith.constant 0 : i32
        %parallel_loop3A_96 = arith.addi %parallel_loop3A_92, %parallel_loop3A_95 : i32
        %parallel_loop3A_97 = arith.index_cast %parallel_loop3A_96 : i32 to index
        %parallel_loop3A_98 = tpu.vector_load %arg4[%parallel_loop3A_97] {strides = array<i32>} : memref<16000xi32, #tpu.memory_space<vmem>>, vector<16xi32>,
        %parallel_loop3A_99 = arith.constant 0 : i32
        %parallel_loop3A_100 = arith.addi %parallel_loop3A_94, %parallel_loop3A_99 : i32
        %parallel_loop3A_101 = arith.index_cast %parallel_loop3A_100 : i32 to index
        %parallel_loop3A_102 = tpu.vector_load %arg4[%parallel_loop3A_101] {strides = array<i32>} : memref<16000xi32, #tpu.memory_space<vmem>>, vector<16xi32>,
        %parallel_loop3A_103 = vector.broadcast %mul3A_7 : i32 to vector<16xi32>
        %parallel_loop3A_104 = arith.subi %parallel_loop3A_98, %parallel_loop3A_103 : vector<16xi32>
        %parallel_loop3A_105 = vector.bitcast %parallel_loop3A_104 : vector<16xi32> to vector<16xi32>
        %parallel_loop3A_106 = arith.constant 102400 : i32
        %parallel_loop3A_107 = vector.broadcast %parallel_loop3A_106 : i32 to vector<16xi32>
        %parallel_loop3A_108 = arith.cmpi ult, %parallel_loop3A_105, %parallel_loop3A_107 : vector<16xi32>
        %parallel_loop3A_109 = arith.constant 0 : i32
        %parallel_loop3A_110 = vector.broadcast %parallel_loop3A_109 : i32 to vector<16xi32>
        %parallel_loop3A_111 = arith.select %parallel_loop3A_108, %parallel_loop3A_104, %parallel_loop3A_110 : vector<16xi1>, vector<16xi32>
        %parallel_loop3A_112 = vector.bitcast %parallel_loop3A_102 : vector<16xi32> to vector<16xf32>
        tpu.vector_store_idx %arg5[%parallel_loop3A_111], %parallel_loop3A_112 masked %parallel_loop3A_108 {add = true} : memref<102400xf32, #tpu.memory_space<vmem>>[vector<16xi32>], vector<16xf32>, vector<16xi1>
        %parallel_loop3A_113 = arith.constant 16 : i32
        %parallel_loop3A_114 = arith.addi %parallel_loop3A_92, %parallel_loop3A_113 : i32
        %parallel_loop3A_115 = arith.index_cast %parallel_loop3A_114 : i32 to index
        %parallel_loop3A_116 = tpu.vector_load %arg4[%parallel_loop3A_115] {strides = array<i32>} : memref<16000xi32, #tpu.memory_space<vmem>>, vector<16xi32>,
        %parallel_loop3A_117 = arith.constant 16 : i32
        %parallel_loop3A_118 = arith.addi %parallel_loop3A_94, %parallel_loop3A_117 : i32
        %parallel_loop3A_119 = arith.index_cast %parallel_loop3A_118 : i32 to index
        %parallel_loop3A_120 = tpu.vector_load %arg4[%parallel_loop3A_119] {strides = array<i32>} : memref<16000xi32, #tpu.memory_space<vmem>>, vector<16xi32>,
        %parallel_loop3A_121 = vector.broadcast %mul3A_7 : i32 to vector<16xi32>
        %parallel_loop3A_122 = arith.subi %parallel_loop3A_116, %parallel_loop3A_121 : vector<16xi32>
        %parallel_loop3A_123 = vector.bitcast %parallel_loop3A_122 : vector<16xi32> to vector<16xi32>
        %parallel_loop3A_124 = arith.constant 102400 : i32
        %parallel_loop3A_125 = vector.broadcast %parallel_loop3A_124 : i32 to vector<16xi32>
        %parallel_loop3A_126 = arith.cmpi ult, %parallel_loop3A_123, %parallel_loop3A_125 : vector<16xi32>
        %parallel_loop3A_127 = arith.constant 0 : i32
        %parallel_loop3A_128 = vector.broadcast %parallel_loop3A_127 : i32 to vector<16xi32>
        %parallel_loop3A_129 = arith.select %parallel_loop3A_126, %parallel_loop3A_122, %parallel_loop3A_128 : vector<16xi1>, vector<16xi32>
        %parallel_loop3A_130 = vector.bitcast %parallel_loop3A_120 : vector<16xi32> to vector<16xf32>
        tpu.vector_store_idx %arg5[%parallel_loop3A_129], %parallel_loop3A_130 masked %parallel_loop3A_126 {add = true} : memref<102400xf32, #tpu.memory_space<vmem>>[vector<16xi32>], vector<16xf32>, vector<16xi1>
        %parallel_loop3A_131 = arith.constant 32 : i32
        %parallel_loop3A_132 = arith.addi %parallel_loop3A_92, %parallel_loop3A_131 : i32
        %parallel_loop3A_133 = arith.index_cast %parallel_loop3A_132 : i32 to index
        %parallel_loop3A_134 = tpu.vector_load %arg4[%parallel_loop3A_133] {strides = array<i32>} : memref<16000xi32, #tpu.memory_space<vmem>>, vector<16xi32>,
        %parallel_loop3A_135 = arith.constant 32 : i32
        %parallel_loop3A_136 = arith.addi %parallel_loop3A_94, %parallel_loop3A_135 : i32
        %parallel_loop3A_137 = arith.index_cast %parallel_loop3A_136 : i32 to index
        %parallel_loop3A_138 = tpu.vector_load %arg4[%parallel_loop3A_137] {strides = array<i32>} : memref<16000xi32, #tpu.memory_space<vmem>>, vector<16xi32>,
        %parallel_loop3A_139 = vector.broadcast %mul3A_7 : i32 to vector<16xi32>
        %parallel_loop3A_140 = arith.subi %parallel_loop3A_134, %parallel_loop3A_139 : vector<16xi32>
        %parallel_loop3A_141 = vector.bitcast %parallel_loop3A_140 : vector<16xi32> to vector<16xi32>
        %parallel_loop3A_142 = arith.constant 102400 : i32
        %parallel_loop3A_143 = vector.broadcast %parallel_loop3A_142 : i32 to vector<16xi32>
        %parallel_loop3A_144 = arith.cmpi ult, %parallel_loop3A_141, %parallel_loop3A_143 : vector<16xi32>
        %parallel_loop3A_145 = arith.constant 0 : i32
        %parallel_loop3A_146 = vector.broadcast %parallel_loop3A_145 : i32 to vector<16xi32>
        %parallel_loop3A_147 = arith.select %parallel_loop3A_144, %parallel_loop3A_140, %parallel_loop3A_146 : vector<16xi1>, vector<16xi32>
        %parallel_loop3A_148 = vector.bitcast %parallel_loop3A_138 : vector<16xi32> to vector<16xf32>
        tpu.vector_store_idx %arg5[%parallel_loop3A_147], %parallel_loop3A_148 masked %parallel_loop3A_144 {add = true} : memref<102400xf32, #tpu.memory_space<vmem>>[vector<16xi32>], vector<16xf32>, vector<16xi1>
        %parallel_loop3A_149 = arith.constant 48 : i32
        %parallel_loop3A_150 = arith.addi %parallel_loop3A_92, %parallel_loop3A_149 : i32
        %parallel_loop3A_151 = arith.index_cast %parallel_loop3A_150 : i32 to index
        %parallel_loop3A_152 = tpu.vector_load %arg4[%parallel_loop3A_151] {strides = array<i32>} : memref<16000xi32, #tpu.memory_space<vmem>>, vector<16xi32>,
        %parallel_loop3A_153 = arith.constant 48 : i32
        %parallel_loop3A_154 = arith.addi %parallel_loop3A_94, %parallel_loop3A_153 : i32
        %parallel_loop3A_155 = arith.index_cast %parallel_loop3A_154 : i32 to index
        %parallel_loop3A_156 = tpu.vector_load %arg4[%parallel_loop3A_155] {strides = array<i32>} : memref<16000xi32, #tpu.memory_space<vmem>>, vector<16xi32>,
        %parallel_loop3A_157 = vector.broadcast %mul3A_7 : i32 to vector<16xi32>
        %parallel_loop3A_158 = arith.subi %parallel_loop3A_152, %parallel_loop3A_157 : vector<16xi32>
        %parallel_loop3A_159 = vector.bitcast %parallel_loop3A_158 : vector<16xi32> to vector<16xi32>
        %parallel_loop3A_160 = arith.constant 102400 : i32
        %parallel_loop3A_161 = vector.broadcast %parallel_loop3A_160 : i32 to vector<16xi32>
        %parallel_loop3A_162 = arith.cmpi ult, %parallel_loop3A_159, %parallel_loop3A_161 : vector<16xi32>
        %parallel_loop3A_163 = arith.constant 0 : i32
        %parallel_loop3A_164 = vector.broadcast %parallel_loop3A_163 : i32 to vector<16xi32>
        %parallel_loop3A_165 = arith.select %parallel_loop3A_162, %parallel_loop3A_158, %parallel_loop3A_164 : vector<16xi1>, vector<16xi32>
        %parallel_loop3A_166 = vector.bitcast %parallel_loop3A_156 : vector<16xi32> to vector<16xf32>
        tpu.vector_store_idx %arg5[%parallel_loop3A_165], %parallel_loop3A_166 masked %parallel_loop3A_162 {add = true} : memref<102400xf32, #tpu.memory_space<vmem>>[vector<16xi32>], vector<16xf32>, vector<16xi1>
      } {sc.loop_unroll_factor = 2 : i64, sc.parallel_access}
      %scan3A_88 = arith.constant 0 : i32
      scf.yield %scan3A_88 : i32
    }
    %scan3A_27 = arith.constant 20 : i32
    %dma_start3A_28 = tpu.memref_slice %arg3[%mul3A_7] : memref<6553600xf32, #tpu.memory_space<hbm>> -> memref<102400xf32, #tpu.memory_space<hbm>>
    %dma_start3A_29 = tpu.memref_slice %arg3[%mul3A_7] : memref<6553600xf32, #tpu.memory_space<hbm>> -> memref<102400xf32, #tpu.memory_space<hbm>>
    tpu.enqueue_dma source(%arg5 : memref<102400xf32, #tpu.memory_space<vmem>>) target(%dma_start3A_29 : memref<102400xf32, #tpu.memory_space<hbm>>) target_semaphore(%arg8 : memref<!tpu.dma_semaphore, #tpu.memory_space<semaphore_mem>>)
    %add3A_30 = arith.constant 32 : i32
    %add3A_31 = arith.addi %add3A_30, %add3A : i32
    %mul3A_32 = arith.constant 102400 : i32
    %mul3A_33 = arith.muli %add3A_31, %mul3A_32 : i32
    %dma_start3A_34 = arith.constant 0 : i32
    %dma_start3A_35 = tpu.memref_slice %arg4[%dma_start3A_34] : memref<16000xi32, #tpu.memory_space<vmem>> -> memref<8000xi32, #tpu.memory_space<vmem>>
    %dma_start3A_36 = arith.constant 0 : i32
    %dma_start3A_37 = tpu.memref_slice %arg6[%dma_start3A_36] : memref<160000xi32, #tpu.memory_space<vmem_shared>> -> memref<8000xi32, #tpu.memory_space<vmem_shared>>
    %dma_start3A_38 = arith.constant 0 : i32
    %dma_start3A_39 = tpu.memref_slice %arg4[%dma_start3A_38] : memref<16000xi32, #tpu.memory_space<vmem>> -> memref<8000xi32, #tpu.memory_space<vmem>>
    %dma_start3A_40 = arith.constant 0 : i32
    %dma_start3A_41 = tpu.memref_slice %arg6[%dma_start3A_40] : memref<160000xi32, #tpu.memory_space<vmem_shared>> -> memref<8000xi32, #tpu.memory_space<vmem_shared>>
    tpu.enqueue_dma source(%dma_start3A_41 : memref<8000xi32, #tpu.memory_space<vmem_shared>>) target(%dma_start3A_39 : memref<8000xi32, #tpu.memory_space<vmem>>) target_semaphore(%arg7 : memref<!tpu.dma_semaphore, #tpu.memory_space<semaphore_mem>>)
    %dma_wait3A = tpu.memref_slice %arg3[%mul3A_7] : memref<6553600xf32, #tpu.memory_space<hbm>> -> memref<102400xf32, #tpu.memory_space<hbm>>
    %dma_wait3A_42 = tpu.memref_slice %arg3[%mul3A_7] : memref<6553600xf32, #tpu.memory_space<hbm>> -> memref<102400xf32, #tpu.memory_space<hbm>>
    tpu.wait_dma2 semaphore(%arg8 : memref<!tpu.dma_semaphore, #tpu.memory_space<semaphore_mem>>) src(%arg5 : memref<102400xf32, #tpu.memory_space<vmem>>) dst(%dma_wait3A_42 : memref<102400xf32, #tpu.memory_space<hbm>>)
    %scan3A_43 = arith.constant 0 : i32
    %scan3A_44 = arith.constant 0 : i32
    %scan3A_45 = arith.constant 6400 : i32
    %scan3A_46 = arith.addi %scan3A_44, %scan3A_45 : i32
    %scan3A_47 = arith.constant 1 : i32
    %scan3A_48 = scf.for %scan3A_61 = %scan3A_44 to %scan3A_46 step %scan3A_47 iter_args(%scan3A_62 = %scan3A_43) -> (i32)  : i32 {
      %mul3A_63 = arith.constant 16 : i32
      %mul3A_64 = arith.muli %scan3A_61, %mul3A_63 : i32
      %swap3A = arith.index_cast %mul3A_64 : i32 to index
      %swap3A_65 = tpu.vector_load %arg5[%swap3A] {strides = array<i32>} : memref<102400xf32, #tpu.memory_space<vmem>>, vector<16xf32>,
      tpu.vector_store %arg5[%swap3A], %broadcast_in_dim3A_1 {strides = array<i32>} : memref<102400xf32, #tpu.memory_space<vmem>>, vector<16xf32>,
      %scan3A_66 = arith.constant 0 : i32
      scf.yield %scan3A_66 : i32
    }
    %scan3A_49 = arith.constant 6400 : i32
    %scan3A_50 = arith.constant 0 : i32
    %scan3A_51 = arith.constant 0 : i32
    %scan3A_52 = arith.constant 20 : i32
    %scan3A_53 = arith.addi %scan3A_51, %scan3A_52 : i32
    %scan3A_54 = arith.constant 1 : i32
    %scan3A_55 = scf.for %scan3A_61 = %scan3A_51 to %scan3A_53 step %scan3A_54 iter_args(%scan3A_62 = %scan3A_50) -> (i32)  : i32 {
      %jit3A = arith.constant 2 : i32
      %eq3A_63 = arith.constant 0 : i32
      %eq3A_64 = arith.cmpi eq, %jit3A, %eq3A_63 : i32
      %jit3A_65 = arith.constant 1 : i32
      %select_n3A = arith.select %eq3A_64, %jit3A_65, %jit3A : i32
      %rem3A = arith.remsi %scan3A_61, %select_n3A : i32
      %ne3A = arith.constant 0 : i32
      %ne3A_66 = arith.cmpi ne, %rem3A, %ne3A : i32
      %lt3A = arith.constant 0 : i32
      %lt3A_67 = arith.cmpi slt, %rem3A, %lt3A : i32
      %lt3A_68 = arith.constant 0 : i32
      %lt3A_69 = arith.cmpi slt, %select_n3A, %lt3A_68 : i32
      %ne3A_70 = arith.xori %lt3A_67, %lt3A_69 : i1
      %and3A = arith.andi %ne3A_70, %ne3A_66 : i1
      %add3A_71 = arith.addi %rem3A, %select_n3A : i32
      %select_n3A_72 = arith.select %and3A, %add3A_71, %rem3A : i32
      %mul3A_73 = arith.constant 8000 : i32
      %mul3A_74 = arith.muli %select_n3A_72, %mul3A_73 : i32
      %mul3A_75 = arith.constant 8000 : i32
      %mul3A_76 = arith.muli %scan3A_61, %mul3A_75 : i32
      %dma_wait3A_77 = tpu.memref_slice %arg4[%mul3A_74] : memref<16000xi32, #tpu.memory_space<vmem>> -> memref<8000xi32, #tpu.memory_space<vmem>>
      %dma_wait3A_78 = tpu.memref_slice %arg6[%mul3A_76] : memref<160000xi32, #tpu.memory_space<vmem_shared>> -> memref<8000xi32, #tpu.memory_space<vmem_shared>>
      %dma_wait3A_79 = tpu.memref_slice %arg4[%mul3A_74] : memref<16000xi32, #tpu.memory_space<vmem>> -> memref<8000xi32, #tpu.memory_space<vmem>>
      %dma_wait3A_80 = tpu.memref_slice %arg6[%mul3A_76] : memref<160000xi32, #tpu.memory_space<vmem_shared>> -> memref<8000xi32, #tpu.memory_space<vmem_shared>>
      tpu.wait_dma2 semaphore(%arg7 : memref<!tpu.dma_semaphore, #tpu.memory_space<semaphore_mem>>) src(%dma_wait3A_80 : memref<8000xi32, #tpu.memory_space<vmem_shared>>) dst(%dma_wait3A_79 : memref<8000xi32, #tpu.memory_space<vmem>>)
      %lt3A_81 = arith.constant 19 : i32
      %lt3A_82 = arith.cmpi slt, %scan3A_61, %lt3A_81 : i32
      %convert_element_type3A_83 = arith.extui %lt3A_82 : i1 to i32
      %cond3A_84 = arith.constant 0 : i32
      %cond3A_85 = arith.cmpi ne, %convert_element_type3A_83, %cond3A_84 : i32
      scf.if %cond3A_85 {
        %add3A_89 = arith.constant 1 : i32
        %add3A_90 = arith.addi %scan3A_61, %add3A_89 : i32
        %sub3A = arith.constant 8000 : i32
        %sub3A_91 = arith.subi %sub3A, %mul3A_74 : i32
        %mul3A_92 = arith.constant 8000 : i32
        %mul3A_93 = arith.muli %add3A_90, %mul3A_92 : i32
        %dma_start3A_94 = tpu.memref_slice %arg4[%sub3A_91] : memref<16000xi32, #tpu.memory_space<vmem>> -> memref<8000xi32, #tpu.memory_space<vmem>>
        %dma_start3A_95 = tpu.memref_slice %arg6[%mul3A_93] : memref<160000xi32, #tpu.memory_space<vmem_shared>> -> memref<8000xi32, #tpu.memory_space<vmem_shared>>
        %dma_start3A_96 = tpu.memref_slice %arg4[%sub3A_91] : memref<16000xi32, #tpu.memory_space<vmem>> -> memref<8000xi32, #tpu.memory_space<vmem>>
        %dma_start3A_97 = tpu.memref_slice %arg6[%mul3A_93] : memref<160000xi32, #tpu.memory_space<vmem_shared>> -> memref<8000xi32, #tpu.memory_space<vmem_shared>>
        tpu.enqueue_dma source(%dma_start3A_97 : memref<8000xi32, #tpu.memory_space<vmem_shared>>) target(%dma_start3A_96 : memref<8000xi32, #tpu.memory_space<vmem>>) target_semaphore(%arg7 : memref<!tpu.dma_semaphore, #tpu.memory_space<semaphore_mem>>)
      } else {
      }
      %parallel_loop3A = arith.constant 0 : i32
      %parallel_loop3A_86 = arith.constant 62 : i32
      %parallel_loop3A_87 = arith.constant 1 : i32
      scf.for %parallel_loop3A_89 = %parallel_loop3A to %parallel_loop3A_86 step %parallel_loop3A_87  : i32 {
        %parallel_loop3A_90 = arith.constant 64 : i32
        %parallel_loop3A_91 = arith.muli %parallel_loop3A_89, %parallel_loop3A_90 : i32
        %parallel_loop3A_92 = arith.addi %mul3A_74, %parallel_loop3A_91 : i32
        %parallel_loop3A_93 = arith.constant 4000 : i32
        %parallel_loop3A_94 = arith.addi %parallel_loop3A_92, %parallel_loop3A_93 : i32
        %parallel_loop3A_95 = arith.constant 0 : i32
        %parallel_loop3A_96 = arith.addi %parallel_loop3A_92, %parallel_loop3A_95 : i32
        %parallel_loop3A_97 = arith.index_cast %parallel_loop3A_96 : i32 to index
        %parallel_loop3A_98 = tpu.vector_load %arg4[%parallel_loop3A_97] {strides = array<i32>} : memref<16000xi32, #tpu.memory_space<vmem>>, vector<16xi32>,
        %parallel_loop3A_99 = arith.constant 0 : i32
        %parallel_loop3A_100 = arith.addi %parallel_loop3A_94, %parallel_loop3A_99 : i32
        %parallel_loop3A_101 = arith.index_cast %parallel_loop3A_100 : i32 to index
        %parallel_loop3A_102 = tpu.vector_load %arg4[%parallel_loop3A_101] {strides = array<i32>} : memref<16000xi32, #tpu.memory_space<vmem>>, vector<16xi32>,
        %parallel_loop3A_103 = vector.broadcast %mul3A_33 : i32 to vector<16xi32>
        %parallel_loop3A_104 = arith.subi %parallel_loop3A_98, %parallel_loop3A_103 : vector<16xi32>
        %parallel_loop3A_105 = vector.bitcast %parallel_loop3A_104 : vector<16xi32> to vector<16xi32>
        %parallel_loop3A_106 = arith.constant 102400 : i32
        %parallel_loop3A_107 = vector.broadcast %parallel_loop3A_106 : i32 to vector<16xi32>
        %parallel_loop3A_108 = arith.cmpi ult, %parallel_loop3A_105, %parallel_loop3A_107 : vector<16xi32>
        %parallel_loop3A_109 = arith.constant 0 : i32
        %parallel_loop3A_110 = vector.broadcast %parallel_loop3A_109 : i32 to vector<16xi32>
        %parallel_loop3A_111 = arith.select %parallel_loop3A_108, %parallel_loop3A_104, %parallel_loop3A_110 : vector<16xi1>, vector<16xi32>
        %parallel_loop3A_112 = vector.bitcast %parallel_loop3A_102 : vector<16xi32> to vector<16xf32>
        tpu.vector_store_idx %arg5[%parallel_loop3A_111], %parallel_loop3A_112 masked %parallel_loop3A_108 {add = true} : memref<102400xf32, #tpu.memory_space<vmem>>[vector<16xi32>], vector<16xf32>, vector<16xi1>
        %parallel_loop3A_113 = arith.constant 16 : i32
        %parallel_loop3A_114 = arith.addi %parallel_loop3A_92, %parallel_loop3A_113 : i32
        %parallel_loop3A_115 = arith.index_cast %parallel_loop3A_114 : i32 to index
        %parallel_loop3A_116 = tpu.vector_load %arg4[%parallel_loop3A_115] {strides = array<i32>} : memref<16000xi32, #tpu.memory_space<vmem>>, vector<16xi32>,
        %parallel_loop3A_117 = arith.constant 16 : i32
        %parallel_loop3A_118 = arith.addi %parallel_loop3A_94, %parallel_loop3A_117 : i32
        %parallel_loop3A_119 = arith.index_cast %parallel_loop3A_118 : i32 to index
        %parallel_loop3A_120 = tpu.vector_load %arg4[%parallel_loop3A_119] {strides = array<i32>} : memref<16000xi32, #tpu.memory_space<vmem>>, vector<16xi32>,
        %parallel_loop3A_121 = vector.broadcast %mul3A_33 : i32 to vector<16xi32>
        %parallel_loop3A_122 = arith.subi %parallel_loop3A_116, %parallel_loop3A_121 : vector<16xi32>
        %parallel_loop3A_123 = vector.bitcast %parallel_loop3A_122 : vector<16xi32> to vector<16xi32>
        %parallel_loop3A_124 = arith.constant 102400 : i32
        %parallel_loop3A_125 = vector.broadcast %parallel_loop3A_124 : i32 to vector<16xi32>
        %parallel_loop3A_126 = arith.cmpi ult, %parallel_loop3A_123, %parallel_loop3A_125 : vector<16xi32>
        %parallel_loop3A_127 = arith.constant 0 : i32
        %parallel_loop3A_128 = vector.broadcast %parallel_loop3A_127 : i32 to vector<16xi32>
        %parallel_loop3A_129 = arith.select %parallel_loop3A_126, %parallel_loop3A_122, %parallel_loop3A_128 : vector<16xi1>, vector<16xi32>
        %parallel_loop3A_130 = vector.bitcast %parallel_loop3A_120 : vector<16xi32> to vector<16xf32>
        tpu.vector_store_idx %arg5[%parallel_loop3A_129], %parallel_loop3A_130 masked %parallel_loop3A_126 {add = true} : memref<102400xf32, #tpu.memory_space<vmem>>[vector<16xi32>], vector<16xf32>, vector<16xi1>
        %parallel_loop3A_131 = arith.constant 32 : i32
        %parallel_loop3A_132 = arith.addi %parallel_loop3A_92, %parallel_loop3A_131 : i32
        %parallel_loop3A_133 = arith.index_cast %parallel_loop3A_132 : i32 to index
        %parallel_loop3A_134 = tpu.vector_load %arg4[%parallel_loop3A_133] {strides = array<i32>} : memref<16000xi32, #tpu.memory_space<vmem>>, vector<16xi32>,
        %parallel_loop3A_135 = arith.constant 32 : i32
        %parallel_loop3A_136 = arith.addi %parallel_loop3A_94, %parallel_loop3A_135 : i32
        %parallel_loop3A_137 = arith.index_cast %parallel_loop3A_136 : i32 to index
        %parallel_loop3A_138 = tpu.vector_load %arg4[%parallel_loop3A_137] {strides = array<i32>} : memref<16000xi32, #tpu.memory_space<vmem>>, vector<16xi32>,
        %parallel_loop3A_139 = vector.broadcast %mul3A_33 : i32 to vector<16xi32>
        %parallel_loop3A_140 = arith.subi %parallel_loop3A_134, %parallel_loop3A_139 : vector<16xi32>
        %parallel_loop3A_141 = vector.bitcast %parallel_loop3A_140 : vector<16xi32> to vector<16xi32>
        %parallel_loop3A_142 = arith.constant 102400 : i32
        %parallel_loop3A_143 = vector.broadcast %parallel_loop3A_142 : i32 to vector<16xi32>
        %parallel_loop3A_144 = arith.cmpi ult, %parallel_loop3A_141, %parallel_loop3A_143 : vector<16xi32>
        %parallel_loop3A_145 = arith.constant 0 : i32
        %parallel_loop3A_146 = vector.broadcast %parallel_loop3A_145 : i32 to vector<16xi32>
        %parallel_loop3A_147 = arith.select %parallel_loop3A_144, %parallel_loop3A_140, %parallel_loop3A_146 : vector<16xi1>, vector<16xi32>
        %parallel_loop3A_148 = vector.bitcast %parallel_loop3A_138 : vector<16xi32> to vector<16xf32>
        tpu.vector_store_idx %arg5[%parallel_loop3A_147], %parallel_loop3A_148 masked %parallel_loop3A_144 {add = true} : memref<102400xf32, #tpu.memory_space<vmem>>[vector<16xi32>], vector<16xf32>, vector<16xi1>
        %parallel_loop3A_149 = arith.constant 48 : i32
        %parallel_loop3A_150 = arith.addi %parallel_loop3A_92, %parallel_loop3A_149 : i32
        %parallel_loop3A_151 = arith.index_cast %parallel_loop3A_150 : i32 to index
        %parallel_loop3A_152 = tpu.vector_load %arg4[%parallel_loop3A_151] {strides = array<i32>} : memref<16000xi32, #tpu.memory_space<vmem>>, vector<16xi32>,
        %parallel_loop3A_153 = arith.constant 48 : i32
        %parallel_loop3A_154 = arith.addi %parallel_loop3A_94, %parallel_loop3A_153 : i32
        %parallel_loop3A_155 = arith.index_cast %parallel_loop3A_154 : i32 to index
        %parallel_loop3A_156 = tpu.vector_load %arg4[%parallel_loop3A_155] {strides = array<i32>} : memref<16000xi32, #tpu.memory_space<vmem>>, vector<16xi32>,
        %parallel_loop3A_157 = vector.broadcast %mul3A_33 : i32 to vector<16xi32>
        %parallel_loop3A_158 = arith.subi %parallel_loop3A_152, %parallel_loop3A_157 : vector<16xi32>
        %parallel_loop3A_159 = vector.bitcast %parallel_loop3A_158 : vector<16xi32> to vector<16xi32>
        %parallel_loop3A_160 = arith.constant 102400 : i32
        %parallel_loop3A_161 = vector.broadcast %parallel_loop3A_160 : i32 to vector<16xi32>
        %parallel_loop3A_162 = arith.cmpi ult, %parallel_loop3A_159, %parallel_loop3A_161 : vector<16xi32>
        %parallel_loop3A_163 = arith.constant 0 : i32
        %parallel_loop3A_164 = vector.broadcast %parallel_loop3A_163 : i32 to vector<16xi32>
        %parallel_loop3A_165 = arith.select %parallel_loop3A_162, %parallel_loop3A_158, %parallel_loop3A_164 : vector<16xi1>, vector<16xi32>
        %parallel_loop3A_166 = vector.bitcast %parallel_loop3A_156 : vector<16xi32> to vector<16xf32>
        tpu.vector_store_idx %arg5[%parallel_loop3A_165], %parallel_loop3A_166 masked %parallel_loop3A_162 {add = true} : memref<102400xf32, #tpu.memory_space<vmem>>[vector<16xi32>], vector<16xf32>, vector<16xi1>
      } {sc.loop_unroll_factor = 2 : i64, sc.parallel_access}
      %scan3A_88 = arith.constant 0 : i32
      scf.yield %scan3A_88 : i32
    }
    %scan3A_56 = arith.constant 20 : i32
    %dma_start3A_57 = tpu.memref_slice %arg3[%mul3A_33] : memref<6553600xf32, #tpu.memory_space<hbm>> -> memref<102400xf32, #tpu.memory_space<hbm>>
    %dma_start3A_58 = tpu.memref_slice %arg3[%mul3A_33] : memref<6553600xf32, #tpu.memory_space<hbm>> -> memref<102400xf32, #tpu.memory_space<hbm>>
    tpu.enqueue_dma source(%arg5 : memref<102400xf32, #tpu.memory_space<vmem>>) target(%dma_start3A_58 : memref<102400xf32, #tpu.memory_space<hbm>>) target_semaphore(%arg8 : memref<!tpu.dma_semaphore, #tpu.memory_space<semaphore_mem>>)
    %dma_wait3A_59 = tpu.memref_slice %arg3[%mul3A_33] : memref<6553600xf32, #tpu.memory_space<hbm>> -> memref<102400xf32, #tpu.memory_space<hbm>>
    %dma_wait3A_60 = tpu.memref_slice %arg3[%mul3A_33] : memref<6553600xf32, #tpu.memory_space<hbm>> -> memref<102400xf32, #tpu.memory_space<hbm>>
    tpu.wait_dma2 semaphore(%arg8 : memref<!tpu.dma_semaphore, #tpu.memory_space<semaphore_mem>>) src(%arg5 : memref<102400xf32, #tpu.memory_space<vmem>>) dst(%dma_wait3A_60 : memref<102400xf32, #tpu.memory_space<hbm>>)
    return
  }
}

#map = affine_map<(d0, d1) -> (0)>
module attributes {stable_mosaic.version = 14 : i64} {
  func.func @_adj_body(%arg0: i32, %arg1: i32, %arg2: memref<160000xi32, #tpu.memory_space<hbm>>, %arg3: memref<6553600xf32, #tpu.memory_space<hbm>>, %arg4: memref<16000xi32, #tpu.memory_space<vmem>>, %arg5: memref<102400xf32, #tpu.memory_space<vmem>>, %arg6: memref<160000xi32, #tpu.memory_space<vmem_shared>>, %arg7: memref<!tpu.dma_semaphore, #tpu.memory_space<semaphore_mem>>, %arg8: memref<!tpu.dma_semaphore, #tpu.memory_space<semaphore_mem>>) attributes {dimension_semantics = [#tpu.dimension_semantics<core_parallel>, #tpu.dimension_semantics<subcore_parallel>], iteration_bounds = array<i64: 2, 16>, scalar_prefetch = 0 : i64, scratch_operands = 5 : i64, tpu.core_type = #tpu.core_type<sc_vector_subcore>, window_params = [{transform_indices = #map}, {transform_indices = #map}]} {
    %mul3A = arith.constant 2 : i32
    %mul3A_0 = arith.muli %arg1, %mul3A : i32
    %add3A = arith.addi %mul3A_0, %arg0 : i32
    %broadcast_in_dim3A = arith.constant 0.000000e+00 : f32
    %broadcast_in_dim3A_1 = vector.broadcast %broadcast_in_dim3A : f32 to vector<16xf32>
    %eq3A = arith.constant 0 : i32
    %eq3A_2 = arith.cmpi eq, %arg1, %eq3A : i32
    %convert_element_type3A = arith.extui %eq3A_2 : i1 to i32
    %cond3A = arith.constant 0 : i32
    %cond3A_3 = arith.cmpi ne, %convert_element_type3A, %cond3A : i32
    scf.if %cond3A_3 {
      "tpu.region"() ({
        %run_scoped3A = tpu.sem_alloc : memref<!tpu.dma_semaphore, #tpu.memory_space<semaphore_mem>>
        tpu.enqueue_dma source(%arg2 : memref<160000xi32, #tpu.memory_space<hbm>>) target(%arg6 : memref<160000xi32, #tpu.memory_space<vmem_shared>>) target_semaphore(%run_scoped3A : memref<!tpu.dma_semaphore, #tpu.memory_space<semaphore_mem>>)
        tpu.wait_dma2 semaphore(%run_scoped3A : memref<!tpu.dma_semaphore, #tpu.memory_space<semaphore_mem>>) src(%arg2 : memref<160000xi32, #tpu.memory_space<hbm>>) dst(%arg6 : memref<160000xi32, #tpu.memory_space<vmem_shared>>)
        tpu.yield
      }) : () -> ()
    } else {
    }
    %barrier3A = arith.constant 0 : index
    tpu.barrier barrier_id(%barrier3A)
    %add3A_4 = arith.constant 0 : i32
    %add3A_5 = arith.addi %add3A_4, %add3A : i32
    %mul3A_6 = arith.constant 102400 : i32
    %mul3A_7 = arith.muli %add3A_5, %mul3A_6 : i32
    %dma_start3A = arith.constant 0 : i32
    %dma_start3A_8 = tpu.memref_slice %arg4[%dma_start3A] : memref<16000xi32, #tpu.memory_space<vmem>> -> memref<8000xi32, #tpu.memory_space<vmem>>
    %dma_start3A_9 = arith.constant 0 : i32
    %dma_start3A_10 = tpu.memref_slice %arg6[%dma_start3A_9] : memref<160000xi32, #tpu.memory_space<vmem_shared>> -> memref<8000xi32, #tpu.memory_space<vmem_shared>>
    %dma_start3A_11 = arith.constant 0 : i32
    %dma_start3A_12 = tpu.memref_slice %arg4[%dma_start3A_11] : memref<16000xi32, #tpu.memory_space<vmem>> -> memref<8000xi32, #tpu.memory_space<vmem>>
    %dma_start3A_13 = arith.constant 0 : i32
    %dma_start3A_14 = tpu.memref_slice %arg6[%dma_start3A_13] : memref<160000xi32, #tpu.memory_space<vmem_shared>> -> memref<8000xi32, #tpu.memory_space<vmem_shared>>
    tpu.enqueue_dma source(%dma_start3A_14 : memref<8000xi32, #tpu.memory_space<vmem_shared>>) target(%dma_start3A_12 : memref<8000xi32, #tpu.memory_space<vmem>>) target_semaphore(%arg7 : memref<!tpu.dma_semaphore, #tpu.memory_space<semaphore_mem>>)
    %scan3A = arith.constant 0 : i32
    %scan3A_15 = arith.constant 0 : i32
    %scan3A_16 = arith.constant 6400 : i32
    %scan3A_17 = arith.addi %scan3A_15, %scan3A_16 : i32
    %scan3A_18 = arith.constant 1 : i32
    %scan3A_19 = scf.for %scan3A_61 = %scan3A_15 to %scan3A_17 step %scan3A_18 iter_args(%scan3A_62 = %scan3A) -> (i32)  : i32 {
      %mul3A_63 = arith.constant 16 : i32
      %mul3A_64 = arith.muli %scan3A_61, %mul3A_63 : i32
      %swap3A = arith.index_cast %mul3A_64 : i32 to index
      %swap3A_65 = tpu.vector_load %arg5[%swap3A] {strides = array<i32>} : memref<102400xf32, #tpu.memory_space<vmem>>, vector<16xf32>,
      tpu.vector_store %arg5[%swap3A], %broadcast_in_dim3A_1 {strides = array<i32>} : memref<102400xf32, #tpu.memory_space<vmem>>, vector<16xf32>,
      %scan3A_66 = arith.constant 0 : i32
      scf.yield %scan3A_66 : i32
    }
    %scan3A_20 = arith.constant 6400 : i32
    %scan3A_21 = arith.constant 0 : i32
    %scan3A_22 = arith.constant 0 : i32
    %scan3A_23 = arith.constant 20 : i32
    %scan3A_24 = arith.addi %scan3A_22, %scan3A_23 : i32
    %scan3A_25 = arith.constant 1 : i32
    %scan3A_26 = scf.for %scan3A_61 = %scan3A_22 to %scan3A_24 step %scan3A_25 iter_args(%scan3A_62 = %scan3A_21) -> (i32)  : i32 {
      %jit3A = arith.constant 2 : i32
      %eq3A_63 = arith.constant 0 : i32
      %eq3A_64 = arith.cmpi eq, %jit3A, %eq3A_63 : i32
      %jit3A_65 = arith.constant 1 : i32
      %select_n3A = arith.select %eq3A_64, %jit3A_65, %jit3A : i32
      %rem3A = arith.remsi %scan3A_61, %select_n3A : i32
      %ne3A = arith.constant 0 : i32
      %ne3A_66 = arith.cmpi ne, %rem3A, %ne3A : i32
      %lt3A = arith.constant 0 : i32
      %lt3A_67 = arith.cmpi slt, %rem3A, %lt3A : i32
      %lt3A_68 = arith.constant 0 : i32
      %lt3A_69 = arith.cmpi slt, %select_n3A, %lt3A_68 : i32
      %ne3A_70 = arith.xori %lt3A_67, %lt3A_69 : i1
      %and3A = arith.andi %ne3A_70, %ne3A_66 : i1
      %add3A_71 = arith.addi %rem3A, %select_n3A : i32
      %select_n3A_72 = arith.select %and3A, %add3A_71, %rem3A : i32
      %mul3A_73 = arith.constant 8000 : i32
      %mul3A_74 = arith.muli %select_n3A_72, %mul3A_73 : i32
      %mul3A_75 = arith.constant 8000 : i32
      %mul3A_76 = arith.muli %scan3A_61, %mul3A_75 : i32
      %dma_wait3A_77 = tpu.memref_slice %arg4[%mul3A_74] : memref<16000xi32, #tpu.memory_space<vmem>> -> memref<8000xi32, #tpu.memory_space<vmem>>
      %dma_wait3A_78 = tpu.memref_slice %arg6[%mul3A_76] : memref<160000xi32, #tpu.memory_space<vmem_shared>> -> memref<8000xi32, #tpu.memory_space<vmem_shared>>
      %dma_wait3A_79 = tpu.memref_slice %arg4[%mul3A_74] : memref<16000xi32, #tpu.memory_space<vmem>> -> memref<8000xi32, #tpu.memory_space<vmem>>
      %dma_wait3A_80 = tpu.memref_slice %arg6[%mul3A_76] : memref<160000xi32, #tpu.memory_space<vmem_shared>> -> memref<8000xi32, #tpu.memory_space<vmem_shared>>
      tpu.wait_dma2 semaphore(%arg7 : memref<!tpu.dma_semaphore, #tpu.memory_space<semaphore_mem>>) src(%dma_wait3A_80 : memref<8000xi32, #tpu.memory_space<vmem_shared>>) dst(%dma_wait3A_79 : memref<8000xi32, #tpu.memory_space<vmem>>)
      %lt3A_81 = arith.constant 19 : i32
      %lt3A_82 = arith.cmpi slt, %scan3A_61, %lt3A_81 : i32
      %convert_element_type3A_83 = arith.extui %lt3A_82 : i1 to i32
      %cond3A_84 = arith.constant 0 : i32
      %cond3A_85 = arith.cmpi ne, %convert_element_type3A_83, %cond3A_84 : i32
      scf.if %cond3A_85 {
        %add3A_89 = arith.constant 1 : i32
        %add3A_90 = arith.addi %scan3A_61, %add3A_89 : i32
        %sub3A = arith.constant 8000 : i32
        %sub3A_91 = arith.subi %sub3A, %mul3A_74 : i32
        %mul3A_92 = arith.constant 8000 : i32
        %mul3A_93 = arith.muli %add3A_90, %mul3A_92 : i32
        %dma_start3A_94 = tpu.memref_slice %arg4[%sub3A_91] : memref<16000xi32, #tpu.memory_space<vmem>> -> memref<8000xi32, #tpu.memory_space<vmem>>
        %dma_start3A_95 = tpu.memref_slice %arg6[%mul3A_93] : memref<160000xi32, #tpu.memory_space<vmem_shared>> -> memref<8000xi32, #tpu.memory_space<vmem_shared>>
        %dma_start3A_96 = tpu.memref_slice %arg4[%sub3A_91] : memref<16000xi32, #tpu.memory_space<vmem>> -> memref<8000xi32, #tpu.memory_space<vmem>>
        %dma_start3A_97 = tpu.memref_slice %arg6[%mul3A_93] : memref<160000xi32, #tpu.memory_space<vmem_shared>> -> memref<8000xi32, #tpu.memory_space<vmem_shared>>
        tpu.enqueue_dma source(%dma_start3A_97 : memref<8000xi32, #tpu.memory_space<vmem_shared>>) target(%dma_start3A_96 : memref<8000xi32, #tpu.memory_space<vmem>>) target_semaphore(%arg7 : memref<!tpu.dma_semaphore, #tpu.memory_space<semaphore_mem>>)
      } else {
      }
      %parallel_loop3A = arith.constant 0 : i32
      %parallel_loop3A_86 = arith.constant 62 : i32
      %parallel_loop3A_87 = arith.constant 1 : i32
      scf.for %parallel_loop3A_89 = %parallel_loop3A to %parallel_loop3A_86 step %parallel_loop3A_87  : i32 {
        %parallel_loop3A_90 = arith.constant 64 : i32
        %parallel_loop3A_91 = arith.muli %parallel_loop3A_89, %parallel_loop3A_90 : i32
        %parallel_loop3A_92 = arith.addi %mul3A_74, %parallel_loop3A_91 : i32
        %parallel_loop3A_93 = arith.constant 4000 : i32
        %parallel_loop3A_94 = arith.addi %parallel_loop3A_92, %parallel_loop3A_93 : i32
        %parallel_loop3A_95 = arith.constant 0 : i32
        %parallel_loop3A_96 = arith.addi %parallel_loop3A_92, %parallel_loop3A_95 : i32
        %parallel_loop3A_97 = arith.index_cast %parallel_loop3A_96 : i32 to index
        %parallel_loop3A_98 = tpu.vector_load %arg4[%parallel_loop3A_97] {strides = array<i32>} : memref<16000xi32, #tpu.memory_space<vmem>>, vector<16xi32>,
        %parallel_loop3A_99 = arith.constant 0 : i32
        %parallel_loop3A_100 = arith.addi %parallel_loop3A_94, %parallel_loop3A_99 : i32
        %parallel_loop3A_101 = arith.index_cast %parallel_loop3A_100 : i32 to index
        %parallel_loop3A_102 = tpu.vector_load %arg4[%parallel_loop3A_101] {strides = array<i32>} : memref<16000xi32, #tpu.memory_space<vmem>>, vector<16xi32>,
        %parallel_loop3A_103 = vector.broadcast %mul3A_7 : i32 to vector<16xi32>
        %parallel_loop3A_104 = arith.subi %parallel_loop3A_98, %parallel_loop3A_103 : vector<16xi32>
        %parallel_loop3A_105 = vector.bitcast %parallel_loop3A_104 : vector<16xi32> to vector<16xi32>
        %parallel_loop3A_106 = arith.constant 102400 : i32
        %parallel_loop3A_107 = vector.broadcast %parallel_loop3A_106 : i32 to vector<16xi32>
        %parallel_loop3A_108 = arith.cmpi ult, %parallel_loop3A_105, %parallel_loop3A_107 : vector<16xi32>
        %parallel_loop3A_109 = arith.constant 0 : i32
        %parallel_loop3A_110 = vector.broadcast %parallel_loop3A_109 : i32 to vector<16xi32>
        %parallel_loop3A_111 = arith.select %parallel_loop3A_108, %parallel_loop3A_104, %parallel_loop3A_110 : vector<16xi1>, vector<16xi32>
        %parallel_loop3A_112 = vector.bitcast %parallel_loop3A_102 : vector<16xi32> to vector<16xf32>
        tpu.vector_store_idx %arg5[%parallel_loop3A_111], %parallel_loop3A_112 masked %parallel_loop3A_108 {add = true} : memref<102400xf32, #tpu.memory_space<vmem>>[vector<16xi32>], vector<16xf32>, vector<16xi1>
        %parallel_loop3A_113 = arith.constant 16 : i32
        %parallel_loop3A_114 = arith.addi %parallel_loop3A_92, %parallel_loop3A_113 : i32
        %parallel_loop3A_115 = arith.index_cast %parallel_loop3A_114 : i32 to index
        %parallel_loop3A_116 = tpu.vector_load %arg4[%parallel_loop3A_115] {strides = array<i32>} : memref<16000xi32, #tpu.memory_space<vmem>>, vector<16xi32>,
        %parallel_loop3A_117 = arith.constant 16 : i32
        %parallel_loop3A_118 = arith.addi %parallel_loop3A_94, %parallel_loop3A_117 : i32
        %parallel_loop3A_119 = arith.index_cast %parallel_loop3A_118 : i32 to index
        %parallel_loop3A_120 = tpu.vector_load %arg4[%parallel_loop3A_119] {strides = array<i32>} : memref<16000xi32, #tpu.memory_space<vmem>>, vector<16xi32>,
        %parallel_loop3A_121 = vector.broadcast %mul3A_7 : i32 to vector<16xi32>
        %parallel_loop3A_122 = arith.subi %parallel_loop3A_116, %parallel_loop3A_121 : vector<16xi32>
        %parallel_loop3A_123 = vector.bitcast %parallel_loop3A_122 : vector<16xi32> to vector<16xi32>
        %parallel_loop3A_124 = arith.constant 102400 : i32
        %parallel_loop3A_125 = vector.broadcast %parallel_loop3A_124 : i32 to vector<16xi32>
        %parallel_loop3A_126 = arith.cmpi ult, %parallel_loop3A_123, %parallel_loop3A_125 : vector<16xi32>
        %parallel_loop3A_127 = arith.constant 0 : i32
        %parallel_loop3A_128 = vector.broadcast %parallel_loop3A_127 : i32 to vector<16xi32>
        %parallel_loop3A_129 = arith.select %parallel_loop3A_126, %parallel_loop3A_122, %parallel_loop3A_128 : vector<16xi1>, vector<16xi32>
        %parallel_loop3A_130 = vector.bitcast %parallel_loop3A_120 : vector<16xi32> to vector<16xf32>
        tpu.vector_store_idx %arg5[%parallel_loop3A_129], %parallel_loop3A_130 masked %parallel_loop3A_126 {add = true} : memref<102400xf32, #tpu.memory_space<vmem>>[vector<16xi32>], vector<16xf32>, vector<16xi1>
        %parallel_loop3A_131 = arith.constant 32 : i32
        %parallel_loop3A_132 = arith.addi %parallel_loop3A_92, %parallel_loop3A_131 : i32
        %parallel_loop3A_133 = arith.index_cast %parallel_loop3A_132 : i32 to index
        %parallel_loop3A_134 = tpu.vector_load %arg4[%parallel_loop3A_133] {strides = array<i32>} : memref<16000xi32, #tpu.memory_space<vmem>>, vector<16xi32>,
        %parallel_loop3A_135 = arith.constant 32 : i32
        %parallel_loop3A_136 = arith.addi %parallel_loop3A_94, %parallel_loop3A_135 : i32
        %parallel_loop3A_137 = arith.index_cast %parallel_loop3A_136 : i32 to index
        %parallel_loop3A_138 = tpu.vector_load %arg4[%parallel_loop3A_137] {strides = array<i32>} : memref<16000xi32, #tpu.memory_space<vmem>>, vector<16xi32>,
        %parallel_loop3A_139 = vector.broadcast %mul3A_7 : i32 to vector<16xi32>
        %parallel_loop3A_140 = arith.subi %parallel_loop3A_134, %parallel_loop3A_139 : vector<16xi32>
        %parallel_loop3A_141 = vector.bitcast %parallel_loop3A_140 : vector<16xi32> to vector<16xi32>
        %parallel_loop3A_142 = arith.constant 102400 : i32
        %parallel_loop3A_143 = vector.broadcast %parallel_loop3A_142 : i32 to vector<16xi32>
        %parallel_loop3A_144 = arith.cmpi ult, %parallel_loop3A_141, %parallel_loop3A_143 : vector<16xi32>
        %parallel_loop3A_145 = arith.constant 0 : i32
        %parallel_loop3A_146 = vector.broadcast %parallel_loop3A_145 : i32 to vector<16xi32>
        %parallel_loop3A_147 = arith.select %parallel_loop3A_144, %parallel_loop3A_140, %parallel_loop3A_146 : vector<16xi1>, vector<16xi32>
        %parallel_loop3A_148 = vector.bitcast %parallel_loop3A_138 : vector<16xi32> to vector<16xf32>
        tpu.vector_store_idx %arg5[%parallel_loop3A_147], %parallel_loop3A_148 masked %parallel_loop3A_144 {add = true} : memref<102400xf32, #tpu.memory_space<vmem>>[vector<16xi32>], vector<16xf32>, vector<16xi1>
        %parallel_loop3A_149 = arith.constant 48 : i32
        %parallel_loop3A_150 = arith.addi %parallel_loop3A_92, %parallel_loop3A_149 : i32
        %parallel_loop3A_151 = arith.index_cast %parallel_loop3A_150 : i32 to index
        %parallel_loop3A_152 = tpu.vector_load %arg4[%parallel_loop3A_151] {strides = array<i32>} : memref<16000xi32, #tpu.memory_space<vmem>>, vector<16xi32>,
        %parallel_loop3A_153 = arith.constant 48 : i32
        %parallel_loop3A_154 = arith.addi %parallel_loop3A_94, %parallel_loop3A_153 : i32
        %parallel_loop3A_155 = arith.index_cast %parallel_loop3A_154 : i32 to index
        %parallel_loop3A_156 = tpu.vector_load %arg4[%parallel_loop3A_155] {strides = array<i32>} : memref<16000xi32, #tpu.memory_space<vmem>>, vector<16xi32>,
        %parallel_loop3A_157 = vector.broadcast %mul3A_7 : i32 to vector<16xi32>
        %parallel_loop3A_158 = arith.subi %parallel_loop3A_152, %parallel_loop3A_157 : vector<16xi32>
        %parallel_loop3A_159 = vector.bitcast %parallel_loop3A_158 : vector<16xi32> to vector<16xi32>
        %parallel_loop3A_160 = arith.constant 102400 : i32
        %parallel_loop3A_161 = vector.broadcast %parallel_loop3A_160 : i32 to vector<16xi32>
        %parallel_loop3A_162 = arith.cmpi ult, %parallel_loop3A_159, %parallel_loop3A_161 : vector<16xi32>
        %parallel_loop3A_163 = arith.constant 0 : i32
        %parallel_loop3A_164 = vector.broadcast %parallel_loop3A_163 : i32 to vector<16xi32>
        %parallel_loop3A_165 = arith.select %parallel_loop3A_162, %parallel_loop3A_158, %parallel_loop3A_164 : vector<16xi1>, vector<16xi32>
        %parallel_loop3A_166 = vector.bitcast %parallel_loop3A_156 : vector<16xi32> to vector<16xf32>
        tpu.vector_store_idx %arg5[%parallel_loop3A_165], %parallel_loop3A_166 masked %parallel_loop3A_162 {add = true} : memref<102400xf32, #tpu.memory_space<vmem>>[vector<16xi32>], vector<16xf32>, vector<16xi1>
      } {sc.loop_unroll_factor = 2 : i64, sc.parallel_access}
      %scan3A_88 = arith.constant 0 : i32
      scf.yield %scan3A_88 : i32
    }
    %scan3A_27 = arith.constant 20 : i32
    %dma_start3A_28 = tpu.memref_slice %arg3[%mul3A_7] : memref<6553600xf32, #tpu.memory_space<hbm>> -> memref<102400xf32, #tpu.memory_space<hbm>>
    %dma_start3A_29 = tpu.memref_slice %arg3[%mul3A_7] : memref<6553600xf32, #tpu.memory_space<hbm>> -> memref<102400xf32, #tpu.memory_space<hbm>>
    tpu.enqueue_dma source(%arg5 : memref<102400xf32, #tpu.memory_space<vmem>>) target(%dma_start3A_29 : memref<102400xf32, #tpu.memory_space<hbm>>) target_semaphore(%arg8 : memref<!tpu.dma_semaphore, #tpu.memory_space<semaphore_mem>>)
    %add3A_30 = arith.constant 32 : i32
    %add3A_31 = arith.addi %add3A_30, %add3A : i32
    %mul3A_32 = arith.constant 102400 : i32
    %mul3A_33 = arith.muli %add3A_31, %mul3A_32 : i32
    %dma_start3A_34 = arith.constant 0 : i32
    %dma_start3A_35 = tpu.memref_slice %arg4[%dma_start3A_34] : memref<16000xi32, #tpu.memory_space<vmem>> -> memref<8000xi32, #tpu.memory_space<vmem>>
    %dma_start3A_36 = arith.constant 0 : i32
    %dma_start3A_37 = tpu.memref_slice %arg6[%dma_start3A_36] : memref<160000xi32, #tpu.memory_space<vmem_shared>> -> memref<8000xi32, #tpu.memory_space<vmem_shared>>
    %dma_start3A_38 = arith.constant 0 : i32
    %dma_start3A_39 = tpu.memref_slice %arg4[%dma_start3A_38] : memref<16000xi32, #tpu.memory_space<vmem>> -> memref<8000xi32, #tpu.memory_space<vmem>>
    %dma_start3A_40 = arith.constant 0 : i32
    %dma_start3A_41 = tpu.memref_slice %arg6[%dma_start3A_40] : memref<160000xi32, #tpu.memory_space<vmem_shared>> -> memref<8000xi32, #tpu.memory_space<vmem_shared>>
    tpu.enqueue_dma source(%dma_start3A_41 : memref<8000xi32, #tpu.memory_space<vmem_shared>>) target(%dma_start3A_39 : memref<8000xi32, #tpu.memory_space<vmem>>) target_semaphore(%arg7 : memref<!tpu.dma_semaphore, #tpu.memory_space<semaphore_mem>>)
    %dma_wait3A = tpu.memref_slice %arg3[%mul3A_7] : memref<6553600xf32, #tpu.memory_space<hbm>> -> memref<102400xf32, #tpu.memory_space<hbm>>
    %dma_wait3A_42 = tpu.memref_slice %arg3[%mul3A_7] : memref<6553600xf32, #tpu.memory_space<hbm>> -> memref<102400xf32, #tpu.memory_space<hbm>>
    tpu.wait_dma2 semaphore(%arg8 : memref<!tpu.dma_semaphore, #tpu.memory_space<semaphore_mem>>) src(%arg5 : memref<102400xf32, #tpu.memory_space<vmem>>) dst(%dma_wait3A_42 : memref<102400xf32, #tpu.memory_space<hbm>>)
    %scan3A_43 = arith.constant 0 : i32
    %scan3A_44 = arith.constant 0 : i32
    %scan3A_45 = arith.constant 6400 : i32
    %scan3A_46 = arith.addi %scan3A_44, %scan3A_45 : i32
    %scan3A_47 = arith.constant 1 : i32
    %scan3A_48 = scf.for %scan3A_61 = %scan3A_44 to %scan3A_46 step %scan3A_47 iter_args(%scan3A_62 = %scan3A_43) -> (i32)  : i32 {
      %mul3A_63 = arith.constant 16 : i32
      %mul3A_64 = arith.muli %scan3A_61, %mul3A_63 : i32
      %swap3A = arith.index_cast %mul3A_64 : i32 to index
      %swap3A_65 = tpu.vector_load %arg5[%swap3A] {strides = array<i32>} : memref<102400xf32, #tpu.memory_space<vmem>>, vector<16xf32>,
      tpu.vector_store %arg5[%swap3A], %broadcast_in_dim3A_1 {strides = array<i32>} : memref<102400xf32, #tpu.memory_space<vmem>>, vector<16xf32>,
      %scan3A_66 = arith.constant 0 : i32
      scf.yield %scan3A_66 : i32
    }
    %scan3A_49 = arith.constant 6400 : i32
    %scan3A_50 = arith.constant 0 : i32
    %scan3A_51 = arith.constant 0 : i32
    %scan3A_52 = arith.constant 20 : i32
    %scan3A_53 = arith.addi %scan3A_51, %scan3A_52 : i32
    %scan3A_54 = arith.constant 1 : i32
    %scan3A_55 = scf.for %scan3A_61 = %scan3A_51 to %scan3A_53 step %scan3A_54 iter_args(%scan3A_62 = %scan3A_50) -> (i32)  : i32 {
      %jit3A = arith.constant 2 : i32
      %eq3A_63 = arith.constant 0 : i32
      %eq3A_64 = arith.cmpi eq, %jit3A, %eq3A_63 : i32
      %jit3A_65 = arith.constant 1 : i32
      %select_n3A = arith.select %eq3A_64, %jit3A_65, %jit3A : i32
      %rem3A = arith.remsi %scan3A_61, %select_n3A : i32
      %ne3A = arith.constant 0 : i32
      %ne3A_66 = arith.cmpi ne, %rem3A, %ne3A : i32
      %lt3A = arith.constant 0 : i32
      %lt3A_67 = arith.cmpi slt, %rem3A, %lt3A : i32
      %lt3A_68 = arith.constant 0 : i32
      %lt3A_69 = arith.cmpi slt, %select_n3A, %lt3A_68 : i32
      %ne3A_70 = arith.xori %lt3A_67, %lt3A_69 : i1
      %and3A = arith.andi %ne3A_70, %ne3A_66 : i1
      %add3A_71 = arith.addi %rem3A, %select_n3A : i32
      %select_n3A_72 = arith.select %and3A, %add3A_71, %rem3A : i32
      %mul3A_73 = arith.constant 8000 : i32
      %mul3A_74 = arith.muli %select_n3A_72, %mul3A_73 : i32
      %mul3A_75 = arith.constant 8000 : i32
      %mul3A_76 = arith.muli %scan3A_61, %mul3A_75 : i32
      %dma_wait3A_77 = tpu.memref_slice %arg4[%mul3A_74] : memref<16000xi32, #tpu.memory_space<vmem>> -> memref<8000xi32, #tpu.memory_space<vmem>>
      %dma_wait3A_78 = tpu.memref_slice %arg6[%mul3A_76] : memref<160000xi32, #tpu.memory_space<vmem_shared>> -> memref<8000xi32, #tpu.memory_space<vmem_shared>>
      %dma_wait3A_79 = tpu.memref_slice %arg4[%mul3A_74] : memref<16000xi32, #tpu.memory_space<vmem>> -> memref<8000xi32, #tpu.memory_space<vmem>>
      %dma_wait3A_80 = tpu.memref_slice %arg6[%mul3A_76] : memref<160000xi32, #tpu.memory_space<vmem_shared>> -> memref<8000xi32, #tpu.memory_space<vmem_shared>>
      tpu.wait_dma2 semaphore(%arg7 : memref<!tpu.dma_semaphore, #tpu.memory_space<semaphore_mem>>) src(%dma_wait3A_80 : memref<8000xi32, #tpu.memory_space<vmem_shared>>) dst(%dma_wait3A_79 : memref<8000xi32, #tpu.memory_space<vmem>>)
      %lt3A_81 = arith.constant 19 : i32
      %lt3A_82 = arith.cmpi slt, %scan3A_61, %lt3A_81 : i32
      %convert_element_type3A_83 = arith.extui %lt3A_82 : i1 to i32
      %cond3A_84 = arith.constant 0 : i32
      %cond3A_85 = arith.cmpi ne, %convert_element_type3A_83, %cond3A_84 : i32
      scf.if %cond3A_85 {
        %add3A_89 = arith.constant 1 : i32
        %add3A_90 = arith.addi %scan3A_61, %add3A_89 : i32
        %sub3A = arith.constant 8000 : i32
        %sub3A_91 = arith.subi %sub3A, %mul3A_74 : i32
        %mul3A_92 = arith.constant 8000 : i32
        %mul3A_93 = arith.muli %add3A_90, %mul3A_92 : i32
        %dma_start3A_94 = tpu.memref_slice %arg4[%sub3A_91] : memref<16000xi32, #tpu.memory_space<vmem>> -> memref<8000xi32, #tpu.memory_space<vmem>>
        %dma_start3A_95 = tpu.memref_slice %arg6[%mul3A_93] : memref<160000xi32, #tpu.memory_space<vmem_shared>> -> memref<8000xi32, #tpu.memory_space<vmem_shared>>
        %dma_start3A_96 = tpu.memref_slice %arg4[%sub3A_91] : memref<16000xi32, #tpu.memory_space<vmem>> -> memref<8000xi32, #tpu.memory_space<vmem>>
        %dma_start3A_97 = tpu.memref_slice %arg6[%mul3A_93] : memref<160000xi32, #tpu.memory_space<vmem_shared>> -> memref<8000xi32, #tpu.memory_space<vmem_shared>>
        tpu.enqueue_dma source(%dma_start3A_97 : memref<8000xi32, #tpu.memory_space<vmem_shared>>) target(%dma_start3A_96 : memref<8000xi32, #tpu.memory_space<vmem>>) target_semaphore(%arg7 : memref<!tpu.dma_semaphore, #tpu.memory_space<semaphore_mem>>)
      } else {
      }
      %parallel_loop3A = arith.constant 0 : i32
      %parallel_loop3A_86 = arith.constant 62 : i32
      %parallel_loop3A_87 = arith.constant 1 : i32
      scf.for %parallel_loop3A_89 = %parallel_loop3A to %parallel_loop3A_86 step %parallel_loop3A_87  : i32 {
        %parallel_loop3A_90 = arith.constant 64 : i32
        %parallel_loop3A_91 = arith.muli %parallel_loop3A_89, %parallel_loop3A_90 : i32
        %parallel_loop3A_92 = arith.addi %mul3A_74, %parallel_loop3A_91 : i32
        %parallel_loop3A_93 = arith.constant 4000 : i32
        %parallel_loop3A_94 = arith.addi %parallel_loop3A_92, %parallel_loop3A_93 : i32
        %parallel_loop3A_95 = arith.constant 0 : i32
        %parallel_loop3A_96 = arith.addi %parallel_loop3A_92, %parallel_loop3A_95 : i32
        %parallel_loop3A_97 = arith.index_cast %parallel_loop3A_96 : i32 to index
        %parallel_loop3A_98 = tpu.vector_load %arg4[%parallel_loop3A_97] {strides = array<i32>} : memref<16000xi32, #tpu.memory_space<vmem>>, vector<16xi32>,
        %parallel_loop3A_99 = arith.constant 0 : i32
        %parallel_loop3A_100 = arith.addi %parallel_loop3A_94, %parallel_loop3A_99 : i32
        %parallel_loop3A_101 = arith.index_cast %parallel_loop3A_100 : i32 to index
        %parallel_loop3A_102 = tpu.vector_load %arg4[%parallel_loop3A_101] {strides = array<i32>} : memref<16000xi32, #tpu.memory_space<vmem>>, vector<16xi32>,
        %parallel_loop3A_103 = vector.broadcast %mul3A_33 : i32 to vector<16xi32>
        %parallel_loop3A_104 = arith.subi %parallel_loop3A_98, %parallel_loop3A_103 : vector<16xi32>
        %parallel_loop3A_105 = vector.bitcast %parallel_loop3A_104 : vector<16xi32> to vector<16xi32>
        %parallel_loop3A_106 = arith.constant 102400 : i32
        %parallel_loop3A_107 = vector.broadcast %parallel_loop3A_106 : i32 to vector<16xi32>
        %parallel_loop3A_108 = arith.cmpi ult, %parallel_loop3A_105, %parallel_loop3A_107 : vector<16xi32>
        %parallel_loop3A_109 = arith.constant 0 : i32
        %parallel_loop3A_110 = vector.broadcast %parallel_loop3A_109 : i32 to vector<16xi32>
        %parallel_loop3A_111 = arith.select %parallel_loop3A_108, %parallel_loop3A_104, %parallel_loop3A_110 : vector<16xi1>, vector<16xi32>
        %parallel_loop3A_112 = vector.bitcast %parallel_loop3A_102 : vector<16xi32> to vector<16xf32>
        tpu.vector_store_idx %arg5[%parallel_loop3A_111], %parallel_loop3A_112 masked %parallel_loop3A_108 {add = true} : memref<102400xf32, #tpu.memory_space<vmem>>[vector<16xi32>], vector<16xf32>, vector<16xi1>
        %parallel_loop3A_113 = arith.constant 16 : i32
        %parallel_loop3A_114 = arith.addi %parallel_loop3A_92, %parallel_loop3A_113 : i32
        %parallel_loop3A_115 = arith.index_cast %parallel_loop3A_114 : i32 to index
        %parallel_loop3A_116 = tpu.vector_load %arg4[%parallel_loop3A_115] {strides = array<i32>} : memref<16000xi32, #tpu.memory_space<vmem>>, vector<16xi32>,
        %parallel_loop3A_117 = arith.constant 16 : i32
        %parallel_loop3A_118 = arith.addi %parallel_loop3A_94, %parallel_loop3A_117 : i32
        %parallel_loop3A_119 = arith.index_cast %parallel_loop3A_118 : i32 to index
        %parallel_loop3A_120 = tpu.vector_load %arg4[%parallel_loop3A_119] {strides = array<i32>} : memref<16000xi32, #tpu.memory_space<vmem>>, vector<16xi32>,
        %parallel_loop3A_121 = vector.broadcast %mul3A_33 : i32 to vector<16xi32>
        %parallel_loop3A_122 = arith.subi %parallel_loop3A_116, %parallel_loop3A_121 : vector<16xi32>
        %parallel_loop3A_123 = vector.bitcast %parallel_loop3A_122 : vector<16xi32> to vector<16xi32>
        %parallel_loop3A_124 = arith.constant 102400 : i32
        %parallel_loop3A_125 = vector.broadcast %parallel_loop3A_124 : i32 to vector<16xi32>
        %parallel_loop3A_126 = arith.cmpi ult, %parallel_loop3A_123, %parallel_loop3A_125 : vector<16xi32>
        %parallel_loop3A_127 = arith.constant 0 : i32
        %parallel_loop3A_128 = vector.broadcast %parallel_loop3A_127 : i32 to vector<16xi32>
        %parallel_loop3A_129 = arith.select %parallel_loop3A_126, %parallel_loop3A_122, %parallel_loop3A_128 : vector<16xi1>, vector<16xi32>
        %parallel_loop3A_130 = vector.bitcast %parallel_loop3A_120 : vector<16xi32> to vector<16xf32>
        tpu.vector_store_idx %arg5[%parallel_loop3A_129], %parallel_loop3A_130 masked %parallel_loop3A_126 {add = true} : memref<102400xf32, #tpu.memory_space<vmem>>[vector<16xi32>], vector<16xf32>, vector<16xi1>
        %parallel_loop3A_131 = arith.constant 32 : i32
        %parallel_loop3A_132 = arith.addi %parallel_loop3A_92, %parallel_loop3A_131 : i32
        %parallel_loop3A_133 = arith.index_cast %parallel_loop3A_132 : i32 to index
        %parallel_loop3A_134 = tpu.vector_load %arg4[%parallel_loop3A_133] {strides = array<i32>} : memref<16000xi32, #tpu.memory_space<vmem>>, vector<16xi32>,
        %parallel_loop3A_135 = arith.constant 32 : i32
        %parallel_loop3A_136 = arith.addi %parallel_loop3A_94, %parallel_loop3A_135 : i32
        %parallel_loop3A_137 = arith.index_cast %parallel_loop3A_136 : i32 to index
        %parallel_loop3A_138 = tpu.vector_load %arg4[%parallel_loop3A_137] {strides = array<i32>} : memref<16000xi32, #tpu.memory_space<vmem>>, vector<16xi32>,
        %parallel_loop3A_139 = vector.broadcast %mul3A_33 : i32 to vector<16xi32>
        %parallel_loop3A_140 = arith.subi %parallel_loop3A_134, %parallel_loop3A_139 : vector<16xi32>
        %parallel_loop3A_141 = vector.bitcast %parallel_loop3A_140 : vector<16xi32> to vector<16xi32>
        %parallel_loop3A_142 = arith.constant 102400 : i32
        %parallel_loop3A_143 = vector.broadcast %parallel_loop3A_142 : i32 to vector<16xi32>
        %parallel_loop3A_144 = arith.cmpi ult, %parallel_loop3A_141, %parallel_loop3A_143 : vector<16xi32>
        %parallel_loop3A_145 = arith.constant 0 : i32
        %parallel_loop3A_146 = vector.broadcast %parallel_loop3A_145 : i32 to vector<16xi32>
        %parallel_loop3A_147 = arith.select %parallel_loop3A_144, %parallel_loop3A_140, %parallel_loop3A_146 : vector<16xi1>, vector<16xi32>
        %parallel_loop3A_148 = vector.bitcast %parallel_loop3A_138 : vector<16xi32> to vector<16xf32>
        tpu.vector_store_idx %arg5[%parallel_loop3A_147], %parallel_loop3A_148 masked %parallel_loop3A_144 {add = true} : memref<102400xf32, #tpu.memory_space<vmem>>[vector<16xi32>], vector<16xf32>, vector<16xi1>
        %parallel_loop3A_149 = arith.constant 48 : i32
        %parallel_loop3A_150 = arith.addi %parallel_loop3A_92, %parallel_loop3A_149 : i32
        %parallel_loop3A_151 = arith.index_cast %parallel_loop3A_150 : i32 to index
        %parallel_loop3A_152 = tpu.vector_load %arg4[%parallel_loop3A_151] {strides = array<i32>} : memref<16000xi32, #tpu.memory_space<vmem>>, vector<16xi32>,
        %parallel_loop3A_153 = arith.constant 48 : i32
        %parallel_loop3A_154 = arith.addi %parallel_loop3A_94, %parallel_loop3A_153 : i32
        %parallel_loop3A_155 = arith.index_cast %parallel_loop3A_154 : i32 to index
        %parallel_loop3A_156 = tpu.vector_load %arg4[%parallel_loop3A_155] {strides = array<i32>} : memref<16000xi32, #tpu.memory_space<vmem>>, vector<16xi32>,
        %parallel_loop3A_157 = vector.broadcast %mul3A_33 : i32 to vector<16xi32>
        %parallel_loop3A_158 = arith.subi %parallel_loop3A_152, %parallel_loop3A_157 : vector<16xi32>
        %parallel_loop3A_159 = vector.bitcast %parallel_loop3A_158 : vector<16xi32> to vector<16xi32>
        %parallel_loop3A_160 = arith.constant 102400 : i32
        %parallel_loop3A_161 = vector.broadcast %parallel_loop3A_160 : i32 to vector<16xi32>
        %parallel_loop3A_162 = arith.cmpi ult, %parallel_loop3A_159, %parallel_loop3A_161 : vector<16xi32>
        %parallel_loop3A_163 = arith.constant 0 : i32
        %parallel_loop3A_164 = vector.broadcast %parallel_loop3A_163 : i32 to vector<16xi32>
        %parallel_loop3A_165 = arith.select %parallel_loop3A_162, %parallel_loop3A_158, %parallel_loop3A_164 : vector<16xi1>, vector<16xi32>
        %parallel_loop3A_166 = vector.bitcast %parallel_loop3A_156 : vector<16xi32> to vector<16xf32>
        tpu.vector_store_idx %arg5[%parallel_loop3A_165], %parallel_loop3A_166 masked %parallel_loop3A_162 {add = true} : memref<102400xf32, #tpu.memory_space<vmem>>[vector<16xi32>], vector<16xf32>, vector<16xi1>
      } {sc.loop_unroll_factor = 2 : i64, sc.parallel_access}
      %scan3A_88 = arith.constant 0 : i32
      scf.yield %scan3A_88 : i32
    }
    %scan3A_56 = arith.constant 20 : i32
    %dma_start3A_57 = tpu.memref_slice %arg3[%mul3A_33] : memref<6553600xf32, #tpu.memory_space<hbm>> -> memref<102400xf32, #tpu.memory_space<hbm>>
    %dma_start3A_58 = tpu.memref_slice %arg3[%mul3A_33] : memref<6553600xf32, #tpu.memory_space<hbm>> -> memref<102400xf32, #tpu.memory_space<hbm>>
    tpu.enqueue_dma source(%arg5 : memref<102400xf32, #tpu.memory_space<vmem>>) target(%dma_start3A_58 : memref<102400xf32, #tpu.memory_space<hbm>>) target_semaphore(%arg8 : memref<!tpu.dma_semaphore, #tpu.memory_space<semaphore_mem>>)
    %dma_wait3A_59 = tpu.memref_slice %arg3[%mul3A_33] : memref<6553600xf32, #tpu.memory_space<hbm>> -> memref<102400xf32, #tpu.memory_space<hbm>>
    %dma_wait3A_60 = tpu.memref_slice %arg3[%mul3A_33] : memref<6553600xf32, #tpu.memory_space<hbm>> -> memref<102400xf32, #tpu.memory_space<hbm>>
    tpu.wait_dma2 semaphore(%arg8 : memref<!tpu.dma_semaphore, #tpu.memory_space<semaphore_mem>>) src(%arg5 : memref<102400xf32, #tpu.memory_space<vmem>>) dst(%dma_wait3A_60 : memref<102400xf32, #tpu.memory_space<hbm>>)
    return
  }
}

#map = affine_map<(d0, d1) -> (0)>
module attributes {stable_mosaic.version = 14 : i64} {
  func.func @_adj_body(%arg0: i32, %arg1: i32, %arg2: memref<160000xi32, #tpu.memory_space<hbm>>, %arg3: memref<6553600xf32, #tpu.memory_space<hbm>>, %arg4: memref<16000xi32, #tpu.memory_space<vmem>>, %arg5: memref<102400xf32, #tpu.memory_space<vmem>>, %arg6: memref<160000xi32, #tpu.memory_space<vmem_shared>>, %arg7: memref<!tpu.dma_semaphore, #tpu.memory_space<semaphore_mem>>, %arg8: memref<!tpu.dma_semaphore, #tpu.memory_space<semaphore_mem>>) attributes {dimension_semantics = [#tpu.dimension_semantics<core_parallel>, #tpu.dimension_semantics<subcore_parallel>], iteration_bounds = array<i64: 2, 16>, scalar_prefetch = 0 : i64, scratch_operands = 5 : i64, tpu.core_type = #tpu.core_type<sc_vector_subcore>, window_params = [{transform_indices = #map}, {transform_indices = #map}]} {
    %mul3A = arith.constant 2 : i32
    %mul3A_0 = arith.muli %arg1, %mul3A : i32
    %add3A = arith.addi %mul3A_0, %arg0 : i32
    %broadcast_in_dim3A = arith.constant 0.000000e+00 : f32
    %broadcast_in_dim3A_1 = vector.broadcast %broadcast_in_dim3A : f32 to vector<16xf32>
    %eq3A = arith.constant 0 : i32
    %eq3A_2 = arith.cmpi eq, %arg1, %eq3A : i32
    %convert_element_type3A = arith.extui %eq3A_2 : i1 to i32
    %cond3A = arith.constant 0 : i32
    %cond3A_3 = arith.cmpi ne, %convert_element_type3A, %cond3A : i32
    scf.if %cond3A_3 {
      "tpu.region"() ({
        %run_scoped3A = tpu.sem_alloc : memref<!tpu.dma_semaphore, #tpu.memory_space<semaphore_mem>>
        tpu.enqueue_dma source(%arg2 : memref<160000xi32, #tpu.memory_space<hbm>>) target(%arg6 : memref<160000xi32, #tpu.memory_space<vmem_shared>>) target_semaphore(%run_scoped3A : memref<!tpu.dma_semaphore, #tpu.memory_space<semaphore_mem>>)
        tpu.wait_dma2 semaphore(%run_scoped3A : memref<!tpu.dma_semaphore, #tpu.memory_space<semaphore_mem>>) src(%arg2 : memref<160000xi32, #tpu.memory_space<hbm>>) dst(%arg6 : memref<160000xi32, #tpu.memory_space<vmem_shared>>)
        tpu.yield
      }) : () -> ()
    } else {
    }
    %barrier3A = arith.constant 0 : index
    tpu.barrier barrier_id(%barrier3A)
    %add3A_4 = arith.constant 0 : i32
    %add3A_5 = arith.addi %add3A_4, %add3A : i32
    %mul3A_6 = arith.constant 102400 : i32
    %mul3A_7 = arith.muli %add3A_5, %mul3A_6 : i32
    %dma_start3A = arith.constant 0 : i32
    %dma_start3A_8 = tpu.memref_slice %arg4[%dma_start3A] : memref<16000xi32, #tpu.memory_space<vmem>> -> memref<8000xi32, #tpu.memory_space<vmem>>
    %dma_start3A_9 = arith.constant 0 : i32
    %dma_start3A_10 = tpu.memref_slice %arg6[%dma_start3A_9] : memref<160000xi32, #tpu.memory_space<vmem_shared>> -> memref<8000xi32, #tpu.memory_space<vmem_shared>>
    %dma_start3A_11 = arith.constant 0 : i32
    %dma_start3A_12 = tpu.memref_slice %arg4[%dma_start3A_11] : memref<16000xi32, #tpu.memory_space<vmem>> -> memref<8000xi32, #tpu.memory_space<vmem>>
    %dma_start3A_13 = arith.constant 0 : i32
    %dma_start3A_14 = tpu.memref_slice %arg6[%dma_start3A_13] : memref<160000xi32, #tpu.memory_space<vmem_shared>> -> memref<8000xi32, #tpu.memory_space<vmem_shared>>
    tpu.enqueue_dma source(%dma_start3A_14 : memref<8000xi32, #tpu.memory_space<vmem_shared>>) target(%dma_start3A_12 : memref<8000xi32, #tpu.memory_space<vmem>>) target_semaphore(%arg7 : memref<!tpu.dma_semaphore, #tpu.memory_space<semaphore_mem>>)
    %scan3A = arith.constant 0 : i32
    %scan3A_15 = arith.constant 0 : i32
    %scan3A_16 = arith.constant 6400 : i32
    %scan3A_17 = arith.addi %scan3A_15, %scan3A_16 : i32
    %scan3A_18 = arith.constant 1 : i32
    %scan3A_19 = scf.for %scan3A_61 = %scan3A_15 to %scan3A_17 step %scan3A_18 iter_args(%scan3A_62 = %scan3A) -> (i32)  : i32 {
      %mul3A_63 = arith.constant 16 : i32
      %mul3A_64 = arith.muli %scan3A_61, %mul3A_63 : i32
      %swap3A = arith.index_cast %mul3A_64 : i32 to index
      %swap3A_65 = tpu.vector_load %arg5[%swap3A] {strides = array<i32>} : memref<102400xf32, #tpu.memory_space<vmem>>, vector<16xf32>,
      tpu.vector_store %arg5[%swap3A], %broadcast_in_dim3A_1 {strides = array<i32>} : memref<102400xf32, #tpu.memory_space<vmem>>, vector<16xf32>,
      %scan3A_66 = arith.constant 0 : i32
      scf.yield %scan3A_66 : i32
    }
    %scan3A_20 = arith.constant 6400 : i32
    %scan3A_21 = arith.constant 0 : i32
    %scan3A_22 = arith.constant 0 : i32
    %scan3A_23 = arith.constant 20 : i32
    %scan3A_24 = arith.addi %scan3A_22, %scan3A_23 : i32
    %scan3A_25 = arith.constant 1 : i32
    %scan3A_26 = scf.for %scan3A_61 = %scan3A_22 to %scan3A_24 step %scan3A_25 iter_args(%scan3A_62 = %scan3A_21) -> (i32)  : i32 {
      %jit3A = arith.constant 2 : i32
      %eq3A_63 = arith.constant 0 : i32
      %eq3A_64 = arith.cmpi eq, %jit3A, %eq3A_63 : i32
      %jit3A_65 = arith.constant 1 : i32
      %select_n3A = arith.select %eq3A_64, %jit3A_65, %jit3A : i32
      %rem3A = arith.remsi %scan3A_61, %select_n3A : i32
      %ne3A = arith.constant 0 : i32
      %ne3A_66 = arith.cmpi ne, %rem3A, %ne3A : i32
      %lt3A = arith.constant 0 : i32
      %lt3A_67 = arith.cmpi slt, %rem3A, %lt3A : i32
      %lt3A_68 = arith.constant 0 : i32
      %lt3A_69 = arith.cmpi slt, %select_n3A, %lt3A_68 : i32
      %ne3A_70 = arith.xori %lt3A_67, %lt3A_69 : i1
      %and3A = arith.andi %ne3A_70, %ne3A_66 : i1
      %add3A_71 = arith.addi %rem3A, %select_n3A : i32
      %select_n3A_72 = arith.select %and3A, %add3A_71, %rem3A : i32
      %mul3A_73 = arith.constant 8000 : i32
      %mul3A_74 = arith.muli %select_n3A_72, %mul3A_73 : i32
      %mul3A_75 = arith.constant 8000 : i32
      %mul3A_76 = arith.muli %scan3A_61, %mul3A_75 : i32
      %dma_wait3A_77 = tpu.memref_slice %arg4[%mul3A_74] : memref<16000xi32, #tpu.memory_space<vmem>> -> memref<8000xi32, #tpu.memory_space<vmem>>
      %dma_wait3A_78 = tpu.memref_slice %arg6[%mul3A_76] : memref<160000xi32, #tpu.memory_space<vmem_shared>> -> memref<8000xi32, #tpu.memory_space<vmem_shared>>
      %dma_wait3A_79 = tpu.memref_slice %arg4[%mul3A_74] : memref<16000xi32, #tpu.memory_space<vmem>> -> memref<8000xi32, #tpu.memory_space<vmem>>
      %dma_wait3A_80 = tpu.memref_slice %arg6[%mul3A_76] : memref<160000xi32, #tpu.memory_space<vmem_shared>> -> memref<8000xi32, #tpu.memory_space<vmem_shared>>
      tpu.wait_dma2 semaphore(%arg7 : memref<!tpu.dma_semaphore, #tpu.memory_space<semaphore_mem>>) src(%dma_wait3A_80 : memref<8000xi32, #tpu.memory_space<vmem_shared>>) dst(%dma_wait3A_79 : memref<8000xi32, #tpu.memory_space<vmem>>)
      %lt3A_81 = arith.constant 19 : i32
      %lt3A_82 = arith.cmpi slt, %scan3A_61, %lt3A_81 : i32
      %convert_element_type3A_83 = arith.extui %lt3A_82 : i1 to i32
      %cond3A_84 = arith.constant 0 : i32
      %cond3A_85 = arith.cmpi ne, %convert_element_type3A_83, %cond3A_84 : i32
      scf.if %cond3A_85 {
        %add3A_89 = arith.constant 1 : i32
        %add3A_90 = arith.addi %scan3A_61, %add3A_89 : i32
        %sub3A = arith.constant 8000 : i32
        %sub3A_91 = arith.subi %sub3A, %mul3A_74 : i32
        %mul3A_92 = arith.constant 8000 : i32
        %mul3A_93 = arith.muli %add3A_90, %mul3A_92 : i32
        %dma_start3A_94 = tpu.memref_slice %arg4[%sub3A_91] : memref<16000xi32, #tpu.memory_space<vmem>> -> memref<8000xi32, #tpu.memory_space<vmem>>
        %dma_start3A_95 = tpu.memref_slice %arg6[%mul3A_93] : memref<160000xi32, #tpu.memory_space<vmem_shared>> -> memref<8000xi32, #tpu.memory_space<vmem_shared>>
        %dma_start3A_96 = tpu.memref_slice %arg4[%sub3A_91] : memref<16000xi32, #tpu.memory_space<vmem>> -> memref<8000xi32, #tpu.memory_space<vmem>>
        %dma_start3A_97 = tpu.memref_slice %arg6[%mul3A_93] : memref<160000xi32, #tpu.memory_space<vmem_shared>> -> memref<8000xi32, #tpu.memory_space<vmem_shared>>
        tpu.enqueue_dma source(%dma_start3A_97 : memref<8000xi32, #tpu.memory_space<vmem_shared>>) target(%dma_start3A_96 : memref<8000xi32, #tpu.memory_space<vmem>>) target_semaphore(%arg7 : memref<!tpu.dma_semaphore, #tpu.memory_space<semaphore_mem>>)
      } else {
      }
      %parallel_loop3A = arith.constant 0 : i32
      %parallel_loop3A_86 = arith.constant 62 : i32
      %parallel_loop3A_87 = arith.constant 1 : i32
      scf.for %parallel_loop3A_89 = %parallel_loop3A to %parallel_loop3A_86 step %parallel_loop3A_87  : i32 {
        %parallel_loop3A_90 = arith.constant 64 : i32
        %parallel_loop3A_91 = arith.muli %parallel_loop3A_89, %parallel_loop3A_90 : i32
        %parallel_loop3A_92 = arith.addi %mul3A_74, %parallel_loop3A_91 : i32
        %parallel_loop3A_93 = arith.constant 4000 : i32
        %parallel_loop3A_94 = arith.addi %parallel_loop3A_92, %parallel_loop3A_93 : i32
        %parallel_loop3A_95 = arith.constant 0 : i32
        %parallel_loop3A_96 = arith.addi %parallel_loop3A_92, %parallel_loop3A_95 : i32
        %parallel_loop3A_97 = arith.index_cast %parallel_loop3A_96 : i32 to index
        %parallel_loop3A_98 = tpu.vector_load %arg4[%parallel_loop3A_97] {strides = array<i32>} : memref<16000xi32, #tpu.memory_space<vmem>>, vector<16xi32>,
        %parallel_loop3A_99 = arith.constant 0 : i32
        %parallel_loop3A_100 = arith.addi %parallel_loop3A_94, %parallel_loop3A_99 : i32
        %parallel_loop3A_101 = arith.index_cast %parallel_loop3A_100 : i32 to index
        %parallel_loop3A_102 = tpu.vector_load %arg4[%parallel_loop3A_101] {strides = array<i32>} : memref<16000xi32, #tpu.memory_space<vmem>>, vector<16xi32>,
        %parallel_loop3A_103 = vector.broadcast %mul3A_7 : i32 to vector<16xi32>
        %parallel_loop3A_104 = arith.subi %parallel_loop3A_98, %parallel_loop3A_103 : vector<16xi32>
        %parallel_loop3A_105 = vector.bitcast %parallel_loop3A_104 : vector<16xi32> to vector<16xi32>
        %parallel_loop3A_106 = arith.constant 102400 : i32
        %parallel_loop3A_107 = vector.broadcast %parallel_loop3A_106 : i32 to vector<16xi32>
        %parallel_loop3A_108 = arith.cmpi ult, %parallel_loop3A_105, %parallel_loop3A_107 : vector<16xi32>
        %parallel_loop3A_109 = arith.constant 0 : i32
        %parallel_loop3A_110 = vector.broadcast %parallel_loop3A_109 : i32 to vector<16xi32>
        %parallel_loop3A_111 = arith.select %parallel_loop3A_108, %parallel_loop3A_104, %parallel_loop3A_110 : vector<16xi1>, vector<16xi32>
        %parallel_loop3A_112 = vector.bitcast %parallel_loop3A_102 : vector<16xi32> to vector<16xf32>
        tpu.vector_store_idx %arg5[%parallel_loop3A_111], %parallel_loop3A_112 masked %parallel_loop3A_108 {add = true} : memref<102400xf32, #tpu.memory_space<vmem>>[vector<16xi32>], vector<16xf32>, vector<16xi1>
        %parallel_loop3A_113 = arith.constant 16 : i32
        %parallel_loop3A_114 = arith.addi %parallel_loop3A_92, %parallel_loop3A_113 : i32
        %parallel_loop3A_115 = arith.index_cast %parallel_loop3A_114 : i32 to index
        %parallel_loop3A_116 = tpu.vector_load %arg4[%parallel_loop3A_115] {strides = array<i32>} : memref<16000xi32, #tpu.memory_space<vmem>>, vector<16xi32>,
        %parallel_loop3A_117 = arith.constant 16 : i32
        %parallel_loop3A_118 = arith.addi %parallel_loop3A_94, %parallel_loop3A_117 : i32
        %parallel_loop3A_119 = arith.index_cast %parallel_loop3A_118 : i32 to index
        %parallel_loop3A_120 = tpu.vector_load %arg4[%parallel_loop3A_119] {strides = array<i32>} : memref<16000xi32, #tpu.memory_space<vmem>>, vector<16xi32>,
        %parallel_loop3A_121 = vector.broadcast %mul3A_7 : i32 to vector<16xi32>
        %parallel_loop3A_122 = arith.subi %parallel_loop3A_116, %parallel_loop3A_121 : vector<16xi32>
        %parallel_loop3A_123 = vector.bitcast %parallel_loop3A_122 : vector<16xi32> to vector<16xi32>
        %parallel_loop3A_124 = arith.constant 102400 : i32
        %parallel_loop3A_125 = vector.broadcast %parallel_loop3A_124 : i32 to vector<16xi32>
        %parallel_loop3A_126 = arith.cmpi ult, %parallel_loop3A_123, %parallel_loop3A_125 : vector<16xi32>
        %parallel_loop3A_127 = arith.constant 0 : i32
        %parallel_loop3A_128 = vector.broadcast %parallel_loop3A_127 : i32 to vector<16xi32>
        %parallel_loop3A_129 = arith.select %parallel_loop3A_126, %parallel_loop3A_122, %parallel_loop3A_128 : vector<16xi1>, vector<16xi32>
        %parallel_loop3A_130 = vector.bitcast %parallel_loop3A_120 : vector<16xi32> to vector<16xf32>
        tpu.vector_store_idx %arg5[%parallel_loop3A_129], %parallel_loop3A_130 masked %parallel_loop3A_126 {add = true} : memref<102400xf32, #tpu.memory_space<vmem>>[vector<16xi32>], vector<16xf32>, vector<16xi1>
        %parallel_loop3A_131 = arith.constant 32 : i32
        %parallel_loop3A_132 = arith.addi %parallel_loop3A_92, %parallel_loop3A_131 : i32
        %parallel_loop3A_133 = arith.index_cast %parallel_loop3A_132 : i32 to index
        %parallel_loop3A_134 = tpu.vector_load %arg4[%parallel_loop3A_133] {strides = array<i32>} : memref<16000xi32, #tpu.memory_space<vmem>>, vector<16xi32>,
        %parallel_loop3A_135 = arith.constant 32 : i32
        %parallel_loop3A_136 = arith.addi %parallel_loop3A_94, %parallel_loop3A_135 : i32
        %parallel_loop3A_137 = arith.index_cast %parallel_loop3A_136 : i32 to index
        %parallel_loop3A_138 = tpu.vector_load %arg4[%parallel_loop3A_137] {strides = array<i32>} : memref<16000xi32, #tpu.memory_space<vmem>>, vector<16xi32>,
        %parallel_loop3A_139 = vector.broadcast %mul3A_7 : i32 to vector<16xi32>
        %parallel_loop3A_140 = arith.subi %parallel_loop3A_134, %parallel_loop3A_139 : vector<16xi32>
        %parallel_loop3A_141 = vector.bitcast %parallel_loop3A_140 : vector<16xi32> to vector<16xi32>
        %parallel_loop3A_142 = arith.constant 102400 : i32
        %parallel_loop3A_143 = vector.broadcast %parallel_loop3A_142 : i32 to vector<16xi32>
        %parallel_loop3A_144 = arith.cmpi ult, %parallel_loop3A_141, %parallel_loop3A_143 : vector<16xi32>
        %parallel_loop3A_145 = arith.constant 0 : i32
        %parallel_loop3A_146 = vector.broadcast %parallel_loop3A_145 : i32 to vector<16xi32>
        %parallel_loop3A_147 = arith.select %parallel_loop3A_144, %parallel_loop3A_140, %parallel_loop3A_146 : vector<16xi1>, vector<16xi32>
        %parallel_loop3A_148 = vector.bitcast %parallel_loop3A_138 : vector<16xi32> to vector<16xf32>
        tpu.vector_store_idx %arg5[%parallel_loop3A_147], %parallel_loop3A_148 masked %parallel_loop3A_144 {add = true} : memref<102400xf32, #tpu.memory_space<vmem>>[vector<16xi32>], vector<16xf32>, vector<16xi1>
        %parallel_loop3A_149 = arith.constant 48 : i32
        %parallel_loop3A_150 = arith.addi %parallel_loop3A_92, %parallel_loop3A_149 : i32
        %parallel_loop3A_151 = arith.index_cast %parallel_loop3A_150 : i32 to index
        %parallel_loop3A_152 = tpu.vector_load %arg4[%parallel_loop3A_151] {strides = array<i32>} : memref<16000xi32, #tpu.memory_space<vmem>>, vector<16xi32>,
        %parallel_loop3A_153 = arith.constant 48 : i32
        %parallel_loop3A_154 = arith.addi %parallel_loop3A_94, %parallel_loop3A_153 : i32
        %parallel_loop3A_155 = arith.index_cast %parallel_loop3A_154 : i32 to index
        %parallel_loop3A_156 = tpu.vector_load %arg4[%parallel_loop3A_155] {strides = array<i32>} : memref<16000xi32, #tpu.memory_space<vmem>>, vector<16xi32>,
        %parallel_loop3A_157 = vector.broadcast %mul3A_7 : i32 to vector<16xi32>
        %parallel_loop3A_158 = arith.subi %parallel_loop3A_152, %parallel_loop3A_157 : vector<16xi32>
        %parallel_loop3A_159 = vector.bitcast %parallel_loop3A_158 : vector<16xi32> to vector<16xi32>
        %parallel_loop3A_160 = arith.constant 102400 : i32
        %parallel_loop3A_161 = vector.broadcast %parallel_loop3A_160 : i32 to vector<16xi32>
        %parallel_loop3A_162 = arith.cmpi ult, %parallel_loop3A_159, %parallel_loop3A_161 : vector<16xi32>
        %parallel_loop3A_163 = arith.constant 0 : i32
        %parallel_loop3A_164 = vector.broadcast %parallel_loop3A_163 : i32 to vector<16xi32>
        %parallel_loop3A_165 = arith.select %parallel_loop3A_162, %parallel_loop3A_158, %parallel_loop3A_164 : vector<16xi1>, vector<16xi32>
        %parallel_loop3A_166 = vector.bitcast %parallel_loop3A_156 : vector<16xi32> to vector<16xf32>
        tpu.vector_store_idx %arg5[%parallel_loop3A_165], %parallel_loop3A_166 masked %parallel_loop3A_162 {add = true} : memref<102400xf32, #tpu.memory_space<vmem>>[vector<16xi32>], vector<16xf32>, vector<16xi1>
      } {sc.loop_unroll_factor = 2 : i64, sc.parallel_access}
      %scan3A_88 = arith.constant 0 : i32
      scf.yield %scan3A_88 : i32
    }
    %scan3A_27 = arith.constant 20 : i32
    %dma_start3A_28 = tpu.memref_slice %arg3[%mul3A_7] : memref<6553600xf32, #tpu.memory_space<hbm>> -> memref<102400xf32, #tpu.memory_space<hbm>>
    %dma_start3A_29 = tpu.memref_slice %arg3[%mul3A_7] : memref<6553600xf32, #tpu.memory_space<hbm>> -> memref<102400xf32, #tpu.memory_space<hbm>>
    tpu.enqueue_dma source(%arg5 : memref<102400xf32, #tpu.memory_space<vmem>>) target(%dma_start3A_29 : memref<102400xf32, #tpu.memory_space<hbm>>) target_semaphore(%arg8 : memref<!tpu.dma_semaphore, #tpu.memory_space<semaphore_mem>>)
    %add3A_30 = arith.constant 32 : i32
    %add3A_31 = arith.addi %add3A_30, %add3A : i32
    %mul3A_32 = arith.constant 102400 : i32
    %mul3A_33 = arith.muli %add3A_31, %mul3A_32 : i32
    %dma_start3A_34 = arith.constant 0 : i32
    %dma_start3A_35 = tpu.memref_slice %arg4[%dma_start3A_34] : memref<16000xi32, #tpu.memory_space<vmem>> -> memref<8000xi32, #tpu.memory_space<vmem>>
    %dma_start3A_36 = arith.constant 0 : i32
    %dma_start3A_37 = tpu.memref_slice %arg6[%dma_start3A_36] : memref<160000xi32, #tpu.memory_space<vmem_shared>> -> memref<8000xi32, #tpu.memory_space<vmem_shared>>
    %dma_start3A_38 = arith.constant 0 : i32
    %dma_start3A_39 = tpu.memref_slice %arg4[%dma_start3A_38] : memref<16000xi32, #tpu.memory_space<vmem>> -> memref<8000xi32, #tpu.memory_space<vmem>>
    %dma_start3A_40 = arith.constant 0 : i32
    %dma_start3A_41 = tpu.memref_slice %arg6[%dma_start3A_40] : memref<160000xi32, #tpu.memory_space<vmem_shared>> -> memref<8000xi32, #tpu.memory_space<vmem_shared>>
    tpu.enqueue_dma source(%dma_start3A_41 : memref<8000xi32, #tpu.memory_space<vmem_shared>>) target(%dma_start3A_39 : memref<8000xi32, #tpu.memory_space<vmem>>) target_semaphore(%arg7 : memref<!tpu.dma_semaphore, #tpu.memory_space<semaphore_mem>>)
    %dma_wait3A = tpu.memref_slice %arg3[%mul3A_7] : memref<6553600xf32, #tpu.memory_space<hbm>> -> memref<102400xf32, #tpu.memory_space<hbm>>
    %dma_wait3A_42 = tpu.memref_slice %arg3[%mul3A_7] : memref<6553600xf32, #tpu.memory_space<hbm>> -> memref<102400xf32, #tpu.memory_space<hbm>>
    tpu.wait_dma2 semaphore(%arg8 : memref<!tpu.dma_semaphore, #tpu.memory_space<semaphore_mem>>) src(%arg5 : memref<102400xf32, #tpu.memory_space<vmem>>) dst(%dma_wait3A_42 : memref<102400xf32, #tpu.memory_space<hbm>>)
    %scan3A_43 = arith.constant 0 : i32
    %scan3A_44 = arith.constant 0 : i32
    %scan3A_45 = arith.constant 6400 : i32
    %scan3A_46 = arith.addi %scan3A_44, %scan3A_45 : i32
    %scan3A_47 = arith.constant 1 : i32
    %scan3A_48 = scf.for %scan3A_61 = %scan3A_44 to %scan3A_46 step %scan3A_47 iter_args(%scan3A_62 = %scan3A_43) -> (i32)  : i32 {
      %mul3A_63 = arith.constant 16 : i32
      %mul3A_64 = arith.muli %scan3A_61, %mul3A_63 : i32
      %swap3A = arith.index_cast %mul3A_64 : i32 to index
      %swap3A_65 = tpu.vector_load %arg5[%swap3A] {strides = array<i32>} : memref<102400xf32, #tpu.memory_space<vmem>>, vector<16xf32>,
      tpu.vector_store %arg5[%swap3A], %broadcast_in_dim3A_1 {strides = array<i32>} : memref<102400xf32, #tpu.memory_space<vmem>>, vector<16xf32>,
      %scan3A_66 = arith.constant 0 : i32
      scf.yield %scan3A_66 : i32
    }
    %scan3A_49 = arith.constant 6400 : i32
    %scan3A_50 = arith.constant 0 : i32
    %scan3A_51 = arith.constant 0 : i32
    %scan3A_52 = arith.constant 20 : i32
    %scan3A_53 = arith.addi %scan3A_51, %scan3A_52 : i32
    %scan3A_54 = arith.constant 1 : i32
    %scan3A_55 = scf.for %scan3A_61 = %scan3A_51 to %scan3A_53 step %scan3A_54 iter_args(%scan3A_62 = %scan3A_50) -> (i32)  : i32 {
      %jit3A = arith.constant 2 : i32
      %eq3A_63 = arith.constant 0 : i32
      %eq3A_64 = arith.cmpi eq, %jit3A, %eq3A_63 : i32
      %jit3A_65 = arith.constant 1 : i32
      %select_n3A = arith.select %eq3A_64, %jit3A_65, %jit3A : i32
      %rem3A = arith.remsi %scan3A_61, %select_n3A : i32
      %ne3A = arith.constant 0 : i32
      %ne3A_66 = arith.cmpi ne, %rem3A, %ne3A : i32
      %lt3A = arith.constant 0 : i32
      %lt3A_67 = arith.cmpi slt, %rem3A, %lt3A : i32
      %lt3A_68 = arith.constant 0 : i32
      %lt3A_69 = arith.cmpi slt, %select_n3A, %lt3A_68 : i32
      %ne3A_70 = arith.xori %lt3A_67, %lt3A_69 : i1
      %and3A = arith.andi %ne3A_70, %ne3A_66 : i1
      %add3A_71 = arith.addi %rem3A, %select_n3A : i32
      %select_n3A_72 = arith.select %and3A, %add3A_71, %rem3A : i32
      %mul3A_73 = arith.constant 8000 : i32
      %mul3A_74 = arith.muli %select_n3A_72, %mul3A_73 : i32
      %mul3A_75 = arith.constant 8000 : i32
      %mul3A_76 = arith.muli %scan3A_61, %mul3A_75 : i32
      %dma_wait3A_77 = tpu.memref_slice %arg4[%mul3A_74] : memref<16000xi32, #tpu.memory_space<vmem>> -> memref<8000xi32, #tpu.memory_space<vmem>>
      %dma_wait3A_78 = tpu.memref_slice %arg6[%mul3A_76] : memref<160000xi32, #tpu.memory_space<vmem_shared>> -> memref<8000xi32, #tpu.memory_space<vmem_shared>>
      %dma_wait3A_79 = tpu.memref_slice %arg4[%mul3A_74] : memref<16000xi32, #tpu.memory_space<vmem>> -> memref<8000xi32, #tpu.memory_space<vmem>>
      %dma_wait3A_80 = tpu.memref_slice %arg6[%mul3A_76] : memref<160000xi32, #tpu.memory_space<vmem_shared>> -> memref<8000xi32, #tpu.memory_space<vmem_shared>>
      tpu.wait_dma2 semaphore(%arg7 : memref<!tpu.dma_semaphore, #tpu.memory_space<semaphore_mem>>) src(%dma_wait3A_80 : memref<8000xi32, #tpu.memory_space<vmem_shared>>) dst(%dma_wait3A_79 : memref<8000xi32, #tpu.memory_space<vmem>>)
      %lt3A_81 = arith.constant 19 : i32
      %lt3A_82 = arith.cmpi slt, %scan3A_61, %lt3A_81 : i32
      %convert_element_type3A_83 = arith.extui %lt3A_82 : i1 to i32
      %cond3A_84 = arith.constant 0 : i32
      %cond3A_85 = arith.cmpi ne, %convert_element_type3A_83, %cond3A_84 : i32
      scf.if %cond3A_85 {
        %add3A_89 = arith.constant 1 : i32
        %add3A_90 = arith.addi %scan3A_61, %add3A_89 : i32
        %sub3A = arith.constant 8000 : i32
        %sub3A_91 = arith.subi %sub3A, %mul3A_74 : i32
        %mul3A_92 = arith.constant 8000 : i32
        %mul3A_93 = arith.muli %add3A_90, %mul3A_92 : i32
        %dma_start3A_94 = tpu.memref_slice %arg4[%sub3A_91] : memref<16000xi32, #tpu.memory_space<vmem>> -> memref<8000xi32, #tpu.memory_space<vmem>>
        %dma_start3A_95 = tpu.memref_slice %arg6[%mul3A_93] : memref<160000xi32, #tpu.memory_space<vmem_shared>> -> memref<8000xi32, #tpu.memory_space<vmem_shared>>
        %dma_start3A_96 = tpu.memref_slice %arg4[%sub3A_91] : memref<16000xi32, #tpu.memory_space<vmem>> -> memref<8000xi32, #tpu.memory_space<vmem>>
        %dma_start3A_97 = tpu.memref_slice %arg6[%mul3A_93] : memref<160000xi32, #tpu.memory_space<vmem_shared>> -> memref<8000xi32, #tpu.memory_space<vmem_shared>>
        tpu.enqueue_dma source(%dma_start3A_97 : memref<8000xi32, #tpu.memory_space<vmem_shared>>) target(%dma_start3A_96 : memref<8000xi32, #tpu.memory_space<vmem>>) target_semaphore(%arg7 : memref<!tpu.dma_semaphore, #tpu.memory_space<semaphore_mem>>)
      } else {
      }
      %parallel_loop3A = arith.constant 0 : i32
      %parallel_loop3A_86 = arith.constant 62 : i32
      %parallel_loop3A_87 = arith.constant 1 : i32
      scf.for %parallel_loop3A_89 = %parallel_loop3A to %parallel_loop3A_86 step %parallel_loop3A_87  : i32 {
        %parallel_loop3A_90 = arith.constant 64 : i32
        %parallel_loop3A_91 = arith.muli %parallel_loop3A_89, %parallel_loop3A_90 : i32
        %parallel_loop3A_92 = arith.addi %mul3A_74, %parallel_loop3A_91 : i32
        %parallel_loop3A_93 = arith.constant 4000 : i32
        %parallel_loop3A_94 = arith.addi %parallel_loop3A_92, %parallel_loop3A_93 : i32
        %parallel_loop3A_95 = arith.constant 0 : i32
        %parallel_loop3A_96 = arith.addi %parallel_loop3A_92, %parallel_loop3A_95 : i32
        %parallel_loop3A_97 = arith.index_cast %parallel_loop3A_96 : i32 to index
        %parallel_loop3A_98 = tpu.vector_load %arg4[%parallel_loop3A_97] {strides = array<i32>} : memref<16000xi32, #tpu.memory_space<vmem>>, vector<16xi32>,
        %parallel_loop3A_99 = arith.constant 0 : i32
        %parallel_loop3A_100 = arith.addi %parallel_loop3A_94, %parallel_loop3A_99 : i32
        %parallel_loop3A_101 = arith.index_cast %parallel_loop3A_100 : i32 to index
        %parallel_loop3A_102 = tpu.vector_load %arg4[%parallel_loop3A_101] {strides = array<i32>} : memref<16000xi32, #tpu.memory_space<vmem>>, vector<16xi32>,
        %parallel_loop3A_103 = vector.broadcast %mul3A_33 : i32 to vector<16xi32>
        %parallel_loop3A_104 = arith.subi %parallel_loop3A_98, %parallel_loop3A_103 : vector<16xi32>
        %parallel_loop3A_105 = vector.bitcast %parallel_loop3A_104 : vector<16xi32> to vector<16xi32>
        %parallel_loop3A_106 = arith.constant 102400 : i32
        %parallel_loop3A_107 = vector.broadcast %parallel_loop3A_106 : i32 to vector<16xi32>
        %parallel_loop3A_108 = arith.cmpi ult, %parallel_loop3A_105, %parallel_loop3A_107 : vector<16xi32>
        %parallel_loop3A_109 = arith.constant 0 : i32
        %parallel_loop3A_110 = vector.broadcast %parallel_loop3A_109 : i32 to vector<16xi32>
        %parallel_loop3A_111 = arith.select %parallel_loop3A_108, %parallel_loop3A_104, %parallel_loop3A_110 : vector<16xi1>, vector<16xi32>
        %parallel_loop3A_112 = vector.bitcast %parallel_loop3A_102 : vector<16xi32> to vector<16xf32>
        tpu.vector_store_idx %arg5[%parallel_loop3A_111], %parallel_loop3A_112 masked %parallel_loop3A_108 {add = true} : memref<102400xf32, #tpu.memory_space<vmem>>[vector<16xi32>], vector<16xf32>, vector<16xi1>
        %parallel_loop3A_113 = arith.constant 16 : i32
        %parallel_loop3A_114 = arith.addi %parallel_loop3A_92, %parallel_loop3A_113 : i32
        %parallel_loop3A_115 = arith.index_cast %parallel_loop3A_114 : i32 to index
        %parallel_loop3A_116 = tpu.vector_load %arg4[%parallel_loop3A_115] {strides = array<i32>} : memref<16000xi32, #tpu.memory_space<vmem>>, vector<16xi32>,
        %parallel_loop3A_117 = arith.constant 16 : i32
        %parallel_loop3A_118 = arith.addi %parallel_loop3A_94, %parallel_loop3A_117 : i32
        %parallel_loop3A_119 = arith.index_cast %parallel_loop3A_118 : i32 to index
        %parallel_loop3A_120 = tpu.vector_load %arg4[%parallel_loop3A_119] {strides = array<i32>} : memref<16000xi32, #tpu.memory_space<vmem>>, vector<16xi32>,
        %parallel_loop3A_121 = vector.broadcast %mul3A_33 : i32 to vector<16xi32>
        %parallel_loop3A_122 = arith.subi %parallel_loop3A_116, %parallel_loop3A_121 : vector<16xi32>
        %parallel_loop3A_123 = vector.bitcast %parallel_loop3A_122 : vector<16xi32> to vector<16xi32>
        %parallel_loop3A_124 = arith.constant 102400 : i32
        %parallel_loop3A_125 = vector.broadcast %parallel_loop3A_124 : i32 to vector<16xi32>
        %parallel_loop3A_126 = arith.cmpi ult, %parallel_loop3A_123, %parallel_loop3A_125 : vector<16xi32>
        %parallel_loop3A_127 = arith.constant 0 : i32
        %parallel_loop3A_128 = vector.broadcast %parallel_loop3A_127 : i32 to vector<16xi32>
        %parallel_loop3A_129 = arith.select %parallel_loop3A_126, %parallel_loop3A_122, %parallel_loop3A_128 : vector<16xi1>, vector<16xi32>
        %parallel_loop3A_130 = vector.bitcast %parallel_loop3A_120 : vector<16xi32> to vector<16xf32>
        tpu.vector_store_idx %arg5[%parallel_loop3A_129], %parallel_loop3A_130 masked %parallel_loop3A_126 {add = true} : memref<102400xf32, #tpu.memory_space<vmem>>[vector<16xi32>], vector<16xf32>, vector<16xi1>
        %parallel_loop3A_131 = arith.constant 32 : i32
        %parallel_loop3A_132 = arith.addi %parallel_loop3A_92, %parallel_loop3A_131 : i32
        %parallel_loop3A_133 = arith.index_cast %parallel_loop3A_132 : i32 to index
        %parallel_loop3A_134 = tpu.vector_load %arg4[%parallel_loop3A_133] {strides = array<i32>} : memref<16000xi32, #tpu.memory_space<vmem>>, vector<16xi32>,
        %parallel_loop3A_135 = arith.constant 32 : i32
        %parallel_loop3A_136 = arith.addi %parallel_loop3A_94, %parallel_loop3A_135 : i32
        %parallel_loop3A_137 = arith.index_cast %parallel_loop3A_136 : i32 to index
        %parallel_loop3A_138 = tpu.vector_load %arg4[%parallel_loop3A_137] {strides = array<i32>} : memref<16000xi32, #tpu.memory_space<vmem>>, vector<16xi32>,
        %parallel_loop3A_139 = vector.broadcast %mul3A_33 : i32 to vector<16xi32>
        %parallel_loop3A_140 = arith.subi %parallel_loop3A_134, %parallel_loop3A_139 : vector<16xi32>
        %parallel_loop3A_141 = vector.bitcast %parallel_loop3A_140 : vector<16xi32> to vector<16xi32>
        %parallel_loop3A_142 = arith.constant 102400 : i32
        %parallel_loop3A_143 = vector.broadcast %parallel_loop3A_142 : i32 to vector<16xi32>
        %parallel_loop3A_144 = arith.cmpi ult, %parallel_loop3A_141, %parallel_loop3A_143 : vector<16xi32>
        %parallel_loop3A_145 = arith.constant 0 : i32
        %parallel_loop3A_146 = vector.broadcast %parallel_loop3A_145 : i32 to vector<16xi32>
        %parallel_loop3A_147 = arith.select %parallel_loop3A_144, %parallel_loop3A_140, %parallel_loop3A_146 : vector<16xi1>, vector<16xi32>
        %parallel_loop3A_148 = vector.bitcast %parallel_loop3A_138 : vector<16xi32> to vector<16xf32>
        tpu.vector_store_idx %arg5[%parallel_loop3A_147], %parallel_loop3A_148 masked %parallel_loop3A_144 {add = true} : memref<102400xf32, #tpu.memory_space<vmem>>[vector<16xi32>], vector<16xf32>, vector<16xi1>
        %parallel_loop3A_149 = arith.constant 48 : i32
        %parallel_loop3A_150 = arith.addi %parallel_loop3A_92, %parallel_loop3A_149 : i32
        %parallel_loop3A_151 = arith.index_cast %parallel_loop3A_150 : i32 to index
        %parallel_loop3A_152 = tpu.vector_load %arg4[%parallel_loop3A_151] {strides = array<i32>} : memref<16000xi32, #tpu.memory_space<vmem>>, vector<16xi32>,
        %parallel_loop3A_153 = arith.constant 48 : i32
        %parallel_loop3A_154 = arith.addi %parallel_loop3A_94, %parallel_loop3A_153 : i32
        %parallel_loop3A_155 = arith.index_cast %parallel_loop3A_154 : i32 to index
        %parallel_loop3A_156 = tpu.vector_load %arg4[%parallel_loop3A_155] {strides = array<i32>} : memref<16000xi32, #tpu.memory_space<vmem>>, vector<16xi32>,
        %parallel_loop3A_157 = vector.broadcast %mul3A_33 : i32 to vector<16xi32>
        %parallel_loop3A_158 = arith.subi %parallel_loop3A_152, %parallel_loop3A_157 : vector<16xi32>
        %parallel_loop3A_159 = vector.bitcast %parallel_loop3A_158 : vector<16xi32> to vector<16xi32>
        %parallel_loop3A_160 = arith.constant 102400 : i32
        %parallel_loop3A_161 = vector.broadcast %parallel_loop3A_160 : i32 to vector<16xi32>
        %parallel_loop3A_162 = arith.cmpi ult, %parallel_loop3A_159, %parallel_loop3A_161 : vector<16xi32>
        %parallel_loop3A_163 = arith.constant 0 : i32
        %parallel_loop3A_164 = vector.broadcast %parallel_loop3A_163 : i32 to vector<16xi32>
        %parallel_loop3A_165 = arith.select %parallel_loop3A_162, %parallel_loop3A_158, %parallel_loop3A_164 : vector<16xi1>, vector<16xi32>
        %parallel_loop3A_166 = vector.bitcast %parallel_loop3A_156 : vector<16xi32> to vector<16xf32>
        tpu.vector_store_idx %arg5[%parallel_loop3A_165], %parallel_loop3A_166 masked %parallel_loop3A_162 {add = true} : memref<102400xf32, #tpu.memory_space<vmem>>[vector<16xi32>], vector<16xf32>, vector<16xi1>
      } {sc.loop_unroll_factor = 2 : i64, sc.parallel_access}
      %scan3A_88 = arith.constant 0 : i32
      scf.yield %scan3A_88 : i32
    }
    %scan3A_56 = arith.constant 20 : i32
    %dma_start3A_57 = tpu.memref_slice %arg3[%mul3A_33] : memref<6553600xf32, #tpu.memory_space<hbm>> -> memref<102400xf32, #tpu.memory_space<hbm>>
    %dma_start3A_58 = tpu.memref_slice %arg3[%mul3A_33] : memref<6553600xf32, #tpu.memory_space<hbm>> -> memref<102400xf32, #tpu.memory_space<hbm>>
    tpu.enqueue_dma source(%arg5 : memref<102400xf32, #tpu.memory_space<vmem>>) target(%dma_start3A_58 : memref<102400xf32, #tpu.memory_space<hbm>>) target_semaphore(%arg8 : memref<!tpu.dma_semaphore, #tpu.memory_space<semaphore_mem>>)
    %dma_wait3A_59 = tpu.memref_slice %arg3[%mul3A_33] : memref<6553600xf32, #tpu.memory_space<hbm>> -> memref<102400xf32, #tpu.memory_space<hbm>>
    %dma_wait3A_60 = tpu.memref_slice %arg3[%mul3A_33] : memref<6553600xf32, #tpu.memory_space<hbm>> -> memref<102400xf32, #tpu.memory_space<hbm>>
    tpu.wait_dma2 semaphore(%arg8 : memref<!tpu.dma_semaphore, #tpu.memory_space<semaphore_mem>>) src(%arg5 : memref<102400xf32, #tpu.memory_space<vmem>>) dst(%dma_wait3A_60 : memref<102400xf32, #tpu.memory_space<hbm>>)
    return
  }
}

module attributes {stable_mosaic.version = 14 : i64} {
  func.func @_fused_body(%arg0: i32, %arg1: i32, %arg2: memref<512x2560xf32, #tpu.memory_space<vmem>>, %arg3: memref<2560x128xf32, #tpu.memory_space<vmem>>, %arg4: memref<1x128x128xf32, #tpu.memory_space<vmem>>, %arg5: memref<1x1x128xf32, #tpu.memory_space<vmem>>, %arg6: memref<128xf32, #tpu.memory_space<vmem>>, %arg7: memref<128xf32, #tpu.memory_space<vmem>>, %arg8: memref<1x1x128xf32, #tpu.memory_space<vmem>>, %arg9: memref<2560x2560xbf16, #tpu.memory_space<vmem>>, %arg10: memref<2560x128xf32, #tpu.memory_space<vmem>>, %arg11: memref<2560x128xbf16, #tpu.memory_space<vmem>>, %arg12: memref<2560x1xf32, #tpu.memory_space<vmem>>) attributes {dimension_semantics = [#tpu.dimension_semantics<arbitrary>, #tpu.dimension_semantics<arbitrary>], iteration_bounds = array<i64: 4, 5>, scalar_prefetch = 0 : i64, scratch_operands = 4 : i64, tpu.core_type = #tpu.core_type<tc>, window_params = [{transform_indices = @transform_0, window_bounds = array<i64: 512, 2560>}, {pipeline_mode = #tpu.pipeline_mode<synchronous>, transform_indices = @transform_1, window_bounds = array<i64: 2560, 128>}, {transform_indices = @transform_2, window_bounds = array<i64: 1, 128, 128>}, {transform_indices = @transform_3, window_bounds = array<i64: 1, 1, 128>}, {pipeline_mode = #tpu.pipeline_mode<synchronous>, transform_indices = @transform_4, window_bounds = array<i64: 128>}, {pipeline_mode = #tpu.pipeline_mode<synchronous>, transform_indices = @transform_5, window_bounds = array<i64: 128>}, {pipeline_mode = #tpu.pipeline_mode<synchronous>, transform_indices = @transform_6, window_bounds = array<i64: 1, 1, 128>}]} {
    %mul3A = arith.constant 512 : i32
    %mul3A_0 = arith.muli %arg1, %mul3A : i32
    %get3A = arith.constant 0 : index
    %get3A_1 = vector.load %arg6[%get3A] : memref<128xf32, #tpu.memory_space<vmem>>, vector<128xf32>
    %get3A_2 = arith.constant 0 : index
    %get3A_3 = vector.load %arg7[%get3A_2] : memref<128xf32, #tpu.memory_space<vmem>>, vector<128xf32>
    %eq3A = arith.constant 0 : i32
    %eq3A_4 = arith.cmpi eq, %arg0, %eq3A : i32
    %convert_element_type3A = arith.extui %eq3A_4 : i1 to i32
    %cond3A = arith.constant 0 : i32
    %cond3A_5 = arith.cmpi ne, %convert_element_type3A, %cond3A : i32
    scf.if %cond3A_5 {
      %get3A_17 = arith.constant 0 : index
      %get3A_18 = arith.constant 0 : index
      %get3A_19 = vector.load %arg2[%get3A_17, %get3A_18] : memref<512x2560xf32, #tpu.memory_space<vmem>>, vector<512x2560xf32>
      %reduce_sum3A = arith.constant dense<0.000000e+00> : vector<512xf32>
      %reduce_sum3A_20 = vector.multi_reduction <add>, %get3A_19, %reduce_sum3A [1] : vector<512x2560xf32> to vector<512xf32>
      %broadcast_in_dim3A = vector.shape_cast %reduce_sum3A_20 : vector<512xf32> to vector<512x1xf32>
      %add3A = arith.constant 1.000000e+00 : f32
      %add3A_21 = vector.broadcast %add3A : f32 to vector<512x1xf32>
      %add3A_22 = arith.addf %broadcast_in_dim3A, %add3A_21 : vector<512x1xf32>
      %rsqrt3A = math.rsqrt %add3A_22 : vector<512x1xf32>
      %swap3A = arith.index_cast %mul3A_0 : i32 to index
      %swap3A_23 = arith.constant 0 : index
      %swap3A_24 = vector.load %arg12[%swap3A, %swap3A_23] : memref<2560x1xf32, #tpu.memory_space<vmem>>, vector<512x1xf32>
      tpu.vector_store %arg12[%swap3A, %swap3A_23], %rsqrt3A {strides = array<i32>} : memref<2560x1xf32, #tpu.memory_space<vmem>>, vector<512x1xf32>,
      %convert_element_type3A_25 = arith.truncf %get3A_19 : vector<512x2560xf32> to vector<512x2560xbf16>
      %swap3A_26 = arith.index_cast %mul3A_0 : i32 to index
      %swap3A_27 = arith.constant 0 : index
      %swap3A_28 = vector.load %arg9[%swap3A_26, %swap3A_27] : memref<2560x2560xbf16, #tpu.memory_space<vmem>>, vector<512x2560xbf16>
      tpu.vector_store %arg9[%swap3A_26, %swap3A_27], %convert_element_type3A_25 {strides = array<i32>} : memref<2560x2560xbf16, #tpu.memory_space<vmem>>, vector<512x2560xbf16>,
      %get3A_29 = arith.index_cast %mul3A_0 : i32 to index
      %get3A_30 = arith.constant 0 : index
      %get3A_31 = vector.load %arg3[%get3A_29, %get3A_30] : memref<2560x128xf32, #tpu.memory_space<vmem>>, vector<512x128xf32>
      %swap3A_32 = arith.index_cast %mul3A_0 : i32 to index
      %swap3A_33 = arith.constant 0 : index
      %swap3A_34 = vector.load %arg10[%swap3A_32, %swap3A_33] : memref<2560x128xf32, #tpu.memory_space<vmem>>, vector<512x128xf32>
      tpu.vector_store %arg10[%swap3A_32, %swap3A_33], %get3A_31 {strides = array<i32>} : memref<2560x128xf32, #tpu.memory_space<vmem>>, vector<512x128xf32>,
    } else {
    }
    %gt3A = arith.constant 0 : i32
    %gt3A_6 = arith.cmpi sgt, %arg0, %gt3A : i32
    %eq3A_7 = arith.constant 0 : i32
    %eq3A_8 = arith.cmpi eq, %arg1, %eq3A_7 : i32
    %and3A = arith.andi %gt3A_6, %eq3A_8 : i1
    %convert_element_type3A_9 = arith.extui %and3A : i1 to i32
    %cond3A_10 = arith.constant 0 : i32
    %cond3A_11 = arith.cmpi ne, %convert_element_type3A_9, %cond3A_10 : i32
    scf.if %cond3A_11 {
      %get3A_17 = arith.constant 0 : index
      %get3A_18 = arith.constant 0 : index
      %get3A_19 = vector.load %arg10[%get3A_17, %get3A_18] : memref<2560x128xf32, #tpu.memory_space<vmem>>, vector<2560x128xf32>
      %get3A_20 = arith.constant 0 : index
      %get3A_21 = arith.constant 0 : index
      %get3A_22 = arith.constant 0 : index
      %get3A_23 = vector.load %arg4[%get3A_20, %get3A_21, %get3A_22] : memref<1x128x128xf32, #tpu.memory_space<vmem>>, vector<1x128x128xf32>
      %get3A_24 = vector.shape_cast %get3A_23 : vector<1x128x128xf32> to vector<128x128xf32>
      %dot_general3A = arith.constant dense<0.000000e+00> : vector<2560x128xf32>
      %dot_general3A_25 = tpu.matmul %get3A_19, %get3A_24, %dot_general3A {dimension_numbers = #tpu.dot_dimension_numbers<[1], [0], [0], [1], [0, 0, 1, 1], [], []>, precision = #tpu.contract_precision<fp32>, transpose_lhs_hint = false} : vector<2560x128xf32>, vector<128x128xf32>, vector<2560x128xf32> -> vector<2560x128xf32>
      %get3A_26 = arith.constant 0 : index
      %get3A_27 = arith.constant 0 : index
      %get3A_28 = vector.load %arg12[%get3A_26, %get3A_27] : memref<2560x1xf32, #tpu.memory_space<vmem>>, vector<2560x1xf32>
      %mul3A_29 = vector.broadcast %get3A_28 : vector<2560x1xf32> to vector<2560x128xf32>
      %mul3A_30 = arith.mulf %mul3A_29, %dot_general3A_25 : vector<2560x128xf32>
      %convert_element_type3A_31 = arith.truncf %mul3A_30 : vector<2560x128xf32> to vector<2560x128xbf16>
      %swap3A = arith.constant 0 : index
      %swap3A_32 = arith.constant 0 : index
      %swap3A_33 = vector.load %arg11[%swap3A, %swap3A_32] : memref<2560x128xbf16, #tpu.memory_space<vmem>>, vector<2560x128xbf16>
      tpu.vector_store %arg11[%swap3A, %swap3A_32], %convert_element_type3A_31 {strides = array<i32>} : memref<2560x128xbf16, #tpu.memory_space<vmem>>, vector<2560x128xbf16>,
    } else {
    }
    %gt3A_12 = arith.constant 0 : i32
    %gt3A_13 = arith.cmpi sgt, %arg0, %gt3A_12 : i32
    %convert_element_type3A_14 = arith.extui %gt3A_13 : i1 to i32
    %cond3A_15 = arith.constant 0 : i32
    %cond3A_16 = arith.cmpi ne, %convert_element_type3A_14, %cond3A_15 : i32
    scf.if %cond3A_16 {
      %get3A_17 = arith.index_cast %mul3A_0 : i32 to index
      %get3A_18 = arith.constant 0 : index
      %get3A_19 = vector.load %arg9[%get3A_17, %get3A_18] : memref<2560x2560xbf16, #tpu.memory_space<vmem>>, vector<512x2560xbf16>
      %get3A_20 = arith.constant 0 : index
      %get3A_21 = arith.constant 0 : index
      %get3A_22 = vector.load %arg11[%get3A_20, %get3A_21] : memref<2560x128xbf16, #tpu.memory_space<vmem>>, vector<2560x128xbf16>
      %dot_general3A = arith.constant dense<0.000000e+00> : vector<512x128xf32>
      %dot_general3A_23 = tpu.matmul %get3A_19, %get3A_22, %dot_general3A {dimension_numbers = #tpu.dot_dimension_numbers<[1], [0], [0], [1], [0, 0, 1, 1], [], []>, transpose_lhs_hint = false} : vector<512x2560xbf16>, vector<2560x128xbf16>, vector<512x128xf32> -> vector<512x128xf32>
      %get3A_24 = arith.index_cast %mul3A_0 : i32 to index
      %get3A_25 = arith.constant 0 : index
      %get3A_26 = vector.load %arg11[%get3A_24, %get3A_25] : memref<2560x128xbf16, #tpu.memory_space<vmem>>, vector<512x128xbf16>
      %convert_element_type3A_27 = arith.extf %get3A_26 : vector<512x128xbf16> to vector<512x128xf32>
      %add3A = arith.addf %dot_general3A_23, %convert_element_type3A_27 : vector<512x128xf32>
      %get3A_28 = arith.index_cast %mul3A_0 : i32 to index
      %get3A_29 = arith.constant 0 : index
      %get3A_30 = vector.load %arg12[%get3A_28, %get3A_29] : memref<2560x1xf32, #tpu.memory_space<vmem>>, vector<512x1xf32>
      %mul3A_31 = vector.broadcast %get3A_30 : vector<512x1xf32> to vector<512x128xf32>
      %mul3A_32 = arith.mulf %mul3A_31, %add3A : vector<512x128xf32>
      %get3A_33 = arith.constant 0 : index
      %get3A_34 = arith.constant 0 : index
      %get3A_35 = arith.constant 0 : index
      %get3A_36 = vector.load %arg5[%get3A_33, %get3A_34, %get3A_35] : memref<1x1x128xf32, #tpu.memory_space<vmem>>, vector<1x1x128xf32>
      %get3A_37 = vector.shape_cast %get3A_36 : vector<1x1x128xf32> to vector<128xf32>
      %broadcast_in_dim3A = vector.shape_cast %get3A_37 : vector<128xf32> to vector<1x128xf32>
      %add3A_38 = vector.broadcast %broadcast_in_dim3A : vector<1x128xf32> to vector<512x128xf32>
      %add3A_39 = arith.addf %mul3A_32, %add3A_38 : vector<512x128xf32>
      %max3A = arith.constant 0.000000e+00 : f32
      %max3A_40 = vector.broadcast %max3A : f32 to vector<512x128xf32>
      %max3A_41 = arith.maximumf %add3A_39, %max3A_40 : vector<512x128xf32>
      %reduce_sum3A = arith.constant dense<0.000000e+00> : vector<512xf32>
      %reduce_sum3A_42 = vector.multi_reduction <add>, %max3A_41, %reduce_sum3A [1] : vector<512x128xf32> to vector<512xf32>
      %broadcast_in_dim3A_43 = vector.shape_cast %reduce_sum3A_42 : vector<512xf32> to vector<512x1xf32>
      %div3A = arith.constant 1.280000e+02 : f32
      %div3A_44 = vector.broadcast %div3A : f32 to vector<512x1xf32>
      %div3A_45 = arith.divf %broadcast_in_dim3A_43, %div3A_44 : vector<512x1xf32>
      %sub3A = vector.broadcast %div3A_45 : vector<512x1xf32> to vector<512x128xf32>
      %sub3A_46 = arith.subf %max3A_41, %sub3A : vector<512x128xf32>
      %integer_pow3A = arith.mulf %sub3A_46, %sub3A_46 : vector<512x128xf32>
      %reduce_sum3A_47 = arith.constant dense<0.000000e+00> : vector<512xf32>
      %reduce_sum3A_48 = vector.multi_reduction <add>, %integer_pow3A, %reduce_sum3A_47 [1] : vector<512x128xf32> to vector<512xf32>
      %broadcast_in_dim3A_49 = vector.shape_cast %reduce_sum3A_48 : vector<512xf32> to vector<512x1xf32>
      %div3A_50 = arith.constant 1.280000e+02 : f32
      %div3A_51 = vector.broadcast %div3A_50 : f32 to vector<512x1xf32>
      %div3A_52 = arith.divf %broadcast_in_dim3A_49, %div3A_51 : vector<512x1xf32>
      %sub3A_53 = vector.broadcast %div3A_45 : vector<512x1xf32> to vector<512x128xf32>
      %sub3A_54 = arith.subf %max3A_41, %sub3A_53 : vector<512x128xf32>
      %add3A_55 = arith.constant 9.99999974E-6 : f32
      %add3A_56 = vector.broadcast %add3A_55 : f32 to vector<512x1xf32>
      %add3A_57 = arith.addf %div3A_52, %add3A_56 : vector<512x1xf32>
      %rsqrt3A = math.rsqrt %add3A_57 : vector<512x1xf32>
      %mul3A_58 = vector.broadcast %rsqrt3A : vector<512x1xf32> to vector<512x128xf32>
      %mul3A_59 = arith.mulf %sub3A_54, %mul3A_58 : vector<512x128xf32>
      %broadcast_in_dim3A_60 = vector.shape_cast %get3A_1 : vector<128xf32> to vector<1x128xf32>
      %mul3A_61 = vector.broadcast %broadcast_in_dim3A_60 : vector<1x128xf32> to vector<512x128xf32>
      %mul3A_62 = arith.mulf %mul3A_59, %mul3A_61 : vector<512x128xf32>
      %broadcast_in_dim3A_63 = vector.shape_cast %get3A_3 : vector<128xf32> to vector<1x128xf32>
      %add3A_64 = vector.broadcast %broadcast_in_dim3A_63 : vector<1x128xf32> to vector<512x128xf32>
      %add3A_65 = arith.addf %mul3A_62, %add3A_64 : vector<512x128xf32>
      %swap3A = arith.index_cast %mul3A_0 : i32 to index
      %swap3A_66 = arith.constant 0 : index
      %swap3A_67 = vector.load %arg10[%swap3A, %swap3A_66] : memref<2560x128xf32, #tpu.memory_space<vmem>>, vector<512x128xf32>
      tpu.vector_store %arg10[%swap3A, %swap3A_66], %add3A_65 {strides = array<i32>} : memref<2560x128xf32, #tpu.memory_space<vmem>>, vector<512x128xf32>,
      %eq3A_68 = arith.constant 3 : i32
      %eq3A_69 = arith.cmpi eq, %arg0, %eq3A_68 : i32
      %convert_element_type3A_70 = arith.extui %eq3A_69 : i1 to i32
      %cond3A_71 = arith.constant 0 : i32
      %cond3A_72 = arith.cmpi ne, %convert_element_type3A_70, %cond3A_71 : i32
      scf.if %cond3A_72 {
        %iota3A = tpu.iota {dimensions = array<i32: 0>} : vector<512x1xi32>
        %add3A_73 = vector.broadcast %mul3A_0 : i32 to vector<512x1xi32>
        %add3A_74 = arith.addi %iota3A, %add3A_73 : vector<512x1xi32>
        %lt3A = arith.constant 2500 : i32
        %lt3A_75 = vector.broadcast %lt3A : i32 to vector<512x1xi32>
        %lt3A_76 = arith.cmpi slt, %add3A_74, %lt3A_75 : vector<512x1xi32>
        %jit3A = arith.constant -1.000000e+30 : f32
        %broadcast_in_dim3A_77 = vector.shape_cast %lt3A_76 : vector<512x1xi1> to vector<512x1xi1>
        %broadcast_in_dim3A_78 = vector.broadcast %broadcast_in_dim3A_77 : vector<512x1xi1> to vector<512x128xi1>
        %broadcast_in_dim3A_79 = vector.broadcast %jit3A : f32 to vector<512x128xf32>
        %select_n3A = arith.select %broadcast_in_dim3A_78, %add3A_65, %broadcast_in_dim3A_79 : vector<512x128xi1>, vector<512x128xf32>
        %reduce_max3A = arith.constant dense<0xFF800000> : vector<128xf32>
        %reduce_max3A_80 = vector.multi_reduction <maximumf>, %select_n3A, %reduce_max3A [0] : vector<512x128xf32> to vector<128xf32>
        %broadcast_in_dim3A_81 = vector.shape_cast %reduce_max3A_80 : vector<128xf32> to vector<1x128xf32>
        %broadcast_in_dim3A_82 = vector.shape_cast %broadcast_in_dim3A_81 : vector<1x128xf32> to vector<1x1x128xf32>
        %eq3A_83 = arith.constant 0 : i32
        %eq3A_84 = arith.cmpi eq, %arg1, %eq3A_83 : i32
        %convert_element_type3A_85 = arith.extui %eq3A_84 : i1 to i32
        %cond3A_86 = arith.constant 0 : i32
        %cond3A_87 = arith.cmpi ne, %convert_element_type3A_85, %cond3A_86 : i32
        scf.if %cond3A_87 {
          %swap3A_93 = arith.constant 0 : index
          %swap3A_94 = arith.constant 0 : index
          %swap3A_95 = arith.constant 0 : index
          %swap3A_96 = vector.load %arg8[%swap3A_93, %swap3A_94, %swap3A_95] : memref<1x1x128xf32, #tpu.memory_space<vmem>>, vector<1x1x128xf32>
          tpu.vector_store %arg8[%swap3A_93, %swap3A_94, %swap3A_95], %broadcast_in_dim3A_82 {strides = array<i32>} : memref<1x1x128xf32, #tpu.memory_space<vmem>>, vector<1x1x128xf32>,
        } else {
        }
        %gt3A_88 = arith.constant 0 : i32
        %gt3A_89 = arith.cmpi sgt, %arg1, %gt3A_88 : i32
        %convert_element_type3A_90 = arith.extui %gt3A_89 : i1 to i32
        %cond3A_91 = arith.constant 0 : i32
        %cond3A_92 = arith.cmpi ne, %convert_element_type3A_90, %cond3A_91 : i32
        scf.if %cond3A_92 {
          %get3A_93 = arith.constant 0 : index
          %get3A_94 = arith.constant 0 : index
          %get3A_95 = arith.constant 0 : index
          %get3A_96 = vector.load %arg8[%get3A_93, %get3A_94, %get3A_95] : memref<1x1x128xf32, #tpu.memory_space<vmem>>, vector<1x1x128xf32>
          %max3A_97 = arith.maximumf %get3A_96, %broadcast_in_dim3A_82 : vector<1x1x128xf32>
          %swap3A_98 = arith.constant 0 : index
          %swap3A_99 = arith.constant 0 : index
          %swap3A_100 = arith.constant 0 : index
          %swap3A_101 = vector.load %arg8[%swap3A_98, %swap3A_99, %swap3A_100] : memref<1x1x128xf32, #tpu.memory_space<vmem>>, vector<1x1x128xf32>
          tpu.vector_store %arg8[%swap3A_98, %swap3A_99, %swap3A_100], %max3A_97 {strides = array<i32>} : memref<1x1x128xf32, #tpu.memory_space<vmem>>, vector<1x1x128xf32>,
        } else {
        }
      } else {
      }
    } else {
    }
    return
  }
  func.func @transform_0(%arg0: i32, %arg1: i32) -> (i32, i32) {
    %eq3A = arith.constant 0 : i32
    %eq3A_0 = arith.cmpi eq, %arg0, %eq3A : i32
    %jit3A = arith.constant 0 : i32
    %select_n3A = arith.select %eq3A_0, %arg1, %jit3A : i32
    %c0_i32 = arith.constant 0 : i32
    %c0_i32_1 = arith.constant 0 : i32
    return %select_n3A, %c0_i32 : i32, i32
  }
  func.func @transform_1(%arg0: i32, %arg1: i32) -> (i32, i32) {
    %c0_i32 = arith.constant 0 : i32
    %c0_i32_0 = arith.constant 0 : i32
    %c0_i32_1 = arith.constant 0 : i32
    return %c0_i32, %c0_i32_0 : i32, i32
  }
  func.func @transform_2(%arg0: i32, %arg1: i32) -> (i32, i32, i32) {
    %max3A = arith.constant 1 : i32
    %max3A_0 = arith.maxsi %arg0, %max3A : i32
    %sub3A = arith.constant 1 : i32
    %sub3A_1 = arith.subi %max3A_0, %sub3A : i32
    %c0_i32 = arith.constant 0 : i32
    %c0_i32_2 = arith.constant 0 : i32
    %c0_i32_3 = arith.constant 0 : i32
    return %sub3A_1, %c0_i32, %c0_i32_2 : i32, i32, i32
  }
  func.func @transform_3(%arg0: i32, %arg1: i32) -> (i32, i32, i32) {
    %max3A = arith.constant 1 : i32
    %max3A_0 = arith.maxsi %arg0, %max3A : i32
    %sub3A = arith.constant 1 : i32
    %sub3A_1 = arith.subi %max3A_0, %sub3A : i32
    %c0_i32 = arith.constant 0 : i32
    %c0_i32_2 = arith.constant 0 : i32
    %c0_i32_3 = arith.constant 0 : i32
    return %sub3A_1, %c0_i32, %c0_i32_2 : i32, i32, i32
  }
  func.func @transform_4(%arg0: i32, %arg1: i32) -> i32 {
    %c0_i32 = arith.constant 0 : i32
    %c0_i32_0 = arith.constant 0 : i32
    return %c0_i32 : i32
  }
  func.func @transform_5(%arg0: i32, %arg1: i32) -> i32 {
    %c0_i32 = arith.constant 0 : i32
    %c0_i32_0 = arith.constant 0 : i32
    return %c0_i32 : i32
  }
  func.func @transform_6(%arg0: i32, %arg1: i32) -> (i32, i32, i32) {
    %c0_i32 = arith.constant 0 : i32
    %c0_i32_0 = arith.constant 0 : i32
    %c0_i32_1 = arith.constant 0 : i32
    %c0_i32_2 = arith.constant 0 : i32
    return %c0_i32, %c0_i32_0, %c0_i32_1 : i32, i32, i32
  }
}

module attributes {stable_mosaic.version = 14 : i64} {
  func.func @_head_body(%arg0: memref<4x128xf32, #tpu.memory_space<vmem>>, %arg1: memref<128xf32, #tpu.memory_space<vmem>>, %arg2: memref<128xf32, #tpu.memory_space<vmem>>, %arg3: memref<128x3xf32, #tpu.memory_space<vmem>>, %arg4: memref<3xf32, #tpu.memory_space<vmem>>, %arg5: memref<4x3xf32, #tpu.memory_space<vmem>>) attributes {dimension_semantics = [], scalar_prefetch = 0 : i64, scratch_operands = 0 : i64, tpu.core_type = #tpu.core_type<tc>} {
    %get3A = arith.constant 0 : index
    %get3A_0 = arith.constant 0 : index
    %get3A_1 = vector.load %arg0[%get3A, %get3A_0] : memref<4x128xf32, #tpu.memory_space<vmem>>, vector<4x128xf32>
    %get3A_2 = arith.constant 0 : index
    %get3A_3 = vector.load %arg1[%get3A_2] : memref<128xf32, #tpu.memory_space<vmem>>, vector<128xf32>
    %get3A_4 = arith.constant 0 : index
    %get3A_5 = vector.load %arg2[%get3A_4] : memref<128xf32, #tpu.memory_space<vmem>>, vector<128xf32>
    %reduce_sum3A = arith.constant dense<0.000000e+00> : vector<4xf32>
    %reduce_sum3A_6 = vector.multi_reduction <add>, %get3A_1, %reduce_sum3A [1] : vector<4x128xf32> to vector<4xf32>
    %broadcast_in_dim3A = vector.shape_cast %reduce_sum3A_6 : vector<4xf32> to vector<4x1xf32>
    %div3A = arith.constant 1.280000e+02 : f32
    %div3A_7 = vector.broadcast %div3A : f32 to vector<4x1xf32>
    %div3A_8 = arith.divf %broadcast_in_dim3A, %div3A_7 : vector<4x1xf32>
    %sub3A = vector.broadcast %div3A_8 : vector<4x1xf32> to vector<4x128xf32>
    %sub3A_9 = arith.subf %get3A_1, %sub3A : vector<4x128xf32>
    %integer_pow3A = arith.mulf %sub3A_9, %sub3A_9 : vector<4x128xf32>
    %reduce_sum3A_10 = arith.constant dense<0.000000e+00> : vector<4xf32>
    %reduce_sum3A_11 = vector.multi_reduction <add>, %integer_pow3A, %reduce_sum3A_10 [1] : vector<4x128xf32> to vector<4xf32>
    %broadcast_in_dim3A_12 = vector.shape_cast %reduce_sum3A_11 : vector<4xf32> to vector<4x1xf32>
    %div3A_13 = arith.constant 1.280000e+02 : f32
    %div3A_14 = vector.broadcast %div3A_13 : f32 to vector<4x1xf32>
    %div3A_15 = arith.divf %broadcast_in_dim3A_12, %div3A_14 : vector<4x1xf32>
    %sub3A_16 = vector.broadcast %div3A_8 : vector<4x1xf32> to vector<4x128xf32>
    %sub3A_17 = arith.subf %get3A_1, %sub3A_16 : vector<4x128xf32>
    %add3A = arith.constant 9.99999974E-6 : f32
    %add3A_18 = vector.broadcast %add3A : f32 to vector<4x1xf32>
    %add3A_19 = arith.addf %div3A_15, %add3A_18 : vector<4x1xf32>
    %rsqrt3A = math.rsqrt %add3A_19 : vector<4x1xf32>
    %mul3A = vector.broadcast %rsqrt3A : vector<4x1xf32> to vector<4x128xf32>
    %mul3A_20 = arith.mulf %sub3A_17, %mul3A : vector<4x128xf32>
    %broadcast_in_dim3A_21 = vector.shape_cast %get3A_3 : vector<128xf32> to vector<1x128xf32>
    %mul3A_22 = vector.broadcast %broadcast_in_dim3A_21 : vector<1x128xf32> to vector<4x128xf32>
    %mul3A_23 = arith.mulf %mul3A_20, %mul3A_22 : vector<4x128xf32>
    %broadcast_in_dim3A_24 = vector.shape_cast %get3A_5 : vector<128xf32> to vector<1x128xf32>
    %add3A_25 = vector.broadcast %broadcast_in_dim3A_24 : vector<1x128xf32> to vector<4x128xf32>
    %add3A_26 = arith.addf %mul3A_23, %add3A_25 : vector<4x128xf32>
    %get3A_27 = arith.constant 0 : index
    %get3A_28 = arith.constant 0 : index
    %get3A_29 = vector.load %arg3[%get3A_27, %get3A_28] : memref<128x3xf32, #tpu.memory_space<vmem>>, vector<128x3xf32>
    %dot_general3A = arith.constant dense<0.000000e+00> : vector<4x3xf32>
    %dot_general3A_30 = tpu.matmul %add3A_26, %get3A_29, %dot_general3A {dimension_numbers = #tpu.dot_dimension_numbers<[1], [0], [0], [1], [0, 0, 1, 1], [], []>, precision = #tpu.contract_precision<fp32>, transpose_lhs_hint = false} : vector<4x128xf32>, vector<128x3xf32>, vector<4x3xf32> -> vector<4x3xf32>
    %get3A_31 = arith.constant 0 : index
    %get3A_32 = vector.load %arg4[%get3A_31] : memref<3xf32, #tpu.memory_space<vmem>>, vector<3xf32>
    %broadcast_in_dim3A_33 = vector.shape_cast %get3A_32 : vector<3xf32> to vector<1x3xf32>
    %add3A_34 = vector.broadcast %broadcast_in_dim3A_33 : vector<1x3xf32> to vector<4x3xf32>
    %add3A_35 = arith.addf %dot_general3A_30, %add3A_34 : vector<4x3xf32>
    %swap3A = arith.constant 0 : index
    %swap3A_36 = arith.constant 0 : index
    %swap3A_37 = vector.load %arg5[%swap3A, %swap3A_36] : memref<4x3xf32, #tpu.memory_space<vmem>>, vector<4x3xf32>
    tpu.vector_store %arg5[%swap3A, %swap3A_36], %add3A_35 {strides = array<i32>} : memref<4x3xf32, #tpu.memory_space<vmem>>, vector<4x3xf32>,
    return
  }
}

</mosaic_0001>

<sc_bundles>
// kernel: kernel.11.cloned.1.call-start
scs
__scs_entry_jumppad:
0x0: {  	(pc) =	sbr.rel $0x88, $3  }
0x1: {  	(tag) =	ssettag $0x0;
	lr =	simm.s32 $0x1  }
0x2: {  	[smem:$0x3F94] =	sst lr;
	_ =	strace $0xD0000000  }
0x3: {  	_ = 	snop  }
0x4: {  	_ = 	snop  }
0x5: {  	_ = 	snop  }
0x6: {  	_ = 	snop  }
0x7: {  	_ = 	snop  }
__scs_overlays_trampoline_lowered:
0x8: {  	[smem:$0x3FA3] =	sst s0  }
0x9: {  	[smem:$0x3FA4] =	sst s1  }
0xa: {  	[smem:$0x3FA5] =	sst s2  }
0xb: {  	[smem:$0x3FA6] =	sst s3  }
0xc: {  	[smem:$0x3FA7] =	sst s4  }
0xd: {  	[smem:$0x3FA8] =	sst s5  }
0xe: {  	[smem:$0x3FA9] =	sst s6  }
0xf: {  	[smem:$0x3FAA] =	sst s7  }
0x10: {  	[smem:$0x3FAB] =	sst s8  }
0x11: {  	[smem:$0x3FAC] =	sst s9;
	s0 =	simm.s32 @!p0 $0x0  }
0x12: {  	s1 =	sld [smem:$0x3F92];
	s0 =	simm.s32 @p0 $0x1  }
0x13: {  	[smem:$0x3FAD] =	sst s0;
	s0 =	simm.s32 @!p1 $0x0  }
0x14: {  	s2 =	sld [smem:$0x3F91];
	s0 =	simm.s32 @p1 $0x1  }
0x15: {  	[smem:$0x3FAE] =	sst s0;
	s0 =	simm.s32 @!p2 $0x0  }
0x16: {  	s3 =	sld [smem:$0x3FDB];
	s0 =	simm.s32 @p2 $0x1  }
0x17: {  	s4 =	simm.s32 $0x1BF5;
	[smem:$0x3FB0] =	sst s0  }
0x18: {  	s0 =	sld [smem:$0x3F93];
	_ =	swait.ge [sflag:s4], $0x0  }
0x19: {  	s7 =	sld [smem:$0x3F94]  }
0x1a: {  	s8 =	sadd.s32 $0xFFFFE003, lr  }
0x1b: {  	s9 =	sadd.s32 $0xFFFFFEF7, lr;
	s5 =	simm.s32 $0xFFFFFFFF;
	p2 =	slt.u32 s8, $0xFFFFF086  }
0x1c: {  	p1 =	slt.u32 s9, $0xF7A;
	s5 =	simm.s32 @!p2 $0x0  }
0x1d: {  	s5 =	simm.s32 @p1 $0x1;
	p0 =	seq.s32 s7, s2  }
0x1e: {  	s7 =	smul.u32 @!p0 $0xF7A, s2;
	p2 =	seq.s32 @!p0 s5, $0x0  }
0x1f: {  	s9 =	smul.u32 $0xF7A, s1;
	s8 =	simm.s32 @!p0 $0x1BF5;
	p2 =	por !p2, p0  }
0x20: {  	[sflag:s8] =	ssyncset.s32 @!p0 $0xFFFFF086;
	s6 =	sadd.s32 @!p0 s3, s7;
	s7 =	simm.s32 @!p0 $0x108  }
0x21: {  	s3 =	sadd.s32 s3, s9;
	s6 =	sadd.s32 @!p0 $0x88, s6;
	s7 =	simm.s32 @p2 $0x1082  }
0x22: {  	[simem:s7], [sflag:s8] =	dma.local @!p0 [hbm:s6], $0xF7A  }
0x23: {  	s9 =	sor.u32 $0xD0000000, s2;
	s6 =	simm.s32 $0x108;
	_ =	swait.ge @!p0 [sflag:s8], $0x0  }
0x24: {  	s3 =	sadd.s32 $0x88, s3;
	s6 =	simm.s32 @!p1 $0x1082;
	[sflag:s4] =	ssyncset.s32 $0xFFFFF086  }
0x25: {  	[simem:s6], [sflag:s4] =	dma.local [hbm:s3], $0xF7A  }
0x26: {  	[smem:$0x3F94] =	sst s1;
	(tag) =	ssettag s2;
	_ =	strace s9  }
0x27: {  	s1 =	sld [smem:$0x3FA4]  }
0x28: {  	s2 =	sld [smem:$0x3FA5]  }
0x29: {  	s4 =	sld [smem:$0x3FA7]  }
0x2a: {  	p0 =	seq.s32 s5, $0x0;
	s5 =	sld [smem:$0x3FA8]  }
0x2b: {  	s6 =	sld [smem:$0x3FA9]  }
0x2c: {  	s7 =	sld [smem:$0x3FAA]  }
0x2d: {  	s3 =	simm.s32 $0x108;
	s8 =	sld [smem:$0x3FAB]  }
0x2e: {  	s3 =	simm.s32 @!p0 $0x1082;
	s9 =	sld [smem:$0x3FAC]  }
0x2f: {  	lr =	sadd.s32 s0, s3;
	s0 =	sld [smem:$0x3FA3]  }
0x30: {  	s3 =	sld [smem:$0x3FA6]  }
0x31: {  	[smem:$0x3FAF] =	sst s10  }
0x32: {  	s10 =	sld [smem:$0x3FAD];
	_ =	sdelay $0x3  }
0x33: {  	p0 =	seq.s32 s10, $0x1;
	s10 =	sld [smem:$0x3FAF];
	_ =	sdelay $0x3  }
0x34: {  	[smem:$0x3FAF] =	sst s10  }
0x35: {  	s10 =	sld [smem:$0x3FAE];
	_ =	sdelay $0x3  }
0x36: {  	p1 =	seq.s32 s10, $0x1;
	s10 =	sld [smem:$0x3FAF];
	_ =	sdelay $0x3  }
0x37: {  	[smem:$0x3FAF] =	sst s10  }
0x38: {  	s10 =	sld [smem:$0x3FB0]  }
0x39: {  	_ = 	snop;
	(pc) =	sbr.ind lr, $3  }
0x3a: {  	_ = 	snop  }
0x3b: {  	_ = 	snop  }
0x3c: {  	p2 =	seq.s32 s10, $0x1;
	s10 =	sld [smem:$0x3FAF]  }
0x3d: {  	_ =	shalt  }
0x3e: {  	_ =	shalt  }
0x3f: {  	_ =	shalt  }
0x40: {  	_ =	shalt  }
0x41: {  	_ =	shalt  }
0x42: {  	_ =	shalt  }
0x43: {  	_ =	shalt  }
0x44: {  	_ =	shalt  }
0x45: {  	_ =	shalt  }
0x46: {  	_ =	shalt  }
0x47: {  	_ =	shalt  }
0x48: {  	_ =	shalt  }
0x49: {  	_ =	shalt  }
0x4a: {  	_ =	shalt  }
0x4b: {  	_ =	shalt  }
0x4c: {  	_ =	shalt  }
0x4d: {  	_ =	shalt  }
0x4e: {  	_ =	shalt  }
0x4f: {  	_ =	shalt  }
0x50: {  	_ =	shalt  }
0x51: {  	_ =	shalt  }
0x52: {  	_ =	shalt  }
0x53: {  	_ =	shalt  }
0x54: {  	_ =	shalt  }
0x55: {  	_ =	shalt  }
0x56: {  	_ =	shalt  }
0x57: {  	_ =	shalt  }
0x58: {  	_ =	shalt  }
0x59: {  	_ =	shalt  }
0x5a: {  	_ =	shalt  }
0x5b: {  	_ =	shalt  }
0x5c: {  	_ =	shalt  }
0x5d: {  	_ =	shalt  }
0x5e: {  	_ =	shalt  }
0x5f: {  	_ =	shalt  }
0x60: {  	_ =	shalt  }
0x61: {  	_ =	shalt  }
0x62: {  	_ =	shalt  }
0x63: {  	_ =	shalt  }
0x64: {  	_ =	shalt  }
0x65: {  	_ =	shalt  }
0x66: {  	_ =	shalt  }
0x67: {  	_ =	shalt  }
0x68: {  	_ =	shalt  }
0x69: {  	_ =	shalt  }
0x6a: {  	_ =	shalt  }
0x6b: {  	_ =	shalt  }
0x6c: {  	_ =	shalt  }
0x6d: {  	_ =	shalt  }
0x6e: {  	_ =	shalt  }
0x6f: {  	_ =	shalt  }
0x70: {  	_ =	shalt  }
0x71: {  	_ =	shalt  }
0x72: {  	_ =	shalt  }
0x73: {  	_ =	shalt  }
0x74: {  	_ =	shalt  }
0x75: {  	_ =	shalt  }
0x76: {  	_ =	shalt  }
0x77: {  	_ =	shalt  }
0x78: {  	_ =	shalt  }
0x79: {  	_ =	shalt  }
0x7a: {  	_ =	shalt  }
0x7b: {  	_ =	shalt  }
0x7c: {  	_ =	shalt  }
0x7d: {  	_ =	shalt  }
0x7e: {  	_ =	shalt  }
0x7f: {  	_ =	shalt  }
0x80: {  	_ =	shalt  }
0x81: {  	_ =	shalt  }
0x82: {  	_ =	shalt  }
0x83: {  	_ =	shalt  }
0x84: {  	_ =	shalt  }
0x85: {  	_ =	shalt  }
0x86: {  	_ =	shalt  }
0x87: {  	_ =	shalt  }
.Lfunc_end0:
.L_simem_size_0:
called_computation_lowered:
.L_overlay_start_0:
0x88: {  	s2 =	sld [smem:$0x3FD9]  }
0x89: {  	s3 =	sld [smem:$0x3FFE];
	_ =	sdelay $0x1  }
0x8a: {  	s1 =	srdreg.scid  }
0x8b: {  	s0 =	sand.u32 $0x1, s1  }
0x8c: {  	s17 =	sshll.u32 s0, $0xA;
	s2 =	sadd.s32 s3, s2  }
0x8d: {  	s2 =	sadd.s32 s2, s17  }
0x8e: {  	[smem:$0x3FBB] =	sst s2  }
0x8f: {  	_ = 	snop  }
0x90: {  	(tm) =	ssettm $0x1  }
0x91: {  	s18 =	sld [smem:$0x3FFB];
	_ =	sdelay $0x3  }
0x92: {  	_ =	strace s18  }
0x93: {  	s2 =	sld [smem:$0x3FFC];
	_ =	sdelay $0x3  }
0x94: {  	_ =	strace s2  }
0x95: {  	s2 =	sld [smem:$0x3FFD];
	_ =	sdelay $0x3  }
0x96: {  	_ =	strace s2  }
0x97: {  	_ =	strace $0x8FFFFFFF  }
0x98: {  	s19 =	sld [smem:$0x3FDB];
	_ =	sdelay $0x1  }
0x99: {  	s20 =	simm.s32 $_scs_section_size  }
0x9a: {  	s4 =	simm.s32 $_size__tile_overlayer_lowered;
	s5 =	simm.s32 $_tile_overlayer_lowered  }
0x9b: {  	s6 =	simm.s32 $0x1BFF;
	s21 =	sshll.u32 s5, $0x1;
	s3 =	sadd.s32 s20, s19  }
0x9c: {  	s22 =	simm.s32 $0x0;
	s4 =	sshll.u32 s4, $0x1;
	s5 =	sadd.s32 s21, s3  }
0x9d: {  	[timem:s22], [sflag:s6] =	dma.local [hbm:s5], s4  }
0x9e: {  	_ =	swait.ge [sflag:s6], s4  }
0x9f: {  	s4 =	ssub.s32 $0x0, s4;
	[sflag:s6] =	ssyncset.done $0x0  }
0xa0: {  	[sflag:s6] =	ssyncadd.s32 s4;
	_ =	sdelay $0x1  }
0xa1: {  	s23 =	simm.s32 $0x1B8B  }
0xa2: {  	_ =	swait.ge [sflag:s23], $0x1  }
0xa3: {  	[sflag:s23] =	ssyncset.done $0x0  }
0xa4: {  	[sflag:s23] =	ssyncadd.s32 $0xFFFFFFFF  }
0xa5: {  	s4 =	sld [smem:$0x0]  }
0xa6: {  	s5 =	sand.u32 $0xFFFFFFFE, s1  }
0xa7: {  	p0 =	sne.s32 s1, s5  }
0xa8: {  	s5 =	sshll.u32 @p0 s5, $0xE  }
0xa9: {  	s5 =	sadd.s32 @p0 $0x11B8D, s5;
	s6 =	sshll.u32 @p0 s4, $0x11  }
0xaa: {  	s5 =	sor.u32 @p0 s6, s5  }
0xab: {  	[sflag:s5] =	ssyncadd.remote.s32 @p0 $0x1;
	_ =	sdelay $0x1  }
0xac: {  	s5 =	simm.s32 @p0 $0x1B8D  }
0xad: {  	_ =	swait.eq @p0 [sflag:s5], $0x1  }
0xae: {  	[sflag:s5] =	ssyncadd.s32 @p0 $0xFFFFFFFF  }
0xaf: {  	s6 =	sshll.u32 @!p0 s1, $0xE  }
0xb0: {  	s6 =	sor.u32 @!p0 $0x4000, s6;
	s5 =	simm.s32 @!p0 $0x1B8D  }
0xb1: {  	s4 =	sshll.u32 @!p0 s4, $0x11;
	s6 =	sadd.s32 @!p0 $0x11B8D, s6;
	_ =	swait.eq @!p0 [sflag:s5], $0x1  }
0xb2: {  	s4 =	sor.u32 @!p0 s4, s6;
	[sflag:s5] =	ssyncadd.s32 @!p0 $0xFFFFFFFF  }
0xb3: {  	s25 =	simm.s32 $0x1B8E;
	s24 =	sld [smem:$0x3FFE];
	[sflag:s4] =	ssyncadd.remote.s32 @!p0 $0x1  }
0xb4: {  	s26 =	simm.s32 $execute0_lowered;
	[smem:$0x3FD2] =	sst s25  }
0xb5: {  	s5 =	sshll.u32 s26, $0x1;
	_ =	strace $0x8000004F;
	[dreg:$0x1] =	wrdreg $0xFFFFFFFF  }
0xb6: {  	s28 =	simm.s32 $_size_execute0_lowered;
	s3 =	sadd.s32 s3, s5;
	[dreg:$0x0] =	wrdreg $0x0  }
0xb7: {  	s5 =	sshll.u32 s28, $0x1;
	[dreg:$0x2] =	wrdreg s3  }
0xb8: {  	[dreg:$0x3] =	wrdreg s5  }
0xb9: {  	[dreg:$0x4] =	wrdreg $0xC0  }
0xba: {  	_ =	task [dreg:s22], $0x5FFFF  }
0xbb: {  	[dreg:$0x1] =	wrdreg $0xFFFFFFFF  }
0xbc: {  	[dreg:$0x0] =	wrdreg $0x60  }
0xbd: {  	[dreg:$0x2] =	wrdreg s24  }
0xbe: {  	[dreg:$0x3] =	wrdreg $0x1CE800  }
0xbf: {  	[dreg:$0x4] =	wrdreg $0x9  }
0xc0: {  	_ =	task.clear_ibuf [dreg:s22], $0x5FFFF;
	_ =	strace $0x9000004F  }
0xc1: {  	s29 =	simm.s32 $0x9;
	_ =	strace $0x80000051  }
0xc2: {  	_ =	swait.ge [sflag:s29], $0x1  }
0xc3: {  	[sflag:s29] =	ssyncadd.s32 $0xFFFFFFFF  }
0xc4: {  	_ =	strace $0x90000051  }
0xc5: {  	_ =	sfence  }
0xc6: {  	s30 =	sld [smem:$0x0];
	_ =	sdelay $0x2  }
0xc7: {  	s31 =	sshll.u32 s1, $0xD;
	s1 =	sshrl.u32 s1, $0x2  }
0xc8: {  	s4 =	sand.u32 $0x4000, s31;
	s1 =	sadd.s32 s1, s30  }
0xc9: {  	s0 =	sor.u32 s4, s0;
	s1 =	sshll.u32 s1, $0x11  }
0xca: {  	s0 =	sor.u32 s1, s0  }
0xcb: {  	s0 =	sadd.s32 $0x8F2B, s0  }
0xcc: {  	[sflag:s0] =	ssyncadd.remote.s32 $0x1  }
0xcd: {  	_ =	sfence.sel $0xFFFF  }
0xce: {  	[dreg:$0x0] =	wrdreg $0xFFFFFFFF;
	(pc) =	sbr.abs _section_cstart, $3  }
0xcf: {  	[dreg:$0x1] =	wrdreg $0xFFFFFFFF  }
0xd0: {  	_ =	task.clear_ibuf [dreg:s22], $0x2FFFF;
	_ =	strace $0x9FFFFFFF  }
0xd1: {  	(tm) =	ssettm $0x7FFFFFFF  }
tec
execute0_lowered:
.L_overlay_start_1:
0x0: {  	(tag) =	ssettag $0x1  }
0x1: {  	s4 =	rddreg [dreg:$0x0];
	s0 =	srdreg.scid  }
0x2: {  	s6 =	stileid.u32;
	s1 =	rddreg [dreg:$0x1];
	s2 =	simm.s32 $0x0  }
0x3: {  	s5 =	sand.u32 $0x1, s0;
	s3 =	sshll.u32 s6, $0x1;
	s0 =	rddreg [dreg:$0x2]  }
0x4: {  	s11 =	simm.s32 $0x0;
	[smem:$0x7FF] =	sst s2;
	s3 =	sor.u32 s5, s3  }
0x5: {  	s7 =	sadd.s32 $0x26E800, s4;
	s5 =	ssub.s32 $0x2, s5;
	s9 =	smul.u32 $0x19000, s3  }
0x6: {  	p0 =	sne.s32 s6, $0x0;
	_ =	strace $0x80000050;
	s29 =	sshrl.u32 s5, $0x1  }
0x7: {  	s3 =	sadd.s32 $0x269800, s4;
	s8 =	ssub.s32 s5, s29;
	s10 =	sadd.s32 $0x320000, s9  }
0x8: {  	s30 =	sshrl.u32 s9, $0x3;
	s6 =	smax.u32 s8, $0x1;
	s8 =	simm.s32 $0x1  }
0x9: {  	v0 =	vmov s9;
	s9 =	simm.s32 $0x3E80;
	s31 =	sshrl.u32 s10, $0x3;
	s4 =	sadd.s32 s7, s30  }
0xa: {  	v2 =	vimm.f32 $0.0e+00;
	v1 =	vmov s10;
	s10 =	simm.s32 $0x2;
	s5 =	sadd.s32 s7, s31;
	s7 =	sshrl.u32 @!p0 s1, $0x3  }
.LBB2_1:
0xb: {  	s12 =	simm.s32 @!p0 $0x1C03  }
0xc: {  	[spmem:s7], [sflag:s12] =	dma.local @!p0 [hbm:s3], $0x4E20  }
0xd: {  	s12 =	simm.s32 @!p0 $0x3  }
0xe: {  	_ =	swait.ge @!p0 [sflag:s12], $0x4E20  }
0xf: {  	[sflag:s12] =	ssyncset.done @!p0 $0x0  }
0x10: {  	[sflag:s12] =	ssyncadd.s32 @!p0 $0xFFFFB1E0  }
0x11: {  	s13 =	simm.s32 $0x0;
	s12 =	simm.s32 $0x40;
	[bflag:$0x0] =	sbarrier.arrive $0xFFFF  }
0x12: {  	[tilespmem:s2], [sflag:$0x1] =	stream.linear.gather [spmem:s1], $0x1F40, $0x38;
	[tilespmem:$0x1F590] =	vst v63  }
.LBB2_2:
0x13: {  	p1 =	sne.s32 s12, $0x63FC0;
	[tilespmem:s13+$0x3E80] =	vst v2;
	s13 =	smov.u32 s12;
	s12 =	sadd.s32 $0x40, s12  }
.Ltmp0:
0x14: {  	(pc) =	sbr.rel @p1 .LBB2_2-.Ltmp0, $2  }
0x15: {  	_ =	sdelay $0x2  }
0x16: {  	s13 =	sshra.s32 s13, $0x2  }
0x17: {  	[tilespmem:s13+$0x3E80] =	vst v2;
	s12 =	simm.s32 $0x0;
	s13 =	simm.s32 $0x0  }
.LBB2_4:
0x18: {  	s14 =	sand.u32 $0x1, s13  }
0x19: {  	p1 =	seq.s32 s14, $0x1;
	s14 =	simm.s32 $0x1F40  }
0x1a: {  	s14 =	simm.s32 @!p1 $0x0  }
0x1b: {  	p1 =	seq.s32 s13, $0x13;
	s15 =	sshll.u32 s14, $0x2  }
0x1c: {  	s16 =	smul.u32 @!p1 $0x7D00, s13;
	s17 =	sshrl.u32 s15, $0x2  }
0x1d: {  	_ =	swait.ge [sflag:s8], $0x1F40;
	v3 =	vmov s17  }
0x1e: {  	[sflag:s8] =	ssyncset.done $0x0;
	s16 =	sshra.s32 @!p1 s16, $0x2  }
0x1f: {  	[sflag:s8] =	ssyncadd.s32 $0xFFFFE0C0;
	s15 =	sand.u32 $0x7F00, s15;
	s16 =	sadd.s32 @!p1 s16, s1  }
0x20: {  	s14 =	ssub.s32 @!p1 $0x1F40, s14;
	s15 =	sshrl.u32 s15, $0x2;
	s16 =	sadd.s32 @!p1 $0x1F40, s16  }
0x21: {  	v4 =	vmov s15;
	[tilespmem:s14], [sflag:$0x1] =	stream.linear.gather @!p1 [spmem:s16], $0x1F40, $0x38;
	[tilespmem:$0x1F590] =	vst v63  }
0x22: {  	v5 =	vld.idx.msk [tilespmem:v3+s12+$0x40 ss:$0x1], $0xffff;
	_ =	sdelay $0x3  }
0x23: {  	v6 =	vld.idx.msk [tilespmem:v4+s12+$0x0 ss:$0x1], $0xffff  }
0x24: {  	v5 =	vsub.s32 v5, v0  }
0x25: {  	vm0 =	vlt.u32 v5, $0x19000  }
0x26: {  	v7 =	vld.idx.msk [tilespmem:v3+s12+$0xFE0 ss:$0x1], $0xffff;
	v5 =	vnsel vm0, $0x0, v5;
	_ =	sdelay $0x1  }
0x27: {  	v6 =	vsub.s32 v6, v0  }
0x28: {  	vm1 =	vlt.u32 v6, $0x19000  }
0x29: {  	v8 =	vld.idx.msk [tilespmem:v3+s12+$0xFA0 ss:$0x1], $0xffff;
	v6 =	vnsel vm1, $0x0, v6  }
0x2a: {  	[tilespmem:v5+s9+$0x0] =	vst.idx.add.f32.msk vm0, v7  }
0x2b: {  	v5 =	vld.idx.msk [tilespmem:v3+s12+$0x50 ss:$0x1], $0xffff;
	_ =	sdelay $0x2  }
0x2c: {  	[tilespmem:v6+s9+$0x0] =	vst.idx.add.f32.msk vm1, v8  }
0x2d: {  	v6 =	vld.idx.msk [tilespmem:v4+s12+$0x10 ss:$0x1], $0xffff  }
0x2e: {  	v5 =	vsub.s32 v5, v0  }
0x2f: {  	vm0 =	vlt.u32 v5, $0x19000  }
0x30: {  	v7 =	vld.idx.msk [tilespmem:v3+s12+$0xFF0 ss:$0x1], $0xffff;
	v5 =	vnsel vm0, $0x0, v5  }
0x31: {  	s14 =	simm.s32 $0x80  }
0x32: {  	v8 =	vld.idx.msk [tilespmem:v3+s14+$0x40 ss:$0x1], $0xffff;
	v6 =	vsub.s32 v6, v0  }
0x33: {  	v10 =	vld.idx.msk [tilespmem:v4+s14+$0x0 ss:$0x1], $0xffff;
	vm1 =	vlt.u32 v6, $0x19000  }
0x34: {  	v9 =	vld.idx.msk [tilespmem:v3+s12+$0xFB0 ss:$0x1], $0xffff;
	v6 =	vnsel vm1, $0x0, v6  }
0x35: {  	[tilespmem:v5+s9+$0x0] =	vst.idx.add.f32.msk vm0, v7  }
0x36: {  	v5 =	vld.idx.msk [tilespmem:v3+s12+$0x60 ss:$0x1], $0xffff  }
0x37: {  	v7 =	vsub.s32 v8, v0  }
0x38: {  	v8 =	vld.idx.msk [tilespmem:v3+s14+$0xFE0 ss:$0x1], $0xffff;
	vm0 =	vlt.u32 v7, $0x19000  }
0x39: {  	v10 =	vsub.s32 v10, v0;
	[tilespmem:v6+s9+$0x0] =	vst.idx.add.f32.msk vm1, v9;
	v7 =	vnsel vm0, $0x0, v7  }
0x3a: {  	vm1 =	vlt.u32 v10, $0x19000;
	v6 =	vld.idx.msk [tilespmem:v4+s12+$0x20 ss:$0x1], $0xffff  }
0x3b: {  	v9 =	vld.idx.msk [tilespmem:v3+s14+$0xFA0 ss:$0x1], $0xffff;
	v10 =	vnsel vm1, $0x0, v10;
	v5 =	vsub.s32 v5, v0  }
0x3c: {  	v12 =	vld.idx.msk [tilespmem:v3+s12+$0x1000 ss:$0x1], $0xffff;
	vm2 =	vlt.u32 v5, $0x19000  }
0x3d: {  	v11 =	vld.idx.msk [tilespmem:v3+s12+$0xFC0 ss:$0x1], $0xffff;
	v5 =	vnsel vm2, $0x0, v5  }
0x3e: {  	[tilespmem:v7+s9+$0x0] =	vst.idx.add.f32.msk vm0, v8  }
0x3f: {  	v6 =	vsub.s32 v6, v0;
	v7 =	vld.idx.msk [tilespmem:v3+s14+$0x50 ss:$0x1], $0xffff  }
0x40: {  	[tilespmem:v10+s9+$0x0] =	vst.idx.add.f32.msk vm1, v9;
	vm0 =	vlt.u32 v6, $0x19000  }
0x41: {  	v9 =	vld.idx.msk [tilespmem:v4+s14+$0x10 ss:$0x1], $0xffff;
	v13 =	vnsel vm0, $0x0, v6  }
0x42: {  	[tilespmem:v5+s9+$0x0] =	vst.idx.add.f32.msk vm2, v12  }
0x43: {  	v6 =	vld.idx.msk [tilespmem:v3+s12+$0x70 ss:$0x1], $0xffff  }
0x44: {  	v8 =	vld.idx.msk [tilespmem:v3+s14+$0xFF0 ss:$0x1], $0xffff;
	v7 =	vsub.s32 v7, v0  }
0x45: {  	v5 =	vld.idx.msk [tilespmem:v3+s14+$0xFB0 ss:$0x1], $0xffff;
	vm1 =	vlt.u32 v7, $0x19000  }
0x46: {  	v10 =	vsub.s32 v9, v0;
	[tilespmem:v13+s9+$0x0] =	vst.idx.add.f32.msk vm0, v11;
	v9 =	vnsel vm1, $0x0, v7  }
0x47: {  	s17 =	simm.s32 $0x100;
	s15 =	simm.s32 $0x0;
	s16 =	simm.s32 $0x2;
	vm0 =	vlt.u32 v10, $0x19000;
	v7 =	vld.idx.msk [tilespmem:v4+s12+$0x30 ss:$0x1], $0xffff  }
.LBB2_5:
0x48: {  	v11 =	vld.idx.msk [tilespmem:v3+s17+$0x40 ss:$0x1], $0xffff;
	s16 =	sadd.s32 $0x2, s16;
	v10 =	vnsel vm0, $0x0, v10;
	v6 =	vsub.s32 v6, v0  }
0x49: {  	p1 =	slt.u32 s16, $0x3C;
	v12 =	vld.idx.msk [tilespmem:v3+s15+$0x1010 ss:$0x1], $0xffff;
	vm2 =	vlt.u32 v6, $0x19000  }
0x4a: {  	v13 =	vld.idx.msk [tilespmem:v4+s17+$0x0 ss:$0x1], $0xffff;
	v6 =	vnsel vm2, $0x0, v6  }
0x4b: {  	[tilespmem:v9+s9+$0x0] =	vst.idx.add.f32.msk vm1, v8  }
0x4c: {  	v8 =	vld.idx.msk [tilespmem:v3+s14+$0x60 ss:$0x1], $0xffff  }
0x4d: {  	v7 =	vsub.s32 v7, v0;
	v9 =	vld.idx.msk [tilespmem:v3+s17+$0xFA0 ss:$0x1], $0xffff  }
0x4e: {  	v11 =	vsub.s32 v11, v0;
	vm1 =	vlt.u32 v7, $0x19000;
	v14 =	vld.idx.msk [tilespmem:v3+s17+$0xFE0 ss:$0x1], $0xffff  }
0x4f: {  	vm3 =	vlt.u32 v11, $0x19000;
	v7 =	vnsel vm1, $0x0, v7;
	[tilespmem:v6+s9+$0x0] =	vst.idx.add.f32.msk vm2, v12  }
0x50: {  	v6 =	vsub.s32 v13, v0;
	v11 =	vnsel vm3, $0x0, v11;
	[tilespmem:v10+s9+$0x0] =	vst.idx.add.f32.msk vm0, v5  }
0x51: {  	vm0 =	vlt.u32 v6, $0x19000;
	v5 =	vld.idx.msk [tilespmem:v4+s14+$0x20 ss:$0x1], $0xffff  }
0x52: {  	v6 =	vnsel vm0, $0x0, v6;
	v8 =	vsub.s32 v8, v0;
	v12 =	vld.idx.msk [tilespmem:v3+s14+$0xFC0 ss:$0x1], $0xffff  }
0x53: {  	vm2 =	vlt.u32 v8, $0x19000;
	v10 =	vld.idx.msk [tilespmem:v3+s14+$0x1000 ss:$0x1], $0xffff  }
0x54: {  	v8 =	vnsel vm2, $0x0, v8;
	v13 =	vld.idx.msk [tilespmem:v3+s15+$0xFD0 ss:$0x1], $0xffff;
	s15 =	smov.u32 s14;
	s14 =	smov.u32 s17  }
0x55: {  	[tilespmem:v11+s9+$0x0] =	vst.idx.add.f32.msk vm3, v14  }
0x56: {  	v11 =	vld.idx.msk [tilespmem:v3+s17+$0x50 ss:$0x1], $0xffff  }
0x57: {  	v5 =	vsub.s32 v5, v0;
	[tilespmem:v6+s9+$0x0] =	vst.idx.add.f32.msk vm0, v9  }
0x58: {  	vm0 =	vlt.u32 v5, $0x19000;
	v9 =	vld.idx.msk [tilespmem:v4+s17+$0x10 ss:$0x1], $0xffff  }
0x59: {  	v14 =	vnsel vm0, $0x0, v5;
	[tilespmem:v8+s9+$0x0] =	vst.idx.add.f32.msk vm2, v10  }
0x5a: {  	v6 =	vld.idx.msk [tilespmem:v3+s15+$0x70 ss:$0x1], $0xffff  }
.Ltmp1:
0x5b: {  	v5 =	vld.idx.msk [tilespmem:v3+s17+$0xFB0 ss:$0x1], $0xffff;
	(pc) =	sbr.rel @p1 .LBB2_5-.Ltmp1, $4  }
0x5c: {  	v11 =	vsub.s32 v11, v0;
	[tilespmem:v7+s9+$0x0] =	vst.idx.add.f32.msk vm1, v13  }
0x5d: {  	vm1 =	vlt.u32 v11, $0x19000;
	v8 =	vld.idx.msk [tilespmem:v3+s17+$0xFF0 ss:$0x1], $0xffff  }
0x5e: {  	v10 =	vsub.s32 v9, v0;
	v9 =	vnsel vm1, $0x0, v11;
	[tilespmem:v14+s9+$0x0] =	vst.idx.add.f32.msk vm0, v12  }
0x5f: {  	s17 =	sadd.s32 $0x80, s17;
	vm0 =	vlt.u32 v10, $0x19000;
	v7 =	vld.idx.msk [tilespmem:v4+s15+$0x30 ss:$0x1], $0xffff  }
0x60: {  	_ =	sdelay $0x1  }
0x61: {  	v10 =	vnsel vm0, $0x0, v10;
	_ =	sdelay $0x2  }
0x62: {  	[tilespmem:v9+s9+$0x0] =	vst.idx.add.f32.msk vm1, v8  }
0x63: {  	v8 =	vld.idx.msk [tilespmem:v3+s14+$0x60 ss:$0x1], $0xffff  }
0x64: {  	[tilespmem:v10+s9+$0x0] =	vst.idx.add.f32.msk vm0, v5  }
0x65: {  	v5 =	vld.idx.msk [tilespmem:v4+s14+$0x20 ss:$0x1], $0xffff;
	_ =	sdelay $0x2  }
0x66: {  	v8 =	vsub.s32 v8, v0  }
0x67: {  	vm12 =	vlt.u32 v8, $0x19000  }
0x68: {  	v9 =	vld.idx.msk [tilespmem:v3+s14+$0x1000 ss:$0x1], $0xffff;
	v8 =	vnsel vm12, $0x0, v8;
	v5 =	vsub.s32 v5, v0  }
0x69: {  	vm13 =	vlt.u32 v5, $0x19000  }
0x6a: {  	v10 =	vld.idx.msk [tilespmem:v3+s14+$0xFC0 ss:$0x1], $0xffff;
	v5 =	vnsel vm13, $0x0, v5;
	_ =	sdelay $0x2  }
0x6b: {  	[tilespmem:v8+s9+$0x0] =	vst.idx.add.f32.msk vm12, v9  }
0x6c: {  	v8 =	vld.idx.msk [tilespmem:v3+s14+$0x70 ss:$0x1], $0xffff  }
0x6d: {  	[tilespmem:v5+s9+$0x0] =	vst.idx.add.f32.msk vm13, v10  }
0x6e: {  	v58 =	vld.idx.msk [tilespmem:v4+s14+$0x30 ss:$0x1], $0xffff;
	_ =	sdelay $0x1  }
0x6f: {  	v60 =	vsub.s32 v7, v0  }
0x70: {  	v59 =	vsub.s32 v6, v0;
	vm15 =	vlt.u32 v60, $0x19000  }
0x71: {  	v62 =	vld.idx.msk [tilespmem:v3+s15+$0xFD0 ss:$0x1], $0xffff;
	vm14 =	vlt.u32 v59, $0x19000;
	v6 =	vnsel vm15, $0x0, v60;
	v8 =	vsub.s32 v8, v0  }
0x72: {  	v61 =	vld.idx.msk [tilespmem:v3+s15+$0x1010 ss:$0x1], $0xffff;
	v5 =	vnsel vm14, $0x0, v59;
	vm2 =	vlt.u32 v8, $0x19000;
	v4 =	vsub.s32 v58, v0  }
0x73: {  	s13 =	sadd.s32 $0x1, s13;
	v63 =	vld.idx.msk [tilespmem:v3+s14+$0x1010 ss:$0x1], $0xffff;
	v8 =	vnsel vm2, $0x0, v8;
	vm3 =	vlt.u32 v4, $0x19000  }
0x74: {  	p1 =	sne.s32 s13, $0x14;
	v3 =	vld.idx.msk [tilespmem:v3+s14+$0xFD0 ss:$0x1], $0xffff;
	v4 =	vnsel vm3, $0x0, v4  }
.Ltmp2:
0x75: {  	_ = 	snop;
	(pc) =	sbr.rel @p1 .LBB2_4-.Ltmp2, $4  }
0x76: {  	[tilespmem:v6+s9+$0x0] =	vst.idx.add.f32.msk vm15, v62  }
0x77: {  	[tilespmem:v5+s9+$0x0] =	vst.idx.add.f32.msk vm14, v61  }
0x78: {  	[tilespmem:v8+s9+$0x0] =	vst.idx.add.f32.msk vm2, v63  }
0x79: {  	[tilespmem:v4+s9+$0x0] =	vst.idx.add.f32.msk vm3, v3  }
0x7a: {  	s12 =	simm.s32 $0x0  }
0x7b: {  	[hbm4b:s4+s12] =	stream.linear.scatter [tilespmem:s9], [sflag:$0x2], $0x19000, $0x38;
	[tilespmem:$0x1F590] =	vst v63  }
0x7c: {  	_ = 	snop  }
0x7d: {  	[tilespmem:s12], [sflag:$0x1] =	stream.linear.gather [spmem:s1], $0x1F40, $0x38;
	[tilespmem:$0x1F590] =	vst v63  }
0x7e: {  	_ =	swait.ge [sflag:s10], $0x19000  }
0x7f: {  	[sflag:s10] =	ssyncset.done $0x0  }
0x80: {  	s13 =	simm.s32 $0x40;
	s14 =	simm.s32 $0x0;
	[sflag:s10] =	ssyncadd.s32 $0xFFFE7000  }
.LBB2_8:
0x81: {  	p1 =	sne.s32 s13, $0x63FC0;
	[tilespmem:s14+$0x3E80] =	vst v2;
	s14 =	smov.u32 s13;
	s13 =	sadd.s32 $0x40, s13  }
.Ltmp3:
0x82: {  	(pc) =	sbr.rel @p1 .LBB2_8-.Ltmp3, $2  }
0x83: {  	_ =	sdelay $0x2  }
0x84: {  	s14 =	sshra.s32 s14, $0x2  }
0x85: {  	[tilespmem:s14+$0x3E80] =	vst v2  }
.LBB2_10:
0x86: {  	s13 =	sand.u32 $0x1, s12  }
0x87: {  	p1 =	seq.s32 s13, $0x1;
	s13 =	simm.s32 $0x1F40  }
0x88: {  	s13 =	simm.s32 @!p1 $0x0  }
0x89: {  	s14 =	sshll.u32 s13, $0x2  }
0x8a: {  	p1 =	seq.s32 s12, $0x13;
	s16 =	sand.u32 $0x7F00, s14  }
0x8b: {  	s15 =	smul.u32 @!p1 $0x7D00, s12;
	s16 =	sshrl.u32 s16, $0x2  }
0x8c: {  	v3 =	vmov s16  }
0x8d: {  	_ =	swait.ge [sflag:s8], $0x1F40;
	s15 =	sshra.s32 @!p1 s15, $0x2  }
0x8e: {  	s31 =	simm.s32 $0x0;
	[sflag:s8] =	ssyncset.done $0x0;
	s15 =	sadd.s32 @!p1 s15, s1  }
0x8f: {  	[sflag:s8] =	ssyncadd.s32 $0xFFFFE0C0;
	s13 =	ssub.s32 @!p1 $0x1F40, s13;
	s15 =	sadd.s32 @!p1 $0x1F40, s15  }
0x90: {  	[tilespmem:s13], [sflag:$0x1] =	stream.linear.gather @!p1 [spmem:s15], $0x1F40, $0x38;
	[tilespmem:$0x1F590] =	vst v63  }
0x91: {  	v4 =	vld.idx.msk [tilespmem:v3+s31+$0x0 ss:$0x1], $0xffff;
	_ =	sdelay $0x4  }
0x92: {  	s14 =	sshrl.u32 s14, $0x2;
	v4 =	vsub.s32 v4, v1  }
0x93: {  	s17 =	sadd.s32 $0x0, s14;
	vm0 =	vlt.u32 v4, $0x19000  }
0x94: {  	v5 =	vld [tilespmem:s17+$0xFA0];
	v4 =	vnsel vm0, $0x0, v4  }
0x95: {  	v6 =	vld [tilespmem:s17+$0x40];
	_ =	sdelay $0x3  }
0x96: {  	[tilespmem:v4+s9+$0x0] =	vst.idx.add.f32.msk vm0, v5  }
0x97: {  	v5 =	vsub.s32 v6, v1;
	v4 =	vld.idx.msk [tilespmem:v3+s31+$0x10 ss:$0x1], $0xffff  }
0x98: {  	vm0 =	vlt.u32 v5, $0x19000  }
0x99: {  	v6 =	vld [tilespmem:s17+$0xFE0];
	v5 =	vnsel vm0, $0x0, v5;
	_ =	sdelay $0x1  }
0x9a: {  	s18 =	simm.s32 $0x80  }
0x9b: {  	v8 =	vld.idx.msk [tilespmem:v3+s18+$0x0 ss:$0x1], $0xffff;
	v4 =	vsub.s32 v4, v1  }
0x9c: {  	v7 =	vld [tilespmem:s17+$0xFB0];
	vm1 =	vlt.u32 v4, $0x19000  }
0x9d: {  	[tilespmem:v5+s9+$0x0] =	vst.idx.add.f32.msk vm0, v6;
	v4 =	vnsel vm1, $0x0, v4  }
0x9e: {  	v5 =	vld [tilespmem:s17+$0x50];
	_ =	sdelay $0x1  }
0x9f: {  	s13 =	sadd.s32 $0x80, s14  }
0xa0: {  	v6 =	vsub.s32 v8, v1;
	v8 =	vld [tilespmem:s13+$0x40]  }
0xa1: {  	vm0 =	vlt.u32 v6, $0x19000;
	[tilespmem:v4+s9+$0x0] =	vst.idx.add.f32.msk vm1, v7  }
0xa2: {  	v6 =	vnsel vm0, $0x0, v6;
	v7 =	vld [tilespmem:s13+$0xFA0];
	v5 =	vsub.s32 v5, v1  }
0xa3: {  	v4 =	vld.idx.msk [tilespmem:v3+s31+$0x20 ss:$0x1], $0xffff;
	vm1 =	vlt.u32 v5, $0x19000  }
0xa4: {  	v9 =	vld [tilespmem:s17+$0xFF0];
	v5 =	vnsel vm1, $0x0, v5;
	_ =	sdelay $0x1  }
0xa5: {  	v10 =	vld [tilespmem:s13+$0xFE0]  }
0xa6: {  	[tilespmem:v6+s9+$0x0] =	vst.idx.add.f32.msk vm0, v7;
	v6 =	vsub.s32 v8, v1  }
0xa7: {  	v11 =	vld [tilespmem:s17+$0xFC0];
	v4 =	vsub.s32 v4, v1;
	vm0 =	vlt.u32 v6, $0x19000  }
0xa8: {  	vm2 =	vlt.u32 v4, $0x19000;
	[tilespmem:v5+s9+$0x0] =	vst.idx.add.f32.msk vm1, v9;
	v5 =	vnsel vm0, $0x0, v6  }
0xa9: {  	v7 =	vld.idx.msk [tilespmem:v3+s18+$0x10 ss:$0x1], $0xffff;
	v4 =	vnsel vm2, $0x0, v4  }
0xaa: {  	v6 =	vld [tilespmem:s17+$0x60];
	_ =	sdelay $0x2  }
0xab: {  	[tilespmem:v5+s9+$0x0] =	vst.idx.add.f32.msk vm0, v10  }
0xac: {  	v7 =	vsub.s32 v7, v1;
	[tilespmem:v4+s9+$0x0] =	vst.idx.add.f32.msk vm2, v11  }
0xad: {  	vm1 =	vlt.u32 v7, $0x19000;
	v5 =	vsub.s32 v6, v1;
	v6 =	vld [tilespmem:s13+$0xFB0]  }
0xae: {  	v7 =	vnsel vm1, $0x0, v7;
	v9 =	vld [tilespmem:s13+$0x50]  }
0xaf: {  	v4 =	vld.idx.msk [tilespmem:v3+s31+$0x30 ss:$0x1], $0xffff  }
0xb0: {  	s16 =	simm.s32 $0x100;
	v8 =	vld [tilespmem:s17+$0x1000]  }
0xb1: {  	v10 =	vld.idx.msk [tilespmem:v3+s16+$0x0 ss:$0x1], $0xffff;
	vm0 =	vlt.u32 v5, $0x19000  }
0xb2: {  	v11 =	vld [tilespmem:s13+$0xFF0];
	v5 =	vnsel vm0, $0x0, v5  }
0xb3: {  	[tilespmem:v7+s9+$0x0] =	vst.idx.add.f32.msk vm1, v6;
	v7 =	vsub.s32 v9, v1  }
0xb4: {  	v12 =	vld [tilespmem:s17+$0xFD0];
	v4 =	vsub.s32 v4, v1;
	vm1 =	vlt.u32 v7, $0x19000  }
0xb5: {  	s15 =	sadd.s32 $0x100, s14;
	v6 =	vld.idx.msk [tilespmem:v3+s18+$0x20 ss:$0x1], $0xffff;
	vm2 =	vlt.u32 v4, $0x19000;
	v7 =	vnsel vm1, $0x0, v7  }
0xb6: {  	v9 =	vld [tilespmem:s15+$0xFA0];
	v4 =	vnsel vm2, $0x0, v4  }
0xb7: {  	[tilespmem:v5+s9+$0x0] =	vst.idx.add.f32.msk vm0, v8;
	v5 =	vsub.s32 v10, v1  }
0xb8: {  	v10 =	vld [tilespmem:s15+$0x40];
	vm0 =	vlt.u32 v5, $0x19000  }
0xb9: {  	v8 =	vld [tilespmem:s17+$0x70];
	v5 =	vnsel vm0, $0x0, v5  }
0xba: {  	v6 =	vsub.s32 v6, v1;
	[tilespmem:v7+s9+$0x0] =	vst.idx.add.f32.msk vm1, v11  }
0xbb: {  	[tilespmem:v4+s9+$0x0] =	vst.idx.add.f32.msk vm2, v12;
	vm2 =	vlt.u32 v6, $0x19000  }
0xbc: {  	v7 =	vld [tilespmem:s13+$0xFC0];
	v6 =	vnsel vm2, $0x0, v6  }
0xbd: {  	v4 =	vld [tilespmem:s15+$0xFE0]  }
0xbe: {  	[tilespmem:v5+s9+$0x0] =	vst.idx.add.f32.msk vm0, v9  }
0xbf: {  	v5 =	vsub.s32 v10, v1;
	v9 =	vld.idx.msk [tilespmem:v3+s16+$0x10 ss:$0x1], $0xffff  }
0xc0: {  	v10 =	vld [tilespmem:s13+$0x60];
	vm0 =	vlt.u32 v5, $0x19000  }
0xc1: {  	v11 =	vnsel vm0, $0x0, v5;
	[tilespmem:v6+s9+$0x0] =	vst.idx.add.f32.msk vm2, v7  }
0xc2: {  	v6 =	vld [tilespmem:s17+$0x1010]  }
0xc3: {  	v7 =	vld.idx.msk [tilespmem:v3+s18+$0x30 ss:$0x1], $0xffff  }
0xc4: {  	v5 =	vld [tilespmem:s13+$0x1000];
	v63 =	vsub.s32 v9, v1  }
0xc5: {  	v8 =	vsub.s32 v8, v1;
	v13 =	vsub.s32 v10, v1;
	v9 =	vld [tilespmem:s15+$0xFB0];
	vm2 =	vlt.u32 v63, $0x19000  }
0xc6: {  	vm3 =	vlt.u32 v8, $0x19000;
	vm1 =	vlt.u32 v13, $0x19000;
	[tilespmem:v11+s9+$0x0] =	vst.idx.add.f32.msk vm0, v4;
	v10 =	vnsel vm2, $0x0, v63  }
0xc7: {  	s17 =	simm.s32 $0x4;
	s18 =	simm.s32 $0x180;
	v4 =	vnsel vm3, $0x0, v8;
	vm0 =	vmmov vm3;
	v8 =	vnsel vm1, $0x0, v13;
	v11 =	vld [tilespmem:s15+$0x50]  }
.LBB2_11:
0xc8: {  	v12 =	vld.idx.msk [tilespmem:v3+s18+$0x0 ss:$0x1], $0xffff;
	s17 =	sadd.s32 $0x2, s17;
	v7 =	vsub.s32 v7, v1;
	v13 =	vmov v6  }
0xc9: {  	p1 =	slt.u32 s17, $0x3C;
	v6 =	vld [tilespmem:s15+$0xFF0];
	vm3 =	vlt.u32 v7, $0x19000  }
0xca: {  	v14 =	vld [tilespmem:s13+$0xFD0];
	v7 =	vnsel vm3, $0x0, v7  }
0xcb: {  	[tilespmem:v10+s9+$0x0] =	vst.idx.add.f32.msk vm2, v9  }
0xcc: {  	v9 =	vld.idx.msk [tilespmem:v3+s16+$0x20 ss:$0x1], $0xffff;
	v10 =	vsub.s32 v11, v1  }
0xcd: {  	vm2 =	vlt.u32 v10, $0x19000;
	[tilespmem:v8+s9+$0x0] =	vst.idx.add.f32.msk vm1, v5  }
0xce: {  	v5 =	vsub.s32 v12, v1;
	v8 =	vnsel vm2, $0x0, v10;
	v10 =	vld [tilespmem:s13+$0x70]  }
0xcf: {  	s19 =	sadd.s32 s14, s18;
	vm1 =	vlt.u32 v5, $0x19000;
	[tilespmem:v7+s9+$0x0] =	vst.idx.add.f32.msk vm3, v14  }
0xd0: {  	v5 =	vnsel vm1, $0x0, v5;
	v7 =	vld [tilespmem:s19+$0xFA0]  }
0xd1: {  	v11 =	vld [tilespmem:s19+$0x40]  }
0xd2: {  	v9 =	vsub.s32 v9, v1;
	v12 =	vld [tilespmem:s19+$0xFE0]  }
0xd3: {  	vm3 =	vlt.u32 v9, $0x19000;
	[tilespmem:v8+s9+$0x0] =	vst.idx.add.f32.msk vm2, v6;
	v6 =	vsub.s32 v10, v1  }
0xd4: {  	v9 =	vnsel vm3, $0x0, v9;
	v8 =	vld [tilespmem:s15+$0xFC0];
	vm4 =	vlt.u32 v6, $0x19000  }
0xd5: {  	[tilespmem:v5+s9+$0x0] =	vst.idx.add.f32.msk vm1, v7;
	v10 =	vnsel vm4, $0x0, v6  }
0xd6: {  	v14 =	vld.idx.msk [tilespmem:v3+s18+$0x10 ss:$0x1], $0xffff;
	v5 =	vsub.s32 v11, v1  }
0xd7: {  	vm1 =	vlt.u32 v5, $0x19000;
	v11 =	vld [tilespmem:s15+$0x60]  }
0xd8: {  	v15 =	vnsel vm1, $0x0, v5;
	v5 =	vld [tilespmem:s15+$0x1000]  }
0xd9: {  	[tilespmem:v9+s9+$0x0] =	vst.idx.add.f32.msk vm3, v8  }
0xda: {  	v7 =	vld.idx.msk [tilespmem:v3+s16+$0x30 ss:$0x1], $0xffff;
	s16 =	smov.u32 s18  }
.Ltmp4:
0xdb: {  	v6 =	vld [tilespmem:s13+$0x1010];
	s13 =	smov.u32 s15;
	s15 =	smov.u32 s19;
	(pc) =	sbr.rel @p1 .LBB2_11-.Ltmp4, $4  }
0xdc: {  	v8 =	vsub.s32 v14, v1;
	v11 =	vsub.s32 v11, v1;
	[tilespmem:v4+s9+$0x0] =	vst.idx.add.f32.msk vm0, v13;
	v4 =	vmov v10  }
0xdd: {  	vm2 =	vlt.u32 v8, $0x19000;
	vm0 =	vmmov vm4;
	[tilespmem:v15+s9+$0x0] =	vst.idx.add.f32.msk vm1, v12;
	vm1 =	vlt.u32 v11, $0x19000  }
0xde: {  	v10 =	vnsel vm2, $0x0, v8;
	v9 =	vld [tilespmem:s15+$0xFB0];
	v8 =	vnsel vm1, $0x0, v11  }
0xdf: {  	s18 =	sadd.s32 $0x80, s18;
	v11 =	vld [tilespmem:s15+$0x50]  }
0xe0: {  	_ =	sdelay $0x3  }
0xe1: {  	v11 =	vsub.s32 v11, v1  }
0xe2: {  	vm3 =	vlt.u32 v11, $0x19000  }
0xe3: {  	v12 =	vld [tilespmem:s15+$0xFF0];
	v11 =	vnsel vm3, $0x0, v11;
	_ =	sdelay $0x2  }
0xe4: {  	[tilespmem:v10+s9+$0x0] =	vst.idx.add.f32.msk vm2, v9  }
0xe5: {  	v9 =	vld.idx.msk [tilespmem:v3+s16+$0x20 ss:$0x1], $0xffff  }
0xe6: {  	[tilespmem:v11+s9+$0x0] =	vst.idx.add.f32.msk vm3, v12  }
0xe7: {  	v58 =	vld [tilespmem:s15+$0x60];
	_ =	sdelay $0x2  }
0xe8: {  	v9 =	vsub.s32 v9, v1  }
0xe9: {  	vm10 =	vlt.u32 v9, $0x19000  }
0xea: {  	v59 =	vld [tilespmem:s15+$0xFC0];
	v9 =	vnsel vm10, $0x0, v9;
	v10 =	vsub.s32 v58, v1  }
0xeb: {  	vm11 =	vlt.u32 v10, $0x19000  }
0xec: {  	v12 =	vld [tilespmem:s15+$0x1000];
	v10 =	vnsel vm11, $0x0, v10  }
0xed: {  	[tilespmem:v8+s9+$0x0] =	vst.idx.add.f32.msk vm1, v5  }
0xee: {  	v5 =	vld [tilespmem:s13+$0x70]  }
0xef: {  	[tilespmem:v9+s9+$0x0] =	vst.idx.add.f32.msk vm10, v59  }
0xf0: {  	v3 =	vld.idx.msk [tilespmem:v3+s16+$0x30 ss:$0x1], $0xffff  }
0xf1: {  	[tilespmem:v10+s9+$0x0] =	vst.idx.add.f32.msk vm11, v12  }
0xf2: {  	v60 =	vld [tilespmem:s15+$0x70];
	_ =	sdelay $0x1  }
0xf3: {  	v7 =	vsub.s32 v7, v1;
	v5 =	vsub.s32 v5, v1  }
0xf4: {  	vm12 =	vlt.u32 v7, $0x19000;
	vm13 =	vlt.u32 v5, $0x19000  }
0xf5: {  	v61 =	vld [tilespmem:s13+$0xFD0];
	v7 =	vnsel vm12, $0x0, v7;
	vm4 =	vmmov vm13;
	v3 =	vsub.s32 v3, v1  }
0xf6: {  	v63 =	vld [tilespmem:s13+$0x1010];
	v5 =	vnsel vm13, $0x0, v5;
	vm14 =	vlt.u32 v3, $0x19000;
	v8 =	vsub.s32 v60, v1  }
0xf7: {  	s12 =	sadd.s32 $0x1, s12;
	v62 =	vld [tilespmem:s15+$0xFD0];
	v3 =	vnsel vm14, $0x0, v3;
	vm5 =	vlt.u32 v8, $0x19000  }
0xf8: {  	p1 =	sne.s32 s12, $0x14;
	v12 =	vld [tilespmem:s15+$0x1010];
	v8 =	vnsel vm5, $0x0, v8  }
.Ltmp5:
0xf9: {  	[tilespmem:v4+s9+$0x0] =	vst.idx.add.f32.msk vm0, v6;
	(pc) =	sbr.rel @p1 .LBB2_10-.Ltmp5, $4  }
0xfa: {  	[tilespmem:v7+s9+$0x0] =	vst.idx.add.f32.msk vm12, v61  }
0xfb: {  	[tilespmem:v5+s9+$0x0] =	vst.idx.add.f32.msk vm4, v63  }
0xfc: {  	[tilespmem:v3+s9+$0x0] =	vst.idx.add.f32.msk vm14, v62  }
0xfd: {  	vm15 =	vmmov vm5;
	[tilespmem:v8+s9+$0x0] =	vst.idx.add.f32.msk vm5, v12  }
0xfe: {  	s11 =	sadd.s32 $0x1, s11  }
0xff: {  	p1 =	sne.s32 s11, s6  }
.Ltmp6:
0x100: {  	_ = 	snop;
	(pc) =	sbr.rel @p1 .LBB2_1-.Ltmp6, $4  }
0x101: {  	[hbm4b:s5+s2] =	stream.linear.scatter [tilespmem:s9], [sflag:$0x2], $0x19000, $0x38;
	[tilespmem:$0x1F590] =	vst v63  }
0x102: {  	_ =	swait.ge [sflag:s10], $0x19000  }
0x103: {  	[sflag:s10] =	ssyncset.done $0x0  }
0x104: {  	[sflag:s10] =	ssyncadd.s32 $0xFFFE7000  }
0x105: {  	_ =	sfence.sel $0x180000  }
0x106: {  	[bflag:$0x0] =	sbarrier.arrive $0xFFFF  }
0x107: {  	_ =	strace $0x90000050  }
0x108: {  	s0 =	sadd.s32 @!p0 $0x100000, s0;
	[bflag:$0x2] =	sbarrier.arrive $0xFFFF  }
0x109: {  	[sflag:s0] =	ssyncadd.tile.s32 @!p0 $0x1;
	_ =	shalt  }
.Lfunc_end2:
_tile_overlayer_lowered:
.L_overlay_start_2:
0x10a: {  	(tag) =	ssettag $0x2  }
0x10b: {  	s0 =	rddreg [dreg:$0x0];
	s2 =	stileid.u32  }
0x10c: {  	s1 =	rddreg [dreg:$0x1];
	p0 =	sne.s32 s2, $0x0  }
0x10d: {  	s3 =	rddreg [dreg:$0x2];
	[bflag:$0x3] =	sbarrier.arrive $0xFFFF;
	s2 =	simm.s32 @!p0 $0x1C03  }
0x10e: {  	[timem:s3], [sflag:s2] =	dma.local @!p0 [hbm:s0], s1  }
0x10f: {  	s0 =	simm.s32 @!p0 $0x3  }
0x110: {  	_ =	swait.ge @!p0 [sflag:s0], s1  }
0x111: {  	s1 =	ssub.s32 @!p0 $0x0, s1;
	[sflag:s0] =	ssyncset.done @!p0 $0x0  }
0x112: {  	[sflag:s0] =	ssyncadd.s32 @!p0 s1  }
0x113: {  	[bflag:$0x3] =	sbarrier.arrive $0xFFFF  }
0x114: {  	_ =	shalt  }

// kernel: kernel.14.cloned.1.call-start
scs
__scs_entry_jumppad:
0x0: {  	(pc) =	sbr.rel $0x88, $3  }
0x1: {  	(tag) =	ssettag $0x0;
	lr =	simm.s32 $0x1  }
0x2: {  	[smem:$0x3F94] =	sst lr;
	_ =	strace $0xD0000000  }
0x3: {  	_ = 	snop  }
0x4: {  	_ = 	snop  }
0x5: {  	_ = 	snop  }
0x6: {  	_ = 	snop  }
0x7: {  	_ = 	snop  }
__scs_overlays_trampoline_lowered:
0x8: {  	[smem:$0x3FA3] =	sst s0  }
0x9: {  	[smem:$0x3FA4] =	sst s1  }
0xa: {  	[smem:$0x3FA5] =	sst s2  }
0xb: {  	[smem:$0x3FA6] =	sst s3  }
0xc: {  	[smem:$0x3FA7] =	sst s4  }
0xd: {  	[smem:$0x3FA8] =	sst s5  }
0xe: {  	[smem:$0x3FA9] =	sst s6  }
0xf: {  	[smem:$0x3FAA] =	sst s7  }
0x10: {  	[smem:$0x3FAB] =	sst s8  }
0x11: {  	[smem:$0x3FAC] =	sst s9;
	s0 =	simm.s32 @!p0 $0x0  }
0x12: {  	s1 =	sld [smem:$0x3F92];
	s0 =	simm.s32 @p0 $0x1  }
0x13: {  	[smem:$0x3FAD] =	sst s0;
	s0 =	simm.s32 @!p1 $0x0  }
0x14: {  	s2 =	sld [smem:$0x3F91];
	s0 =	simm.s32 @p1 $0x1  }
0x15: {  	[smem:$0x3FAE] =	sst s0;
	s0 =	simm.s32 @!p2 $0x0  }
0x16: {  	s3 =	sld [smem:$0x3FDB];
	s0 =	simm.s32 @p2 $0x1  }
0x17: {  	s4 =	simm.s32 $0x1BF5;
	[smem:$0x3FB0] =	sst s0  }
0x18: {  	s0 =	sld [smem:$0x3F93];
	_ =	swait.ge [sflag:s4], $0x0  }
0x19: {  	s7 =	sld [smem:$0x3F94]  }
0x1a: {  	s8 =	sadd.s32 $0xFFFFE003, lr  }
0x1b: {  	s9 =	sadd.s32 $0xFFFFFEF7, lr;
	s5 =	simm.s32 $0xFFFFFFFF;
	p2 =	slt.u32 s8, $0xFFFFF086  }
0x1c: {  	p1 =	slt.u32 s9, $0xF7A;
	s5 =	simm.s32 @!p2 $0x0  }
0x1d: {  	s5 =	simm.s32 @p1 $0x1;
	p0 =	seq.s32 s7, s2  }
0x1e: {  	s7 =	smul.u32 @!p0 $0xF7A, s2;
	p2 =	seq.s32 @!p0 s5, $0x0  }
0x1f: {  	s9 =	smul.u32 $0xF7A, s1;
	s8 =	simm.s32 @!p0 $0x1BF5;
	p2 =	por !p2, p0  }
0x20: {  	[sflag:s8] =	ssyncset.s32 @!p0 $0xFFFFF086;
	s6 =	sadd.s32 @!p0 s3, s7;
	s7 =	simm.s32 @!p0 $0x108  }
0x21: {  	s3 =	sadd.s32 s3, s9;
	s6 =	sadd.s32 @!p0 $0x88, s6;
	s7 =	simm.s32 @p2 $0x1082  }
0x22: {  	[simem:s7], [sflag:s8] =	dma.local @!p0 [hbm:s6], $0xF7A  }
0x23: {  	s9 =	sor.u32 $0xD0000000, s2;
	s6 =	simm.s32 $0x108;
	_ =	swait.ge @!p0 [sflag:s8], $0x0  }
0x24: {  	s3 =	sadd.s32 $0x88, s3;
	s6 =	simm.s32 @!p1 $0x1082;
	[sflag:s4] =	ssyncset.s32 $0xFFFFF086  }
0x25: {  	[simem:s6], [sflag:s4] =	dma.local [hbm:s3], $0xF7A  }
0x26: {  	[smem:$0x3F94] =	sst s1;
	(tag) =	ssettag s2;
	_ =	strace s9  }
0x27: {  	s1 =	sld [smem:$0x3FA4]  }
0x28: {  	s2 =	sld [smem:$0x3FA5]  }
0x29: {  	s4 =	sld [smem:$0x3FA7]  }
0x2a: {  	p0 =	seq.s32 s5, $0x0;
	s5 =	sld [smem:$0x3FA8]  }
0x2b: {  	s6 =	sld [smem:$0x3FA9]  }
0x2c: {  	s7 =	sld [smem:$0x3FAA]  }
0x2d: {  	s3 =	simm.s32 $0x108;
	s8 =	sld [smem:$0x3FAB]  }
0x2e: {  	s3 =	simm.s32 @!p0 $0x1082;
	s9 =	sld [smem:$0x3FAC]  }
0x2f: {  	lr =	sadd.s32 s0, s3;
	s0 =	sld [smem:$0x3FA3]  }
0x30: {  	s3 =	sld [smem:$0x3FA6]  }
0x31: {  	[smem:$0x3FAF] =	sst s10  }
0x32: {  	s10 =	sld [smem:$0x3FAD];
	_ =	sdelay $0x3  }
0x33: {  	p0 =	seq.s32 s10, $0x1;
	s10 =	sld [smem:$0x3FAF];
	_ =	sdelay $0x3  }
0x34: {  	[smem:$0x3FAF] =	sst s10  }
0x35: {  	s10 =	sld [smem:$0x3FAE];
	_ =	sdelay $0x3  }
0x36: {  	p1 =	seq.s32 s10, $0x1;
	s10 =	sld [smem:$0x3FAF];
	_ =	sdelay $0x3  }
0x37: {  	[smem:$0x3FAF] =	sst s10  }
0x38: {  	s10 =	sld [smem:$0x3FB0]  }
0x39: {  	_ = 	snop;
	(pc) =	sbr.ind lr, $3  }
0x3a: {  	_ = 	snop  }
0x3b: {  	_ = 	snop  }
0x3c: {  	p2 =	seq.s32 s10, $0x1;
	s10 =	sld [smem:$0x3FAF]  }
0x3d: {  	_ =	shalt  }
0x3e: {  	_ =	shalt  }
0x3f: {  	_ =	shalt  }
0x40: {  	_ =	shalt  }
0x41: {  	_ =	shalt  }
0x42: {  	_ =	shalt  }
0x43: {  	_ =	shalt  }
0x44: {  	_ =	shalt  }
0x45: {  	_ =	shalt  }
0x46: {  	_ =	shalt  }
0x47: {  	_ =	shalt  }
0x48: {  	_ =	shalt  }
0x49: {  	_ =	shalt  }
0x4a: {  	_ =	shalt  }
0x4b: {  	_ =	shalt  }
0x4c: {  	_ =	shalt  }
0x4d: {  	_ =	shalt  }
0x4e: {  	_ =	shalt  }
0x4f: {  	_ =	shalt  }
0x50: {  	_ =	shalt  }
0x51: {  	_ =	shalt  }
0x52: {  	_ =	shalt  }
0x53: {  	_ =	shalt  }
0x54: {  	_ =	shalt  }
0x55: {  	_ =	shalt  }
0x56: {  	_ =	shalt  }
0x57: {  	_ =	shalt  }
0x58: {  	_ =	shalt  }
0x59: {  	_ =	shalt  }
0x5a: {  	_ =	shalt  }
0x5b: {  	_ =	shalt  }
0x5c: {  	_ =	shalt  }
0x5d: {  	_ =	shalt  }
0x5e: {  	_ =	shalt  }
0x5f: {  	_ =	shalt  }
0x60: {  	_ =	shalt  }
0x61: {  	_ =	shalt  }
0x62: {  	_ =	shalt  }
0x63: {  	_ =	shalt  }
0x64: {  	_ =	shalt  }
0x65: {  	_ =	shalt  }
0x66: {  	_ =	shalt  }
0x67: {  	_ =	shalt  }
0x68: {  	_ =	shalt  }
0x69: {  	_ =	shalt  }
0x6a: {  	_ =	shalt  }
0x6b: {  	_ =	shalt  }
0x6c: {  	_ =	shalt  }
0x6d: {  	_ =	shalt  }
0x6e: {  	_ =	shalt  }
0x6f: {  	_ =	shalt  }
0x70: {  	_ =	shalt  }
0x71: {  	_ =	shalt  }
0x72: {  	_ =	shalt  }
0x73: {  	_ =	shalt  }
0x74: {  	_ =	shalt  }
0x75: {  	_ =	shalt  }
0x76: {  	_ =	shalt  }
0x77: {  	_ =	shalt  }
0x78: {  	_ =	shalt  }
0x79: {  	_ =	shalt  }
0x7a: {  	_ =	shalt  }
0x7b: {  	_ =	shalt  }
0x7c: {  	_ =	shalt  }
0x7d: {  	_ =	shalt  }
0x7e: {  	_ =	shalt  }
0x7f: {  	_ =	shalt  }
0x80: {  	_ =	shalt  }
0x81: {  	_ =	shalt  }
0x82: {  	_ =	shalt  }
0x83: {  	_ =	shalt  }
0x84: {  	_ =	shalt  }
0x85: {  	_ =	shalt  }
0x86: {  	_ =	shalt  }
0x87: {  	_ =	shalt  }
.Lfunc_end0:
.L_simem_size_0:
called_computation.1_lowered:
.L_overlay_start_0:
0x88: {  	s2 =	sld [smem:$0x3FD9]  }
0x89: {  	s3 =	sld [smem:$0x3FFE];
	_ =	sdelay $0x1  }
0x8a: {  	s1 =	srdreg.scid  }
0x8b: {  	s0 =	sand.u32 $0x1, s1  }
0x8c: {  	s16 =	sshll.u32 s0, $0xA;
	s2 =	sadd.s32 s3, s2  }
0x8d: {  	s2 =	sadd.s32 s2, s16  }
0x8e: {  	[smem:$0x3FBB] =	sst s2  }
0x8f: {  	_ = 	snop  }
0x90: {  	(tm) =	ssettm $0x1  }
0x91: {  	s17 =	sld [smem:$0x3FFB];
	_ =	sdelay $0x3  }
0x92: {  	_ =	strace s17  }
0x93: {  	s2 =	sld [smem:$0x3FFC];
	_ =	sdelay $0x3  }
0x94: {  	_ =	strace s2  }
0x95: {  	s2 =	sld [smem:$0x3FFD];
	_ =	sdelay $0x3  }
0x96: {  	_ =	strace s2  }
0x97: {  	_ =	strace $0x8FFFFFFF  }
0x98: {  	s18 =	sld [smem:$0x3FDB];
	_ =	sdelay $0x1  }
0x99: {  	s19 =	simm.s32 $_scs_section_size  }
0x9a: {  	s4 =	simm.s32 $_size__tile_overlayer_lowered;
	s5 =	simm.s32 $_tile_overlayer_lowered  }
0x9b: {  	s22 =	simm.s32 $0x1BFF;
	s21 =	sshll.u32 s5, $0x1;
	s2 =	sadd.s32 s19, s18  }
0x9c: {  	s6 =	simm.s32 $0x0;
	s20 =	sshll.u32 s4, $0x1;
	s4 =	sadd.s32 s21, s2  }
0x9d: {  	[timem:s6], [sflag:s22] =	dma.local [hbm:s4], s20  }
0x9e: {  	_ =	swait.ge [sflag:s22], s20  }
0x9f: {  	s3 =	ssub.s32 $0x0, s20;
	[sflag:s22] =	ssyncset.done $0x0  }
0xa0: {  	[sflag:s22] =	ssyncadd.s32 s3;
	_ =	sdelay $0x1  }
0xa1: {  	s23 =	simm.s32 $0x1B8B  }
0xa2: {  	_ =	swait.ge [sflag:s23], $0x1  }
0xa3: {  	[sflag:s23] =	ssyncset.done $0x0  }
0xa4: {  	s25 =	simm.s32 $0x1B8E;
	s24 =	sld [smem:$0x3FFE];
	[sflag:s23] =	ssyncadd.s32 $0xFFFFFFFF  }
0xa5: {  	s26 =	simm.s32 $execute0_lowered;
	[smem:$0x3FD2] =	sst s25  }
0xa6: {  	s4 =	sshll.u32 s26, $0x1;
	_ =	strace $0x80000046;
	[dreg:$0x1] =	wrdreg $0xFFFFFFFF  }
0xa7: {  	s28 =	simm.s32 $_size_execute0_lowered;
	s2 =	sadd.s32 s2, s4;
	[dreg:$0x0] =	wrdreg $0x0  }
0xa8: {  	s4 =	sshll.u32 s28, $0x1;
	[dreg:$0x2] =	wrdreg s2  }
0xa9: {  	[dreg:$0x3] =	wrdreg s4  }
0xaa: {  	[dreg:$0x4] =	wrdreg $0xC0  }
0xab: {  	_ =	task [dreg:s6], $0x5FFFF  }
0xac: {  	[dreg:$0x1] =	wrdreg $0xFFFFFFFF  }
0xad: {  	[dreg:$0x0] =	wrdreg $0x60  }
0xae: {  	[dreg:$0x2] =	wrdreg s24  }
0xaf: {  	[dreg:$0x3] =	wrdreg $0x1CE800  }
0xb0: {  	[dreg:$0x4] =	wrdreg $0xA  }
0xb1: {  	_ =	task.clear_ibuf [dreg:s6], $0x5FFFF;
	_ =	strace $0x90000046  }
0xb2: {  	s29 =	simm.s32 $0xA;
	_ =	strace $0x80000048  }
0xb3: {  	_ =	swait.ge [sflag:s29], $0x1  }
0xb4: {  	[sflag:s29] =	ssyncadd.s32 $0xFFFFFFFF  }
0xb5: {  	_ =	strace $0x90000048  }
0xb6: {  	_ =	sfence  }
0xb7: {  	s30 =	sld [smem:$0x0];
	_ =	sdelay $0x2  }
0xb8: {  	s31 =	sshll.u32 s1, $0xD;
	s1 =	sshrl.u32 s1, $0x2  }
0xb9: {  	s3 =	sand.u32 $0x4000, s31;
	s1 =	sadd.s32 s1, s30  }
0xba: {  	s0 =	sor.u32 s3, s0;
	s1 =	sshll.u32 s1, $0x11  }
0xbb: {  	s0 =	sor.u32 s1, s0  }
0xbc: {  	s0 =	sadd.s32 $0x8F2B, s0  }
0xbd: {  	[sflag:s0] =	ssyncadd.remote.s32 $0x1  }
0xbe: {  	_ =	sfence.sel $0xFFFF  }
0xbf: {  	[dreg:$0x0] =	wrdreg $0xFFFFFFFF;
	(pc) =	sbr.abs _section_cstart, $3  }
0xc0: {  	[dreg:$0x1] =	wrdreg $0xFFFFFFFF  }
0xc1: {  	_ =	task.clear_ibuf [dreg:s6], $0x2FFFF;
	_ =	strace $0x9FFFFFFF  }
0xc2: {  	(tm) =	ssettm $0x7FFFFFFF  }
0xc3: {  	_ =	shalt  }
tec
execute0_lowered:
.L_overlay_start_1:
0x0: {  	(tag) =	ssettag $0x1  }
0x1: {  	s4 =	rddreg [dreg:$0x0];
	s0 =	srdreg.scid  }
0x2: {  	s6 =	stileid.u32;
	s1 =	rddreg [dreg:$0x1];
	s2 =	simm.s32 $0x0  }
0x3: {  	s5 =	sand.u32 $0x1, s0;
	s3 =	sshll.u32 s6, $0x1;
	s0 =	rddreg [dreg:$0x2]  }
0x4: {  	s11 =	simm.s32 $0x0;
	[smem:$0x7FF] =	sst s2;
	s3 =	sor.u32 s5, s3  }
0x5: {  	s7 =	sadd.s32 $0x11800, s4;
	s5 =	ssub.s32 $0x2, s5;
	s9 =	smul.u32 $0x19000, s3  }
0x6: {  	p0 =	sne.s32 s6, $0x0;
	_ =	strace $0x80000047;
	s29 =	sshrl.u32 s5, $0x1  }
0x7: {  	s3 =	sadd.s32 $0x2800, s4;
	s8 =	ssub.s32 s5, s29;
	s10 =	sadd.s32 $0x320000, s9  }
0x8: {  	s30 =	sshrl.u32 s9, $0x3;
	s6 =	smax.u32 s8, $0x1;
	s8 =	simm.s32 $0x1  }
0x9: {  	v0 =	vmov s9;
	s9 =	simm.s32 $0x3E80;
	s31 =	sshrl.u32 s10, $0x3;
	s4 =	sadd.s32 s7, s30  }
0xa: {  	v2 =	vimm.f32 $0.0e+00;
	v1 =	vmov s10;
	s10 =	simm.s32 $0x2;
	s5 =	sadd.s32 s7, s31;
	s7 =	sshrl.u32 @!p0 s1, $0x3  }
.LBB2_1:
0xb: {  	s12 =	simm.s32 @!p0 $0x1C03  }
0xc: {  	[spmem:s7], [sflag:s12] =	dma.local @!p0 [hbm:s3], $0x4E20  }
0xd: {  	s12 =	simm.s32 @!p0 $0x3  }
0xe: {  	_ =	swait.ge @!p0 [sflag:s12], $0x4E20  }
0xf: {  	[sflag:s12] =	ssyncset.done @!p0 $0x0  }
0x10: {  	[sflag:s12] =	ssyncadd.s32 @!p0 $0xFFFFB1E0  }
0x11: {  	s13 =	simm.s32 $0x0;
	s12 =	simm.s32 $0x40;
	[bflag:$0x0] =	sbarrier.arrive $0xFFFF  }
0x12: {  	[tilespmem:s2], [sflag:$0x1] =	stream.linear.gather [spmem:s1], $0x1F40, $0x38;
	[tilespmem:$0x1F590] =	vst v63  }
.LBB2_2:
0x13: {  	p1 =	sne.s32 s12, $0x63FC0;
	[tilespmem:s13+$0x3E80] =	vst v2;
	s13 =	smov.u32 s12;
	s12 =	sadd.s32 $0x40, s12  }
.Ltmp0:
0x14: {  	(pc) =	sbr.rel @p1 .LBB2_2-.Ltmp0, $2  }
0x15: {  	_ =	sdelay $0x2  }
0x16: {  	s13 =	sshra.s32 s13, $0x2  }
0x17: {  	[tilespmem:s13+$0x3E80] =	vst v2;
	s12 =	simm.s32 $0x0;
	s13 =	simm.s32 $0x0  }
.LBB2_4:
0x18: {  	s14 =	sand.u32 $0x1, s13  }
0x19: {  	p1 =	seq.s32 s14, $0x1;
	s14 =	simm.s32 $0x1F40  }
0x1a: {  	s14 =	simm.s32 @!p1 $0x0  }
0x1b: {  	p1 =	seq.s32 s13, $0x13;
	s15 =	sshll.u32 s14, $0x2  }
0x1c: {  	s16 =	smul.u32 @!p1 $0x7D00, s13;
	s17 =	sshrl.u32 s15, $0x2  }
0x1d: {  	_ =	swait.ge [sflag:s8], $0x1F40;
	v3 =	vmov s17  }
0x1e: {  	[sflag:s8] =	ssyncset.done $0x0;
	s16 =	sshra.s32 @!p1 s16, $0x2  }
0x1f: {  	[sflag:s8] =	ssyncadd.s32 $0xFFFFE0C0;
	s15 =	sand.u32 $0x7F00, s15;
	s16 =	sadd.s32 @!p1 s16, s1  }
0x20: {  	s14 =	ssub.s32 @!p1 $0x1F40, s14;
	s15 =	sshrl.u32 s15, $0x2;
	s16 =	sadd.s32 @!p1 $0x1F40, s16  }
0x21: {  	v4 =	vmov s15;
	[tilespmem:s14], [sflag:$0x1] =	stream.linear.gather @!p1 [spmem:s16], $0x1F40, $0x38;
	[tilespmem:$0x1F590] =	vst v63  }
0x22: {  	v5 =	vld.idx.msk [tilespmem:v3+s12+$0x40 ss:$0x1], $0xffff;
	_ =	sdelay $0x3  }
0x23: {  	v6 =	vld.idx.msk [tilespmem:v4+s12+$0x0 ss:$0x1], $0xffff  }
0x24: {  	v5 =	vsub.s32 v5, v0  }
0x25: {  	vm0 =	vlt.u32 v5, $0x19000  }
0x26: {  	v7 =	vld.idx.msk [tilespmem:v3+s12+$0xFE0 ss:$0x1], $0xffff;
	v5 =	vnsel vm0, $0x0, v5;
	_ =	sdelay $0x1  }
0x27: {  	v6 =	vsub.s32 v6, v0  }
0x28: {  	vm1 =	vlt.u32 v6, $0x19000  }
0x29: {  	v8 =	vld.idx.msk [tilespmem:v3+s12+$0xFA0 ss:$0x1], $0xffff;
	v6 =	vnsel vm1, $0x0, v6  }
0x2a: {  	[tilespmem:v5+s9+$0x0] =	vst.idx.add.f32.msk vm0, v7  }
0x2b: {  	v5 =	vld.idx.msk [tilespmem:v3+s12+$0x50 ss:$0x1], $0xffff;
	_ =	sdelay $0x2  }
0x2c: {  	[tilespmem:v6+s9+$0x0] =	vst.idx.add.f32.msk vm1, v8  }
0x2d: {  	v6 =	vld.idx.msk [tilespmem:v4+s12+$0x10 ss:$0x1], $0xffff  }
0x2e: {  	v5 =	vsub.s32 v5, v0  }
0x2f: {  	vm0 =	vlt.u32 v5, $0x19000  }
0x30: {  	v7 =	vld.idx.msk [tilespmem:v3+s12+$0xFF0 ss:$0x1], $0xffff;
	v5 =	vnsel vm0, $0x0, v5  }
0x31: {  	s14 =	simm.s32 $0x80  }
0x32: {  	v8 =	vld.idx.msk [tilespmem:v3+s14+$0x40 ss:$0x1], $0xffff;
	v6 =	vsub.s32 v6, v0  }
0x33: {  	v10 =	vld.idx.msk [tilespmem:v4+s14+$0x0 ss:$0x1], $0xffff;
	vm1 =	vlt.u32 v6, $0x19000  }
0x34: {  	v9 =	vld.idx.msk [tilespmem:v3+s12+$0xFB0 ss:$0x1], $0xffff;
	v6 =	vnsel vm1, $0x0, v6  }
0x35: {  	[tilespmem:v5+s9+$0x0] =	vst.idx.add.f32.msk vm0, v7  }
0x36: {  	v5 =	vld.idx.msk [tilespmem:v3+s12+$0x60 ss:$0x1], $0xffff  }
0x37: {  	v7 =	vsub.s32 v8, v0  }
0x38: {  	v8 =	vld.idx.msk [tilespmem:v3+s14+$0xFE0 ss:$0x1], $0xffff;
	vm0 =	vlt.u32 v7, $0x19000  }
0x39: {  	v10 =	vsub.s32 v10, v0;
	[tilespmem:v6+s9+$0x0] =	vst.idx.add.f32.msk vm1, v9;
	v7 =	vnsel vm0, $0x0, v7  }
0x3a: {  	vm1 =	vlt.u32 v10, $0x19000;
	v6 =	vld.idx.msk [tilespmem:v4+s12+$0x20 ss:$0x1], $0xffff  }
0x3b: {  	v9 =	vld.idx.msk [tilespmem:v3+s14+$0xFA0 ss:$0x1], $0xffff;
	v10 =	vnsel vm1, $0x0, v10;
	v5 =	vsub.s32 v5, v0  }
0x3c: {  	v12 =	vld.idx.msk [tilespmem:v3+s12+$0x1000 ss:$0x1], $0xffff;
	vm2 =	vlt.u32 v5, $0x19000  }
0x3d: {  	v11 =	vld.idx.msk [tilespmem:v3+s12+$0xFC0 ss:$0x1], $0xffff;
	v5 =	vnsel vm2, $0x0, v5  }
0x3e: {  	[tilespmem:v7+s9+$0x0] =	vst.idx.add.f32.msk vm0, v8  }
0x3f: {  	v6 =	vsub.s32 v6, v0;
	v7 =	vld.idx.msk [tilespmem:v3+s14+$0x50 ss:$0x1], $0xffff  }
0x40: {  	[tilespmem:v10+s9+$0x0] =	vst.idx.add.f32.msk vm1, v9;
	vm0 =	vlt.u32 v6, $0x19000  }
0x41: {  	v9 =	vld.idx.msk [tilespmem:v4+s14+$0x10 ss:$0x1], $0xffff;
	v13 =	vnsel vm0, $0x0, v6  }
0x42: {  	[tilespmem:v5+s9+$0x0] =	vst.idx.add.f32.msk vm2, v12  }
0x43: {  	v6 =	vld.idx.msk [tilespmem:v3+s12+$0x70 ss:$0x1], $0xffff  }
0x44: {  	v8 =	vld.idx.msk [tilespmem:v3+s14+$0xFF0 ss:$0x1], $0xffff;
	v7 =	vsub.s32 v7, v0  }
0x45: {  	v5 =	vld.idx.msk [tilespmem:v3+s14+$0xFB0 ss:$0x1], $0xffff;
	vm1 =	vlt.u32 v7, $0x19000  }
0x46: {  	v10 =	vsub.s32 v9, v0;
	[tilespmem:v13+s9+$0x0] =	vst.idx.add.f32.msk vm0, v11;
	v9 =	vnsel vm1, $0x0, v7  }
0x47: {  	s17 =	simm.s32 $0x100;
	s15 =	simm.s32 $0x0;
	s16 =	simm.s32 $0x2;
	vm0 =	vlt.u32 v10, $0x19000;
	v7 =	vld.idx.msk [tilespmem:v4+s12+$0x30 ss:$0x1], $0xffff  }
.LBB2_5:
0x48: {  	v11 =	vld.idx.msk [tilespmem:v3+s17+$0x40 ss:$0x1], $0xffff;
	s16 =	sadd.s32 $0x2, s16;
	v10 =	vnsel vm0, $0x0, v10;
	v6 =	vsub.s32 v6, v0  }
0x49: {  	p1 =	slt.u32 s16, $0x3C;
	v12 =	vld.idx.msk [tilespmem:v3+s15+$0x1010 ss:$0x1], $0xffff;
	vm2 =	vlt.u32 v6, $0x19000  }
0x4a: {  	v13 =	vld.idx.msk [tilespmem:v4+s17+$0x0 ss:$0x1], $0xffff;
	v6 =	vnsel vm2, $0x0, v6  }
0x4b: {  	[tilespmem:v9+s9+$0x0] =	vst.idx.add.f32.msk vm1, v8  }
0x4c: {  	v8 =	vld.idx.msk [tilespmem:v3+s14+$0x60 ss:$0x1], $0xffff  }
0x4d: {  	v7 =	vsub.s32 v7, v0;
	v9 =	vld.idx.msk [tilespmem:v3+s17+$0xFA0 ss:$0x1], $0xffff  }
0x4e: {  	v11 =	vsub.s32 v11, v0;
	vm1 =	vlt.u32 v7, $0x19000;
	v14 =	vld.idx.msk [tilespmem:v3+s17+$0xFE0 ss:$0x1], $0xffff  }
0x4f: {  	vm3 =	vlt.u32 v11, $0x19000;
	v7 =	vnsel vm1, $0x0, v7;
	[tilespmem:v6+s9+$0x0] =	vst.idx.add.f32.msk vm2, v12  }
0x50: {  	v6 =	vsub.s32 v13, v0;
	v11 =	vnsel vm3, $0x0, v11;
	[tilespmem:v10+s9+$0x0] =	vst.idx.add.f32.msk vm0, v5  }
0x51: {  	vm0 =	vlt.u32 v6, $0x19000;
	v5 =	vld.idx.msk [tilespmem:v4+s14+$0x20 ss:$0x1], $0xffff  }
0x52: {  	v6 =	vnsel vm0, $0x0, v6;
	v8 =	vsub.s32 v8, v0;
	v12 =	vld.idx.msk [tilespmem:v3+s14+$0xFC0 ss:$0x1], $0xffff  }
0x53: {  	vm2 =	vlt.u32 v8, $0x19000;
	v10 =	vld.idx.msk [tilespmem:v3+s14+$0x1000 ss:$0x1], $0xffff  }
0x54: {  	v8 =	vnsel vm2, $0x0, v8;
	v13 =	vld.idx.msk [tilespmem:v3+s15+$0xFD0 ss:$0x1], $0xffff;
	s15 =	smov.u32 s14;
	s14 =	smov.u32 s17  }
0x55: {  	[tilespmem:v11+s9+$0x0] =	vst.idx.add.f32.msk vm3, v14  }
0x56: {  	v11 =	vld.idx.msk [tilespmem:v3+s17+$0x50 ss:$0x1], $0xffff  }
0x57: {  	v5 =	vsub.s32 v5, v0;
	[tilespmem:v6+s9+$0x0] =	vst.idx.add.f32.msk vm0, v9  }
0x58: {  	vm0 =	vlt.u32 v5, $0x19000;
	v9 =	vld.idx.msk [tilespmem:v4+s17+$0x10 ss:$0x1], $0xffff  }
0x59: {  	v14 =	vnsel vm0, $0x0, v5;
	[tilespmem:v8+s9+$0x0] =	vst.idx.add.f32.msk vm2, v10  }
0x5a: {  	v6 =	vld.idx.msk [tilespmem:v3+s15+$0x70 ss:$0x1], $0xffff  }
.Ltmp1:
0x5b: {  	v5 =	vld.idx.msk [tilespmem:v3+s17+$0xFB0 ss:$0x1], $0xffff;
	(pc) =	sbr.rel @p1 .LBB2_5-.Ltmp1, $4  }
0x5c: {  	v11 =	vsub.s32 v11, v0;
	[tilespmem:v7+s9+$0x0] =	vst.idx.add.f32.msk vm1, v13  }
0x5d: {  	vm1 =	vlt.u32 v11, $0x19000;
	v8 =	vld.idx.msk [tilespmem:v3+s17+$0xFF0 ss:$0x1], $0xffff  }
0x5e: {  	v10 =	vsub.s32 v9, v0;
	v9 =	vnsel vm1, $0x0, v11;
	[tilespmem:v14+s9+$0x0] =	vst.idx.add.f32.msk vm0, v12  }
0x5f: {  	s17 =	sadd.s32 $0x80, s17;
	vm0 =	vlt.u32 v10, $0x19000;
	v7 =	vld.idx.msk [tilespmem:v4+s15+$0x30 ss:$0x1], $0xffff  }
0x60: {  	_ =	sdelay $0x1  }
0x61: {  	v10 =	vnsel vm0, $0x0, v10;
	_ =	sdelay $0x2  }
0x62: {  	[tilespmem:v9+s9+$0x0] =	vst.idx.add.f32.msk vm1, v8  }
0x63: {  	v8 =	vld.idx.msk [tilespmem:v3+s14+$0x60 ss:$0x1], $0xffff  }
0x64: {  	[tilespmem:v10+s9+$0x0] =	vst.idx.add.f32.msk vm0, v5  }
0x65: {  	v5 =	vld.idx.msk [tilespmem:v4+s14+$0x20 ss:$0x1], $0xffff;
	_ =	sdelay $0x2  }
0x66: {  	v8 =	vsub.s32 v8, v0  }
0x67: {  	vm12 =	vlt.u32 v8, $0x19000  }
0x68: {  	v9 =	vld.idx.msk [tilespmem:v3+s14+$0x1000 ss:$0x1], $0xffff;
	v8 =	vnsel vm12, $0x0, v8;
	v5 =	vsub.s32 v5, v0  }
0x69: {  	vm13 =	vlt.u32 v5, $0x19000  }
0x6a: {  	v10 =	vld.idx.msk [tilespmem:v3+s14+$0xFC0 ss:$0x1], $0xffff;
	v5 =	vnsel vm13, $0x0, v5;
	_ =	sdelay $0x2  }
0x6b: {  	[tilespmem:v8+s9+$0x0] =	vst.idx.add.f32.msk vm12, v9  }
0x6c: {  	v8 =	vld.idx.msk [tilespmem:v3+s14+$0x70 ss:$0x1], $0xffff  }
0x6d: {  	[tilespmem:v5+s9+$0x0] =	vst.idx.add.f32.msk vm13, v10  }
0x6e: {  	v58 =	vld.idx.msk [tilespmem:v4+s14+$0x30 ss:$0x1], $0xffff;
	_ =	sdelay $0x1  }
0x6f: {  	v60 =	vsub.s32 v7, v0  }
0x70: {  	v59 =	vsub.s32 v6, v0;
	vm15 =	vlt.u32 v60, $0x19000  }
0x71: {  	v62 =	vld.idx.msk [tilespmem:v3+s15+$0xFD0 ss:$0x1], $0xffff;
	vm14 =	vlt.u32 v59, $0x19000;
	v6 =	vnsel vm15, $0x0, v60;
	v8 =	vsub.s32 v8, v0  }
0x72: {  	v61 =	vld.idx.msk [tilespmem:v3+s15+$0x1010 ss:$0x1], $0xffff;
	v5 =	vnsel vm14, $0x0, v59;
	vm2 =	vlt.u32 v8, $0x19000;
	v4 =	vsub.s32 v58, v0  }
0x73: {  	s13 =	sadd.s32 $0x1, s13;
	v63 =	vld.idx.msk [tilespmem:v3+s14+$0x1010 ss:$0x1], $0xffff;
	v8 =	vnsel vm2, $0x0, v8;
	vm3 =	vlt.u32 v4, $0x19000  }
0x74: {  	p1 =	sne.s32 s13, $0x14;
	v3 =	vld.idx.msk [tilespmem:v3+s14+$0xFD0 ss:$0x1], $0xffff;
	v4 =	vnsel vm3, $0x0, v4  }
.Ltmp2:
0x75: {  	_ = 	snop;
	(pc) =	sbr.rel @p1 .LBB2_4-.Ltmp2, $4  }
0x76: {  	[tilespmem:v6+s9+$0x0] =	vst.idx.add.f32.msk vm15, v62  }
0x77: {  	[tilespmem:v5+s9+$0x0] =	vst.idx.add.f32.msk vm14, v61  }
0x78: {  	[tilespmem:v8+s9+$0x0] =	vst.idx.add.f32.msk vm2, v63  }
0x79: {  	[tilespmem:v4+s9+$0x0] =	vst.idx.add.f32.msk vm3, v3  }
0x7a: {  	s12 =	simm.s32 $0x0  }
0x7b: {  	[hbm4b:s4+s12] =	stream.linear.scatter [tilespmem:s9], [sflag:$0x2], $0x19000, $0x38;
	[tilespmem:$0x1F590] =	vst v63  }
0x7c: {  	_ = 	snop  }
0x7d: {  	[tilespmem:s12], [sflag:$0x1] =	stream.linear.gather [spmem:s1], $0x1F40, $0x38;
	[tilespmem:$0x1F590] =	vst v63  }
0x7e: {  	_ =	swait.ge [sflag:s10], $0x19000  }
0x7f: {  	[sflag:s10] =	ssyncset.done $0x0  }
0x80: {  	s13 =	simm.s32 $0x40;
	s14 =	simm.s32 $0x0;
	[sflag:s10] =	ssyncadd.s32 $0xFFFE7000  }
.LBB2_8:
0x81: {  	p1 =	sne.s32 s13, $0x63FC0;
	[tilespmem:s14+$0x3E80] =	vst v2;
	s14 =	smov.u32 s13;
	s13 =	sadd.s32 $0x40, s13  }
.Ltmp3:
0x82: {  	(pc) =	sbr.rel @p1 .LBB2_8-.Ltmp3, $2  }
0x83: {  	_ =	sdelay $0x2  }
0x84: {  	s14 =	sshra.s32 s14, $0x2  }
0x85: {  	[tilespmem:s14+$0x3E80] =	vst v2  }
.LBB2_10:
0x86: {  	s13 =	sand.u32 $0x1, s12  }
0x87: {  	p1 =	seq.s32 s13, $0x1;
	s13 =	simm.s32 $0x1F40  }
0x88: {  	s13 =	simm.s32 @!p1 $0x0  }
0x89: {  	s14 =	sshll.u32 s13, $0x2  }
0x8a: {  	p1 =	seq.s32 s12, $0x13;
	s16 =	sand.u32 $0x7F00, s14  }
0x8b: {  	s15 =	smul.u32 @!p1 $0x7D00, s12;
	s16 =	sshrl.u32 s16, $0x2  }
0x8c: {  	v3 =	vmov s16  }
0x8d: {  	_ =	swait.ge [sflag:s8], $0x1F40;
	s15 =	sshra.s32 @!p1 s15, $0x2  }
0x8e: {  	s31 =	simm.s32 $0x0;
	[sflag:s8] =	ssyncset.done $0x0;
	s15 =	sadd.s32 @!p1 s15, s1  }
0x8f: {  	[sflag:s8] =	ssyncadd.s32 $0xFFFFE0C0;
	s13 =	ssub.s32 @!p1 $0x1F40, s13;
	s15 =	sadd.s32 @!p1 $0x1F40, s15  }
0x90: {  	[tilespmem:s13], [sflag:$0x1] =	stream.linear.gather @!p1 [spmem:s15], $0x1F40, $0x38;
	[tilespmem:$0x1F590] =	vst v63  }
0x91: {  	v4 =	vld.idx.msk [tilespmem:v3+s31+$0x0 ss:$0x1], $0xffff;
	_ =	sdelay $0x4  }
0x92: {  	s14 =	sshrl.u32 s14, $0x2;
	v4 =	vsub.s32 v4, v1  }
0x93: {  	s17 =	sadd.s32 $0x0, s14;
	vm0 =	vlt.u32 v4, $0x19000  }
0x94: {  	v5 =	vld [tilespmem:s17+$0xFA0];
	v4 =	vnsel vm0, $0x0, v4  }
0x95: {  	v6 =	vld [tilespmem:s17+$0x40];
	_ =	sdelay $0x3  }
0x96: {  	[tilespmem:v4+s9+$0x0] =	vst.idx.add.f32.msk vm0, v5  }
0x97: {  	v5 =	vsub.s32 v6, v1;
	v4 =	vld.idx.msk [tilespmem:v3+s31+$0x10 ss:$0x1], $0xffff  }
0x98: {  	vm0 =	vlt.u32 v5, $0x19000  }
0x99: {  	v6 =	vld [tilespmem:s17+$0xFE0];
	v5 =	vnsel vm0, $0x0, v5;
	_ =	sdelay $0x1  }
0x9a: {  	s18 =	simm.s32 $0x80  }
0x9b: {  	v8 =	vld.idx.msk [tilespmem:v3+s18+$0x0 ss:$0x1], $0xffff;
	v4 =	vsub.s32 v4, v1  }
0x9c: {  	v7 =	vld [tilespmem:s17+$0xFB0];
	vm1 =	vlt.u32 v4, $0x19000  }
0x9d: {  	[tilespmem:v5+s9+$0x0] =	vst.idx.add.f32.msk vm0, v6;
	v4 =	vnsel vm1, $0x0, v4  }
0x9e: {  	v5 =	vld [tilespmem:s17+$0x50];
	_ =	sdelay $0x1  }
0x9f: {  	s13 =	sadd.s32 $0x80, s14  }
0xa0: {  	v6 =	vsub.s32 v8, v1;
	v8 =	vld [tilespmem:s13+$0x40]  }
0xa1: {  	vm0 =	vlt.u32 v6, $0x19000;
	[tilespmem:v4+s9+$0x0] =	vst.idx.add.f32.msk vm1, v7  }
0xa2: {  	v6 =	vnsel vm0, $0x0, v6;
	v7 =	vld [tilespmem:s13+$0xFA0];
	v5 =	vsub.s32 v5, v1  }
0xa3: {  	v4 =	vld.idx.msk [tilespmem:v3+s31+$0x20 ss:$0x1], $0xffff;
	vm1 =	vlt.u32 v5, $0x19000  }
0xa4: {  	v9 =	vld [tilespmem:s17+$0xFF0];
	v5 =	vnsel vm1, $0x0, v5;
	_ =	sdelay $0x1  }
0xa5: {  	v10 =	vld [tilespmem:s13+$0xFE0]  }
0xa6: {  	[tilespmem:v6+s9+$0x0] =	vst.idx.add.f32.msk vm0, v7;
	v6 =	vsub.s32 v8, v1  }
0xa7: {  	v11 =	vld [tilespmem:s17+$0xFC0];
	v4 =	vsub.s32 v4, v1;
	vm0 =	vlt.u32 v6, $0x19000  }
0xa8: {  	vm2 =	vlt.u32 v4, $0x19000;
	[tilespmem:v5+s9+$0x0] =	vst.idx.add.f32.msk vm1, v9;
	v5 =	vnsel vm0, $0x0, v6  }
0xa9: {  	v7 =	vld.idx.msk [tilespmem:v3+s18+$0x10 ss:$0x1], $0xffff;
	v4 =	vnsel vm2, $0x0, v4  }
0xaa: {  	v6 =	vld [tilespmem:s17+$0x60];
	_ =	sdelay $0x2  }
0xab: {  	[tilespmem:v5+s9+$0x0] =	vst.idx.add.f32.msk vm0, v10  }
0xac: {  	v7 =	vsub.s32 v7, v1;
	[tilespmem:v4+s9+$0x0] =	vst.idx.add.f32.msk vm2, v11  }
0xad: {  	vm1 =	vlt.u32 v7, $0x19000;
	v5 =	vsub.s32 v6, v1;
	v6 =	vld [tilespmem:s13+$0xFB0]  }
0xae: {  	v7 =	vnsel vm1, $0x0, v7;
	v9 =	vld [tilespmem:s13+$0x50]  }
0xaf: {  	v4 =	vld.idx.msk [tilespmem:v3+s31+$0x30 ss:$0x1], $0xffff  }
0xb0: {  	s16 =	simm.s32 $0x100;
	v8 =	vld [tilespmem:s17+$0x1000]  }
0xb1: {  	v10 =	vld.idx.msk [tilespmem:v3+s16+$0x0 ss:$0x1], $0xffff;
	vm0 =	vlt.u32 v5, $0x19000  }
0xb2: {  	v11 =	vld [tilespmem:s13+$0xFF0];
	v5 =	vnsel vm0, $0x0, v5  }
0xb3: {  	[tilespmem:v7+s9+$0x0] =	vst.idx.add.f32.msk vm1, v6;
	v7 =	vsub.s32 v9, v1  }
0xb4: {  	v12 =	vld [tilespmem:s17+$0xFD0];
	v4 =	vsub.s32 v4, v1;
	vm1 =	vlt.u32 v7, $0x19000  }
0xb5: {  	s15 =	sadd.s32 $0x100, s14;
	v6 =	vld.idx.msk [tilespmem:v3+s18+$0x20 ss:$0x1], $0xffff;
	vm2 =	vlt.u32 v4, $0x19000;
	v7 =	vnsel vm1, $0x0, v7  }
0xb6: {  	v9 =	vld [tilespmem:s15+$0xFA0];
	v4 =	vnsel vm2, $0x0, v4  }
0xb7: {  	[tilespmem:v5+s9+$0x0] =	vst.idx.add.f32.msk vm0, v8;
	v5 =	vsub.s32 v10, v1  }
0xb8: {  	v10 =	vld [tilespmem:s15+$0x40];
	vm0 =	vlt.u32 v5, $0x19000  }
0xb9: {  	v8 =	vld [tilespmem:s17+$0x70];
	v5 =	vnsel vm0, $0x0, v5  }
0xba: {  	v6 =	vsub.s32 v6, v1;
	[tilespmem:v7+s9+$0x0] =	vst.idx.add.f32.msk vm1, v11  }
0xbb: {  	[tilespmem:v4+s9+$0x0] =	vst.idx.add.f32.msk vm2, v12;
	vm2 =	vlt.u32 v6, $0x19000  }
0xbc: {  	v7 =	vld [tilespmem:s13+$0xFC0];
	v6 =	vnsel vm2, $0x0, v6  }
0xbd: {  	v4 =	vld [tilespmem:s15+$0xFE0]  }
0xbe: {  	[tilespmem:v5+s9+$0x0] =	vst.idx.add.f32.msk vm0, v9  }
0xbf: {  	v5 =	vsub.s32 v10, v1;
	v9 =	vld.idx.msk [tilespmem:v3+s16+$0x10 ss:$0x1], $0xffff  }
0xc0: {  	v10 =	vld [tilespmem:s13+$0x60];
	vm0 =	vlt.u32 v5, $0x19000  }
0xc1: {  	v11 =	vnsel vm0, $0x0, v5;
	[tilespmem:v6+s9+$0x0] =	vst.idx.add.f32.msk vm2, v7  }
0xc2: {  	v6 =	vld [tilespmem:s17+$0x1010]  }
0xc3: {  	v7 =	vld.idx.msk [tilespmem:v3+s18+$0x30 ss:$0x1], $0xffff  }
0xc4: {  	v5 =	vld [tilespmem:s13+$0x1000];
	v63 =	vsub.s32 v9, v1  }
0xc5: {  	v8 =	vsub.s32 v8, v1;
	v13 =	vsub.s32 v10, v1;
	v9 =	vld [tilespmem:s15+$0xFB0];
	vm2 =	vlt.u32 v63, $0x19000  }
0xc6: {  	vm3 =	vlt.u32 v8, $0x19000;
	vm1 =	vlt.u32 v13, $0x19000;
	[tilespmem:v11+s9+$0x0] =	vst.idx.add.f32.msk vm0, v4;
	v10 =	vnsel vm2, $0x0, v63  }
0xc7: {  	s17 =	simm.s32 $0x4;
	s18 =	simm.s32 $0x180;
	v4 =	vnsel vm3, $0x0, v8;
	vm0 =	vmmov vm3;
	v8 =	vnsel vm1, $0x0, v13;
	v11 =	vld [tilespmem:s15+$0x50]  }
.LBB2_11:
0xc8: {  	v12 =	vld.idx.msk [tilespmem:v3+s18+$0x0 ss:$0x1], $0xffff;
	s17 =	sadd.s32 $0x2, s17;
	v7 =	vsub.s32 v7, v1;
	v13 =	vmov v6  }
0xc9: {  	p1 =	slt.u32 s17, $0x3C;
	v6 =	vld [tilespmem:s15+$0xFF0];
	vm3 =	vlt.u32 v7, $0x19000  }
0xca: {  	v14 =	vld [tilespmem:s13+$0xFD0];
	v7 =	vnsel vm3, $0x0, v7  }
0xcb: {  	[tilespmem:v10+s9+$0x0] =	vst.idx.add.f32.msk vm2, v9  }
0xcc: {  	v9 =	vld.idx.msk [tilespmem:v3+s16+$0x20 ss:$0x1], $0xffff;
	v10 =	vsub.s32 v11, v1  }
0xcd: {  	vm2 =	vlt.u32 v10, $0x19000;
	[tilespmem:v8+s9+$0x0] =	vst.idx.add.f32.msk vm1, v5  }
0xce: {  	v5 =	vsub.s32 v12, v1;
	v8 =	vnsel vm2, $0x0, v10;
	v10 =	vld [tilespmem:s13+$0x70]  }
0xcf: {  	s19 =	sadd.s32 s14, s18;
	vm1 =	vlt.u32 v5, $0x19000;
	[tilespmem:v7+s9+$0x0] =	vst.idx.add.f32.msk vm3, v14  }
0xd0: {  	v5 =	vnsel vm1, $0x0, v5;
	v7 =	vld [tilespmem:s19+$0xFA0]  }
0xd1: {  	v11 =	vld [tilespmem:s19+$0x40]  }
0xd2: {  	v9 =	vsub.s32 v9, v1;
	v12 =	vld [tilespmem:s19+$0xFE0]  }
0xd3: {  	vm3 =	vlt.u32 v9, $0x19000;
	[tilespmem:v8+s9+$0x0] =	vst.idx.add.f32.msk vm2, v6;
	v6 =	vsub.s32 v10, v1  }
0xd4: {  	v9 =	vnsel vm3, $0x0, v9;
	v8 =	vld [tilespmem:s15+$0xFC0];
	vm4 =	vlt.u32 v6, $0x19000  }
0xd5: {  	[tilespmem:v5+s9+$0x0] =	vst.idx.add.f32.msk vm1, v7;
	v10 =	vnsel vm4, $0x0, v6  }
0xd6: {  	v14 =	vld.idx.msk [tilespmem:v3+s18+$0x10 ss:$0x1], $0xffff;
	v5 =	vsub.s32 v11, v1  }
0xd7: {  	vm1 =	vlt.u32 v5, $0x19000;
	v11 =	vld [tilespmem:s15+$0x60]  }
0xd8: {  	v15 =	vnsel vm1, $0x0, v5;
	v5 =	vld [tilespmem:s15+$0x1000]  }
0xd9: {  	[tilespmem:v9+s9+$0x0] =	vst.idx.add.f32.msk vm3, v8  }
0xda: {  	v7 =	vld.idx.msk [tilespmem:v3+s16+$0x30 ss:$0x1], $0xffff;
	s16 =	smov.u32 s18  }
.Ltmp4:
0xdb: {  	v6 =	vld [tilespmem:s13+$0x1010];
	s13 =	smov.u32 s15;
	s15 =	smov.u32 s19;
	(pc) =	sbr.rel @p1 .LBB2_11-.Ltmp4, $4  }
0xdc: {  	v8 =	vsub.s32 v14, v1;
	v11 =	vsub.s32 v11, v1;
	[tilespmem:v4+s9+$0x0] =	vst.idx.add.f32.msk vm0, v13;
	v4 =	vmov v10  }
0xdd: {  	vm2 =	vlt.u32 v8, $0x19000;
	vm0 =	vmmov vm4;
	[tilespmem:v15+s9+$0x0] =	vst.idx.add.f32.msk vm1, v12;
	vm1 =	vlt.u32 v11, $0x19000  }
0xde: {  	v10 =	vnsel vm2, $0x0, v8;
	v9 =	vld [tilespmem:s15+$0xFB0];
	v8 =	vnsel vm1, $0x0, v11  }
0xdf: {  	s18 =	sadd.s32 $0x80, s18;
	v11 =	vld [tilespmem:s15+$0x50]  }
0xe0: {  	_ =	sdelay $0x3  }
0xe1: {  	v11 =	vsub.s32 v11, v1  }
0xe2: {  	vm3 =	vlt.u32 v11, $0x19000  }
0xe3: {  	v12 =	vld [tilespmem:s15+$0xFF0];
	v11 =	vnsel vm3, $0x0, v11;
	_ =	sdelay $0x2  }
0xe4: {  	[tilespmem:v10+s9+$0x0] =	vst.idx.add.f32.msk vm2, v9  }
0xe5: {  	v9 =	vld.idx.msk [tilespmem:v3+s16+$0x20 ss:$0x1], $0xffff  }
0xe6: {  	[tilespmem:v11+s9+$0x0] =	vst.idx.add.f32.msk vm3, v12  }
0xe7: {  	v58 =	vld [tilespmem:s15+$0x60];
	_ =	sdelay $0x2  }
0xe8: {  	v9 =	vsub.s32 v9, v1  }
0xe9: {  	vm10 =	vlt.u32 v9, $0x19000  }
0xea: {  	v59 =	vld [tilespmem:s15+$0xFC0];
	v9 =	vnsel vm10, $0x0, v9;
	v10 =	vsub.s32 v58, v1  }
0xeb: {  	vm11 =	vlt.u32 v10, $0x19000  }
0xec: {  	v12 =	vld [tilespmem:s15+$0x1000];
	v10 =	vnsel vm11, $0x0, v10  }
0xed: {  	[tilespmem:v8+s9+$0x0] =	vst.idx.add.f32.msk vm1, v5  }
0xee: {  	v5 =	vld [tilespmem:s13+$0x70]  }
0xef: {  	[tilespmem:v9+s9+$0x0] =	vst.idx.add.f32.msk vm10, v59  }
0xf0: {  	v3 =	vld.idx.msk [tilespmem:v3+s16+$0x30 ss:$0x1], $0xffff  }
0xf1: {  	[tilespmem:v10+s9+$0x0] =	vst.idx.add.f32.msk vm11, v12  }
0xf2: {  	v60 =	vld [tilespmem:s15+$0x70];
	_ =	sdelay $0x1  }
0xf3: {  	v7 =	vsub.s32 v7, v1;
	v5 =	vsub.s32 v5, v1  }
0xf4: {  	vm12 =	vlt.u32 v7, $0x19000;
	vm13 =	vlt.u32 v5, $0x19000  }
0xf5: {  	v61 =	vld [tilespmem:s13+$0xFD0];
	v7 =	vnsel vm12, $0x0, v7;
	vm4 =	vmmov vm13;
	v3 =	vsub.s32 v3, v1  }
0xf6: {  	v63 =	vld [tilespmem:s13+$0x1010];
	v5 =	vnsel vm13, $0x0, v5;
	vm14 =	vlt.u32 v3, $0x19000;
	v8 =	vsub.s32 v60, v1  }
0xf7: {  	s12 =	sadd.s32 $0x1, s12;
	v62 =	vld [tilespmem:s15+$0xFD0];
	v3 =	vnsel vm14, $0x0, v3;
	vm5 =	vlt.u32 v8, $0x19000  }
0xf8: {  	p1 =	sne.s32 s12, $0x14;
	v12 =	vld [tilespmem:s15+$0x1010];
	v8 =	vnsel vm5, $0x0, v8  }
.Ltmp5:
0xf9: {  	[tilespmem:v4+s9+$0x0] =	vst.idx.add.f32.msk vm0, v6;
	(pc) =	sbr.rel @p1 .LBB2_10-.Ltmp5, $4  }
0xfa: {  	[tilespmem:v7+s9+$0x0] =	vst.idx.add.f32.msk vm12, v61  }
0xfb: {  	[tilespmem:v5+s9+$0x0] =	vst.idx.add.f32.msk vm4, v63  }
0xfc: {  	[tilespmem:v3+s9+$0x0] =	vst.idx.add.f32.msk vm14, v62  }
0xfd: {  	vm15 =	vmmov vm5;
	[tilespmem:v8+s9+$0x0] =	vst.idx.add.f32.msk vm5, v12  }
0xfe: {  	s11 =	sadd.s32 $0x1, s11  }
0xff: {  	p1 =	sne.s32 s11, s6  }
.Ltmp6:
0x100: {  	_ = 	snop;
	(pc) =	sbr.rel @p1 .LBB2_1-.Ltmp6, $4  }
0x101: {  	[hbm4b:s5+s2] =	stream.linear.scatter [tilespmem:s9], [sflag:$0x2], $0x19000, $0x38;
	[tilespmem:$0x1F590] =	vst v63  }
0x102: {  	_ =	swait.ge [sflag:s10], $0x19000  }
0x103: {  	[sflag:s10] =	ssyncset.done $0x0  }
0x104: {  	[sflag:s10] =	ssyncadd.s32 $0xFFFE7000  }
0x105: {  	_ =	sfence.sel $0x180000  }
0x106: {  	[bflag:$0x0] =	sbarrier.arrive $0xFFFF  }
0x107: {  	_ =	strace $0x90000047  }
0x108: {  	s0 =	sadd.s32 @!p0 $0x100000, s0;
	[bflag:$0x2] =	sbarrier.arrive $0xFFFF  }
0x109: {  	[sflag:s0] =	ssyncadd.tile.s32 @!p0 $0x1;
	_ =	shalt  }
.Lfunc_end2:
_tile_overlayer_lowered:
.L_overlay_start_2:
0x10a: {  	(tag) =	ssettag $0x2  }
0x10b: {  	s0 =	rddreg [dreg:$0x0];
	s2 =	stileid.u32  }
0x10c: {  	s1 =	rddreg [dreg:$0x1];
	p0 =	sne.s32 s2, $0x0  }
0x10d: {  	s3 =	rddreg [dreg:$0x2];
	[bflag:$0x3] =	sbarrier.arrive $0xFFFF;
	s2 =	simm.s32 @!p0 $0x1C03  }
0x10e: {  	[timem:s3], [sflag:s2] =	dma.local @!p0 [hbm:s0], s1  }
0x10f: {  	s0 =	simm.s32 @!p0 $0x3  }
0x110: {  	_ =	swait.ge @!p0 [sflag:s0], s1  }
0x111: {  	s1 =	ssub.s32 @!p0 $0x0, s1;
	[sflag:s0] =	ssyncset.done @!p0 $0x0  }
0x112: {  	[sflag:s0] =	ssyncadd.s32 @!p0 s1  }
0x113: {  	[bflag:$0x3] =	sbarrier.arrive $0xFFFF  }
0x114: {  	_ =	shalt  }

// kernel: kernel.17.cloned.1.call-start
scs
__scs_entry_jumppad:
0x0: {  	(pc) =	sbr.rel $0x88, $3  }
0x1: {  	(tag) =	ssettag $0x0;
	lr =	simm.s32 $0x1  }
0x2: {  	[smem:$0x3F94] =	sst lr;
	_ =	strace $0xD0000000  }
0x3: {  	_ = 	snop  }
0x4: {  	_ = 	snop  }
0x5: {  	_ = 	snop  }
0x6: {  	_ = 	snop  }
0x7: {  	_ = 	snop  }
__scs_overlays_trampoline_lowered:
0x8: {  	[smem:$0x3FA3] =	sst s0  }
0x9: {  	[smem:$0x3FA4] =	sst s1  }
0xa: {  	[smem:$0x3FA5] =	sst s2  }
0xb: {  	[smem:$0x3FA6] =	sst s3  }
0xc: {  	[smem:$0x3FA7] =	sst s4  }
0xd: {  	[smem:$0x3FA8] =	sst s5  }
0xe: {  	[smem:$0x3FA9] =	sst s6  }
0xf: {  	[smem:$0x3FAA] =	sst s7  }
0x10: {  	[smem:$0x3FAB] =	sst s8  }
0x11: {  	[smem:$0x3FAC] =	sst s9;
	s0 =	simm.s32 @!p0 $0x0  }
0x12: {  	s1 =	sld [smem:$0x3F92];
	s0 =	simm.s32 @p0 $0x1  }
0x13: {  	[smem:$0x3FAD] =	sst s0;
	s0 =	simm.s32 @!p1 $0x0  }
0x14: {  	s2 =	sld [smem:$0x3F91];
	s0 =	simm.s32 @p1 $0x1  }
0x15: {  	[smem:$0x3FAE] =	sst s0;
	s0 =	simm.s32 @!p2 $0x0  }
0x16: {  	s3 =	sld [smem:$0x3FDB];
	s0 =	simm.s32 @p2 $0x1  }
0x17: {  	s4 =	simm.s32 $0x1BF5;
	[smem:$0x3FB0] =	sst s0  }
0x18: {  	s0 =	sld [smem:$0x3F93];
	_ =	swait.ge [sflag:s4], $0x0  }
0x19: {  	s7 =	sld [smem:$0x3F94]  }
0x1a: {  	s8 =	sadd.s32 $0xFFFFE003, lr  }
0x1b: {  	s9 =	sadd.s32 $0xFFFFFEF7, lr;
	s5 =	simm.s32 $0xFFFFFFFF;
	p2 =	slt.u32 s8, $0xFFFFF086  }
0x1c: {  	p1 =	slt.u32 s9, $0xF7A;
	s5 =	simm.s32 @!p2 $0x0  }
0x1d: {  	s5 =	simm.s32 @p1 $0x1;
	p0 =	seq.s32 s7, s2  }
0x1e: {  	s7 =	smul.u32 @!p0 $0xF7A, s2;
	p2 =	seq.s32 @!p0 s5, $0x0  }
0x1f: {  	s9 =	smul.u32 $0xF7A, s1;
	s8 =	simm.s32 @!p0 $0x1BF5;
	p2 =	por !p2, p0  }
0x20: {  	[sflag:s8] =	ssyncset.s32 @!p0 $0xFFFFF086;
	s6 =	sadd.s32 @!p0 s3, s7;
	s7 =	simm.s32 @!p0 $0x108  }
0x21: {  	s3 =	sadd.s32 s3, s9;
	s6 =	sadd.s32 @!p0 $0x88, s6;
	s7 =	simm.s32 @p2 $0x1082  }
0x22: {  	[simem:s7], [sflag:s8] =	dma.local @!p0 [hbm:s6], $0xF7A  }
0x23: {  	s9 =	sor.u32 $0xD0000000, s2;
	s6 =	simm.s32 $0x108;
	_ =	swait.ge @!p0 [sflag:s8], $0x0  }
0x24: {  	s3 =	sadd.s32 $0x88, s3;
	s6 =	simm.s32 @!p1 $0x1082;
	[sflag:s4] =	ssyncset.s32 $0xFFFFF086  }
0x25: {  	[simem:s6], [sflag:s4] =	dma.local [hbm:s3], $0xF7A  }
0x26: {  	[smem:$0x3F94] =	sst s1;
	(tag) =	ssettag s2;
	_ =	strace s9  }
0x27: {  	s1 =	sld [smem:$0x3FA4]  }
0x28: {  	s2 =	sld [smem:$0x3FA5]  }
0x29: {  	s4 =	sld [smem:$0x3FA7]  }
0x2a: {  	p0 =	seq.s32 s5, $0x0;
	s5 =	sld [smem:$0x3FA8]  }
0x2b: {  	s6 =	sld [smem:$0x3FA9]  }
0x2c: {  	s7 =	sld [smem:$0x3FAA]  }
0x2d: {  	s3 =	simm.s32 $0x108;
	s8 =	sld [smem:$0x3FAB]  }
0x2e: {  	s3 =	simm.s32 @!p0 $0x1082;
	s9 =	sld [smem:$0x3FAC]  }
0x2f: {  	lr =	sadd.s32 s0, s3;
	s0 =	sld [smem:$0x3FA3]  }
0x30: {  	s3 =	sld [smem:$0x3FA6]  }
0x31: {  	[smem:$0x3FAF] =	sst s10  }
0x32: {  	s10 =	sld [smem:$0x3FAD];
	_ =	sdelay $0x3  }
0x33: {  	p0 =	seq.s32 s10, $0x1;
	s10 =	sld [smem:$0x3FAF];
	_ =	sdelay $0x3  }
0x34: {  	[smem:$0x3FAF] =	sst s10  }
0x35: {  	s10 =	sld [smem:$0x3FAE];
	_ =	sdelay $0x3  }
0x36: {  	p1 =	seq.s32 s10, $0x1;
	s10 =	sld [smem:$0x3FAF];
	_ =	sdelay $0x3  }
0x37: {  	[smem:$0x3FAF] =	sst s10  }
0x38: {  	s10 =	sld [smem:$0x3FB0]  }
0x39: {  	_ = 	snop;
	(pc) =	sbr.ind lr, $3  }
0x3a: {  	_ = 	snop  }
0x3b: {  	_ = 	snop  }
0x3c: {  	p2 =	seq.s32 s10, $0x1;
	s10 =	sld [smem:$0x3FAF]  }
0x3d: {  	_ =	shalt  }
0x3e: {  	_ =	shalt  }
0x3f: {  	_ =	shalt  }
0x40: {  	_ =	shalt  }
0x41: {  	_ =	shalt  }
0x42: {  	_ =	shalt  }
0x43: {  	_ =	shalt  }
0x44: {  	_ =	shalt  }
0x45: {  	_ =	shalt  }
0x46: {  	_ =	shalt  }
0x47: {  	_ =	shalt  }
0x48: {  	_ =	shalt  }
0x49: {  	_ =	shalt  }
0x4a: {  	_ =	shalt  }
0x4b: {  	_ =	shalt  }
0x4c: {  	_ =	shalt  }
0x4d: {  	_ =	shalt  }
0x4e: {  	_ =	shalt  }
0x4f: {  	_ =	shalt  }
0x50: {  	_ =	shalt  }
0x51: {  	_ =	shalt  }
0x52: {  	_ =	shalt  }
0x53: {  	_ =	shalt  }
0x54: {  	_ =	shalt  }
0x55: {  	_ =	shalt  }
0x56: {  	_ =	shalt  }
0x57: {  	_ =	shalt  }
0x58: {  	_ =	shalt  }
0x59: {  	_ =	shalt  }
0x5a: {  	_ =	shalt  }
0x5b: {  	_ =	shalt  }
0x5c: {  	_ =	shalt  }
0x5d: {  	_ =	shalt  }
0x5e: {  	_ =	shalt  }
0x5f: {  	_ =	shalt  }
0x60: {  	_ =	shalt  }
0x61: {  	_ =	shalt  }
0x62: {  	_ =	shalt  }
0x63: {  	_ =	shalt  }
0x64: {  	_ =	shalt  }
0x65: {  	_ =	shalt  }
0x66: {  	_ =	shalt  }
0x67: {  	_ =	shalt  }
0x68: {  	_ =	shalt  }
0x69: {  	_ =	shalt  }
0x6a: {  	_ =	shalt  }
0x6b: {  	_ =	shalt  }
0x6c: {  	_ =	shalt  }
0x6d: {  	_ =	shalt  }
0x6e: {  	_ =	shalt  }
0x6f: {  	_ =	shalt  }
0x70: {  	_ =	shalt  }
0x71: {  	_ =	shalt  }
0x72: {  	_ =	shalt  }
0x73: {  	_ =	shalt  }
0x74: {  	_ =	shalt  }
0x75: {  	_ =	shalt  }
0x76: {  	_ =	shalt  }
0x77: {  	_ =	shalt  }
0x78: {  	_ =	shalt  }
0x79: {  	_ =	shalt  }
0x7a: {  	_ =	shalt  }
0x7b: {  	_ =	shalt  }
0x7c: {  	_ =	shalt  }
0x7d: {  	_ =	shalt  }
0x7e: {  	_ =	shalt  }
0x7f: {  	_ =	shalt  }
0x80: {  	_ =	shalt  }
0x81: {  	_ =	shalt  }
0x82: {  	_ =	shalt  }
0x83: {  	_ =	shalt  }
0x84: {  	_ =	shalt  }
0x85: {  	_ =	shalt  }
0x86: {  	_ =	shalt  }
0x87: {  	_ =	shalt  }
.Lfunc_end0:
.L_simem_size_0:
called_computation.2_lowered:
.L_overlay_start_0:
0x88: {  	s2 =	sld [smem:$0x3FD9]  }
0x89: {  	s3 =	sld [smem:$0x3FFE];
	_ =	sdelay $0x1  }
0x8a: {  	s1 =	srdreg.scid  }
0x8b: {  	s0 =	sand.u32 $0x1, s1  }
0x8c: {  	s17 =	sshll.u32 s0, $0xA;
	s2 =	sadd.s32 s3, s2  }
0x8d: {  	s2 =	sadd.s32 s2, s17  }
0x8e: {  	[smem:$0x3FBB] =	sst s2  }
0x8f: {  	_ = 	snop  }
0x90: {  	(tm) =	ssettm $0x1  }
0x91: {  	s18 =	sld [smem:$0x3FFB];
	_ =	sdelay $0x3  }
0x92: {  	_ =	strace s18  }
0x93: {  	s2 =	sld [smem:$0x3FFC];
	_ =	sdelay $0x3  }
0x94: {  	_ =	strace s2  }
0x95: {  	s2 =	sld [smem:$0x3FFD];
	_ =	sdelay $0x3  }
0x96: {  	_ =	strace s2  }
0x97: {  	_ =	strace $0x8FFFFFFF  }
0x98: {  	s19 =	sld [smem:$0x3FDB];
	_ =	sdelay $0x1  }
0x99: {  	s20 =	simm.s32 $_scs_section_size  }
0x9a: {  	s4 =	simm.s32 $_size__tile_overlayer_lowered;
	s5 =	simm.s32 $_tile_overlayer_lowered  }
0x9b: {  	s6 =	simm.s32 $0x1BFF;
	s21 =	sshll.u32 s5, $0x1;
	s3 =	sadd.s32 s20, s19  }
0x9c: {  	s22 =	simm.s32 $0x0;
	s4 =	sshll.u32 s4, $0x1;
	s5 =	sadd.s32 s21, s3  }
0x9d: {  	[timem:s22], [sflag:s6] =	dma.local [hbm:s5], s4  }
0x9e: {  	_ =	swait.ge [sflag:s6], s4  }
0x9f: {  	s4 =	ssub.s32 $0x0, s4;
	[sflag:s6] =	ssyncset.done $0x0  }
0xa0: {  	[sflag:s6] =	ssyncadd.s32 s4;
	_ =	sdelay $0x1  }
0xa1: {  	s23 =	simm.s32 $0x1B8B  }
0xa2: {  	_ =	swait.ge [sflag:s23], $0x1  }
0xa3: {  	[sflag:s23] =	ssyncset.done $0x0  }
0xa4: {  	[sflag:s23] =	ssyncadd.s32 $0xFFFFFFFF  }
0xa5: {  	s4 =	sld [smem:$0x0]  }
0xa6: {  	s5 =	sand.u32 $0xFFFFFFFE, s1  }
0xa7: {  	p0 =	sne.s32 s1, s5  }
0xa8: {  	s5 =	sshll.u32 @p0 s5, $0xE  }
0xa9: {  	s5 =	sadd.s32 @p0 $0x11B8D, s5;
	s6 =	sshll.u32 @p0 s4, $0x11  }
0xaa: {  	s5 =	sor.u32 @p0 s6, s5  }
0xab: {  	[sflag:s5] =	ssyncadd.remote.s32 @p0 $0x1;
	_ =	sdelay $0x1  }
0xac: {  	s5 =	simm.s32 @p0 $0x1B8D  }
0xad: {  	_ =	swait.eq @p0 [sflag:s5], $0x1  }
0xae: {  	[sflag:s5] =	ssyncadd.s32 @p0 $0xFFFFFFFF  }
0xaf: {  	s6 =	sshll.u32 @!p0 s1, $0xE  }
0xb0: {  	s6 =	sor.u32 @!p0 $0x4000, s6;
	s5 =	simm.s32 @!p0 $0x1B8D  }
0xb1: {  	s4 =	sshll.u32 @!p0 s4, $0x11;
	s6 =	sadd.s32 @!p0 $0x11B8D, s6;
	_ =	swait.eq @!p0 [sflag:s5], $0x1  }
0xb2: {  	s4 =	sor.u32 @!p0 s4, s6;
	[sflag:s5] =	ssyncadd.s32 @!p0 $0xFFFFFFFF  }
0xb3: {  	s25 =	simm.s32 $0x1B8E;
	s24 =	sld [smem:$0x3FFE];
	[sflag:s4] =	ssyncadd.remote.s32 @!p0 $0x1  }
0xb4: {  	s26 =	simm.s32 $execute0_lowered;
	[smem:$0x3FD2] =	sst s25  }
0xb5: {  	s5 =	sshll.u32 s26, $0x1;
	_ =	strace $0x80000049;
	[dreg:$0x1] =	wrdreg $0xFFFFFFFF  }
0xb6: {  	s28 =	simm.s32 $_size_execute0_lowered;
	s3 =	sadd.s32 s3, s5;
	[dreg:$0x0] =	wrdreg $0x0  }
0xb7: {  	s5 =	sshll.u32 s28, $0x1;
	[dreg:$0x2] =	wrdreg s3  }
0xb8: {  	[dreg:$0x3] =	wrdreg s5  }
0xb9: {  	[dreg:$0x4] =	wrdreg $0xC0  }
0xba: {  	_ =	task [dreg:s22], $0x5FFFF  }
0xbb: {  	[dreg:$0x1] =	wrdreg $0xFFFFFFFF  }
0xbc: {  	[dreg:$0x0] =	wrdreg $0x60  }
0xbd: {  	[dreg:$0x2] =	wrdreg s24  }
0xbe: {  	[dreg:$0x3] =	wrdreg $0x1CE800  }
0xbf: {  	[dreg:$0x4] =	wrdreg $0xB  }
0xc0: {  	_ =	task.clear_ibuf [dreg:s22], $0x5FFFF;
	_ =	strace $0x90000049  }
0xc1: {  	s29 =	simm.s32 $0xB;
	_ =	strace $0x8000004B  }
0xc2: {  	_ =	swait.ge [sflag:s29], $0x1  }
0xc3: {  	[sflag:s29] =	ssyncadd.s32 $0xFFFFFFFF  }
0xc4: {  	_ =	strace $0x9000004B  }
0xc5: {  	_ =	sfence  }
0xc6: {  	s30 =	sld [smem:$0x0];
	_ =	sdelay $0x2  }
0xc7: {  	s31 =	sshll.u32 s1, $0xD;
	s1 =	sshrl.u32 s1, $0x2  }
0xc8: {  	s4 =	sand.u32 $0x4000, s31;
	s1 =	sadd.s32 s1, s30  }
0xc9: {  	s0 =	sor.u32 s4, s0;
	s1 =	sshll.u32 s1, $0x11  }
0xca: {  	s0 =	sor.u32 s1, s0  }
0xcb: {  	s0 =	sadd.s32 $0x8F2B, s0  }
0xcc: {  	[sflag:s0] =	ssyncadd.remote.s32 $0x1  }
0xcd: {  	_ =	sfence.sel $0xFFFF  }
0xce: {  	[dreg:$0x0] =	wrdreg $0xFFFFFFFF;
	(pc) =	sbr.abs _section_cstart, $3  }
0xcf: {  	[dreg:$0x1] =	wrdreg $0xFFFFFFFF  }
0xd0: {  	_ =	task.clear_ibuf [dreg:s22], $0x2FFFF;
	_ =	strace $0x9FFFFFFF  }
0xd1: {  	(tm) =	ssettm $0x7FFFFFFF  }
tec
execute0_lowered:
.L_overlay_start_1:
0x0: {  	(tag) =	ssettag $0x1  }
0x1: {  	s4 =	rddreg [dreg:$0x0];
	s0 =	srdreg.scid  }
0x2: {  	s6 =	stileid.u32;
	s1 =	rddreg [dreg:$0x1];
	s2 =	simm.s32 $0x0  }
0x3: {  	s5 =	sand.u32 $0x1, s0;
	s3 =	sshll.u32 s6, $0x1;
	s0 =	rddreg [dreg:$0x2]  }
0x4: {  	s11 =	simm.s32 $0x0;
	[smem:$0x7FF] =	sst s2;
	s3 =	sor.u32 s5, s3  }
0x5: {  	s7 =	sadd.s32 $0xD9800, s4;
	s5 =	ssub.s32 $0x2, s5;
	s9 =	smul.u32 $0x19000, s3  }
0x6: {  	p0 =	sne.s32 s6, $0x0;
	_ =	strace $0x8000004A;
	s29 =	sshrl.u32 s5, $0x1  }
0x7: {  	s3 =	sadd.s32 $0x7800, s4;
	s8 =	ssub.s32 s5, s29;
	s10 =	sadd.s32 $0x320000, s9  }
0x8: {  	s30 =	sshrl.u32 s9, $0x3;
	s6 =	smax.u32 s8, $0x1;
	s8 =	simm.s32 $0x1  }
0x9: {  	v0 =	vmov s9;
	s9 =	simm.s32 $0x3E80;
	s31 =	sshrl.u32 s10, $0x3;
	s4 =	sadd.s32 s7, s30  }
0xa: {  	v2 =	vimm.f32 $0.0e+00;
	v1 =	vmov s10;
	s10 =	simm.s32 $0x2;
	s5 =	sadd.s32 s7, s31;
	s7 =	sshrl.u32 @!p0 s1, $0x3  }
.LBB2_1:
0xb: {  	s12 =	simm.s32 @!p0 $0x1C03  }
0xc: {  	[spmem:s7], [sflag:s12] =	dma.local @!p0 [hbm:s3], $0x4E20  }
0xd: {  	s12 =	simm.s32 @!p0 $0x3  }
0xe: {  	_ =	swait.ge @!p0 [sflag:s12], $0x4E20  }
0xf: {  	[sflag:s12] =	ssyncset.done @!p0 $0x0  }
0x10: {  	[sflag:s12] =	ssyncadd.s32 @!p0 $0xFFFFB1E0  }
0x11: {  	s13 =	simm.s32 $0x0;
	s12 =	simm.s32 $0x40;
	[bflag:$0x0] =	sbarrier.arrive $0xFFFF  }
0x12: {  	[tilespmem:s2], [sflag:$0x1] =	stream.linear.gather [spmem:s1], $0x1F40, $0x38;
	[tilespmem:$0x1F590] =	vst v63  }
.LBB2_2:
0x13: {  	p1 =	sne.s32 s12, $0x63FC0;
	[tilespmem:s13+$0x3E80] =	vst v2;
	s13 =	smov.u32 s12;
	s12 =	sadd.s32 $0x40, s12  }
.Ltmp0:
0x14: {  	(pc) =	sbr.rel @p1 .LBB2_2-.Ltmp0, $2  }
0x15: {  	_ =	sdelay $0x2  }
0x16: {  	s13 =	sshra.s32 s13, $0x2  }
0x17: {  	[tilespmem:s13+$0x3E80] =	vst v2;
	s12 =	simm.s32 $0x0;
	s13 =	simm.s32 $0x0  }
.LBB2_4:
0x18: {  	s14 =	sand.u32 $0x1, s13  }
0x19: {  	p1 =	seq.s32 s14, $0x1;
	s14 =	simm.s32 $0x1F40  }
0x1a: {  	s14 =	simm.s32 @!p1 $0x0  }
0x1b: {  	p1 =	seq.s32 s13, $0x13;
	s15 =	sshll.u32 s14, $0x2  }
0x1c: {  	s16 =	smul.u32 @!p1 $0x7D00, s13;
	s17 =	sshrl.u32 s15, $0x2  }
0x1d: {  	_ =	swait.ge [sflag:s8], $0x1F40;
	v3 =	vmov s17  }
0x1e: {  	[sflag:s8] =	ssyncset.done $0x0;
	s16 =	sshra.s32 @!p1 s16, $0x2  }
0x1f: {  	[sflag:s8] =	ssyncadd.s32 $0xFFFFE0C0;
	s15 =	sand.u32 $0x7F00, s15;
	s16 =	sadd.s32 @!p1 s16, s1  }
0x20: {  	s14 =	ssub.s32 @!p1 $0x1F40, s14;
	s15 =	sshrl.u32 s15, $0x2;
	s16 =	sadd.s32 @!p1 $0x1F40, s16  }
0x21: {  	v4 =	vmov s15;
	[tilespmem:s14], [sflag:$0x1] =	stream.linear.gather @!p1 [spmem:s16], $0x1F40, $0x38;
	[tilespmem:$0x1F590] =	vst v63  }
0x22: {  	v5 =	vld.idx.msk [tilespmem:v3+s12+$0x40 ss:$0x1], $0xffff;
	_ =	sdelay $0x3  }
0x23: {  	v6 =	vld.idx.msk [tilespmem:v4+s12+$0x0 ss:$0x1], $0xffff  }
0x24: {  	v5 =	vsub.s32 v5, v0  }
0x25: {  	vm0 =	vlt.u32 v5, $0x19000  }
0x26: {  	v7 =	vld.idx.msk [tilespmem:v3+s12+$0xFE0 ss:$0x1], $0xffff;
	v5 =	vnsel vm0, $0x0, v5;
	_ =	sdelay $0x1  }
0x27: {  	v6 =	vsub.s32 v6, v0  }
0x28: {  	vm1 =	vlt.u32 v6, $0x19000  }
0x29: {  	v8 =	vld.idx.msk [tilespmem:v3+s12+$0xFA0 ss:$0x1], $0xffff;
	v6 =	vnsel vm1, $0x0, v6  }
0x2a: {  	[tilespmem:v5+s9+$0x0] =	vst.idx.add.f32.msk vm0, v7  }
0x2b: {  	v5 =	vld.idx.msk [tilespmem:v3+s12+$0x50 ss:$0x1], $0xffff;
	_ =	sdelay $0x2  }
0x2c: {  	[tilespmem:v6+s9+$0x0] =	vst.idx.add.f32.msk vm1, v8  }
0x2d: {  	v6 =	vld.idx.msk [tilespmem:v4+s12+$0x10 ss:$0x1], $0xffff  }
0x2e: {  	v5 =	vsub.s32 v5, v0  }
0x2f: {  	vm0 =	vlt.u32 v5, $0x19000  }
0x30: {  	v7 =	vld.idx.msk [tilespmem:v3+s12+$0xFF0 ss:$0x1], $0xffff;
	v5 =	vnsel vm0, $0x0, v5  }
0x31: {  	s14 =	simm.s32 $0x80  }
0x32: {  	v8 =	vld.idx.msk [tilespmem:v3+s14+$0x40 ss:$0x1], $0xffff;
	v6 =	vsub.s32 v6, v0  }
0x33: {  	v10 =	vld.idx.msk [tilespmem:v4+s14+$0x0 ss:$0x1], $0xffff;
	vm1 =	vlt.u32 v6, $0x19000  }
0x34: {  	v9 =	vld.idx.msk [tilespmem:v3+s12+$0xFB0 ss:$0x1], $0xffff;
	v6 =	vnsel vm1, $0x0, v6  }
0x35: {  	[tilespmem:v5+s9+$0x0] =	vst.idx.add.f32.msk vm0, v7  }
0x36: {  	v5 =	vld.idx.msk [tilespmem:v3+s12+$0x60 ss:$0x1], $0xffff  }
0x37: {  	v7 =	vsub.s32 v8, v0  }
0x38: {  	v8 =	vld.idx.msk [tilespmem:v3+s14+$0xFE0 ss:$0x1], $0xffff;
	vm0 =	vlt.u32 v7, $0x19000  }
0x39: {  	v10 =	vsub.s32 v10, v0;
	[tilespmem:v6+s9+$0x0] =	vst.idx.add.f32.msk vm1, v9;
	v7 =	vnsel vm0, $0x0, v7  }
0x3a: {  	vm1 =	vlt.u32 v10, $0x19000;
	v6 =	vld.idx.msk [tilespmem:v4+s12+$0x20 ss:$0x1], $0xffff  }
0x3b: {  	v9 =	vld.idx.msk [tilespmem:v3+s14+$0xFA0 ss:$0x1], $0xffff;
	v10 =	vnsel vm1, $0x0, v10;
	v5 =	vsub.s32 v5, v0  }
0x3c: {  	v12 =	vld.idx.msk [tilespmem:v3+s12+$0x1000 ss:$0x1], $0xffff;
	vm2 =	vlt.u32 v5, $0x19000  }
0x3d: {  	v11 =	vld.idx.msk [tilespmem:v3+s12+$0xFC0 ss:$0x1], $0xffff;
	v5 =	vnsel vm2, $0x0, v5  }
0x3e: {  	[tilespmem:v7+s9+$0x0] =	vst.idx.add.f32.msk vm0, v8  }
0x3f: {  	v6 =	vsub.s32 v6, v0;
	v7 =	vld.idx.msk [tilespmem:v3+s14+$0x50 ss:$0x1], $0xffff  }
0x40: {  	[tilespmem:v10+s9+$0x0] =	vst.idx.add.f32.msk vm1, v9;
	vm0 =	vlt.u32 v6, $0x19000  }
0x41: {  	v9 =	vld.idx.msk [tilespmem:v4+s14+$0x10 ss:$0x1], $0xffff;
	v13 =	vnsel vm0, $0x0, v6  }
0x42: {  	[tilespmem:v5+s9+$0x0] =	vst.idx.add.f32.msk vm2, v12  }
0x43: {  	v6 =	vld.idx.msk [tilespmem:v3+s12+$0x70 ss:$0x1], $0xffff  }
0x44: {  	v8 =	vld.idx.msk [tilespmem:v3+s14+$0xFF0 ss:$0x1], $0xffff;
	v7 =	vsub.s32 v7, v0  }
0x45: {  	v5 =	vld.idx.msk [tilespmem:v3+s14+$0xFB0 ss:$0x1], $0xffff;
	vm1 =	vlt.u32 v7, $0x19000  }
0x46: {  	v10 =	vsub.s32 v9, v0;
	[tilespmem:v13+s9+$0x0] =	vst.idx.add.f32.msk vm0, v11;
	v9 =	vnsel vm1, $0x0, v7  }
0x47: {  	s17 =	simm.s32 $0x100;
	s15 =	simm.s32 $0x0;
	s16 =	simm.s32 $0x2;
	vm0 =	vlt.u32 v10, $0x19000;
	v7 =	vld.idx.msk [tilespmem:v4+s12+$0x30 ss:$0x1], $0xffff  }
.LBB2_5:
0x48: {  	v11 =	vld.idx.msk [tilespmem:v3+s17+$0x40 ss:$0x1], $0xffff;
	s16 =	sadd.s32 $0x2, s16;
	v10 =	vnsel vm0, $0x0, v10;
	v6 =	vsub.s32 v6, v0  }
0x49: {  	p1 =	slt.u32 s16, $0x3C;
	v12 =	vld.idx.msk [tilespmem:v3+s15+$0x1010 ss:$0x1], $0xffff;
	vm2 =	vlt.u32 v6, $0x19000  }
0x4a: {  	v13 =	vld.idx.msk [tilespmem:v4+s17+$0x0 ss:$0x1], $0xffff;
	v6 =	vnsel vm2, $0x0, v6  }
0x4b: {  	[tilespmem:v9+s9+$0x0] =	vst.idx.add.f32.msk vm1, v8  }
0x4c: {  	v8 =	vld.idx.msk [tilespmem:v3+s14+$0x60 ss:$0x1], $0xffff  }
0x4d: {  	v7 =	vsub.s32 v7, v0;
	v9 =	vld.idx.msk [tilespmem:v3+s17+$0xFA0 ss:$0x1], $0xffff  }
0x4e: {  	v11 =	vsub.s32 v11, v0;
	vm1 =	vlt.u32 v7, $0x19000;
	v14 =	vld.idx.msk [tilespmem:v3+s17+$0xFE0 ss:$0x1], $0xffff  }
0x4f: {  	vm3 =	vlt.u32 v11, $0x19000;
	v7 =	vnsel vm1, $0x0, v7;
	[tilespmem:v6+s9+$0x0] =	vst.idx.add.f32.msk vm2, v12  }
0x50: {  	v6 =	vsub.s32 v13, v0;
	v11 =	vnsel vm3, $0x0, v11;
	[tilespmem:v10+s9+$0x0] =	vst.idx.add.f32.msk vm0, v5  }
0x51: {  	vm0 =	vlt.u32 v6, $0x19000;
	v5 =	vld.idx.msk [tilespmem:v4+s14+$0x20 ss:$0x1], $0xffff  }
0x52: {  	v6 =	vnsel vm0, $0x0, v6;
	v8 =	vsub.s32 v8, v0;
	v12 =	vld.idx.msk [tilespmem:v3+s14+$0xFC0 ss:$0x1], $0xffff  }
0x53: {  	vm2 =	vlt.u32 v8, $0x19000;
	v10 =	vld.idx.msk [tilespmem:v3+s14+$0x1000 ss:$0x1], $0xffff  }
0x54: {  	v8 =	vnsel vm2, $0x0, v8;
	v13 =	vld.idx.msk [tilespmem:v3+s15+$0xFD0 ss:$0x1], $0xffff;
	s15 =	smov.u32 s14;
	s14 =	smov.u32 s17  }
0x55: {  	[tilespmem:v11+s9+$0x0] =	vst.idx.add.f32.msk vm3, v14  }
0x56: {  	v11 =	vld.idx.msk [tilespmem:v3+s17+$0x50 ss:$0x1], $0xffff  }
0x57: {  	v5 =	vsub.s32 v5, v0;
	[tilespmem:v6+s9+$0x0] =	vst.idx.add.f32.msk vm0, v9  }
0x58: {  	vm0 =	vlt.u32 v5, $0x19000;
	v9 =	vld.idx.msk [tilespmem:v4+s17+$0x10 ss:$0x1], $0xffff  }
0x59: {  	v14 =	vnsel vm0, $0x0, v5;
	[tilespmem:v8+s9+$0x0] =	vst.idx.add.f32.msk vm2, v10  }
0x5a: {  	v6 =	vld.idx.msk [tilespmem:v3+s15+$0x70 ss:$0x1], $0xffff  }
.Ltmp1:
0x5b: {  	v5 =	vld.idx.msk [tilespmem:v3+s17+$0xFB0 ss:$0x1], $0xffff;
	(pc) =	sbr.rel @p1 .LBB2_5-.Ltmp1, $4  }
0x5c: {  	v11 =	vsub.s32 v11, v0;
	[tilespmem:v7+s9+$0x0] =	vst.idx.add.f32.msk vm1, v13  }
0x5d: {  	vm1 =	vlt.u32 v11, $0x19000;
	v8 =	vld.idx.msk [tilespmem:v3+s17+$0xFF0 ss:$0x1], $0xffff  }
0x5e: {  	v10 =	vsub.s32 v9, v0;
	v9 =	vnsel vm1, $0x0, v11;
	[tilespmem:v14+s9+$0x0] =	vst.idx.add.f32.msk vm0, v12  }
0x5f: {  	s17 =	sadd.s32 $0x80, s17;
	vm0 =	vlt.u32 v10, $0x19000;
	v7 =	vld.idx.msk [tilespmem:v4+s15+$0x30 ss:$0x1], $0xffff  }
0x60: {  	_ =	sdelay $0x1  }
0x61: {  	v10 =	vnsel vm0, $0x0, v10;
	_ =	sdelay $0x2  }
0x62: {  	[tilespmem:v9+s9+$0x0] =	vst.idx.add.f32.msk vm1, v8  }
0x63: {  	v8 =	vld.idx.msk [tilespmem:v3+s14+$0x60 ss:$0x1], $0xffff  }
0x64: {  	[tilespmem:v10+s9+$0x0] =	vst.idx.add.f32.msk vm0, v5  }
0x65: {  	v5 =	vld.idx.msk [tilespmem:v4+s14+$0x20 ss:$0x1], $0xffff;
	_ =	sdelay $0x2  }
0x66: {  	v8 =	vsub.s32 v8, v0  }
0x67: {  	vm12 =	vlt.u32 v8, $0x19000  }
0x68: {  	v9 =	vld.idx.msk [tilespmem:v3+s14+$0x1000 ss:$0x1], $0xffff;
	v8 =	vnsel vm12, $0x0, v8;
	v5 =	vsub.s32 v5, v0  }
0x69: {  	vm13 =	vlt.u32 v5, $0x19000  }
0x6a: {  	v10 =	vld.idx.msk [tilespmem:v3+s14+$0xFC0 ss:$0x1], $0xffff;
	v5 =	vnsel vm13, $0x0, v5;
	_ =	sdelay $0x2  }
0x6b: {  	[tilespmem:v8+s9+$0x0] =	vst.idx.add.f32.msk vm12, v9  }
0x6c: {  	v8 =	vld.idx.msk [tilespmem:v3+s14+$0x70 ss:$0x1], $0xffff  }
0x6d: {  	[tilespmem:v5+s9+$0x0] =	vst.idx.add.f32.msk vm13, v10  }
0x6e: {  	v58 =	vld.idx.msk [tilespmem:v4+s14+$0x30 ss:$0x1], $0xffff;
	_ =	sdelay $0x1  }
0x6f: {  	v60 =	vsub.s32 v7, v0  }
0x70: {  	v59 =	vsub.s32 v6, v0;
	vm15 =	vlt.u32 v60, $0x19000  }
0x71: {  	v62 =	vld.idx.msk [tilespmem:v3+s15+$0xFD0 ss:$0x1], $0xffff;
	vm14 =	vlt.u32 v59, $0x19000;
	v6 =	vnsel vm15, $0x0, v60;
	v8 =	vsub.s32 v8, v0  }
0x72: {  	v61 =	vld.idx.msk [tilespmem:v3+s15+$0x1010 ss:$0x1], $0xffff;
	v5 =	vnsel vm14, $0x0, v59;
	vm2 =	vlt.u32 v8, $0x19000;
	v4 =	vsub.s32 v58, v0  }
0x73: {  	s13 =	sadd.s32 $0x1, s13;
	v63 =	vld.idx.msk [tilespmem:v3+s14+$0x1010 ss:$0x1], $0xffff;
	v8 =	vnsel vm2, $0x0, v8;
	vm3 =	vlt.u32 v4, $0x19000  }
0x74: {  	p1 =	sne.s32 s13, $0x14;
	v3 =	vld.idx.msk [tilespmem:v3+s14+$0xFD0 ss:$0x1], $0xffff;
	v4 =	vnsel vm3, $0x0, v4  }
.Ltmp2:
0x75: {  	_ = 	snop;
	(pc) =	sbr.rel @p1 .LBB2_4-.Ltmp2, $4  }
0x76: {  	[tilespmem:v6+s9+$0x0] =	vst.idx.add.f32.msk vm15, v62  }
0x77: {  	[tilespmem:v5+s9+$0x0] =	vst.idx.add.f32.msk vm14, v61  }
0x78: {  	[tilespmem:v8+s9+$0x0] =	vst.idx.add.f32.msk vm2, v63  }
0x79: {  	[tilespmem:v4+s9+$0x0] =	vst.idx.add.f32.msk vm3, v3  }
0x7a: {  	s12 =	simm.s32 $0x0  }
0x7b: {  	[hbm4b:s4+s12] =	stream.linear.scatter [tilespmem:s9], [sflag:$0x2], $0x19000, $0x38;
	[tilespmem:$0x1F590] =	vst v63  }
0x7c: {  	_ = 	snop  }
0x7d: {  	[tilespmem:s12], [sflag:$0x1] =	stream.linear.gather [spmem:s1], $0x1F40, $0x38;
	[tilespmem:$0x1F590] =	vst v63  }
0x7e: {  	_ =	swait.ge [sflag:s10], $0x19000  }
0x7f: {  	[sflag:s10] =	ssyncset.done $0x0  }
0x80: {  	s13 =	simm.s32 $0x40;
	s14 =	simm.s32 $0x0;
	[sflag:s10] =	ssyncadd.s32 $0xFFFE7000  }
.LBB2_8:
0x81: {  	p1 =	sne.s32 s13, $0x63FC0;
	[tilespmem:s14+$0x3E80] =	vst v2;
	s14 =	smov.u32 s13;
	s13 =	sadd.s32 $0x40, s13  }
.Ltmp3:
0x82: {  	(pc) =	sbr.rel @p1 .LBB2_8-.Ltmp3, $2  }
0x83: {  	_ =	sdelay $0x2  }
0x84: {  	s14 =	sshra.s32 s14, $0x2  }
0x85: {  	[tilespmem:s14+$0x3E80] =	vst v2  }
.LBB2_10:
0x86: {  	s13 =	sand.u32 $0x1, s12  }
0x87: {  	p1 =	seq.s32 s13, $0x1;
	s13 =	simm.s32 $0x1F40  }
0x88: {  	s13 =	simm.s32 @!p1 $0x0  }
0x89: {  	s14 =	sshll.u32 s13, $0x2  }
0x8a: {  	p1 =	seq.s32 s12, $0x13;
	s16 =	sand.u32 $0x7F00, s14  }
0x8b: {  	s15 =	smul.u32 @!p1 $0x7D00, s12;
	s16 =	sshrl.u32 s16, $0x2  }
0x8c: {  	v3 =	vmov s16  }
0x8d: {  	_ =	swait.ge [sflag:s8], $0x1F40;
	s15 =	sshra.s32 @!p1 s15, $0x2  }
0x8e: {  	s31 =	simm.s32 $0x0;
	[sflag:s8] =	ssyncset.done $0x0;
	s15 =	sadd.s32 @!p1 s15, s1  }
0x8f: {  	[sflag:s8] =	ssyncadd.s32 $0xFFFFE0C0;
	s13 =	ssub.s32 @!p1 $0x1F40, s13;
	s15 =	sadd.s32 @!p1 $0x1F40, s15  }
0x90: {  	[tilespmem:s13], [sflag:$0x1] =	stream.linear.gather @!p1 [spmem:s15], $0x1F40, $0x38;
	[tilespmem:$0x1F590] =	vst v63  }
0x91: {  	v4 =	vld.idx.msk [tilespmem:v3+s31+$0x0 ss:$0x1], $0xffff;
	_ =	sdelay $0x4  }
0x92: {  	s14 =	sshrl.u32 s14, $0x2;
	v4 =	vsub.s32 v4, v1  }
0x93: {  	s17 =	sadd.s32 $0x0, s14;
	vm0 =	vlt.u32 v4, $0x19000  }
0x94: {  	v5 =	vld [tilespmem:s17+$0xFA0];
	v4 =	vnsel vm0, $0x0, v4  }
0x95: {  	v6 =	vld [tilespmem:s17+$0x40];
	_ =	sdelay $0x3  }
0x96: {  	[tilespmem:v4+s9+$0x0] =	vst.idx.add.f32.msk vm0, v5  }
0x97: {  	v5 =	vsub.s32 v6, v1;
	v4 =	vld.idx.msk [tilespmem:v3+s31+$0x10 ss:$0x1], $0xffff  }
0x98: {  	vm0 =	vlt.u32 v5, $0x19000  }
0x99: {  	v6 =	vld [tilespmem:s17+$0xFE0];
	v5 =	vnsel vm0, $0x0, v5;
	_ =	sdelay $0x1  }
0x9a: {  	s18 =	simm.s32 $0x80  }
0x9b: {  	v8 =	vld.idx.msk [tilespmem:v3+s18+$0x0 ss:$0x1], $0xffff;
	v4 =	vsub.s32 v4, v1  }
0x9c: {  	v7 =	vld [tilespmem:s17+$0xFB0];
	vm1 =	vlt.u32 v4, $0x19000  }
0x9d: {  	[tilespmem:v5+s9+$0x0] =	vst.idx.add.f32.msk vm0, v6;
	v4 =	vnsel vm1, $0x0, v4  }
0x9e: {  	v5 =	vld [tilespmem:s17+$0x50];
	_ =	sdelay $0x1  }
0x9f: {  	s13 =	sadd.s32 $0x80, s14  }
0xa0: {  	v6 =	vsub.s32 v8, v1;
	v8 =	vld [tilespmem:s13+$0x40]  }
0xa1: {  	vm0 =	vlt.u32 v6, $0x19000;
	[tilespmem:v4+s9+$0x0] =	vst.idx.add.f32.msk vm1, v7  }
0xa2: {  	v6 =	vnsel vm0, $0x0, v6;
	v7 =	vld [tilespmem:s13+$0xFA0];
	v5 =	vsub.s32 v5, v1  }
0xa3: {  	v4 =	vld.idx.msk [tilespmem:v3+s31+$0x20 ss:$0x1], $0xffff;
	vm1 =	vlt.u32 v5, $0x19000  }
0xa4: {  	v9 =	vld [tilespmem:s17+$0xFF0];
	v5 =	vnsel vm1, $0x0, v5;
	_ =	sdelay $0x1  }
0xa5: {  	v10 =	vld [tilespmem:s13+$0xFE0]  }
0xa6: {  	[tilespmem:v6+s9+$0x0] =	vst.idx.add.f32.msk vm0, v7;
	v6 =	vsub.s32 v8, v1  }
0xa7: {  	v11 =	vld [tilespmem:s17+$0xFC0];
	v4 =	vsub.s32 v4, v1;
	vm0 =	vlt.u32 v6, $0x19000  }
0xa8: {  	vm2 =	vlt.u32 v4, $0x19000;
	[tilespmem:v5+s9+$0x0] =	vst.idx.add.f32.msk vm1, v9;
	v5 =	vnsel vm0, $0x0, v6  }
0xa9: {  	v7 =	vld.idx.msk [tilespmem:v3+s18+$0x10 ss:$0x1], $0xffff;
	v4 =	vnsel vm2, $0x0, v4  }
0xaa: {  	v6 =	vld [tilespmem:s17+$0x60];
	_ =	sdelay $0x2  }
0xab: {  	[tilespmem:v5+s9+$0x0] =	vst.idx.add.f32.msk vm0, v10  }
0xac: {  	v7 =	vsub.s32 v7, v1;
	[tilespmem:v4+s9+$0x0] =	vst.idx.add.f32.msk vm2, v11  }
0xad: {  	vm1 =	vlt.u32 v7, $0x19000;
	v5 =	vsub.s32 v6, v1;
	v6 =	vld [tilespmem:s13+$0xFB0]  }
0xae: {  	v7 =	vnsel vm1, $0x0, v7;
	v9 =	vld [tilespmem:s13+$0x50]  }
0xaf: {  	v4 =	vld.idx.msk [tilespmem:v3+s31+$0x30 ss:$0x1], $0xffff  }
0xb0: {  	s16 =	simm.s32 $0x100;
	v8 =	vld [tilespmem:s17+$0x1000]  }
0xb1: {  	v10 =	vld.idx.msk [tilespmem:v3+s16+$0x0 ss:$0x1], $0xffff;
	vm0 =	vlt.u32 v5, $0x19000  }
0xb2: {  	v11 =	vld [tilespmem:s13+$0xFF0];
	v5 =	vnsel vm0, $0x0, v5  }
0xb3: {  	[tilespmem:v7+s9+$0x0] =	vst.idx.add.f32.msk vm1, v6;
	v7 =	vsub.s32 v9, v1  }
0xb4: {  	v12 =	vld [tilespmem:s17+$0xFD0];
	v4 =	vsub.s32 v4, v1;
	vm1 =	vlt.u32 v7, $0x19000  }
0xb5: {  	s15 =	sadd.s32 $0x100, s14;
	v6 =	vld.idx.msk [tilespmem:v3+s18+$0x20 ss:$0x1], $0xffff;
	vm2 =	vlt.u32 v4, $0x19000;
	v7 =	vnsel vm1, $0x0, v7  }
0xb6: {  	v9 =	vld [tilespmem:s15+$0xFA0];
	v4 =	vnsel vm2, $0x0, v4  }
0xb7: {  	[tilespmem:v5+s9+$0x0] =	vst.idx.add.f32.msk vm0, v8;
	v5 =	vsub.s32 v10, v1  }
0xb8: {  	v10 =	vld [tilespmem:s15+$0x40];
	vm0 =	vlt.u32 v5, $0x19000  }
0xb9: {  	v8 =	vld [tilespmem:s17+$0x70];
	v5 =	vnsel vm0, $0x0, v5  }
0xba: {  	v6 =	vsub.s32 v6, v1;
	[tilespmem:v7+s9+$0x0] =	vst.idx.add.f32.msk vm1, v11  }
0xbb: {  	[tilespmem:v4+s9+$0x0] =	vst.idx.add.f32.msk vm2, v12;
	vm2 =	vlt.u32 v6, $0x19000  }
0xbc: {  	v7 =	vld [tilespmem:s13+$0xFC0];
	v6 =	vnsel vm2, $0x0, v6  }
0xbd: {  	v4 =	vld [tilespmem:s15+$0xFE0]  }
0xbe: {  	[tilespmem:v5+s9+$0x0] =	vst.idx.add.f32.msk vm0, v9  }
0xbf: {  	v5 =	vsub.s32 v10, v1;
	v9 =	vld.idx.msk [tilespmem:v3+s16+$0x10 ss:$0x1], $0xffff  }
0xc0: {  	v10 =	vld [tilespmem:s13+$0x60];
	vm0 =	vlt.u32 v5, $0x19000  }
0xc1: {  	v11 =	vnsel vm0, $0x0, v5;
	[tilespmem:v6+s9+$0x0] =	vst.idx.add.f32.msk vm2, v7  }
0xc2: {  	v6 =	vld [tilespmem:s17+$0x1010]  }
0xc3: {  	v7 =	vld.idx.msk [tilespmem:v3+s18+$0x30 ss:$0x1], $0xffff  }
0xc4: {  	v5 =	vld [tilespmem:s13+$0x1000];
	v63 =	vsub.s32 v9, v1  }
0xc5: {  	v8 =	vsub.s32 v8, v1;
	v13 =	vsub.s32 v10, v1;
	v9 =	vld [tilespmem:s15+$0xFB0];
	vm2 =	vlt.u32 v63, $0x19000  }
0xc6: {  	vm3 =	vlt.u32 v8, $0x19000;
	vm1 =	vlt.u32 v13, $0x19000;
	[tilespmem:v11+s9+$0x0] =	vst.idx.add.f32.msk vm0, v4;
	v10 =	vnsel vm2, $0x0, v63  }
0xc7: {  	s17 =	simm.s32 $0x4;
	s18 =	simm.s32 $0x180;
	v4 =	vnsel vm3, $0x0, v8;
	vm0 =	vmmov vm3;
	v8 =	vnsel vm1, $0x0, v13;
	v11 =	vld [tilespmem:s15+$0x50]  }
.LBB2_11:
0xc8: {  	v12 =	vld.idx.msk [tilespmem:v3+s18+$0x0 ss:$0x1], $0xffff;
	s17 =	sadd.s32 $0x2, s17;
	v7 =	vsub.s32 v7, v1;
	v13 =	vmov v6  }
0xc9: {  	p1 =	slt.u32 s17, $0x3C;
	v6 =	vld [tilespmem:s15+$0xFF0];
	vm3 =	vlt.u32 v7, $0x19000  }
0xca: {  	v14 =	vld [tilespmem:s13+$0xFD0];
	v7 =	vnsel vm3, $0x0, v7  }
0xcb: {  	[tilespmem:v10+s9+$0x0] =	vst.idx.add.f32.msk vm2, v9  }
0xcc: {  	v9 =	vld.idx.msk [tilespmem:v3+s16+$0x20 ss:$0x1], $0xffff;
	v10 =	vsub.s32 v11, v1  }
0xcd: {  	vm2 =	vlt.u32 v10, $0x19000;
	[tilespmem:v8+s9+$0x0] =	vst.idx.add.f32.msk vm1, v5  }
0xce: {  	v5 =	vsub.s32 v12, v1;
	v8 =	vnsel vm2, $0x0, v10;
	v10 =	vld [tilespmem:s13+$0x70]  }
0xcf: {  	s19 =	sadd.s32 s14, s18;
	vm1 =	vlt.u32 v5, $0x19000;
	[tilespmem:v7+s9+$0x0] =	vst.idx.add.f32.msk vm3, v14  }
0xd0: {  	v5 =	vnsel vm1, $0x0, v5;
	v7 =	vld [tilespmem:s19+$0xFA0]  }
0xd1: {  	v11 =	vld [tilespmem:s19+$0x40]  }
0xd2: {  	v9 =	vsub.s32 v9, v1;
	v12 =	vld [tilespmem:s19+$0xFE0]  }
0xd3: {  	vm3 =	vlt.u32 v9, $0x19000;
	[tilespmem:v8+s9+$0x0] =	vst.idx.add.f32.msk vm2, v6;
	v6 =	vsub.s32 v10, v1  }
0xd4: {  	v9 =	vnsel vm3, $0x0, v9;
	v8 =	vld [tilespmem:s15+$0xFC0];
	vm4 =	vlt.u32 v6, $0x19000  }
0xd5: {  	[tilespmem:v5+s9+$0x0] =	vst.idx.add.f32.msk vm1, v7;
	v10 =	vnsel vm4, $0x0, v6  }
0xd6: {  	v14 =	vld.idx.msk [tilespmem:v3+s18+$0x10 ss:$0x1], $0xffff;
	v5 =	vsub.s32 v11, v1  }
0xd7: {  	vm1 =	vlt.u32 v5, $0x19000;
	v11 =	vld [tilespmem:s15+$0x60]  }
0xd8: {  	v15 =	vnsel vm1, $0x0, v5;
	v5 =	vld [tilespmem:s15+$0x1000]  }
0xd9: {  	[tilespmem:v9+s9+$0x0] =	vst.idx.add.f32.msk vm3, v8  }
0xda: {  	v7 =	vld.idx.msk [tilespmem:v3+s16+$0x30 ss:$0x1], $0xffff;
	s16 =	smov.u32 s18  }
.Ltmp4:
0xdb: {  	v6 =	vld [tilespmem:s13+$0x1010];
	s13 =	smov.u32 s15;
	s15 =	smov.u32 s19;
	(pc) =	sbr.rel @p1 .LBB2_11-.Ltmp4, $4  }
0xdc: {  	v8 =	vsub.s32 v14, v1;
	v11 =	vsub.s32 v11, v1;
	[tilespmem:v4+s9+$0x0] =	vst.idx.add.f32.msk vm0, v13;
	v4 =	vmov v10  }
0xdd: {  	vm2 =	vlt.u32 v8, $0x19000;
	vm0 =	vmmov vm4;
	[tilespmem:v15+s9+$0x0] =	vst.idx.add.f32.msk vm1, v12;
	vm1 =	vlt.u32 v11, $0x19000  }
0xde: {  	v10 =	vnsel vm2, $0x0, v8;
	v9 =	vld [tilespmem:s15+$0xFB0];
	v8 =	vnsel vm1, $0x0, v11  }
0xdf: {  	s18 =	sadd.s32 $0x80, s18;
	v11 =	vld [tilespmem:s15+$0x50]  }
0xe0: {  	_ =	sdelay $0x3  }
0xe1: {  	v11 =	vsub.s32 v11, v1  }
0xe2: {  	vm3 =	vlt.u32 v11, $0x19000  }
0xe3: {  	v12 =	vld [tilespmem:s15+$0xFF0];
	v11 =	vnsel vm3, $0x0, v11;
	_ =	sdelay $0x2  }
0xe4: {  	[tilespmem:v10+s9+$0x0] =	vst.idx.add.f32.msk vm2, v9  }
0xe5: {  	v9 =	vld.idx.msk [tilespmem:v3+s16+$0x20 ss:$0x1], $0xffff  }
0xe6: {  	[tilespmem:v11+s9+$0x0] =	vst.idx.add.f32.msk vm3, v12  }
0xe7: {  	v58 =	vld [tilespmem:s15+$0x60];
	_ =	sdelay $0x2  }
0xe8: {  	v9 =	vsub.s32 v9, v1  }
0xe9: {  	vm10 =	vlt.u32 v9, $0x19000  }
0xea: {  	v59 =	vld [tilespmem:s15+$0xFC0];
	v9 =	vnsel vm10, $0x0, v9;
	v10 =	vsub.s32 v58, v1  }
0xeb: {  	vm11 =	vlt.u32 v10, $0x19000  }
0xec: {  	v12 =	vld [tilespmem:s15+$0x1000];
	v10 =	vnsel vm11, $0x0, v10  }
0xed: {  	[tilespmem:v8+s9+$0x0] =	vst.idx.add.f32.msk vm1, v5  }
0xee: {  	v5 =	vld [tilespmem:s13+$0x70]  }
0xef: {  	[tilespmem:v9+s9+$0x0] =	vst.idx.add.f32.msk vm10, v59  }
0xf0: {  	v3 =	vld.idx.msk [tilespmem:v3+s16+$0x30 ss:$0x1], $0xffff  }
0xf1: {  	[tilespmem:v10+s9+$0x0] =	vst.idx.add.f32.msk vm11, v12  }
0xf2: {  	v60 =	vld [tilespmem:s15+$0x70];
	_ =	sdelay $0x1  }
0xf3: {  	v7 =	vsub.s32 v7, v1;
	v5 =	vsub.s32 v5, v1  }
0xf4: {  	vm12 =	vlt.u32 v7, $0x19000;
	vm13 =	vlt.u32 v5, $0x19000  }
0xf5: {  	v61 =	vld [tilespmem:s13+$0xFD0];
	v7 =	vnsel vm12, $0x0, v7;
	vm4 =	vmmov vm13;
	v3 =	vsub.s32 v3, v1  }
0xf6: {  	v63 =	vld [tilespmem:s13+$0x1010];
	v5 =	vnsel vm13, $0x0, v5;
	vm14 =	vlt.u32 v3, $0x19000;
	v8 =	vsub.s32 v60, v1  }
0xf7: {  	s12 =	sadd.s32 $0x1, s12;
	v62 =	vld [tilespmem:s15+$0xFD0];
	v3 =	vnsel vm14, $0x0, v3;
	vm5 =	vlt.u32 v8, $0x19000  }
0xf8: {  	p1 =	sne.s32 s12, $0x14;
	v12 =	vld [tilespmem:s15+$0x1010];
	v8 =	vnsel vm5, $0x0, v8  }
.Ltmp5:
0xf9: {  	[tilespmem:v4+s9+$0x0] =	vst.idx.add.f32.msk vm0, v6;
	(pc) =	sbr.rel @p1 .LBB2_10-.Ltmp5, $4  }
0xfa: {  	[tilespmem:v7+s9+$0x0] =	vst.idx.add.f32.msk vm12, v61  }
0xfb: {  	[tilespmem:v5+s9+$0x0] =	vst.idx.add.f32.msk vm4, v63  }
0xfc: {  	[tilespmem:v3+s9+$0x0] =	vst.idx.add.f32.msk vm14, v62  }
0xfd: {  	vm15 =	vmmov vm5;
	[tilespmem:v8+s9+$0x0] =	vst.idx.add.f32.msk vm5, v12  }
0xfe: {  	s11 =	sadd.s32 $0x1, s11  }
0xff: {  	p1 =	sne.s32 s11, s6  }
.Ltmp6:
0x100: {  	_ = 	snop;
	(pc) =	sbr.rel @p1 .LBB2_1-.Ltmp6, $4  }
0x101: {  	[hbm4b:s5+s2] =	stream.linear.scatter [tilespmem:s9], [sflag:$0x2], $0x19000, $0x38;
	[tilespmem:$0x1F590] =	vst v63  }
0x102: {  	_ =	swait.ge [sflag:s10], $0x19000  }
0x103: {  	[sflag:s10] =	ssyncset.done $0x0  }
0x104: {  	[sflag:s10] =	ssyncadd.s32 $0xFFFE7000  }
0x105: {  	_ =	sfence.sel $0x180000  }
0x106: {  	[bflag:$0x0] =	sbarrier.arrive $0xFFFF  }
0x107: {  	_ =	strace $0x9000004A  }
0x108: {  	s0 =	sadd.s32 @!p0 $0x100000, s0;
	[bflag:$0x2] =	sbarrier.arrive $0xFFFF  }
0x109: {  	[sflag:s0] =	ssyncadd.tile.s32 @!p0 $0x1;
	_ =	shalt  }
.Lfunc_end2:
_tile_overlayer_lowered:
.L_overlay_start_2:
0x10a: {  	(tag) =	ssettag $0x2  }
0x10b: {  	s0 =	rddreg [dreg:$0x0];
	s2 =	stileid.u32  }
0x10c: {  	s1 =	rddreg [dreg:$0x1];
	p0 =	sne.s32 s2, $0x0  }
0x10d: {  	s3 =	rddreg [dreg:$0x2];
	[bflag:$0x3] =	sbarrier.arrive $0xFFFF;
	s2 =	simm.s32 @!p0 $0x1C03  }
0x10e: {  	[timem:s3], [sflag:s2] =	dma.local @!p0 [hbm:s0], s1  }
0x10f: {  	s0 =	simm.s32 @!p0 $0x3  }
0x110: {  	_ =	swait.ge @!p0 [sflag:s0], s1  }
0x111: {  	s1 =	ssub.s32 @!p0 $0x0, s1;
	[sflag:s0] =	ssyncset.done @!p0 $0x0  }
0x112: {  	[sflag:s0] =	ssyncadd.s32 @!p0 s1  }
0x113: {  	[bflag:$0x3] =	sbarrier.arrive $0xFFFF  }
0x114: {  	_ =	shalt  }

// kernel: kernel.20.cloned.1.call-start
scs
__scs_entry_jumppad:
0x0: {  	(pc) =	sbr.rel $0x88, $3  }
0x1: {  	(tag) =	ssettag $0x0;
	lr =	simm.s32 $0x1  }
0x2: {  	[smem:$0x3F94] =	sst lr;
	_ =	strace $0xD0000000  }
0x3: {  	_ = 	snop  }
0x4: {  	_ = 	snop  }
0x5: {  	_ = 	snop  }
0x6: {  	_ = 	snop  }
0x7: {  	_ = 	snop  }
__scs_overlays_trampoline_lowered:
0x8: {  	[smem:$0x3FA3] =	sst s0  }
0x9: {  	[smem:$0x3FA4] =	sst s1  }
0xa: {  	[smem:$0x3FA5] =	sst s2  }
0xb: {  	[smem:$0x3FA6] =	sst s3  }
0xc: {  	[smem:$0x3FA7] =	sst s4  }
0xd: {  	[smem:$0x3FA8] =	sst s5  }
0xe: {  	[smem:$0x3FA9] =	sst s6  }
0xf: {  	[smem:$0x3FAA] =	sst s7  }
0x10: {  	[smem:$0x3FAB] =	sst s8  }
0x11: {  	[smem:$0x3FAC] =	sst s9;
	s0 =	simm.s32 @!p0 $0x0  }
0x12: {  	s1 =	sld [smem:$0x3F92];
	s0 =	simm.s32 @p0 $0x1  }
0x13: {  	[smem:$0x3FAD] =	sst s0;
	s0 =	simm.s32 @!p1 $0x0  }
0x14: {  	s2 =	sld [smem:$0x3F91];
	s0 =	simm.s32 @p1 $0x1  }
0x15: {  	[smem:$0x3FAE] =	sst s0;
	s0 =	simm.s32 @!p2 $0x0  }
0x16: {  	s3 =	sld [smem:$0x3FDB];
	s0 =	simm.s32 @p2 $0x1  }
0x17: {  	s4 =	simm.s32 $0x1BF5;
	[smem:$0x3FB0] =	sst s0  }
0x18: {  	s0 =	sld [smem:$0x3F93];
	_ =	swait.ge [sflag:s4], $0x0  }
0x19: {  	s7 =	sld [smem:$0x3F94]  }
0x1a: {  	s8 =	sadd.s32 $0xFFFFE003, lr  }
0x1b: {  	s9 =	sadd.s32 $0xFFFFFEF7, lr;
	s5 =	simm.s32 $0xFFFFFFFF;
	p2 =	slt.u32 s8, $0xFFFFF086  }
0x1c: {  	p1 =	slt.u32 s9, $0xF7A;
	s5 =	simm.s32 @!p2 $0x0  }
0x1d: {  	s5 =	simm.s32 @p1 $0x1;
	p0 =	seq.s32 s7, s2  }
0x1e: {  	s7 =	smul.u32 @!p0 $0xF7A, s2;
	p2 =	seq.s32 @!p0 s5, $0x0  }
0x1f: {  	s9 =	smul.u32 $0xF7A, s1;
	s8 =	simm.s32 @!p0 $0x1BF5;
	p2 =	por !p2, p0  }
0x20: {  	[sflag:s8] =	ssyncset.s32 @!p0 $0xFFFFF086;
	s6 =	sadd.s32 @!p0 s3, s7;
	s7 =	simm.s32 @!p0 $0x108  }
0x21: {  	s3 =	sadd.s32 s3, s9;
	s6 =	sadd.s32 @!p0 $0x88, s6;
	s7 =	simm.s32 @p2 $0x1082  }
0x22: {  	[simem:s7], [sflag:s8] =	dma.local @!p0 [hbm:s6], $0xF7A  }
0x23: {  	s9 =	sor.u32 $0xD0000000, s2;
	s6 =	simm.s32 $0x108;
	_ =	swait.ge @!p0 [sflag:s8], $0x0  }
0x24: {  	s3 =	sadd.s32 $0x88, s3;
	s6 =	simm.s32 @!p1 $0x1082;
	[sflag:s4] =	ssyncset.s32 $0xFFFFF086  }
0x25: {  	[simem:s6], [sflag:s4] =	dma.local [hbm:s3], $0xF7A  }
0x26: {  	[smem:$0x3F94] =	sst s1;
	(tag) =	ssettag s2;
	_ =	strace s9  }
0x27: {  	s1 =	sld [smem:$0x3FA4]  }
0x28: {  	s2 =	sld [smem:$0x3FA5]  }
0x29: {  	s4 =	sld [smem:$0x3FA7]  }
0x2a: {  	p0 =	seq.s32 s5, $0x0;
	s5 =	sld [smem:$0x3FA8]  }
0x2b: {  	s6 =	sld [smem:$0x3FA9]  }
0x2c: {  	s7 =	sld [smem:$0x3FAA]  }
0x2d: {  	s3 =	simm.s32 $0x108;
	s8 =	sld [smem:$0x3FAB]  }
0x2e: {  	s3 =	simm.s32 @!p0 $0x1082;
	s9 =	sld [smem:$0x3FAC]  }
0x2f: {  	lr =	sadd.s32 s0, s3;
	s0 =	sld [smem:$0x3FA3]  }
0x30: {  	s3 =	sld [smem:$0x3FA6]  }
0x31: {  	[smem:$0x3FAF] =	sst s10  }
0x32: {  	s10 =	sld [smem:$0x3FAD];
	_ =	sdelay $0x3  }
0x33: {  	p0 =	seq.s32 s10, $0x1;
	s10 =	sld [smem:$0x3FAF];
	_ =	sdelay $0x3  }
0x34: {  	[smem:$0x3FAF] =	sst s10  }
0x35: {  	s10 =	sld [smem:$0x3FAE];
	_ =	sdelay $0x3  }
0x36: {  	p1 =	seq.s32 s10, $0x1;
	s10 =	sld [smem:$0x3FAF];
	_ =	sdelay $0x3  }
0x37: {  	[smem:$0x3FAF] =	sst s10  }
0x38: {  	s10 =	sld [smem:$0x3FB0]  }
0x39: {  	_ = 	snop;
	(pc) =	sbr.ind lr, $3  }
0x3a: {  	_ = 	snop  }
0x3b: {  	_ = 	snop  }
0x3c: {  	p2 =	seq.s32 s10, $0x1;
	s10 =	sld [smem:$0x3FAF]  }
0x3d: {  	_ =	shalt  }
0x3e: {  	_ =	shalt  }
0x3f: {  	_ =	shalt  }
0x40: {  	_ =	shalt  }
0x41: {  	_ =	shalt  }
0x42: {  	_ =	shalt  }
0x43: {  	_ =	shalt  }
0x44: {  	_ =	shalt  }
0x45: {  	_ =	shalt  }
0x46: {  	_ =	shalt  }
0x47: {  	_ =	shalt  }
0x48: {  	_ =	shalt  }
0x49: {  	_ =	shalt  }
0x4a: {  	_ =	shalt  }
0x4b: {  	_ =	shalt  }
0x4c: {  	_ =	shalt  }
0x4d: {  	_ =	shalt  }
0x4e: {  	_ =	shalt  }
0x4f: {  	_ =	shalt  }
0x50: {  	_ =	shalt  }
0x51: {  	_ =	shalt  }
0x52: {  	_ =	shalt  }
0x53: {  	_ =	shalt  }
0x54: {  	_ =	shalt  }
0x55: {  	_ =	shalt  }
0x56: {  	_ =	shalt  }
0x57: {  	_ =	shalt  }
0x58: {  	_ =	shalt  }
0x59: {  	_ =	shalt  }
0x5a: {  	_ =	shalt  }
0x5b: {  	_ =	shalt  }
0x5c: {  	_ =	shalt  }
0x5d: {  	_ =	shalt  }
0x5e: {  	_ =	shalt  }
0x5f: {  	_ =	shalt  }
0x60: {  	_ =	shalt  }
0x61: {  	_ =	shalt  }
0x62: {  	_ =	shalt  }
0x63: {  	_ =	shalt  }
0x64: {  	_ =	shalt  }
0x65: {  	_ =	shalt  }
0x66: {  	_ =	shalt  }
0x67: {  	_ =	shalt  }
0x68: {  	_ =	shalt  }
0x69: {  	_ =	shalt  }
0x6a: {  	_ =	shalt  }
0x6b: {  	_ =	shalt  }
0x6c: {  	_ =	shalt  }
0x6d: {  	_ =	shalt  }
0x6e: {  	_ =	shalt  }
0x6f: {  	_ =	shalt  }
0x70: {  	_ =	shalt  }
0x71: {  	_ =	shalt  }
0x72: {  	_ =	shalt  }
0x73: {  	_ =	shalt  }
0x74: {  	_ =	shalt  }
0x75: {  	_ =	shalt  }
0x76: {  	_ =	shalt  }
0x77: {  	_ =	shalt  }
0x78: {  	_ =	shalt  }
0x79: {  	_ =	shalt  }
0x7a: {  	_ =	shalt  }
0x7b: {  	_ =	shalt  }
0x7c: {  	_ =	shalt  }
0x7d: {  	_ =	shalt  }
0x7e: {  	_ =	shalt  }
0x7f: {  	_ =	shalt  }
0x80: {  	_ =	shalt  }
0x81: {  	_ =	shalt  }
0x82: {  	_ =	shalt  }
0x83: {  	_ =	shalt  }
0x84: {  	_ =	shalt  }
0x85: {  	_ =	shalt  }
0x86: {  	_ =	shalt  }
0x87: {  	_ =	shalt  }
.Lfunc_end0:
.L_simem_size_0:
called_computation.3_lowered:
.L_overlay_start_0:
0x88: {  	s2 =	sld [smem:$0x3FD9]  }
0x89: {  	s3 =	sld [smem:$0x3FFE];
	_ =	sdelay $0x1  }
0x8a: {  	s1 =	srdreg.scid  }
0x8b: {  	s0 =	sand.u32 $0x1, s1  }
0x8c: {  	s17 =	sshll.u32 s0, $0xA;
	s2 =	sadd.s32 s3, s2  }
0x8d: {  	s2 =	sadd.s32 s2, s17  }
0x8e: {  	[smem:$0x3FBB] =	sst s2  }
0x8f: {  	_ = 	snop  }
0x90: {  	(tm) =	ssettm $0x1  }
0x91: {  	s18 =	sld [smem:$0x3FFB];
	_ =	sdelay $0x3  }
0x92: {  	_ =	strace s18  }
0x93: {  	s2 =	sld [smem:$0x3FFC];
	_ =	sdelay $0x3  }
0x94: {  	_ =	strace s2  }
0x95: {  	s2 =	sld [smem:$0x3FFD];
	_ =	sdelay $0x3  }
0x96: {  	_ =	strace s2  }
0x97: {  	_ =	strace $0x8FFFFFFF  }
0x98: {  	s19 =	sld [smem:$0x3FDB];
	_ =	sdelay $0x1  }
0x99: {  	s20 =	simm.s32 $_scs_section_size  }
0x9a: {  	s4 =	simm.s32 $_size__tile_overlayer_lowered;
	s5 =	simm.s32 $_tile_overlayer_lowered  }
0x9b: {  	s6 =	simm.s32 $0x1BFF;
	s21 =	sshll.u32 s5, $0x1;
	s3 =	sadd.s32 s20, s19  }
0x9c: {  	s22 =	simm.s32 $0x0;
	s4 =	sshll.u32 s4, $0x1;
	s5 =	sadd.s32 s21, s3  }
0x9d: {  	[timem:s22], [sflag:s6] =	dma.local [hbm:s5], s4  }
0x9e: {  	_ =	swait.ge [sflag:s6], s4  }
0x9f: {  	s4 =	ssub.s32 $0x0, s4;
	[sflag:s6] =	ssyncset.done $0x0  }
0xa0: {  	[sflag:s6] =	ssyncadd.s32 s4;
	_ =	sdelay $0x1  }
0xa1: {  	s23 =	simm.s32 $0x1B8B  }
0xa2: {  	_ =	swait.ge [sflag:s23], $0x1  }
0xa3: {  	[sflag:s23] =	ssyncset.done $0x0  }
0xa4: {  	[sflag:s23] =	ssyncadd.s32 $0xFFFFFFFF  }
0xa5: {  	s4 =	sld [smem:$0x0]  }
0xa6: {  	s5 =	sand.u32 $0xFFFFFFFE, s1  }
0xa7: {  	p0 =	sne.s32 s1, s5  }
0xa8: {  	s5 =	sshll.u32 @p0 s5, $0xE  }
0xa9: {  	s5 =	sadd.s32 @p0 $0x11B8D, s5;
	s6 =	sshll.u32 @p0 s4, $0x11  }
0xaa: {  	s5 =	sor.u32 @p0 s6, s5  }
0xab: {  	[sflag:s5] =	ssyncadd.remote.s32 @p0 $0x1;
	_ =	sdelay $0x1  }
0xac: {  	s5 =	simm.s32 @p0 $0x1B8D  }
0xad: {  	_ =	swait.eq @p0 [sflag:s5], $0x1  }
0xae: {  	[sflag:s5] =	ssyncadd.s32 @p0 $0xFFFFFFFF  }
0xaf: {  	s6 =	sshll.u32 @!p0 s1, $0xE  }
0xb0: {  	s6 =	sor.u32 @!p0 $0x4000, s6;
	s5 =	simm.s32 @!p0 $0x1B8D  }
0xb1: {  	s4 =	sshll.u32 @!p0 s4, $0x11;
	s6 =	sadd.s32 @!p0 $0x11B8D, s6;
	_ =	swait.eq @!p0 [sflag:s5], $0x1  }
0xb2: {  	s4 =	sor.u32 @!p0 s4, s6;
	[sflag:s5] =	ssyncadd.s32 @!p0 $0xFFFFFFFF  }
0xb3: {  	s25 =	simm.s32 $0x1B8E;
	s24 =	sld [smem:$0x3FFE];
	[sflag:s4] =	ssyncadd.remote.s32 @!p0 $0x1  }
0xb4: {  	s26 =	simm.s32 $execute0_lowered;
	[smem:$0x3FD2] =	sst s25  }
0xb5: {  	s5 =	sshll.u32 s26, $0x1;
	_ =	strace $0x8000004C;
	[dreg:$0x1] =	wrdreg $0xFFFFFFFF  }
0xb6: {  	s28 =	simm.s32 $_size_execute0_lowered;
	s3 =	sadd.s32 s3, s5;
	[dreg:$0x0] =	wrdreg $0x0  }
0xb7: {  	s5 =	sshll.u32 s28, $0x1;
	[dreg:$0x2] =	wrdreg s3  }
0xb8: {  	[dreg:$0x3] =	wrdreg s5  }
0xb9: {  	[dreg:$0x4] =	wrdreg $0xC0  }
0xba: {  	_ =	task [dreg:s22], $0x5FFFF  }
0xbb: {  	[dreg:$0x1] =	wrdreg $0xFFFFFFFF  }
0xbc: {  	[dreg:$0x0] =	wrdreg $0x60  }
0xbd: {  	[dreg:$0x2] =	wrdreg s24  }
0xbe: {  	[dreg:$0x3] =	wrdreg $0x1CE800  }
0xbf: {  	[dreg:$0x4] =	wrdreg $0xC  }
0xc0: {  	_ =	task.clear_ibuf [dreg:s22], $0x5FFFF;
	_ =	strace $0x9000004C  }
0xc1: {  	s29 =	simm.s32 $0xC;
	_ =	strace $0x8000004E  }
0xc2: {  	_ =	swait.ge [sflag:s29], $0x1  }
0xc3: {  	[sflag:s29] =	ssyncadd.s32 $0xFFFFFFFF  }
0xc4: {  	_ =	strace $0x9000004E  }
0xc5: {  	_ =	sfence  }
0xc6: {  	s30 =	sld [smem:$0x0];
	_ =	sdelay $0x2  }
0xc7: {  	s31 =	sshll.u32 s1, $0xD;
	s1 =	sshrl.u32 s1, $0x2  }
0xc8: {  	s4 =	sand.u32 $0x4000, s31;
	s1 =	sadd.s32 s1, s30  }
0xc9: {  	s0 =	sor.u32 s4, s0;
	s1 =	sshll.u32 s1, $0x11  }
0xca: {  	s0 =	sor.u32 s1, s0  }
0xcb: {  	s0 =	sadd.s32 $0x8F2B, s0  }
0xcc: {  	[sflag:s0] =	ssyncadd.remote.s32 $0x1  }
0xcd: {  	_ =	sfence.sel $0xFFFF  }
0xce: {  	[dreg:$0x0] =	wrdreg $0xFFFFFFFF;
	(pc) =	sbr.abs _section_cstart, $3  }
0xcf: {  	[dreg:$0x1] =	wrdreg $0xFFFFFFFF  }
0xd0: {  	_ =	task.clear_ibuf [dreg:s22], $0x2FFFF;
	_ =	strace $0x9FFFFFFF  }
0xd1: {  	(tm) =	ssettm $0x7FFFFFFF  }
tec
execute0_lowered:
.L_overlay_start_1:
0x0: {  	(tag) =	ssettag $0x1  }
0x1: {  	s4 =	rddreg [dreg:$0x0];
	s0 =	srdreg.scid  }
0x2: {  	s6 =	stileid.u32;
	s1 =	rddreg [dreg:$0x1];
	s2 =	simm.s32 $0x0  }
0x3: {  	s5 =	sand.u32 $0x1, s0;
	s3 =	sshll.u32 s6, $0x1;
	s0 =	rddreg [dreg:$0x2]  }
0x4: {  	s11 =	simm.s32 $0x0;
	[smem:$0x7FF] =	sst s2;
	s3 =	sor.u32 s5, s3  }
0x5: {  	s7 =	sadd.s32 $0x1A1800, s4;
	s5 =	ssub.s32 $0x2, s5;
	s9 =	smul.u32 $0x19000, s3  }
0x6: {  	p0 =	sne.s32 s6, $0x0;
	_ =	strace $0x8000004D;
	s29 =	sshrl.u32 s5, $0x1  }
0x7: {  	s3 =	sadd.s32 $0xC800, s4;
	s8 =	ssub.s32 s5, s29;
	s10 =	sadd.s32 $0x320000, s9  }
0x8: {  	s30 =	sshrl.u32 s9, $0x3;
	s6 =	smax.u32 s8, $0x1;
	s8 =	simm.s32 $0x1  }
0x9: {  	v0 =	vmov s9;
	s9 =	simm.s32 $0x3E80;
	s31 =	sshrl.u32 s10, $0x3;
	s4 =	sadd.s32 s7, s30  }
0xa: {  	v2 =	vimm.f32 $0.0e+00;
	v1 =	vmov s10;
	s10 =	simm.s32 $0x2;
	s5 =	sadd.s32 s7, s31;
	s7 =	sshrl.u32 @!p0 s1, $0x3  }
.LBB2_1:
0xb: {  	s12 =	simm.s32 @!p0 $0x1C03  }
0xc: {  	[spmem:s7], [sflag:s12] =	dma.local @!p0 [hbm:s3], $0x4E20  }
0xd: {  	s12 =	simm.s32 @!p0 $0x3  }
0xe: {  	_ =	swait.ge @!p0 [sflag:s12], $0x4E20  }
0xf: {  	[sflag:s12] =	ssyncset.done @!p0 $0x0  }
0x10: {  	[sflag:s12] =	ssyncadd.s32 @!p0 $0xFFFFB1E0  }
0x11: {  	s13 =	simm.s32 $0x0;
	s12 =	simm.s32 $0x40;
	[bflag:$0x0] =	sbarrier.arrive $0xFFFF  }
0x12: {  	[tilespmem:s2], [sflag:$0x1] =	stream.linear.gather [spmem:s1], $0x1F40, $0x38;
	[tilespmem:$0x1F590] =	vst v63  }
.LBB2_2:
0x13: {  	p1 =	sne.s32 s12, $0x63FC0;
	[tilespmem:s13+$0x3E80] =	vst v2;
	s13 =	smov.u32 s12;
	s12 =	sadd.s32 $0x40, s12  }
.Ltmp0:
0x14: {  	(pc) =	sbr.rel @p1 .LBB2_2-.Ltmp0, $2  }
0x15: {  	_ =	sdelay $0x2  }
0x16: {  	s13 =	sshra.s32 s13, $0x2  }
0x17: {  	[tilespmem:s13+$0x3E80] =	vst v2;
	s12 =	simm.s32 $0x0;
	s13 =	simm.s32 $0x0  }
.LBB2_4:
0x18: {  	s14 =	sand.u32 $0x1, s13  }
0x19: {  	p1 =	seq.s32 s14, $0x1;
	s14 =	simm.s32 $0x1F40  }
0x1a: {  	s14 =	simm.s32 @!p1 $0x0  }
0x1b: {  	p1 =	seq.s32 s13, $0x13;
	s15 =	sshll.u32 s14, $0x2  }
0x1c: {  	s16 =	smul.u32 @!p1 $0x7D00, s13;
	s17 =	sshrl.u32 s15, $0x2  }
0x1d: {  	_ =	swait.ge [sflag:s8], $0x1F40;
	v3 =	vmov s17  }
0x1e: {  	[sflag:s8] =	ssyncset.done $0x0;
	s16 =	sshra.s32 @!p1 s16, $0x2  }
0x1f: {  	[sflag:s8] =	ssyncadd.s32 $0xFFFFE0C0;
	s15 =	sand.u32 $0x7F00, s15;
	s16 =	sadd.s32 @!p1 s16, s1  }
0x20: {  	s14 =	ssub.s32 @!p1 $0x1F40, s14;
	s15 =	sshrl.u32 s15, $0x2;
	s16 =	sadd.s32 @!p1 $0x1F40, s16  }
0x21: {  	v4 =	vmov s15;
	[tilespmem:s14], [sflag:$0x1] =	stream.linear.gather @!p1 [spmem:s16], $0x1F40, $0x38;
	[tilespmem:$0x1F590] =	vst v63  }
0x22: {  	v5 =	vld.idx.msk [tilespmem:v3+s12+$0x40 ss:$0x1], $0xffff;
	_ =	sdelay $0x3  }
0x23: {  	v6 =	vld.idx.msk [tilespmem:v4+s12+$0x0 ss:$0x1], $0xffff  }
0x24: {  	v5 =	vsub.s32 v5, v0  }
0x25: {  	vm0 =	vlt.u32 v5, $0x19000  }
0x26: {  	v7 =	vld.idx.msk [tilespmem:v3+s12+$0xFE0 ss:$0x1], $0xffff;
	v5 =	vnsel vm0, $0x0, v5;
	_ =	sdelay $0x1  }
0x27: {  	v6 =	vsub.s32 v6, v0  }
0x28: {  	vm1 =	vlt.u32 v6, $0x19000  }
0x29: {  	v8 =	vld.idx.msk [tilespmem:v3+s12+$0xFA0 ss:$0x1], $0xffff;
	v6 =	vnsel vm1, $0x0, v6  }
0x2a: {  	[tilespmem:v5+s9+$0x0] =	vst.idx.add.f32.msk vm0, v7  }
0x2b: {  	v5 =	vld.idx.msk [tilespmem:v3+s12+$0x50 ss:$0x1], $0xffff;
	_ =	sdelay $0x2  }
0x2c: {  	[tilespmem:v6+s9+$0x0] =	vst.idx.add.f32.msk vm1, v8  }
0x2d: {  	v6 =	vld.idx.msk [tilespmem:v4+s12+$0x10 ss:$0x1], $0xffff  }
0x2e: {  	v5 =	vsub.s32 v5, v0  }
0x2f: {  	vm0 =	vlt.u32 v5, $0x19000  }
0x30: {  	v7 =	vld.idx.msk [tilespmem:v3+s12+$0xFF0 ss:$0x1], $0xffff;
	v5 =	vnsel vm0, $0x0, v5  }
0x31: {  	s14 =	simm.s32 $0x80  }
0x32: {  	v8 =	vld.idx.msk [tilespmem:v3+s14+$0x40 ss:$0x1], $0xffff;
	v6 =	vsub.s32 v6, v0  }
0x33: {  	v10 =	vld.idx.msk [tilespmem:v4+s14+$0x0 ss:$0x1], $0xffff;
	vm1 =	vlt.u32 v6, $0x19000  }
0x34: {  	v9 =	vld.idx.msk [tilespmem:v3+s12+$0xFB0 ss:$0x1], $0xffff;
	v6 =	vnsel vm1, $0x0, v6  }
0x35: {  	[tilespmem:v5+s9+$0x0] =	vst.idx.add.f32.msk vm0, v7  }
0x36: {  	v5 =	vld.idx.msk [tilespmem:v3+s12+$0x60 ss:$0x1], $0xffff  }
0x37: {  	v7 =	vsub.s32 v8, v0  }
0x38: {  	v8 =	vld.idx.msk [tilespmem:v3+s14+$0xFE0 ss:$0x1], $0xffff;
	vm0 =	vlt.u32 v7, $0x19000  }
0x39: {  	v10 =	vsub.s32 v10, v0;
	[tilespmem:v6+s9+$0x0] =	vst.idx.add.f32.msk vm1, v9;
	v7 =	vnsel vm0, $0x0, v7  }
0x3a: {  	vm1 =	vlt.u32 v10, $0x19000;
	v6 =	vld.idx.msk [tilespmem:v4+s12+$0x20 ss:$0x1], $0xffff  }
0x3b: {  	v9 =	vld.idx.msk [tilespmem:v3+s14+$0xFA0 ss:$0x1], $0xffff;
	v10 =	vnsel vm1, $0x0, v10;
	v5 =	vsub.s32 v5, v0  }
0x3c: {  	v12 =	vld.idx.msk [tilespmem:v3+s12+$0x1000 ss:$0x1], $0xffff;
	vm2 =	vlt.u32 v5, $0x19000  }
0x3d: {  	v11 =	vld.idx.msk [tilespmem:v3+s12+$0xFC0 ss:$0x1], $0xffff;
	v5 =	vnsel vm2, $0x0, v5  }
0x3e: {  	[tilespmem:v7+s9+$0x0] =	vst.idx.add.f32.msk vm0, v8  }
0x3f: {  	v6 =	vsub.s32 v6, v0;
	v7 =	vld.idx.msk [tilespmem:v3+s14+$0x50 ss:$0x1], $0xffff  }
0x40: {  	[tilespmem:v10+s9+$0x0] =	vst.idx.add.f32.msk vm1, v9;
	vm0 =	vlt.u32 v6, $0x19000  }
0x41: {  	v9 =	vld.idx.msk [tilespmem:v4+s14+$0x10 ss:$0x1], $0xffff;
	v13 =	vnsel vm0, $0x0, v6  }
0x42: {  	[tilespmem:v5+s9+$0x0] =	vst.idx.add.f32.msk vm2, v12  }
0x43: {  	v6 =	vld.idx.msk [tilespmem:v3+s12+$0x70 ss:$0x1], $0xffff  }
0x44: {  	v8 =	vld.idx.msk [tilespmem:v3+s14+$0xFF0 ss:$0x1], $0xffff;
	v7 =	vsub.s32 v7, v0  }
0x45: {  	v5 =	vld.idx.msk [tilespmem:v3+s14+$0xFB0 ss:$0x1], $0xffff;
	vm1 =	vlt.u32 v7, $0x19000  }
0x46: {  	v10 =	vsub.s32 v9, v0;
	[tilespmem:v13+s9+$0x0] =	vst.idx.add.f32.msk vm0, v11;
	v9 =	vnsel vm1, $0x0, v7  }
0x47: {  	s17 =	simm.s32 $0x100;
	s15 =	simm.s32 $0x0;
	s16 =	simm.s32 $0x2;
	vm0 =	vlt.u32 v10, $0x19000;
	v7 =	vld.idx.msk [tilespmem:v4+s12+$0x30 ss:$0x1], $0xffff  }
.LBB2_5:
0x48: {  	v11 =	vld.idx.msk [tilespmem:v3+s17+$0x40 ss:$0x1], $0xffff;
	s16 =	sadd.s32 $0x2, s16;
	v10 =	vnsel vm0, $0x0, v10;
	v6 =	vsub.s32 v6, v0  }
0x49: {  	p1 =	slt.u32 s16, $0x3C;
	v12 =	vld.idx.msk [tilespmem:v3+s15+$0x1010 ss:$0x1], $0xffff;
	vm2 =	vlt.u32 v6, $0x19000  }
0x4a: {  	v13 =	vld.idx.msk [tilespmem:v4+s17+$0x0 ss:$0x1], $0xffff;
	v6 =	vnsel vm2, $0x0, v6  }
0x4b: {  	[tilespmem:v9+s9+$0x0] =	vst.idx.add.f32.msk vm1, v8  }
0x4c: {  	v8 =	vld.idx.msk [tilespmem:v3+s14+$0x60 ss:$0x1], $0xffff  }
0x4d: {  	v7 =	vsub.s32 v7, v0;
	v9 =	vld.idx.msk [tilespmem:v3+s17+$0xFA0 ss:$0x1], $0xffff  }
0x4e: {  	v11 =	vsub.s32 v11, v0;
	vm1 =	vlt.u32 v7, $0x19000;
	v14 =	vld.idx.msk [tilespmem:v3+s17+$0xFE0 ss:$0x1], $0xffff  }
0x4f: {  	vm3 =	vlt.u32 v11, $0x19000;
	v7 =	vnsel vm1, $0x0, v7;
	[tilespmem:v6+s9+$0x0] =	vst.idx.add.f32.msk vm2, v12  }
0x50: {  	v6 =	vsub.s32 v13, v0;
	v11 =	vnsel vm3, $0x0, v11;
	[tilespmem:v10+s9+$0x0] =	vst.idx.add.f32.msk vm0, v5  }
0x51: {  	vm0 =	vlt.u32 v6, $0x19000;
	v5 =	vld.idx.msk [tilespmem:v4+s14+$0x20 ss:$0x1], $0xffff  }
0x52: {  	v6 =	vnsel vm0, $0x0, v6;
	v8 =	vsub.s32 v8, v0;
	v12 =	vld.idx.msk [tilespmem:v3+s14+$0xFC0 ss:$0x1], $0xffff  }
0x53: {  	vm2 =	vlt.u32 v8, $0x19000;
	v10 =	vld.idx.msk [tilespmem:v3+s14+$0x1000 ss:$0x1], $0xffff  }
0x54: {  	v8 =	vnsel vm2, $0x0, v8;
	v13 =	vld.idx.msk [tilespmem:v3+s15+$0xFD0 ss:$0x1], $0xffff;
	s15 =	smov.u32 s14;
	s14 =	smov.u32 s17  }
0x55: {  	[tilespmem:v11+s9+$0x0] =	vst.idx.add.f32.msk vm3, v14  }
0x56: {  	v11 =	vld.idx.msk [tilespmem:v3+s17+$0x50 ss:$0x1], $0xffff  }
0x57: {  	v5 =	vsub.s32 v5, v0;
	[tilespmem:v6+s9+$0x0] =	vst.idx.add.f32.msk vm0, v9  }
0x58: {  	vm0 =	vlt.u32 v5, $0x19000;
	v9 =	vld.idx.msk [tilespmem:v4+s17+$0x10 ss:$0x1], $0xffff  }
0x59: {  	v14 =	vnsel vm0, $0x0, v5;
	[tilespmem:v8+s9+$0x0] =	vst.idx.add.f32.msk vm2, v10  }
0x5a: {  	v6 =	vld.idx.msk [tilespmem:v3+s15+$0x70 ss:$0x1], $0xffff  }
.Ltmp1:
0x5b: {  	v5 =	vld.idx.msk [tilespmem:v3+s17+$0xFB0 ss:$0x1], $0xffff;
	(pc) =	sbr.rel @p1 .LBB2_5-.Ltmp1, $4  }
0x5c: {  	v11 =	vsub.s32 v11, v0;
	[tilespmem:v7+s9+$0x0] =	vst.idx.add.f32.msk vm1, v13  }
0x5d: {  	vm1 =	vlt.u32 v11, $0x19000;
	v8 =	vld.idx.msk [tilespmem:v3+s17+$0xFF0 ss:$0x1], $0xffff  }
0x5e: {  	v10 =	vsub.s32 v9, v0;
	v9 =	vnsel vm1, $0x0, v11;
	[tilespmem:v14+s9+$0x0] =	vst.idx.add.f32.msk vm0, v12  }
0x5f: {  	s17 =	sadd.s32 $0x80, s17;
	vm0 =	vlt.u32 v10, $0x19000;
	v7 =	vld.idx.msk [tilespmem:v4+s15+$0x30 ss:$0x1], $0xffff  }
0x60: {  	_ =	sdelay $0x1  }
0x61: {  	v10 =	vnsel vm0, $0x0, v10;
	_ =	sdelay $0x2  }
0x62: {  	[tilespmem:v9+s9+$0x0] =	vst.idx.add.f32.msk vm1, v8  }
0x63: {  	v8 =	vld.idx.msk [tilespmem:v3+s14+$0x60 ss:$0x1], $0xffff  }
0x64: {  	[tilespmem:v10+s9+$0x0] =	vst.idx.add.f32.msk vm0, v5  }
0x65: {  	v5 =	vld.idx.msk [tilespmem:v4+s14+$0x20 ss:$0x1], $0xffff;
	_ =	sdelay $0x2  }
0x66: {  	v8 =	vsub.s32 v8, v0  }
0x67: {  	vm12 =	vlt.u32 v8, $0x19000  }
0x68: {  	v9 =	vld.idx.msk [tilespmem:v3+s14+$0x1000 ss:$0x1], $0xffff;
	v8 =	vnsel vm12, $0x0, v8;
	v5 =	vsub.s32 v5, v0  }
0x69: {  	vm13 =	vlt.u32 v5, $0x19000  }
0x6a: {  	v10 =	vld.idx.msk [tilespmem:v3+s14+$0xFC0 ss:$0x1], $0xffff;
	v5 =	vnsel vm13, $0x0, v5;
	_ =	sdelay $0x2  }
0x6b: {  	[tilespmem:v8+s9+$0x0] =	vst.idx.add.f32.msk vm12, v9  }
0x6c: {  	v8 =	vld.idx.msk [tilespmem:v3+s14+$0x70 ss:$0x1], $0xffff  }
0x6d: {  	[tilespmem:v5+s9+$0x0] =	vst.idx.add.f32.msk vm13, v10  }
0x6e: {  	v58 =	vld.idx.msk [tilespmem:v4+s14+$0x30 ss:$0x1], $0xffff;
	_ =	sdelay $0x1  }
0x6f: {  	v60 =	vsub.s32 v7, v0  }
0x70: {  	v59 =	vsub.s32 v6, v0;
	vm15 =	vlt.u32 v60, $0x19000  }
0x71: {  	v62 =	vld.idx.msk [tilespmem:v3+s15+$0xFD0 ss:$0x1], $0xffff;
	vm14 =	vlt.u32 v59, $0x19000;
	v6 =	vnsel vm15, $0x0, v60;
	v8 =	vsub.s32 v8, v0  }
0x72: {  	v61 =	vld.idx.msk [tilespmem:v3+s15+$0x1010 ss:$0x1], $0xffff;
	v5 =	vnsel vm14, $0x0, v59;
	vm2 =	vlt.u32 v8, $0x19000;
	v4 =	vsub.s32 v58, v0  }
0x73: {  	s13 =	sadd.s32 $0x1, s13;
	v63 =	vld.idx.msk [tilespmem:v3+s14+$0x1010 ss:$0x1], $0xffff;
	v8 =	vnsel vm2, $0x0, v8;
	vm3 =	vlt.u32 v4, $0x19000  }
0x74: {  	p1 =	sne.s32 s13, $0x14;
	v3 =	vld.idx.msk [tilespmem:v3+s14+$0xFD0 ss:$0x1], $0xffff;
	v4 =	vnsel vm3, $0x0, v4  }
.Ltmp2:
0x75: {  	_ = 	snop;
	(pc) =	sbr.rel @p1 .LBB2_4-.Ltmp2, $4  }
0x76: {  	[tilespmem:v6+s9+$0x0] =	vst.idx.add.f32.msk vm15, v62  }
0x77: {  	[tilespmem:v5+s9+$0x0] =	vst.idx.add.f32.msk vm14, v61  }
0x78: {  	[tilespmem:v8+s9+$0x0] =	vst.idx.add.f32.msk vm2, v63  }
0x79: {  	[tilespmem:v4+s9+$0x0] =	vst.idx.add.f32.msk vm3, v3  }
0x7a: {  	s12 =	simm.s32 $0x0  }
0x7b: {  	[hbm4b:s4+s12] =	stream.linear.scatter [tilespmem:s9], [sflag:$0x2], $0x19000, $0x38;
	[tilespmem:$0x1F590] =	vst v63  }
0x7c: {  	_ = 	snop  }
0x7d: {  	[tilespmem:s12], [sflag:$0x1] =	stream.linear.gather [spmem:s1], $0x1F40, $0x38;
	[tilespmem:$0x1F590] =	vst v63  }
0x7e: {  	_ =	swait.ge [sflag:s10], $0x19000  }
0x7f: {  	[sflag:s10] =	ssyncset.done $0x0  }
0x80: {  	s13 =	simm.s32 $0x40;
	s14 =	simm.s32 $0x0;
	[sflag:s10] =	ssyncadd.s32 $0xFFFE7000  }
.LBB2_8:
0x81: {  	p1 =	sne.s32 s13, $0x63FC0;
	[tilespmem:s14+$0x3E80] =	vst v2;
	s14 =	smov.u32 s13;
	s13 =	sadd.s32 $0x40, s13  }
.Ltmp3:
0x82: {  	(pc) =	sbr.rel @p1 .LBB2_8-.Ltmp3, $2  }
0x83: {  	_ =	sdelay $0x2  }
0x84: {  	s14 =	sshra.s32 s14, $0x2  }
0x85: {  	[tilespmem:s14+$0x3E80] =	vst v2  }
.LBB2_10:
0x86: {  	s13 =	sand.u32 $0x1, s12  }
0x87: {  	p1 =	seq.s32 s13, $0x1;
	s13 =	simm.s32 $0x1F40  }
0x88: {  	s13 =	simm.s32 @!p1 $0x0  }
0x89: {  	s14 =	sshll.u32 s13, $0x2  }
0x8a: {  	p1 =	seq.s32 s12, $0x13;
	s16 =	sand.u32 $0x7F00, s14  }
0x8b: {  	s15 =	smul.u32 @!p1 $0x7D00, s12;
	s16 =	sshrl.u32 s16, $0x2  }
0x8c: {  	v3 =	vmov s16  }
0x8d: {  	_ =	swait.ge [sflag:s8], $0x1F40;
	s15 =	sshra.s32 @!p1 s15, $0x2  }
0x8e: {  	s31 =	simm.s32 $0x0;
	[sflag:s8] =	ssyncset.done $0x0;
	s15 =	sadd.s32 @!p1 s15, s1  }
0x8f: {  	[sflag:s8] =	ssyncadd.s32 $0xFFFFE0C0;
	s13 =	ssub.s32 @!p1 $0x1F40, s13;
	s15 =	sadd.s32 @!p1 $0x1F40, s15  }
0x90: {  	[tilespmem:s13], [sflag:$0x1] =	stream.linear.gather @!p1 [spmem:s15], $0x1F40, $0x38;
	[tilespmem:$0x1F590] =	vst v63  }
0x91: {  	v4 =	vld.idx.msk [tilespmem:v3+s31+$0x0 ss:$0x1], $0xffff;
	_ =	sdelay $0x4  }
0x92: {  	s14 =	sshrl.u32 s14, $0x2;
	v4 =	vsub.s32 v4, v1  }
0x93: {  	s17 =	sadd.s32 $0x0, s14;
	vm0 =	vlt.u32 v4, $0x19000  }
0x94: {  	v5 =	vld [tilespmem:s17+$0xFA0];
	v4 =	vnsel vm0, $0x0, v4  }
0x95: {  	v6 =	vld [tilespmem:s17+$0x40];
	_ =	sdelay $0x3  }
0x96: {  	[tilespmem:v4+s9+$0x0] =	vst.idx.add.f32.msk vm0, v5  }
0x97: {  	v5 =	vsub.s32 v6, v1;
	v4 =	vld.idx.msk [tilespmem:v3+s31+$0x10 ss:$0x1], $0xffff  }
0x98: {  	vm0 =	vlt.u32 v5, $0x19000  }
0x99: {  	v6 =	vld [tilespmem:s17+$0xFE0];
	v5 =	vnsel vm0, $0x0, v5;
	_ =	sdelay $0x1  }
0x9a: {  	s18 =	simm.s32 $0x80  }
0x9b: {  	v8 =	vld.idx.msk [tilespmem:v3+s18+$0x0 ss:$0x1], $0xffff;
	v4 =	vsub.s32 v4, v1  }
0x9c: {  	v7 =	vld [tilespmem:s17+$0xFB0];
	vm1 =	vlt.u32 v4, $0x19000  }
0x9d: {  	[tilespmem:v5+s9+$0x0] =	vst.idx.add.f32.msk vm0, v6;
	v4 =	vnsel vm1, $0x0, v4  }
0x9e: {  	v5 =	vld [tilespmem:s17+$0x50];
	_ =	sdelay $0x1  }
0x9f: {  	s13 =	sadd.s32 $0x80, s14  }
0xa0: {  	v6 =	vsub.s32 v8, v1;
	v8 =	vld [tilespmem:s13+$0x40]  }
0xa1: {  	vm0 =	vlt.u32 v6, $0x19000;
	[tilespmem:v4+s9+$0x0] =	vst.idx.add.f32.msk vm1, v7  }
0xa2: {  	v6 =	vnsel vm0, $0x0, v6;
	v7 =	vld [tilespmem:s13+$0xFA0];
	v5 =	vsub.s32 v5, v1  }
0xa3: {  	v4 =	vld.idx.msk [tilespmem:v3+s31+$0x20 ss:$0x1], $0xffff;
	vm1 =	vlt.u32 v5, $0x19000  }
0xa4: {  	v9 =	vld [tilespmem:s17+$0xFF0];
	v5 =	vnsel vm1, $0x0, v5;
	_ =	sdelay $0x1  }
0xa5: {  	v10 =	vld [tilespmem:s13+$0xFE0]  }
0xa6: {  	[tilespmem:v6+s9+$0x0] =	vst.idx.add.f32.msk vm0, v7;
	v6 =	vsub.s32 v8, v1  }
0xa7: {  	v11 =	vld [tilespmem:s17+$0xFC0];
	v4 =	vsub.s32 v4, v1;
	vm0 =	vlt.u32 v6, $0x19000  }
0xa8: {  	vm2 =	vlt.u32 v4, $0x19000;
	[tilespmem:v5+s9+$0x0] =	vst.idx.add.f32.msk vm1, v9;
	v5 =	vnsel vm0, $0x0, v6  }
0xa9: {  	v7 =	vld.idx.msk [tilespmem:v3+s18+$0x10 ss:$0x1], $0xffff;
	v4 =	vnsel vm2, $0x0, v4  }
0xaa: {  	v6 =	vld [tilespmem:s17+$0x60];
	_ =	sdelay $0x2  }
0xab: {  	[tilespmem:v5+s9+$0x0] =	vst.idx.add.f32.msk vm0, v10  }
0xac: {  	v7 =	vsub.s32 v7, v1;
	[tilespmem:v4+s9+$0x0] =	vst.idx.add.f32.msk vm2, v11  }
0xad: {  	vm1 =	vlt.u32 v7, $0x19000;
	v5 =	vsub.s32 v6, v1;
	v6 =	vld [tilespmem:s13+$0xFB0]  }
0xae: {  	v7 =	vnsel vm1, $0x0, v7;
	v9 =	vld [tilespmem:s13+$0x50]  }
0xaf: {  	v4 =	vld.idx.msk [tilespmem:v3+s31+$0x30 ss:$0x1], $0xffff  }
0xb0: {  	s16 =	simm.s32 $0x100;
	v8 =	vld [tilespmem:s17+$0x1000]  }
0xb1: {  	v10 =	vld.idx.msk [tilespmem:v3+s16+$0x0 ss:$0x1], $0xffff;
	vm0 =	vlt.u32 v5, $0x19000  }
0xb2: {  	v11 =	vld [tilespmem:s13+$0xFF0];
	v5 =	vnsel vm0, $0x0, v5  }
0xb3: {  	[tilespmem:v7+s9+$0x0] =	vst.idx.add.f32.msk vm1, v6;
	v7 =	vsub.s32 v9, v1  }
0xb4: {  	v12 =	vld [tilespmem:s17+$0xFD0];
	v4 =	vsub.s32 v4, v1;
	vm1 =	vlt.u32 v7, $0x19000  }
0xb5: {  	s15 =	sadd.s32 $0x100, s14;
	v6 =	vld.idx.msk [tilespmem:v3+s18+$0x20 ss:$0x1], $0xffff;
	vm2 =	vlt.u32 v4, $0x19000;
	v7 =	vnsel vm1, $0x0, v7  }
0xb6: {  	v9 =	vld [tilespmem:s15+$0xFA0];
	v4 =	vnsel vm2, $0x0, v4  }
0xb7: {  	[tilespmem:v5+s9+$0x0] =	vst.idx.add.f32.msk vm0, v8;
	v5 =	vsub.s32 v10, v1  }
0xb8: {  	v10 =	vld [tilespmem:s15+$0x40];
	vm0 =	vlt.u32 v5, $0x19000  }
0xb9: {  	v8 =	vld [tilespmem:s17+$0x70];
	v5 =	vnsel vm0, $0x0, v5  }
0xba: {  	v6 =	vsub.s32 v6, v1;
	[tilespmem:v7+s9+$0x0] =	vst.idx.add.f32.msk vm1, v11  }
0xbb: {  	[tilespmem:v4+s9+$0x0] =	vst.idx.add.f32.msk vm2, v12;
	vm2 =	vlt.u32 v6, $0x19000  }
0xbc: {  	v7 =	vld [tilespmem:s13+$0xFC0];
	v6 =	vnsel vm2, $0x0, v6  }
0xbd: {  	v4 =	vld [tilespmem:s15+$0xFE0]  }
0xbe: {  	[tilespmem:v5+s9+$0x0] =	vst.idx.add.f32.msk vm0, v9  }
0xbf: {  	v5 =	vsub.s32 v10, v1;
	v9 =	vld.idx.msk [tilespmem:v3+s16+$0x10 ss:$0x1], $0xffff  }
0xc0: {  	v10 =	vld [tilespmem:s13+$0x60];
	vm0 =	vlt.u32 v5, $0x19000  }
0xc1: {  	v11 =	vnsel vm0, $0x0, v5;
	[tilespmem:v6+s9+$0x0] =	vst.idx.add.f32.msk vm2, v7  }
0xc2: {  	v6 =	vld [tilespmem:s17+$0x1010]  }
0xc3: {  	v7 =	vld.idx.msk [tilespmem:v3+s18+$0x30 ss:$0x1], $0xffff  }
0xc4: {  	v5 =	vld [tilespmem:s13+$0x1000];
	v63 =	vsub.s32 v9, v1  }
0xc5: {  	v8 =	vsub.s32 v8, v1;
	v13 =	vsub.s32 v10, v1;
	v9 =	vld [tilespmem:s15+$0xFB0];
	vm2 =	vlt.u32 v63, $0x19000  }
0xc6: {  	vm3 =	vlt.u32 v8, $0x19000;
	vm1 =	vlt.u32 v13, $0x19000;
	[tilespmem:v11+s9+$0x0] =	vst.idx.add.f32.msk vm0, v4;
	v10 =	vnsel vm2, $0x0, v63  }
0xc7: {  	s17 =	simm.s32 $0x4;
	s18 =	simm.s32 $0x180;
	v4 =	vnsel vm3, $0x0, v8;
	vm0 =	vmmov vm3;
	v8 =	vnsel vm1, $0x0, v13;
	v11 =	vld [tilespmem:s15+$0x50]  }
.LBB2_11:
0xc8: {  	v12 =	vld.idx.msk [tilespmem:v3+s18+$0x0 ss:$0x1], $0xffff;
	s17 =	sadd.s32 $0x2, s17;
	v7 =	vsub.s32 v7, v1;
	v13 =	vmov v6  }
0xc9: {  	p1 =	slt.u32 s17, $0x3C;
	v6 =	vld [tilespmem:s15+$0xFF0];
	vm3 =	vlt.u32 v7, $0x19000  }
0xca: {  	v14 =	vld [tilespmem:s13+$0xFD0];
	v7 =	vnsel vm3, $0x0, v7  }
0xcb: {  	[tilespmem:v10+s9+$0x0] =	vst.idx.add.f32.msk vm2, v9  }
0xcc: {  	v9 =	vld.idx.msk [tilespmem:v3+s16+$0x20 ss:$0x1], $0xffff;
	v10 =	vsub.s32 v11, v1  }
0xcd: {  	vm2 =	vlt.u32 v10, $0x19000;
	[tilespmem:v8+s9+$0x0] =	vst.idx.add.f32.msk vm1, v5  }
0xce: {  	v5 =	vsub.s32 v12, v1;
	v8 =	vnsel vm2, $0x0, v10;
	v10 =	vld [tilespmem:s13+$0x70]  }
0xcf: {  	s19 =	sadd.s32 s14, s18;
	vm1 =	vlt.u32 v5, $0x19000;
	[tilespmem:v7+s9+$0x0] =	vst.idx.add.f32.msk vm3, v14  }
0xd0: {  	v5 =	vnsel vm1, $0x0, v5;
	v7 =	vld [tilespmem:s19+$0xFA0]  }
0xd1: {  	v11 =	vld [tilespmem:s19+$0x40]  }
0xd2: {  	v9 =	vsub.s32 v9, v1;
	v12 =	vld [tilespmem:s19+$0xFE0]  }
0xd3: {  	vm3 =	vlt.u32 v9, $0x19000;
	[tilespmem:v8+s9+$0x0] =	vst.idx.add.f32.msk vm2, v6;
	v6 =	vsub.s32 v10, v1  }
0xd4: {  	v9 =	vnsel vm3, $0x0, v9;
	v8 =	vld [tilespmem:s15+$0xFC0];
	vm4 =	vlt.u32 v6, $0x19000  }
0xd5: {  	[tilespmem:v5+s9+$0x0] =	vst.idx.add.f32.msk vm1, v7;
	v10 =	vnsel vm4, $0x0, v6  }
0xd6: {  	v14 =	vld.idx.msk [tilespmem:v3+s18+$0x10 ss:$0x1], $0xffff;
	v5 =	vsub.s32 v11, v1  }
0xd7: {  	vm1 =	vlt.u32 v5, $0x19000;
	v11 =	vld [tilespmem:s15+$0x60]  }
0xd8: {  	v15 =	vnsel vm1, $0x0, v5;
	v5 =	vld [tilespmem:s15+$0x1000]  }
0xd9: {  	[tilespmem:v9+s9+$0x0] =	vst.idx.add.f32.msk vm3, v8  }
0xda: {  	v7 =	vld.idx.msk [tilespmem:v3+s16+$0x30 ss:$0x1], $0xffff;
	s16 =	smov.u32 s18  }
.Ltmp4:
0xdb: {  	v6 =	vld [tilespmem:s13+$0x1010];
	s13 =	smov.u32 s15;
	s15 =	smov.u32 s19;
	(pc) =	sbr.rel @p1 .LBB2_11-.Ltmp4, $4  }
0xdc: {  	v8 =	vsub.s32 v14, v1;
	v11 =	vsub.s32 v11, v1;
	[tilespmem:v4+s9+$0x0] =	vst.idx.add.f32.msk vm0, v13;
	v4 =	vmov v10  }
0xdd: {  	vm2 =	vlt.u32 v8, $0x19000;
	vm0 =	vmmov vm4;
	[tilespmem:v15+s9+$0x0] =	vst.idx.add.f32.msk vm1, v12;
	vm1 =	vlt.u32 v11, $0x19000  }
0xde: {  	v10 =	vnsel vm2, $0x0, v8;
	v9 =	vld [tilespmem:s15+$0xFB0];
	v8 =	vnsel vm1, $0x0, v11  }
0xdf: {  	s18 =	sadd.s32 $0x80, s18;
	v11 =	vld [tilespmem:s15+$0x50]  }
0xe0: {  	_ =	sdelay $0x3  }
0xe1: {  	v11 =	vsub.s32 v11, v1  }
0xe2: {  	vm3 =	vlt.u32 v11, $0x19000  }
0xe3: {  	v12 =	vld [tilespmem:s15+$0xFF0];
	v11 =	vnsel vm3, $0x0, v11;
	_ =	sdelay $0x2  }
0xe4: {  	[tilespmem:v10+s9+$0x0] =	vst.idx.add.f32.msk vm2, v9  }
0xe5: {  	v9 =	vld.idx.msk [tilespmem:v3+s16+$0x20 ss:$0x1], $0xffff  }
0xe6: {  	[tilespmem:v11+s9+$0x0] =	vst.idx.add.f32.msk vm3, v12  }
0xe7: {  	v58 =	vld [tilespmem:s15+$0x60];
	_ =	sdelay $0x2  }
0xe8: {  	v9 =	vsub.s32 v9, v1  }
0xe9: {  	vm10 =	vlt.u32 v9, $0x19000  }
0xea: {  	v59 =	vld [tilespmem:s15+$0xFC0];
	v9 =	vnsel vm10, $0x0, v9;
	v10 =	vsub.s32 v58, v1  }
0xeb: {  	vm11 =	vlt.u32 v10, $0x19000  }
0xec: {  	v12 =	vld [tilespmem:s15+$0x1000];
	v10 =	vnsel vm11, $0x0, v10  }
0xed: {  	[tilespmem:v8+s9+$0x0] =	vst.idx.add.f32.msk vm1, v5  }
0xee: {  	v5 =	vld [tilespmem:s13+$0x70]  }
0xef: {  	[tilespmem:v9+s9+$0x0] =	vst.idx.add.f32.msk vm10, v59  }
0xf0: {  	v3 =	vld.idx.msk [tilespmem:v3+s16+$0x30 ss:$0x1], $0xffff  }
0xf1: {  	[tilespmem:v10+s9+$0x0] =	vst.idx.add.f32.msk vm11, v12  }
0xf2: {  	v60 =	vld [tilespmem:s15+$0x70];
	_ =	sdelay $0x1  }
0xf3: {  	v7 =	vsub.s32 v7, v1;
	v5 =	vsub.s32 v5, v1  }
0xf4: {  	vm12 =	vlt.u32 v7, $0x19000;
	vm13 =	vlt.u32 v5, $0x19000  }
0xf5: {  	v61 =	vld [tilespmem:s13+$0xFD0];
	v7 =	vnsel vm12, $0x0, v7;
	vm4 =	vmmov vm13;
	v3 =	vsub.s32 v3, v1  }
0xf6: {  	v63 =	vld [tilespmem:s13+$0x1010];
	v5 =	vnsel vm13, $0x0, v5;
	vm14 =	vlt.u32 v3, $0x19000;
	v8 =	vsub.s32 v60, v1  }
0xf7: {  	s12 =	sadd.s32 $0x1, s12;
	v62 =	vld [tilespmem:s15+$0xFD0];
	v3 =	vnsel vm14, $0x0, v3;
	vm5 =	vlt.u32 v8, $0x19000  }
0xf8: {  	p1 =	sne.s32 s12, $0x14;
	v12 =	vld [tilespmem:s15+$0x1010];
	v8 =	vnsel vm5, $0x0, v8  }
.Ltmp5:
0xf9: {  	[tilespmem:v4+s9+$0x0] =	vst.idx.add.f32.msk vm0, v6;
	(pc) =	sbr.rel @p1 .LBB2_10-.Ltmp5, $4  }
0xfa: {  	[tilespmem:v7+s9+$0x0] =	vst.idx.add.f32.msk vm12, v61  }
0xfb: {  	[tilespmem:v5+s9+$0x0] =	vst.idx.add.f32.msk vm4, v63  }
0xfc: {  	[tilespmem:v3+s9+$0x0] =	vst.idx.add.f32.msk vm14, v62  }
0xfd: {  	vm15 =	vmmov vm5;
	[tilespmem:v8+s9+$0x0] =	vst.idx.add.f32.msk vm5, v12  }
0xfe: {  	s11 =	sadd.s32 $0x1, s11  }
0xff: {  	p1 =	sne.s32 s11, s6  }
.Ltmp6:
0x100: {  	_ = 	snop;
	(pc) =	sbr.rel @p1 .LBB2_1-.Ltmp6, $4  }
0x101: {  	[hbm4b:s5+s2] =	stream.linear.scatter [tilespmem:s9], [sflag:$0x2], $0x19000, $0x38;
	[tilespmem:$0x1F590] =	vst v63  }
0x102: {  	_ =	swait.ge [sflag:s10], $0x19000  }
0x103: {  	[sflag:s10] =	ssyncset.done $0x0  }
0x104: {  	[sflag:s10] =	ssyncadd.s32 $0xFFFE7000  }
0x105: {  	_ =	sfence.sel $0x180000  }
0x106: {  	[bflag:$0x0] =	sbarrier.arrive $0xFFFF  }
0x107: {  	_ =	strace $0x9000004D  }
0x108: {  	s0 =	sadd.s32 @!p0 $0x100000, s0;
	[bflag:$0x2] =	sbarrier.arrive $0xFFFF  }
0x109: {  	[sflag:s0] =	ssyncadd.tile.s32 @!p0 $0x1;
	_ =	shalt  }
.Lfunc_end2:
_tile_overlayer_lowered:
.L_overlay_start_2:
0x10a: {  	(tag) =	ssettag $0x2  }
0x10b: {  	s0 =	rddreg [dreg:$0x0];
	s2 =	stileid.u32  }
0x10c: {  	s1 =	rddreg [dreg:$0x1];
	p0 =	sne.s32 s2, $0x0  }
0x10d: {  	s3 =	rddreg [dreg:$0x2];
	[bflag:$0x3] =	sbarrier.arrive $0xFFFF;
	s2 =	simm.s32 @!p0 $0x1C03  }
0x10e: {  	[timem:s3], [sflag:s2] =	dma.local @!p0 [hbm:s0], s1  }
0x10f: {  	s0 =	simm.s32 @!p0 $0x3  }
0x110: {  	_ =	swait.ge @!p0 [sflag:s0], s1  }
0x111: {  	s1 =	ssub.s32 @!p0 $0x0, s1;
	[sflag:s0] =	ssyncset.done @!p0 $0x0  }
0x112: {  	[sflag:s0] =	ssyncadd.s32 @!p0 s1  }
0x113: {  	[bflag:$0x3] =	sbarrier.arrive $0xFFFF  }
0x114: {  	_ =	shalt  }

</sc_bundles>
